<compile_context>
chip_gen: v7x
topology: tpu7x:2x2x1
jax: 0.10.2.dev20260603
libtpu: 0.0.44.dev20260713+nightly
codegen_flags: <defaults>
</compile_context>

<pallas_src>
import functools

import jax
import jax.numpy as jnp
from jax import lax
from jax.experimental import pallas as pl
from jax.experimental.pallas import tpu as pltpu
from jax.experimental.pallas import tpu_sc as plsc

N = 10000
E = 320000
D = 128
NC = 2
NS = 16
NW = NC * NS
CH = 80
EPT = E // NW
NCHUNK = EPT // CH
RPT = N // NS


NBUF = 2
NCHUNKP = 128
NGRP = NCHUNKP // NBUF


def _sc_agg_body_counts(h_hbm, src_hbm, dst_hbm, z2_hbm,
                        out_hbm, cnt0_hbm, cnt1_hbm,
                        sidx2, didx2, rows, ones_v, stage, acc_sh, cnt_sh,
                        gsems, ssems, csems, isems):
    _sc_agg_common(h_hbm, src_hbm, dst_hbm, z2_hbm, out_hbm,
                   (cnt0_hbm, cnt1_hbm),
                   sidx2, didx2, rows, ones_v, stage, acc_sh, cnt_sh,
                   gsems, ssems, csems, isems)


def _sc_agg_body_plain(h_hbm, src_hbm, dst_hbm, z2_hbm,
                       out_hbm,
                       sidx2, didx2, rows, acc_sh, gsems, ssems, isems):
    _sc_agg_common(h_hbm, src_hbm, dst_hbm, z2_hbm, out_hbm, None,
                   sidx2, didx2, rows, None, None, acc_sh=acc_sh,
                   cnt_sh=None, gsems=gsems, ssems=ssems, csems=None,
                   isems=isems)


def _sc_agg_common(h_hbm, src_hbm, dst_hbm, z2_hbm, out_hbm, cnt_out,
                   sidx2, didx2, rows, ones_v, stage, acc_sh, cnt_sh,
                   gsems, ssems, csems, isems):
    c = lax.axis_index("c")
    s = lax.axis_index("s")
    wid = c * NS + s
    with_counts = cnt_out is not None

    @pl.when(s < 10)
    def _():
        pltpu.sync_copy(z2_hbm.at[pl.ds(s * 1000, 1000)],
                        acc_sh.at[pl.ds(s * 1000, 1000)])
    if with_counts:
        @pl.when(s < 5)
        def _():
            for j in range(2000 // 16):
                stage[pl.ds(j * 16, 16)] = jnp.zeros((16,), jnp.float32)
            pltpu.sync_copy(stage, cnt_sh.at[pl.ds(s * 2000, 2000)])
        for j in range(CH // 16):
            ones_v[pl.ds(j * 16, 16)] = jnp.ones((16,), jnp.float32)
    plsc.subcore_barrier()

    i32 = jnp.int32

    def idx_load_start(g, p):
        p = i32(p)
        pltpu.async_copy(src_hbm.at[wid, pl.ds(g * NBUF, NBUF)],
                         sidx2.at[p], isems.at[p])
        pltpu.async_copy(dst_hbm.at[wid, pl.ds(g * NBUF, NBUF)],
                         didx2.at[p], isems.at[p])

    def idx_wait(p):
        p = i32(p)
        pltpu.make_async_copy(src_hbm.at[wid, pl.ds(0, NBUF)],
                              sidx2.at[p], isems.at[p]).wait()
        pltpu.make_async_copy(dst_hbm.at[wid, pl.ds(0, NBUF)],
                              didx2.at[p], isems.at[p]).wait()

    def gather_start(p, b):
        pltpu.async_copy(h_hbm.at[sidx2.at[i32(p), i32(b)]],
                         rows.at[i32(b)], gsems.at[i32(b)])

    def gather_wait(p, b):
        pltpu.make_async_copy(
            h_hbm.at[sidx2.at[i32(p), i32(b)]],
            rows.at[i32(b)], gsems.at[i32(b)]).wait()

    def scatter_start(p, b):
        pltpu.async_copy(rows.at[i32(b)],
                         acc_sh.at[didx2.at[i32(p), i32(b)]],
                         ssems.at[i32(b)], add=True)
        if with_counts:
            pltpu.async_copy(ones_v,
                             cnt_sh.at[didx2.at[i32(p), i32(b)]],
                             csems.at[i32(b)], add=True)

    def scatter_wait(p, b):
        pltpu.make_async_copy(
            rows.at[i32(b)],
            acc_sh.at[didx2.at[i32(p), i32(b)]],
            ssems.at[i32(b)]).wait()
        if with_counts:
            pltpu.make_async_copy(
                ones_v, cnt_sh.at[didx2.at[i32(p), i32(b)]],
                csems.at[i32(b)]).wait()

    idx_load_start(i32(0), 0)
    idx_wait(0)
    idx_load_start(i32(1), 1)
    for b in range(NBUF):
        gather_start(0, b)

    def group(g, carry):
        p = lax.rem(g, i32(2))
        for b in range(NBUF):
            i = g * NBUF + b
            @pl.when(i < NCHUNK)
            def _():
                gather_wait(p, b)
                scatter_start(p, b)
        @pl.when(g + 1 < NGRP)
        def _():
            idx_wait(1 - p)
        for b in range(NBUF):
            i = g * NBUF + b
            nxt = i + NBUF
            @pl.when(i < NCHUNK)
            def _():
                scatter_wait(p, b)
            @pl.when(nxt < NCHUNK)
            def _():
                gather_start(1 - p, b)
        @pl.when(g + 2 < NGRP)
        def _():
            idx_load_start(g + 2, p)
        return carry

    lax.fori_loop(i32(0), i32(NGRP), group, 0)
    plsc.subcore_barrier()

    @pl.when(s < 10)
    def _():
        pltpu.sync_copy(acc_sh.at[pl.ds(s * 1000, 1000)],
                        out_hbm.at[c, pl.ds(s * 1000, 1000)])
    if with_counts:
        cnt0_hbm, cnt1_hbm = cnt_out
        @pl.when(s < 5)
        def _():
            pltpu.sync_copy(cnt_sh.at[pl.ds(s * 2000, 2000)], stage)
            @pl.when(c == 0)
            def _():
                pltpu.sync_copy(stage, cnt0_hbm.at[pl.ds(s * 2000, 2000)])
            @pl.when(c == 1)
            def _():
                pltpu.sync_copy(stage, cnt1_hbm.at[pl.ds(s * 2000, 2000)])


@functools.lru_cache(maxsize=None)
def _make_sc_agg(with_counts):
    mesh = plsc.VectorSubcoreMesh(core_axis_name="c", subcore_axis_name="s")
    if with_counts:
        out_type = [
            jax.ShapeDtypeStruct((NC, N, D), jnp.float32),
            jax.ShapeDtypeStruct((N,), jnp.float32),
            jax.ShapeDtypeStruct((N,), jnp.float32),
        ]
        scratch = [
            pltpu.VMEM((2, NBUF, CH), jnp.int32),
            pltpu.VMEM((2, NBUF, CH), jnp.int32),
            pltpu.VMEM((NBUF, CH, D), jnp.float32),
            pltpu.VMEM((CH,), jnp.float32),
            pltpu.VMEM((2000,), jnp.float32),
            pltpu.VMEM_SHARED((N, D), jnp.float32),
            pltpu.VMEM_SHARED((N,), jnp.float32),
            pltpu.SemaphoreType.DMA((NBUF,)),
            pltpu.SemaphoreType.DMA((NBUF,)),
            pltpu.SemaphoreType.DMA((NBUF,)),
            pltpu.SemaphoreType.DMA((2,)),
        ]
        body = _sc_agg_body_counts
    else:
        out_type = [jax.ShapeDtypeStruct((NC, N, D), jnp.float32)]
        scratch = [
            pltpu.VMEM((2, NBUF, CH), jnp.int32),
            pltpu.VMEM((2, NBUF, CH), jnp.int32),
            pltpu.VMEM((NBUF, CH, D), jnp.float32),
            pltpu.VMEM_SHARED((N, D), jnp.float32),
            pltpu.SemaphoreType.DMA((NBUF,)),
            pltpu.SemaphoreType.DMA((NBUF,)),
            pltpu.SemaphoreType.DMA((2,)),
        ]
        body = _sc_agg_body_plain
    return pl.kernel(
        body,
        out_type=out_type,
        mesh=mesh,
        scratch_types=scratch,
        name="sage_sc_agg" + ("_c" if with_counts else ""),
    )


BT = 2000


def _I0(*_):
    return jnp.int32(0)


def _tc_layer_body(s_ref, c0_ref, c1_ref, h_ref, wl_ref, wr_ref, b_ref,
                   out_ref):
    inv = 1.0 / jnp.maximum(c0_ref[...] + c1_ref[...], 1.0)
    mean = (s_ref[0] + s_ref[1]) * inv
    out_ref[...] = (
        jnp.dot(mean, wl_ref[...], preferred_element_type=jnp.float32)
        + jnp.dot(h_ref[...], wr_ref[...], preferred_element_type=jnp.float32)
        + b_ref[...])


@functools.lru_cache(maxsize=None)
def _make_tc_layer():
    return pl.pallas_call(
        _tc_layer_body,
        grid=(N // BT,),
        in_specs=[
            pl.BlockSpec((NC, BT, D), lambda i: (_I0(), i, _I0())),
            pl.BlockSpec((BT, 1), lambda i: (i, _I0())),
            pl.BlockSpec((BT, 1), lambda i: (i, _I0())),
            pl.BlockSpec((BT, D), lambda i: (i, _I0())),
            pl.BlockSpec((D, D), lambda i: (_I0(), _I0())),
            pl.BlockSpec((D, D), lambda i: (_I0(), _I0())),
            pl.BlockSpec((1, D), lambda i: (_I0(), _I0())),
        ],
        out_specs=pl.BlockSpec((BT, D), lambda i: (i, _I0())),
        out_shape=jax.ShapeDtypeStruct((N, D), jnp.float32),
        name="sage_tc_layer",
    )


def kernel(x, edge_index, Wl0, bl0, Wr0, Wl1, bl1, Wr1, Wl2, bl2, Wr2):
    x = x.astype(jnp.float32)
    ei = edge_index.astype(jnp.int32)
    pad = NCHUNKP * CH - EPT
    src3 = jnp.pad(ei[0].reshape(NW, EPT),
                   ((0, 0), (0, pad))).reshape(NW, NCHUNKP, CH)
    dst3 = jnp.pad(ei[1].reshape(NW, EPT),
                   ((0, 0), (0, pad))).reshape(NW, NCHUNKP, CH)
    z2 = jnp.zeros((N, D), jnp.float32)

    agg_c = _make_sc_agg(True)
    agg_p = _make_sc_agg(False)
    tc = _make_tc_layer()

    params = [(Wl0, bl0, Wr0), (Wl1, bl1, Wr1), (Wl2, bl2, Wr2)]
    h = x
    outs = [x]
    c0 = c1 = None
    for (Wl, bl, Wr) in params:
        if c0 is None:
            part, cp0, cp1 = agg_c(h, src3, dst3, z2)
            c0 = cp0.reshape(N, 1)
            c1 = cp1.reshape(N, 1)
        else:
            part = agg_p(h, src3, dst3, z2)
            if isinstance(part, (list, tuple)):
                part = part[0]
        h = tc(part, c0, c1,
               h,
               Wl.T.astype(jnp.float32),
               Wr.T.astype(jnp.float32),
               bl.reshape(1, D).astype(jnp.float32))
        outs.append(h)
    return jnp.concatenate(outs, axis=-1).astype(jnp.float64)

# --- scband reference (transcript-rebuilt; emitter-appended) ---
"""Pipeline reference for scband-sagegnn-16758962389225 (READ-ONLY COPY).

The authoritative reference and input builder live on the scoring server;
editing this copy changes nothing except your own understanding.
"""

import jax
jax.config.update('jax_enable_x64', True)
import jax.numpy as jnp
import numpy as np

N = 10000
E = 320000
D = 128
OUT = 128
N_LAYERS = 3


def setup_inputs(seed: int = 0) -> dict:
    key = jax.random.key(seed)
    ks = jax.random.split(key, 2 + 3 * N_LAYERS)
    inp = {}
    inp['x'] = jax.random.normal(ks[0], (N, D), dtype=jnp.float32)
    inp['edge_index'] = jax.random.randint(ks[1], (2, E), 0, N, dtype=jnp.int64)
    in_ch = D
    for i in range(N_LAYERS):
        scale_l = 1.0 / np.sqrt(in_ch)
        inp[f'Wl{i}'] = jax.random.normal(ks[2 + 3 * i], (OUT, in_ch), dtype=jnp.float32) * scale_l
        inp[f'bl{i}'] = jnp.zeros((OUT,), dtype=jnp.float32)
        inp[f'Wr{i}'] = jax.random.normal(ks[3 + 3 * i], (OUT, in_ch), dtype=jnp.float32) * scale_l
        in_ch = OUT
    return inp


def _sage_conv(x, src, dst, Wl, bl, Wr):
    # GraphSAGE with mean aggregation (PyG SAGEConv default):
    # out = lin_l(mean_{j in N(i)} x_j) + lin_r(x_i)
    msgs = jnp.take(x, src, axis=0)
    sums = jax.ops.segment_sum(msgs, dst, num_segments=N)
    cnt = jax.ops.segment_sum(jnp.ones((src.shape[0],), dtype=x.dtype), dst, num_segments=N)
    mean = sums / jnp.maximum(cnt, 1.0)[:, None]
    return mean @ Wl.T + bl + x @ Wr.T


def reference(x, edge_index, Wl0, bl0, Wr0, Wl1, bl1, Wr1, Wl2, bl2, Wr2):
    src = edge_index[0]
    dst = edge_index[1]
    params = [(Wl0, bl0, Wr0), (Wl1, bl1, Wr1), (Wl2, bl2, Wr2)]
    xs = [x]
    for (Wl, bl, Wr) in params:
        xs.append(_sage_conv(xs[-1], src, dst, Wl, bl, Wr))
    return jnp.concatenate(xs, axis=-1)

if __name__ == "__main__":
    import jax
    _d = setup_inputs()
    print(jax.jit(kernel)(*tuple(_d.values())))

</pallas_src>

<mosaic_0001>
#map = affine_map<(d0, d1) -> (0, 0)>
#map1 = affine_map<(d0, d1) -> (0, 0, 0)>
#map2 = affine_map<(d0, d1) -> (0)>
module attributes {stable_mosaic.version = 14 : i64} {
  func.func @sage_sc_agg_c(%arg0: i32, %arg1: i32, %arg2: memref<10000x128xf32, #tpu.memory_space<hbm>>, %arg3: memref<32x128x80xi32, #tpu.memory_space<hbm>>, %arg4: memref<32x128x80xi32, #tpu.memory_space<hbm>>, %arg5: memref<10000x128xf32, #tpu.memory_space<hbm>>, %arg6: memref<2x10000x128xf32, #tpu.memory_space<hbm>>, %arg7: memref<10000xf32, #tpu.memory_space<hbm>>, %arg8: memref<10000xf32, #tpu.memory_space<hbm>>, %arg9: memref<2x2x80xi32, #tpu.memory_space<vmem>>, %arg10: memref<2x2x80xi32, #tpu.memory_space<vmem>>, %arg11: memref<2x80x128xf32, #tpu.memory_space<vmem>>, %arg12: memref<80xf32, #tpu.memory_space<vmem>>, %arg13: memref<2000xf32, #tpu.memory_space<vmem>>, %arg14: memref<10000x128xf32, #tpu.memory_space<vmem_shared>>, %arg15: memref<10000xf32, #tpu.memory_space<vmem_shared>>, %arg16: memref<2x!tpu.dma_semaphore, #tpu.memory_space<semaphore_mem>>, %arg17: memref<2x!tpu.dma_semaphore, #tpu.memory_space<semaphore_mem>>, %arg18: memref<2x!tpu.dma_semaphore, #tpu.memory_space<semaphore_mem>>, %arg19: memref<2x!tpu.dma_semaphore, #tpu.memory_space<semaphore_mem>>) attributes {dimension_semantics = [#tpu.dimension_semantics<core_parallel>, #tpu.dimension_semantics<subcore_parallel>], iteration_bounds = array<i64: 2, 16>, scalar_prefetch = 0 : i64, scratch_operands = 11 : i64, tpu.core_type = #tpu.core_type<sc_vector_subcore>, window_params = [{transform_indices = #map}, {transform_indices = #map1}, {transform_indices = #map1}, {transform_indices = #map}, {transform_indices = #map1}, {transform_indices = #map2}, {transform_indices = #map2}]} {
    %mul3A = arith.constant 16 : i32
    %mul3A_0 = arith.muli %arg0, %mul3A : i32
    %add3A = arith.addi %mul3A_0, %arg1 : i32
    %lt3A = arith.constant 10 : i32
    %lt3A_1 = arith.cmpi slt, %arg1, %lt3A : i32
    %convert_element_type3A = arith.extui %lt3A_1 : i1 to i32
    %cond3A = arith.constant 0 : i32
    %cond3A_2 = arith.cmpi ne, %convert_element_type3A, %cond3A : i32
    scf.if %cond3A_2 {
      %mul3A_211 = arith.constant 1000 : i32
      %mul3A_212 = arith.muli %arg1, %mul3A_211 : i32
      %mul3A_213 = arith.constant 1000 : i32
      %mul3A_214 = arith.muli %arg1, %mul3A_213 : i32
      "tpu.region"() ({
        %run_scoped3A = tpu.sem_alloc : memref<!tpu.dma_semaphore, #tpu.memory_space<semaphore_mem>>
        %dma_start3A_215 = arith.constant 0 : i32
        %dma_start3A_216 = tpu.memref_slice %arg14[%mul3A_214, %dma_start3A_215] : memref<10000x128xf32, #tpu.memory_space<vmem_shared>> -> memref<1000x128xf32, #tpu.memory_space<vmem_shared>>
        %dma_start3A_217 = arith.constant 0 : i32
        %dma_start3A_218 = tpu.memref_slice %arg5[%mul3A_212, %dma_start3A_217] : memref<10000x128xf32, #tpu.memory_space<hbm>> -> memref<1000x128xf32, #tpu.memory_space<hbm>>
        tpu.enqueue_dma source(%dma_start3A_218 : memref<1000x128xf32, #tpu.memory_space<hbm>>) target(%dma_start3A_216 : memref<1000x128xf32, #tpu.memory_space<vmem_shared>>) target_semaphore(%run_scoped3A : memref<!tpu.dma_semaphore, #tpu.memory_space<semaphore_mem>>)
        %dma_wait3A_219 = arith.constant 0 : i32
        %dma_wait3A_220 = tpu.memref_slice %arg14[%mul3A_214, %dma_wait3A_219] : memref<10000x128xf32, #tpu.memory_space<vmem_shared>> -> memref<1000x128xf32, #tpu.memory_space<vmem_shared>>
        %dma_wait3A_221 = arith.constant 0 : i32
        %dma_wait3A_222 = tpu.memref_slice %arg5[%mul3A_212, %dma_wait3A_221] : memref<10000x128xf32, #tpu.memory_space<hbm>> -> memref<1000x128xf32, #tpu.memory_space<hbm>>
        tpu.wait_dma2 semaphore(%run_scoped3A : memref<!tpu.dma_semaphore, #tpu.memory_space<semaphore_mem>>) src(%dma_wait3A_222 : memref<1000x128xf32, #tpu.memory_space<hbm>>) dst(%dma_wait3A_220 : memref<1000x128xf32, #tpu.memory_space<vmem_shared>>)
        tpu.yield
      }) : () -> ()
    } else {
    }
    %lt3A_3 = arith.constant 5 : i32
    %lt3A_4 = arith.cmpi slt, %arg1, %lt3A_3 : i32
    %convert_element_type3A_5 = arith.extui %lt3A_4 : i1 to i32
    %cond3A_6 = arith.constant 0 : i32
    %cond3A_7 = arith.cmpi ne, %convert_element_type3A_5, %cond3A_6 : i32
    scf.if %cond3A_7 {
      %broadcast_in_dim3A_211 = arith.constant 0.000000e+00 : f32
      %broadcast_in_dim3A_212 = vector.broadcast %broadcast_in_dim3A_211 : f32 to vector<16xf32>
      %swap3A_213 = arith.constant 0 : index
      %swap3A_214 = tpu.vector_load %arg13[%swap3A_213] {strides = array<i32>} : memref<2000xf32, #tpu.memory_space<vmem>>, vector<16xf32>,
      %swap3A_215 = vector.shape_cast %swap3A_214 : vector<16xf32> to vector<16xf32>
      %swap3A_216 = vector.shape_cast %broadcast_in_dim3A_212 : vector<16xf32> to vector<16xf32>
      tpu.vector_store %arg13[%swap3A_213], %swap3A_216 {strides = array<i32>} : memref<2000xf32, #tpu.memory_space<vmem>>, vector<16xf32>,
      %broadcast_in_dim3A_217 = arith.constant 0.000000e+00 : f32
      %broadcast_in_dim3A_218 = vector.broadcast %broadcast_in_dim3A_217 : f32 to vector<16xf32>
      %swap3A_219 = arith.constant 16 : index
      %swap3A_220 = tpu.vector_load %arg13[%swap3A_219] {strides = array<i32>} : memref<2000xf32, #tpu.memory_space<vmem>>, vector<16xf32>,
      %swap3A_221 = vector.shape_cast %swap3A_220 : vector<16xf32> to vector<16xf32>
      %swap3A_222 = vector.shape_cast %broadcast_in_dim3A_218 : vector<16xf32> to vector<16xf32>
      tpu.vector_store %arg13[%swap3A_219], %swap3A_222 {strides = array<i32>} : memref<2000xf32, #tpu.memory_space<vmem>>, vector<16xf32>,
      %broadcast_in_dim3A_223 = arith.constant 0.000000e+00 : f32
      %broadcast_in_dim3A_224 = vector.broadcast %broadcast_in_dim3A_223 : f32 to vector<16xf32>
      %swap3A_225 = arith.constant 32 : index
      %swap3A_226 = tpu.vector_load %arg13[%swap3A_225] {strides = array<i32>} : memref<2000xf32, #tpu.memory_space<vmem>>, vector<16xf32>,
      %swap3A_227 = vector.shape_cast %swap3A_226 : vector<16xf32> to vector<16xf32>
      %swap3A_228 = vector.shape_cast %broadcast_in_dim3A_224 : vector<16xf32> to vector<16xf32>
      tpu.vector_store %arg13[%swap3A_225], %swap3A_228 {strides = array<i32>} : memref<2000xf32, #tpu.memory_space<vmem>>, vector<16xf32>,
      %broadcast_in_dim3A_229 = arith.constant 0.000000e+00 : f32
      %broadcast_in_dim3A_230 = vector.broadcast %broadcast_in_dim3A_229 : f32 to vector<16xf32>
      %swap3A_231 = arith.constant 48 : index
      %swap3A_232 = tpu.vector_load %arg13[%swap3A_231] {strides = array<i32>} : memref<2000xf32, #tpu.memory_space<vmem>>, vector<16xf32>,
      %swap3A_233 = vector.shape_cast %swap3A_232 : vector<16xf32> to vector<16xf32>
      %swap3A_234 = vector.shape_cast %broadcast_in_dim3A_230 : vector<16xf32> to vector<16xf32>
      tpu.vector_store %arg13[%swap3A_231], %swap3A_234 {strides = array<i32>} : memref<2000xf32, #tpu.memory_space<vmem>>, vector<16xf32>,
      %broadcast_in_dim3A_235 = arith.constant 0.000000e+00 : f32
      %broadcast_in_dim3A_236 = vector.broadcast %broadcast_in_dim3A_235 : f32 to vector<16xf32>
      %swap3A_237 = arith.constant 64 : index
      %swap3A_238 = tpu.vector_load %arg13[%swap3A_237] {strides = array<i32>} : memref<2000xf32, #tpu.memory_space<vmem>>, vector<16xf32>,
      %swap3A_239 = vector.shape_cast %swap3A_238 : vector<16xf32> to vector<16xf32>
      %swap3A_240 = vector.shape_cast %broadcast_in_dim3A_236 : vector<16xf32> to vector<16xf32>
      tpu.vector_store %arg13[%swap3A_237], %swap3A_240 {strides = array<i32>} : memref<2000xf32, #tpu.memory_space<vmem>>, vector<16xf32>,
      %broadcast_in_dim3A_241 = arith.constant 0.000000e+00 : f32
      %broadcast_in_dim3A_242 = vector.broadcast %broadcast_in_dim3A_241 : f32 to vector<16xf32>
      %swap3A_243 = arith.constant 80 : index
      %swap3A_244 = tpu.vector_load %arg13[%swap3A_243] {strides = array<i32>} : memref<2000xf32, #tpu.memory_space<vmem>>, vector<16xf32>,
      %swap3A_245 = vector.shape_cast %swap3A_244 : vector<16xf32> to vector<16xf32>
      %swap3A_246 = vector.shape_cast %broadcast_in_dim3A_242 : vector<16xf32> to vector<16xf32>
      tpu.vector_store %arg13[%swap3A_243], %swap3A_246 {strides = array<i32>} : memref<2000xf32, #tpu.memory_space<vmem>>, vector<16xf32>,
      %broadcast_in_dim3A_247 = arith.constant 0.000000e+00 : f32
      %broadcast_in_dim3A_248 = vector.broadcast %broadcast_in_dim3A_247 : f32 to vector<16xf32>
      %swap3A_249 = arith.constant 96 : index
      %swap3A_250 = tpu.vector_load %arg13[%swap3A_249] {strides = array<i32>} : memref<2000xf32, #tpu.memory_space<vmem>>, vector<16xf32>,
      %swap3A_251 = vector.shape_cast %swap3A_250 : vector<16xf32> to vector<16xf32>
      %swap3A_252 = vector.shape_cast %broadcast_in_dim3A_248 : vector<16xf32> to vector<16xf32>
      tpu.vector_store %arg13[%swap3A_249], %swap3A_252 {strides = array<i32>} : memref<2000xf32, #tpu.memory_space<vmem>>, vector<16xf32>,
      %broadcast_in_dim3A_253 = arith.constant 0.000000e+00 : f32
      %broadcast_in_dim3A_254 = vector.broadcast %broadcast_in_dim3A_253 : f32 to vector<16xf32>
      %swap3A_255 = arith.constant 112 : index
      %swap3A_256 = tpu.vector_load %arg13[%swap3A_255] {strides = array<i32>} : memref<2000xf32, #tpu.memory_space<vmem>>, vector<16xf32>,
      %swap3A_257 = vector.shape_cast %swap3A_256 : vector<16xf32> to vector<16xf32>
      %swap3A_258 = vector.shape_cast %broadcast_in_dim3A_254 : vector<16xf32> to vector<16xf32>
      tpu.vector_store %arg13[%swap3A_255], %swap3A_258 {strides = array<i32>} : memref<2000xf32, #tpu.memory_space<vmem>>, vector<16xf32>,
      %broadcast_in_dim3A_259 = arith.constant 0.000000e+00 : f32
      %broadcast_in_dim3A_260 = vector.broadcast %broadcast_in_dim3A_259 : f32 to vector<16xf32>
      %swap3A_261 = arith.constant 128 : index
      %swap3A_262 = tpu.vector_load %arg13[%swap3A_261] {strides = array<i32>} : memref<2000xf32, #tpu.memory_space<vmem>>, vector<16xf32>,
      %swap3A_263 = vector.shape_cast %swap3A_262 : vector<16xf32> to vector<16xf32>
      %swap3A_264 = vector.shape_cast %broadcast_in_dim3A_260 : vector<16xf32> to vector<16xf32>
      tpu.vector_store %arg13[%swap3A_261], %swap3A_264 {strides = array<i32>} : memref<2000xf32, #tpu.memory_space<vmem>>, vector<16xf32>,
      %broadcast_in_dim3A_265 = arith.constant 0.000000e+00 : f32
      %broadcast_in_dim3A_266 = vector.broadcast %broadcast_in_dim3A_265 : f32 to vector<16xf32>
      %swap3A_267 = arith.constant 144 : index
      %swap3A_268 = tpu.vector_load %arg13[%swap3A_267] {strides = array<i32>} : memref<2000xf32, #tpu.memory_space<vmem>>, vector<16xf32>,
      %swap3A_269 = vector.shape_cast %swap3A_268 : vector<16xf32> to vector<16xf32>
      %swap3A_270 = vector.shape_cast %broadcast_in_dim3A_266 : vector<16xf32> to vector<16xf32>
      tpu.vector_store %arg13[%swap3A_267], %swap3A_270 {strides = array<i32>} : memref<2000xf32, #tpu.memory_space<vmem>>, vector<16xf32>,
      %broadcast_in_dim3A_271 = arith.constant 0.000000e+00 : f32
      %broadcast_in_dim3A_272 = vector.broadcast %broadcast_in_dim3A_271 : f32 to vector<16xf32>
      %swap3A_273 = arith.constant 160 : index
      %swap3A_274 = tpu.vector_load %arg13[%swap3A_273] {strides = array<i32>} : memref<2000xf32, #tpu.memory_space<vmem>>, vector<16xf32>,
      %swap3A_275 = vector.shape_cast %swap3A_274 : vector<16xf32> to vector<16xf32>
      %swap3A_276 = vector.shape_cast %broadcast_in_dim3A_272 : vector<16xf32> to vector<16xf32>
      tpu.vector_store %arg13[%swap3A_273], %swap3A_276 {strides = array<i32>} : memref<2000xf32, #tpu.memory_space<vmem>>, vector<16xf32>,
      %broadcast_in_dim3A_277 = arith.constant 0.000000e+00 : f32
      %broadcast_in_dim3A_278 = vector.broadcast %broadcast_in_dim3A_277 : f32 to vector<16xf32>
      %swap3A_279 = arith.constant 176 : index
      %swap3A_280 = tpu.vector_load %arg13[%swap3A_279] {strides = array<i32>} : memref<2000xf32, #tpu.memory_space<vmem>>, vector<16xf32>,
      %swap3A_281 = vector.shape_cast %swap3A_280 : vector<16xf32> to vector<16xf32>
      %swap3A_282 = vector.shape_cast %broadcast_in_dim3A_278 : vector<16xf32> to vector<16xf32>
      tpu.vector_store %arg13[%swap3A_279], %swap3A_282 {strides = array<i32>} : memref<2000xf32, #tpu.memory_space<vmem>>, vector<16xf32>,
      %broadcast_in_dim3A_283 = arith.constant 0.000000e+00 : f32
      %broadcast_in_dim3A_284 = vector.broadcast %broadcast_in_dim3A_283 : f32 to vector<16xf32>
      %swap3A_285 = arith.constant 192 : index
      %swap3A_286 = tpu.vector_load %arg13[%swap3A_285] {strides = array<i32>} : memref<2000xf32, #tpu.memory_space<vmem>>, vector<16xf32>,
      %swap3A_287 = vector.shape_cast %swap3A_286 : vector<16xf32> to vector<16xf32>
      %swap3A_288 = vector.shape_cast %broadcast_in_dim3A_284 : vector<16xf32> to vector<16xf32>
      tpu.vector_store %arg13[%swap3A_285], %swap3A_288 {strides = array<i32>} : memref<2000xf32, #tpu.memory_space<vmem>>, vector<16xf32>,
      %broadcast_in_dim3A_289 = arith.constant 0.000000e+00 : f32
      %broadcast_in_dim3A_290 = vector.broadcast %broadcast_in_dim3A_289 : f32 to vector<16xf32>
      %swap3A_291 = arith.constant 208 : index
      %swap3A_292 = tpu.vector_load %arg13[%swap3A_291] {strides = array<i32>} : memref<2000xf32, #tpu.memory_space<vmem>>, vector<16xf32>,
      %swap3A_293 = vector.shape_cast %swap3A_292 : vector<16xf32> to vector<16xf32>
      %swap3A_294 = vector.shape_cast %broadcast_in_dim3A_290 : vector<16xf32> to vector<16xf32>
      tpu.vector_store %arg13[%swap3A_291], %swap3A_294 {strides = array<i32>} : memref<2000xf32, #tpu.memory_space<vmem>>, vector<16xf32>,
      %broadcast_in_dim3A_295 = arith.constant 0.000000e+00 : f32
      %broadcast_in_dim3A_296 = vector.broadcast %broadcast_in_dim3A_295 : f32 to vector<16xf32>
      %swap3A_297 = arith.constant 224 : index
      %swap3A_298 = tpu.vector_load %arg13[%swap3A_297] {strides = array<i32>} : memref<2000xf32, #tpu.memory_space<vmem>>, vector<16xf32>,
      %swap3A_299 = vector.shape_cast %swap3A_298 : vector<16xf32> to vector<16xf32>
      %swap3A_300 = vector.shape_cast %broadcast_in_dim3A_296 : vector<16xf32> to vector<16xf32>
      tpu.vector_store %arg13[%swap3A_297], %swap3A_300 {strides = array<i32>} : memref<2000xf32, #tpu.memory_space<vmem>>, vector<16xf32>,
      %broadcast_in_dim3A_301 = arith.constant 0.000000e+00 : f32
      %broadcast_in_dim3A_302 = vector.broadcast %broadcast_in_dim3A_301 : f32 to vector<16xf32>
      %swap3A_303 = arith.constant 240 : index
      %swap3A_304 = tpu.vector_load %arg13[%swap3A_303] {strides = array<i32>} : memref<2000xf32, #tpu.memory_space<vmem>>, vector<16xf32>,
      %swap3A_305 = vector.shape_cast %swap3A_304 : vector<16xf32> to vector<16xf32>
      %swap3A_306 = vector.shape_cast %broadcast_in_dim3A_302 : vector<16xf32> to vector<16xf32>
      tpu.vector_store %arg13[%swap3A_303], %swap3A_306 {strides = array<i32>} : memref<2000xf32, #tpu.memory_space<vmem>>, vector<16xf32>,
      %broadcast_in_dim3A_307 = arith.constant 0.000000e+00 : f32
      %broadcast_in_dim3A_308 = vector.broadcast %broadcast_in_dim3A_307 : f32 to vector<16xf32>
      %swap3A_309 = arith.constant 256 : index
      %swap3A_310 = tpu.vector_load %arg13[%swap3A_309] {strides = array<i32>} : memref<2000xf32, #tpu.memory_space<vmem>>, vector<16xf32>,
      %swap3A_311 = vector.shape_cast %swap3A_310 : vector<16xf32> to vector<16xf32>
      %swap3A_312 = vector.shape_cast %broadcast_in_dim3A_308 : vector<16xf32> to vector<16xf32>
      tpu.vector_store %arg13[%swap3A_309], %swap3A_312 {strides = array<i32>} : memref<2000xf32, #tpu.memory_space<vmem>>, vector<16xf32>,
      %broadcast_in_dim3A_313 = arith.constant 0.000000e+00 : f32
      %broadcast_in_dim3A_314 = vector.broadcast %broadcast_in_dim3A_313 : f32 to vector<16xf32>
      %swap3A_315 = arith.constant 272 : index
      %swap3A_316 = tpu.vector_load %arg13[%swap3A_315] {strides = array<i32>} : memref<2000xf32, #tpu.memory_space<vmem>>, vector<16xf32>,
      %swap3A_317 = vector.shape_cast %swap3A_316 : vector<16xf32> to vector<16xf32>
      %swap3A_318 = vector.shape_cast %broadcast_in_dim3A_314 : vector<16xf32> to vector<16xf32>
      tpu.vector_store %arg13[%swap3A_315], %swap3A_318 {strides = array<i32>} : memref<2000xf32, #tpu.memory_space<vmem>>, vector<16xf32>,
      %broadcast_in_dim3A_319 = arith.constant 0.000000e+00 : f32
      %broadcast_in_dim3A_320 = vector.broadcast %broadcast_in_dim3A_319 : f32 to vector<16xf32>
      %swap3A_321 = arith.constant 288 : index
      %swap3A_322 = tpu.vector_load %arg13[%swap3A_321] {strides = array<i32>} : memref<2000xf32, #tpu.memory_space<vmem>>, vector<16xf32>,
      %swap3A_323 = vector.shape_cast %swap3A_322 : vector<16xf32> to vector<16xf32>
      %swap3A_324 = vector.shape_cast %broadcast_in_dim3A_320 : vector<16xf32> to vector<16xf32>
      tpu.vector_store %arg13[%swap3A_321], %swap3A_324 {strides = array<i32>} : memref<2000xf32, #tpu.memory_space<vmem>>, vector<16xf32>,
      %broadcast_in_dim3A_325 = arith.constant 0.000000e+00 : f32
      %broadcast_in_dim3A_326 = vector.broadcast %broadcast_in_dim3A_325 : f32 to vector<16xf32>
      %swap3A_327 = arith.constant 304 : index
      %swap3A_328 = tpu.vector_load %arg13[%swap3A_327] {strides = array<i32>} : memref<2000xf32, #tpu.memory_space<vmem>>, vector<16xf32>,
      %swap3A_329 = vector.shape_cast %swap3A_328 : vector<16xf32> to vector<16xf32>
      %swap3A_330 = vector.shape_cast %broadcast_in_dim3A_326 : vector<16xf32> to vector<16xf32>
      tpu.vector_store %arg13[%swap3A_327], %swap3A_330 {strides = array<i32>} : memref<2000xf32, #tpu.memory_space<vmem>>, vector<16xf32>,
      %broadcast_in_dim3A_331 = arith.constant 0.000000e+00 : f32
      %broadcast_in_dim3A_332 = vector.broadcast %broadcast_in_dim3A_331 : f32 to vector<16xf32>
      %swap3A_333 = arith.constant 320 : index
      %swap3A_334 = tpu.vector_load %arg13[%swap3A_333] {strides = array<i32>} : memref<2000xf32, #tpu.memory_space<vmem>>, vector<16xf32>,
      %swap3A_335 = vector.shape_cast %swap3A_334 : vector<16xf32> to vector<16xf32>
      %swap3A_336 = vector.shape_cast %broadcast_in_dim3A_332 : vector<16xf32> to vector<16xf32>
      tpu.vector_store %arg13[%swap3A_333], %swap3A_336 {strides = array<i32>} : memref<2000xf32, #tpu.memory_space<vmem>>, vector<16xf32>,
      %broadcast_in_dim3A_337 = arith.constant 0.000000e+00 : f32
      %broadcast_in_dim3A_338 = vector.broadcast %broadcast_in_dim3A_337 : f32 to vector<16xf32>
      %swap3A_339 = arith.constant 336 : index
      %swap3A_340 = tpu.vector_load %arg13[%swap3A_339] {strides = array<i32>} : memref<2000xf32, #tpu.memory_space<vmem>>, vector<16xf32>,
      %swap3A_341 = vector.shape_cast %swap3A_340 : vector<16xf32> to vector<16xf32>
      %swap3A_342 = vector.shape_cast %broadcast_in_dim3A_338 : vector<16xf32> to vector<16xf32>
      tpu.vector_store %arg13[%swap3A_339], %swap3A_342 {strides = array<i32>} : memref<2000xf32, #tpu.memory_space<vmem>>, vector<16xf32>,
      %broadcast_in_dim3A_343 = arith.constant 0.000000e+00 : f32
      %broadcast_in_dim3A_344 = vector.broadcast %broadcast_in_dim3A_343 : f32 to vector<16xf32>
      %swap3A_345 = arith.constant 352 : index
      %swap3A_346 = tpu.vector_load %arg13[%swap3A_345] {strides = array<i32>} : memref<2000xf32, #tpu.memory_space<vmem>>, vector<16xf32>,
      %swap3A_347 = vector.shape_cast %swap3A_346 : vector<16xf32> to vector<16xf32>
      %swap3A_348 = vector.shape_cast %broadcast_in_dim3A_344 : vector<16xf32> to vector<16xf32>
      tpu.vector_store %arg13[%swap3A_345], %swap3A_348 {strides = array<i32>} : memref<2000xf32, #tpu.memory_space<vmem>>, vector<16xf32>,
      %broadcast_in_dim3A_349 = arith.constant 0.000000e+00 : f32
      %broadcast_in_dim3A_350 = vector.broadcast %broadcast_in_dim3A_349 : f32 to vector<16xf32>
      %swap3A_351 = arith.constant 368 : index
      %swap3A_352 = tpu.vector_load %arg13[%swap3A_351] {strides = array<i32>} : memref<2000xf32, #tpu.memory_space<vmem>>, vector<16xf32>,
      %swap3A_353 = vector.shape_cast %swap3A_352 : vector<16xf32> to vector<16xf32>
      %swap3A_354 = vector.shape_cast %broadcast_in_dim3A_350 : vector<16xf32> to vector<16xf32>
      tpu.vector_store %arg13[%swap3A_351], %swap3A_354 {strides = array<i32>} : memref<2000xf32, #tpu.memory_space<vmem>>, vector<16xf32>,
      %broadcast_in_dim3A_355 = arith.constant 0.000000e+00 : f32
      %broadcast_in_dim3A_356 = vector.broadcast %broadcast_in_dim3A_355 : f32 to vector<16xf32>
      %swap3A_357 = arith.constant 384 : index
      %swap3A_358 = tpu.vector_load %arg13[%swap3A_357] {strides = array<i32>} : memref<2000xf32, #tpu.memory_space<vmem>>, vector<16xf32>,
      %swap3A_359 = vector.shape_cast %swap3A_358 : vector<16xf32> to vector<16xf32>
      %swap3A_360 = vector.shape_cast %broadcast_in_dim3A_356 : vector<16xf32> to vector<16xf32>
      tpu.vector_store %arg13[%swap3A_357], %swap3A_360 {strides = array<i32>} : memref<2000xf32, #tpu.memory_space<vmem>>, vector<16xf32>,
      %broadcast_in_dim3A_361 = arith.constant 0.000000e+00 : f32
      %broadcast_in_dim3A_362 = vector.broadcast %broadcast_in_dim3A_361 : f32 to vector<16xf32>
      %swap3A_363 = arith.constant 400 : index
      %swap3A_364 = tpu.vector_load %arg13[%swap3A_363] {strides = array<i32>} : memref<2000xf32, #tpu.memory_space<vmem>>, vector<16xf32>,
      %swap3A_365 = vector.shape_cast %swap3A_364 : vector<16xf32> to vector<16xf32>
      %swap3A_366 = vector.shape_cast %broadcast_in_dim3A_362 : vector<16xf32> to vector<16xf32>
      tpu.vector_store %arg13[%swap3A_363], %swap3A_366 {strides = array<i32>} : memref<2000xf32, #tpu.memory_space<vmem>>, vector<16xf32>,
      %broadcast_in_dim3A_367 = arith.constant 0.000000e+00 : f32
      %broadcast_in_dim3A_368 = vector.broadcast %broadcast_in_dim3A_367 : f32 to vector<16xf32>
      %swap3A_369 = arith.constant 416 : index
      %swap3A_370 = tpu.vector_load %arg13[%swap3A_369] {strides = array<i32>} : memref<2000xf32, #tpu.memory_space<vmem>>, vector<16xf32>,
      %swap3A_371 = vector.shape_cast %swap3A_370 : vector<16xf32> to vector<16xf32>
      %swap3A_372 = vector.shape_cast %broadcast_in_dim3A_368 : vector<16xf32> to vector<16xf32>
      tpu.vector_store %arg13[%swap3A_369], %swap3A_372 {strides = array<i32>} : memref<2000xf32, #tpu.memory_space<vmem>>, vector<16xf32>,
      %broadcast_in_dim3A_373 = arith.constant 0.000000e+00 : f32
      %broadcast_in_dim3A_374 = vector.broadcast %broadcast_in_dim3A_373 : f32 to vector<16xf32>
      %swap3A_375 = arith.constant 432 : index
      %swap3A_376 = tpu.vector_load %arg13[%swap3A_375] {strides = array<i32>} : memref<2000xf32, #tpu.memory_space<vmem>>, vector<16xf32>,
      %swap3A_377 = vector.shape_cast %swap3A_376 : vector<16xf32> to vector<16xf32>
      %swap3A_378 = vector.shape_cast %broadcast_in_dim3A_374 : vector<16xf32> to vector<16xf32>
      tpu.vector_store %arg13[%swap3A_375], %swap3A_378 {strides = array<i32>} : memref<2000xf32, #tpu.memory_space<vmem>>, vector<16xf32>,
      %broadcast_in_dim3A_379 = arith.constant 0.000000e+00 : f32
      %broadcast_in_dim3A_380 = vector.broadcast %broadcast_in_dim3A_379 : f32 to vector<16xf32>
      %swap3A_381 = arith.constant 448 : index
      %swap3A_382 = tpu.vector_load %arg13[%swap3A_381] {strides = array<i32>} : memref<2000xf32, #tpu.memory_space<vmem>>, vector<16xf32>,
      %swap3A_383 = vector.shape_cast %swap3A_382 : vector<16xf32> to vector<16xf32>
      %swap3A_384 = vector.shape_cast %broadcast_in_dim3A_380 : vector<16xf32> to vector<16xf32>
      tpu.vector_store %arg13[%swap3A_381], %swap3A_384 {strides = array<i32>} : memref<2000xf32, #tpu.memory_space<vmem>>, vector<16xf32>,
      %broadcast_in_dim3A_385 = arith.constant 0.000000e+00 : f32
      %broadcast_in_dim3A_386 = vector.broadcast %broadcast_in_dim3A_385 : f32 to vector<16xf32>
      %swap3A_387 = arith.constant 464 : index
      %swap3A_388 = tpu.vector_load %arg13[%swap3A_387] {strides = array<i32>} : memref<2000xf32, #tpu.memory_space<vmem>>, vector<16xf32>,
      %swap3A_389 = vector.shape_cast %swap3A_388 : vector<16xf32> to vector<16xf32>
      %swap3A_390 = vector.shape_cast %broadcast_in_dim3A_386 : vector<16xf32> to vector<16xf32>
      tpu.vector_store %arg13[%swap3A_387], %swap3A_390 {strides = array<i32>} : memref<2000xf32, #tpu.memory_space<vmem>>, vector<16xf32>,
      %broadcast_in_dim3A_391 = arith.constant 0.000000e+00 : f32
      %broadcast_in_dim3A_392 = vector.broadcast %broadcast_in_dim3A_391 : f32 to vector<16xf32>
      %swap3A_393 = arith.constant 480 : index
      %swap3A_394 = tpu.vector_load %arg13[%swap3A_393] {strides = array<i32>} : memref<2000xf32, #tpu.memory_space<vmem>>, vector<16xf32>,
      %swap3A_395 = vector.shape_cast %swap3A_394 : vector<16xf32> to vector<16xf32>
      %swap3A_396 = vector.shape_cast %broadcast_in_dim3A_392 : vector<16xf32> to vector<16xf32>
      tpu.vector_store %arg13[%swap3A_393], %swap3A_396 {strides = array<i32>} : memref<2000xf32, #tpu.memory_space<vmem>>, vector<16xf32>,
      %broadcast_in_dim3A_397 = arith.constant 0.000000e+00 : f32
      %broadcast_in_dim3A_398 = vector.broadcast %broadcast_in_dim3A_397 : f32 to vector<16xf32>
      %swap3A_399 = arith.constant 496 : index
      %swap3A_400 = tpu.vector_load %arg13[%swap3A_399] {strides = array<i32>} : memref<2000xf32, #tpu.memory_space<vmem>>, vector<16xf32>,
      %swap3A_401 = vector.shape_cast %swap3A_400 : vector<16xf32> to vector<16xf32>
      %swap3A_402 = vector.shape_cast %broadcast_in_dim3A_398 : vector<16xf32> to vector<16xf32>
      tpu.vector_store %arg13[%swap3A_399], %swap3A_402 {strides = array<i32>} : memref<2000xf32, #tpu.memory_space<vmem>>, vector<16xf32>,
      %broadcast_in_dim3A_403 = arith.constant 0.000000e+00 : f32
      %broadcast_in_dim3A_404 = vector.broadcast %broadcast_in_dim3A_403 : f32 to vector<16xf32>
      %swap3A_405 = arith.constant 512 : index
      %swap3A_406 = tpu.vector_load %arg13[%swap3A_405] {strides = array<i32>} : memref<2000xf32, #tpu.memory_space<vmem>>, vector<16xf32>,
      %swap3A_407 = vector.shape_cast %swap3A_406 : vector<16xf32> to vector<16xf32>
      %swap3A_408 = vector.shape_cast %broadcast_in_dim3A_404 : vector<16xf32> to vector<16xf32>
      tpu.vector_store %arg13[%swap3A_405], %swap3A_408 {strides = array<i32>} : memref<2000xf32, #tpu.memory_space<vmem>>, vector<16xf32>,
      %broadcast_in_dim3A_409 = arith.constant 0.000000e+00 : f32
      %broadcast_in_dim3A_410 = vector.broadcast %broadcast_in_dim3A_409 : f32 to vector<16xf32>
      %swap3A_411 = arith.constant 528 : index
      %swap3A_412 = tpu.vector_load %arg13[%swap3A_411] {strides = array<i32>} : memref<2000xf32, #tpu.memory_space<vmem>>, vector<16xf32>,
      %swap3A_413 = vector.shape_cast %swap3A_412 : vector<16xf32> to vector<16xf32>
      %swap3A_414 = vector.shape_cast %broadcast_in_dim3A_410 : vector<16xf32> to vector<16xf32>
      tpu.vector_store %arg13[%swap3A_411], %swap3A_414 {strides = array<i32>} : memref<2000xf32, #tpu.memory_space<vmem>>, vector<16xf32>,
      %broadcast_in_dim3A_415 = arith.constant 0.000000e+00 : f32
      %broadcast_in_dim3A_416 = vector.broadcast %broadcast_in_dim3A_415 : f32 to vector<16xf32>
      %swap3A_417 = arith.constant 544 : index
      %swap3A_418 = tpu.vector_load %arg13[%swap3A_417] {strides = array<i32>} : memref<2000xf32, #tpu.memory_space<vmem>>, vector<16xf32>,
      %swap3A_419 = vector.shape_cast %swap3A_418 : vector<16xf32> to vector<16xf32>
      %swap3A_420 = vector.shape_cast %broadcast_in_dim3A_416 : vector<16xf32> to vector<16xf32>
      tpu.vector_store %arg13[%swap3A_417], %swap3A_420 {strides = array<i32>} : memref<2000xf32, #tpu.memory_space<vmem>>, vector<16xf32>,
      %broadcast_in_dim3A_421 = arith.constant 0.000000e+00 : f32
      %broadcast_in_dim3A_422 = vector.broadcast %broadcast_in_dim3A_421 : f32 to vector<16xf32>
      %swap3A_423 = arith.constant 560 : index
      %swap3A_424 = tpu.vector_load %arg13[%swap3A_423] {strides = array<i32>} : memref<2000xf32, #tpu.memory_space<vmem>>, vector<16xf32>,
      %swap3A_425 = vector.shape_cast %swap3A_424 : vector<16xf32> to vector<16xf32>
      %swap3A_426 = vector.shape_cast %broadcast_in_dim3A_422 : vector<16xf32> to vector<16xf32>
      tpu.vector_store %arg13[%swap3A_423], %swap3A_426 {strides = array<i32>} : memref<2000xf32, #tpu.memory_space<vmem>>, vector<16xf32>,
      %broadcast_in_dim3A_427 = arith.constant 0.000000e+00 : f32
      %broadcast_in_dim3A_428 = vector.broadcast %broadcast_in_dim3A_427 : f32 to vector<16xf32>
      %swap3A_429 = arith.constant 576 : index
      %swap3A_430 = tpu.vector_load %arg13[%swap3A_429] {strides = array<i32>} : memref<2000xf32, #tpu.memory_space<vmem>>, vector<16xf32>,
      %swap3A_431 = vector.shape_cast %swap3A_430 : vector<16xf32> to vector<16xf32>
      %swap3A_432 = vector.shape_cast %broadcast_in_dim3A_428 : vector<16xf32> to vector<16xf32>
      tpu.vector_store %arg13[%swap3A_429], %swap3A_432 {strides = array<i32>} : memref<2000xf32, #tpu.memory_space<vmem>>, vector<16xf32>,
      %broadcast_in_dim3A_433 = arith.constant 0.000000e+00 : f32
      %broadcast_in_dim3A_434 = vector.broadcast %broadcast_in_dim3A_433 : f32 to vector<16xf32>
      %swap3A_435 = arith.constant 592 : index
      %swap3A_436 = tpu.vector_load %arg13[%swap3A_435] {strides = array<i32>} : memref<2000xf32, #tpu.memory_space<vmem>>, vector<16xf32>,
      %swap3A_437 = vector.shape_cast %swap3A_436 : vector<16xf32> to vector<16xf32>
      %swap3A_438 = vector.shape_cast %broadcast_in_dim3A_434 : vector<16xf32> to vector<16xf32>
      tpu.vector_store %arg13[%swap3A_435], %swap3A_438 {strides = array<i32>} : memref<2000xf32, #tpu.memory_space<vmem>>, vector<16xf32>,
      %broadcast_in_dim3A_439 = arith.constant 0.000000e+00 : f32
      %broadcast_in_dim3A_440 = vector.broadcast %broadcast_in_dim3A_439 : f32 to vector<16xf32>
      %swap3A_441 = arith.constant 608 : index
      %swap3A_442 = tpu.vector_load %arg13[%swap3A_441] {strides = array<i32>} : memref<2000xf32, #tpu.memory_space<vmem>>, vector<16xf32>,
      %swap3A_443 = vector.shape_cast %swap3A_442 : vector<16xf32> to vector<16xf32>
      %swap3A_444 = vector.shape_cast %broadcast_in_dim3A_440 : vector<16xf32> to vector<16xf32>
      tpu.vector_store %arg13[%swap3A_441], %swap3A_444 {strides = array<i32>} : memref<2000xf32, #tpu.memory_space<vmem>>, vector<16xf32>,
      %broadcast_in_dim3A_445 = arith.constant 0.000000e+00 : f32
      %broadcast_in_dim3A_446 = vector.broadcast %broadcast_in_dim3A_445 : f32 to vector<16xf32>
      %swap3A_447 = arith.constant 624 : index
      %swap3A_448 = tpu.vector_load %arg13[%swap3A_447] {strides = array<i32>} : memref<2000xf32, #tpu.memory_space<vmem>>, vector<16xf32>,
      %swap3A_449 = vector.shape_cast %swap3A_448 : vector<16xf32> to vector<16xf32>
      %swap3A_450 = vector.shape_cast %broadcast_in_dim3A_446 : vector<16xf32> to vector<16xf32>
      tpu.vector_store %arg13[%swap3A_447], %swap3A_450 {strides = array<i32>} : memref<2000xf32, #tpu.memory_space<vmem>>, vector<16xf32>,
      %broadcast_in_dim3A_451 = arith.constant 0.000000e+00 : f32
      %broadcast_in_dim3A_452 = vector.broadcast %broadcast_in_dim3A_451 : f32 to vector<16xf32>
      %swap3A_453 = arith.constant 640 : index
      %swap3A_454 = tpu.vector_load %arg13[%swap3A_453] {strides = array<i32>} : memref<2000xf32, #tpu.memory_space<vmem>>, vector<16xf32>,
      %swap3A_455 = vector.shape_cast %swap3A_454 : vector<16xf32> to vector<16xf32>
      %swap3A_456 = vector.shape_cast %broadcast_in_dim3A_452 : vector<16xf32> to vector<16xf32>
      tpu.vector_store %arg13[%swap3A_453], %swap3A_456 {strides = array<i32>} : memref<2000xf32, #tpu.memory_space<vmem>>, vector<16xf32>,
      %broadcast_in_dim3A_457 = arith.constant 0.000000e+00 : f32
      %broadcast_in_dim3A_458 = vector.broadcast %broadcast_in_dim3A_457 : f32 to vector<16xf32>
      %swap3A_459 = arith.constant 656 : index
      %swap3A_460 = tpu.vector_load %arg13[%swap3A_459] {strides = array<i32>} : memref<2000xf32, #tpu.memory_space<vmem>>, vector<16xf32>,
      %swap3A_461 = vector.shape_cast %swap3A_460 : vector<16xf32> to vector<16xf32>
      %swap3A_462 = vector.shape_cast %broadcast_in_dim3A_458 : vector<16xf32> to vector<16xf32>
      tpu.vector_store %arg13[%swap3A_459], %swap3A_462 {strides = array<i32>} : memref<2000xf32, #tpu.memory_space<vmem>>, vector<16xf32>,
      %broadcast_in_dim3A_463 = arith.constant 0.000000e+00 : f32
      %broadcast_in_dim3A_464 = vector.broadcast %broadcast_in_dim3A_463 : f32 to vector<16xf32>
      %swap3A_465 = arith.constant 672 : index
      %swap3A_466 = tpu.vector_load %arg13[%swap3A_465] {strides = array<i32>} : memref<2000xf32, #tpu.memory_space<vmem>>, vector<16xf32>,
      %swap3A_467 = vector.shape_cast %swap3A_466 : vector<16xf32> to vector<16xf32>
      %swap3A_468 = vector.shape_cast %broadcast_in_dim3A_464 : vector<16xf32> to vector<16xf32>
      tpu.vector_store %arg13[%swap3A_465], %swap3A_468 {strides = array<i32>} : memref<2000xf32, #tpu.memory_space<vmem>>, vector<16xf32>,
      %broadcast_in_dim3A_469 = arith.constant 0.000000e+00 : f32
      %broadcast_in_dim3A_470 = vector.broadcast %broadcast_in_dim3A_469 : f32 to vector<16xf32>
      %swap3A_471 = arith.constant 688 : index
      %swap3A_472 = tpu.vector_load %arg13[%swap3A_471] {strides = array<i32>} : memref<2000xf32, #tpu.memory_space<vmem>>, vector<16xf32>,
      %swap3A_473 = vector.shape_cast %swap3A_472 : vector<16xf32> to vector<16xf32>
      %swap3A_474 = vector.shape_cast %broadcast_in_dim3A_470 : vector<16xf32> to vector<16xf32>
      tpu.vector_store %arg13[%swap3A_471], %swap3A_474 {strides = array<i32>} : memref<2000xf32, #tpu.memory_space<vmem>>, vector<16xf32>,
      %broadcast_in_dim3A_475 = arith.constant 0.000000e+00 : f32
      %broadcast_in_dim3A_476 = vector.broadcast %broadcast_in_dim3A_475 : f32 to vector<16xf32>
      %swap3A_477 = arith.constant 704 : index
      %swap3A_478 = tpu.vector_load %arg13[%swap3A_477] {strides = array<i32>} : memref<2000xf32, #tpu.memory_space<vmem>>, vector<16xf32>,
      %swap3A_479 = vector.shape_cast %swap3A_478 : vector<16xf32> to vector<16xf32>
      %swap3A_480 = vector.shape_cast %broadcast_in_dim3A_476 : vector<16xf32> to vector<16xf32>
      tpu.vector_store %arg13[%swap3A_477], %swap3A_480 {strides = array<i32>} : memref<2000xf32, #tpu.memory_space<vmem>>, vector<16xf32>,
      %broadcast_in_dim3A_481 = arith.constant 0.000000e+00 : f32
      %broadcast_in_dim3A_482 = vector.broadcast %broadcast_in_dim3A_481 : f32 to vector<16xf32>
      %swap3A_483 = arith.constant 720 : index
      %swap3A_484 = tpu.vector_load %arg13[%swap3A_483] {strides = array<i32>} : memref<2000xf32, #tpu.memory_space<vmem>>, vector<16xf32>,
      %swap3A_485 = vector.shape_cast %swap3A_484 : vector<16xf32> to vector<16xf32>
      %swap3A_486 = vector.shape_cast %broadcast_in_dim3A_482 : vector<16xf32> to vector<16xf32>
      tpu.vector_store %arg13[%swap3A_483], %swap3A_486 {strides = array<i32>} : memref<2000xf32, #tpu.memory_space<vmem>>, vector<16xf32>,
      %broadcast_in_dim3A_487 = arith.constant 0.000000e+00 : f32
      %broadcast_in_dim3A_488 = vector.broadcast %broadcast_in_dim3A_487 : f32 to vector<16xf32>
      %swap3A_489 = arith.constant 736 : index
      %swap3A_490 = tpu.vector_load %arg13[%swap3A_489] {strides = array<i32>} : memref<2000xf32, #tpu.memory_space<vmem>>, vector<16xf32>,
      %swap3A_491 = vector.shape_cast %swap3A_490 : vector<16xf32> to vector<16xf32>
      %swap3A_492 = vector.shape_cast %broadcast_in_dim3A_488 : vector<16xf32> to vector<16xf32>
      tpu.vector_store %arg13[%swap3A_489], %swap3A_492 {strides = array<i32>} : memref<2000xf32, #tpu.memory_space<vmem>>, vector<16xf32>,
      %broadcast_in_dim3A_493 = arith.constant 0.000000e+00 : f32
      %broadcast_in_dim3A_494 = vector.broadcast %broadcast_in_dim3A_493 : f32 to vector<16xf32>
      %swap3A_495 = arith.constant 752 : index
      %swap3A_496 = tpu.vector_load %arg13[%swap3A_495] {strides = array<i32>} : memref<2000xf32, #tpu.memory_space<vmem>>, vector<16xf32>,
      %swap3A_497 = vector.shape_cast %swap3A_496 : vector<16xf32> to vector<16xf32>
      %swap3A_498 = vector.shape_cast %broadcast_in_dim3A_494 : vector<16xf32> to vector<16xf32>
      tpu.vector_store %arg13[%swap3A_495], %swap3A_498 {strides = array<i32>} : memref<2000xf32, #tpu.memory_space<vmem>>, vector<16xf32>,
      %broadcast_in_dim3A_499 = arith.constant 0.000000e+00 : f32
      %broadcast_in_dim3A_500 = vector.broadcast %broadcast_in_dim3A_499 : f32 to vector<16xf32>
      %swap3A_501 = arith.constant 768 : index
      %swap3A_502 = tpu.vector_load %arg13[%swap3A_501] {strides = array<i32>} : memref<2000xf32, #tpu.memory_space<vmem>>, vector<16xf32>,
      %swap3A_503 = vector.shape_cast %swap3A_502 : vector<16xf32> to vector<16xf32>
      %swap3A_504 = vector.shape_cast %broadcast_in_dim3A_500 : vector<16xf32> to vector<16xf32>
      tpu.vector_store %arg13[%swap3A_501], %swap3A_504 {strides = array<i32>} : memref<2000xf32, #tpu.memory_space<vmem>>, vector<16xf32>,
      %broadcast_in_dim3A_505 = arith.constant 0.000000e+00 : f32
      %broadcast_in_dim3A_506 = vector.broadcast %broadcast_in_dim3A_505 : f32 to vector<16xf32>
      %swap3A_507 = arith.constant 784 : index
      %swap3A_508 = tpu.vector_load %arg13[%swap3A_507] {strides = array<i32>} : memref<2000xf32, #tpu.memory_space<vmem>>, vector<16xf32>,
      %swap3A_509 = vector.shape_cast %swap3A_508 : vector<16xf32> to vector<16xf32>
      %swap3A_510 = vector.shape_cast %broadcast_in_dim3A_506 : vector<16xf32> to vector<16xf32>
      tpu.vector_store %arg13[%swap3A_507], %swap3A_510 {strides = array<i32>} : memref<2000xf32, #tpu.memory_space<vmem>>, vector<16xf32>,
      %broadcast_in_dim3A_511 = arith.constant 0.000000e+00 : f32
      %broadcast_in_dim3A_512 = vector.broadcast %broadcast_in_dim3A_511 : f32 to vector<16xf32>
      %swap3A_513 = arith.constant 800 : index
      %swap3A_514 = tpu.vector_load %arg13[%swap3A_513] {strides = array<i32>} : memref<2000xf32, #tpu.memory_space<vmem>>, vector<16xf32>,
      %swap3A_515 = vector.shape_cast %swap3A_514 : vector<16xf32> to vector<16xf32>
      %swap3A_516 = vector.shape_cast %broadcast_in_dim3A_512 : vector<16xf32> to vector<16xf32>
      tpu.vector_store %arg13[%swap3A_513], %swap3A_516 {strides = array<i32>} : memref<2000xf32, #tpu.memory_space<vmem>>, vector<16xf32>,
      %broadcast_in_dim3A_517 = arith.constant 0.000000e+00 : f32
      %broadcast_in_dim3A_518 = vector.broadcast %broadcast_in_dim3A_517 : f32 to vector<16xf32>
      %swap3A_519 = arith.constant 816 : index
      %swap3A_520 = tpu.vector_load %arg13[%swap3A_519] {strides = array<i32>} : memref<2000xf32, #tpu.memory_space<vmem>>, vector<16xf32>,
      %swap3A_521 = vector.shape_cast %swap3A_520 : vector<16xf32> to vector<16xf32>
      %swap3A_522 = vector.shape_cast %broadcast_in_dim3A_518 : vector<16xf32> to vector<16xf32>
      tpu.vector_store %arg13[%swap3A_519], %swap3A_522 {strides = array<i32>} : memref<2000xf32, #tpu.memory_space<vmem>>, vector<16xf32>,
      %broadcast_in_dim3A_523 = arith.constant 0.000000e+00 : f32
      %broadcast_in_dim3A_524 = vector.broadcast %broadcast_in_dim3A_523 : f32 to vector<16xf32>
      %swap3A_525 = arith.constant 832 : index
      %swap3A_526 = tpu.vector_load %arg13[%swap3A_525] {strides = array<i32>} : memref<2000xf32, #tpu.memory_space<vmem>>, vector<16xf32>,
      %swap3A_527 = vector.shape_cast %swap3A_526 : vector<16xf32> to vector<16xf32>
      %swap3A_528 = vector.shape_cast %broadcast_in_dim3A_524 : vector<16xf32> to vector<16xf32>
      tpu.vector_store %arg13[%swap3A_525], %swap3A_528 {strides = array<i32>} : memref<2000xf32, #tpu.memory_space<vmem>>, vector<16xf32>,
      %broadcast_in_dim3A_529 = arith.constant 0.000000e+00 : f32
      %broadcast_in_dim3A_530 = vector.broadcast %broadcast_in_dim3A_529 : f32 to vector<16xf32>
      %swap3A_531 = arith.constant 848 : index
      %swap3A_532 = tpu.vector_load %arg13[%swap3A_531] {strides = array<i32>} : memref<2000xf32, #tpu.memory_space<vmem>>, vector<16xf32>,
      %swap3A_533 = vector.shape_cast %swap3A_532 : vector<16xf32> to vector<16xf32>
      %swap3A_534 = vector.shape_cast %broadcast_in_dim3A_530 : vector<16xf32> to vector<16xf32>
      tpu.vector_store %arg13[%swap3A_531], %swap3A_534 {strides = array<i32>} : memref<2000xf32, #tpu.memory_space<vmem>>, vector<16xf32>,
      %broadcast_in_dim3A_535 = arith.constant 0.000000e+00 : f32
      %broadcast_in_dim3A_536 = vector.broadcast %broadcast_in_dim3A_535 : f32 to vector<16xf32>
      %swap3A_537 = arith.constant 864 : index
      %swap3A_538 = tpu.vector_load %arg13[%swap3A_537] {strides = array<i32>} : memref<2000xf32, #tpu.memory_space<vmem>>, vector<16xf32>,
      %swap3A_539 = vector.shape_cast %swap3A_538 : vector<16xf32> to vector<16xf32>
      %swap3A_540 = vector.shape_cast %broadcast_in_dim3A_536 : vector<16xf32> to vector<16xf32>
      tpu.vector_store %arg13[%swap3A_537], %swap3A_540 {strides = array<i32>} : memref<2000xf32, #tpu.memory_space<vmem>>, vector<16xf32>,
      %broadcast_in_dim3A_541 = arith.constant 0.000000e+00 : f32
      %broadcast_in_dim3A_542 = vector.broadcast %broadcast_in_dim3A_541 : f32 to vector<16xf32>
      %swap3A_543 = arith.constant 880 : index
      %swap3A_544 = tpu.vector_load %arg13[%swap3A_543] {strides = array<i32>} : memref<2000xf32, #tpu.memory_space<vmem>>, vector<16xf32>,
      %swap3A_545 = vector.shape_cast %swap3A_544 : vector<16xf32> to vector<16xf32>
      %swap3A_546 = vector.shape_cast %broadcast_in_dim3A_542 : vector<16xf32> to vector<16xf32>
      tpu.vector_store %arg13[%swap3A_543], %swap3A_546 {strides = array<i32>} : memref<2000xf32, #tpu.memory_space<vmem>>, vector<16xf32>,
      %broadcast_in_dim3A_547 = arith.constant 0.000000e+00 : f32
      %broadcast_in_dim3A_548 = vector.broadcast %broadcast_in_dim3A_547 : f32 to vector<16xf32>
      %swap3A_549 = arith.constant 896 : index
      %swap3A_550 = tpu.vector_load %arg13[%swap3A_549] {strides = array<i32>} : memref<2000xf32, #tpu.memory_space<vmem>>, vector<16xf32>,
      %swap3A_551 = vector.shape_cast %swap3A_550 : vector<16xf32> to vector<16xf32>
      %swap3A_552 = vector.shape_cast %broadcast_in_dim3A_548 : vector<16xf32> to vector<16xf32>
      tpu.vector_store %arg13[%swap3A_549], %swap3A_552 {strides = array<i32>} : memref<2000xf32, #tpu.memory_space<vmem>>, vector<16xf32>,
      %broadcast_in_dim3A_553 = arith.constant 0.000000e+00 : f32
      %broadcast_in_dim3A_554 = vector.broadcast %broadcast_in_dim3A_553 : f32 to vector<16xf32>
      %swap3A_555 = arith.constant 912 : index
      %swap3A_556 = tpu.vector_load %arg13[%swap3A_555] {strides = array<i32>} : memref<2000xf32, #tpu.memory_space<vmem>>, vector<16xf32>,
      %swap3A_557 = vector.shape_cast %swap3A_556 : vector<16xf32> to vector<16xf32>
      %swap3A_558 = vector.shape_cast %broadcast_in_dim3A_554 : vector<16xf32> to vector<16xf32>
      tpu.vector_store %arg13[%swap3A_555], %swap3A_558 {strides = array<i32>} : memref<2000xf32, #tpu.memory_space<vmem>>, vector<16xf32>,
      %broadcast_in_dim3A_559 = arith.constant 0.000000e+00 : f32
      %broadcast_in_dim3A_560 = vector.broadcast %broadcast_in_dim3A_559 : f32 to vector<16xf32>
      %swap3A_561 = arith.constant 928 : index
      %swap3A_562 = tpu.vector_load %arg13[%swap3A_561] {strides = array<i32>} : memref<2000xf32, #tpu.memory_space<vmem>>, vector<16xf32>,
      %swap3A_563 = vector.shape_cast %swap3A_562 : vector<16xf32> to vector<16xf32>
      %swap3A_564 = vector.shape_cast %broadcast_in_dim3A_560 : vector<16xf32> to vector<16xf32>
      tpu.vector_store %arg13[%swap3A_561], %swap3A_564 {strides = array<i32>} : memref<2000xf32, #tpu.memory_space<vmem>>, vector<16xf32>,
      %broadcast_in_dim3A_565 = arith.constant 0.000000e+00 : f32
      %broadcast_in_dim3A_566 = vector.broadcast %broadcast_in_dim3A_565 : f32 to vector<16xf32>
      %swap3A_567 = arith.constant 944 : index
      %swap3A_568 = tpu.vector_load %arg13[%swap3A_567] {strides = array<i32>} : memref<2000xf32, #tpu.memory_space<vmem>>, vector<16xf32>,
      %swap3A_569 = vector.shape_cast %swap3A_568 : vector<16xf32> to vector<16xf32>
      %swap3A_570 = vector.shape_cast %broadcast_in_dim3A_566 : vector<16xf32> to vector<16xf32>
      tpu.vector_store %arg13[%swap3A_567], %swap3A_570 {strides = array<i32>} : memref<2000xf32, #tpu.memory_space<vmem>>, vector<16xf32>,
      %broadcast_in_dim3A_571 = arith.constant 0.000000e+00 : f32
      %broadcast_in_dim3A_572 = vector.broadcast %broadcast_in_dim3A_571 : f32 to vector<16xf32>
      %swap3A_573 = arith.constant 960 : index
      %swap3A_574 = tpu.vector_load %arg13[%swap3A_573] {strides = array<i32>} : memref<2000xf32, #tpu.memory_space<vmem>>, vector<16xf32>,
      %swap3A_575 = vector.shape_cast %swap3A_574 : vector<16xf32> to vector<16xf32>
      %swap3A_576 = vector.shape_cast %broadcast_in_dim3A_572 : vector<16xf32> to vector<16xf32>
      tpu.vector_store %arg13[%swap3A_573], %swap3A_576 {strides = array<i32>} : memref<2000xf32, #tpu.memory_space<vmem>>, vector<16xf32>,
      %broadcast_in_dim3A_577 = arith.constant 0.000000e+00 : f32
      %broadcast_in_dim3A_578 = vector.broadcast %broadcast_in_dim3A_577 : f32 to vector<16xf32>
      %swap3A_579 = arith.constant 976 : index
      %swap3A_580 = tpu.vector_load %arg13[%swap3A_579] {strides = array<i32>} : memref<2000xf32, #tpu.memory_space<vmem>>, vector<16xf32>,
      %swap3A_581 = vector.shape_cast %swap3A_580 : vector<16xf32> to vector<16xf32>
      %swap3A_582 = vector.shape_cast %broadcast_in_dim3A_578 : vector<16xf32> to vector<16xf32>
      tpu.vector_store %arg13[%swap3A_579], %swap3A_582 {strides = array<i32>} : memref<2000xf32, #tpu.memory_space<vmem>>, vector<16xf32>,
      %broadcast_in_dim3A_583 = arith.constant 0.000000e+00 : f32
      %broadcast_in_dim3A_584 = vector.broadcast %broadcast_in_dim3A_583 : f32 to vector<16xf32>
      %swap3A_585 = arith.constant 992 : index
      %swap3A_586 = tpu.vector_load %arg13[%swap3A_585] {strides = array<i32>} : memref<2000xf32, #tpu.memory_space<vmem>>, vector<16xf32>,
      %swap3A_587 = vector.shape_cast %swap3A_586 : vector<16xf32> to vector<16xf32>
      %swap3A_588 = vector.shape_cast %broadcast_in_dim3A_584 : vector<16xf32> to vector<16xf32>
      tpu.vector_store %arg13[%swap3A_585], %swap3A_588 {strides = array<i32>} : memref<2000xf32, #tpu.memory_space<vmem>>, vector<16xf32>,
      %broadcast_in_dim3A_589 = arith.constant 0.000000e+00 : f32
      %broadcast_in_dim3A_590 = vector.broadcast %broadcast_in_dim3A_589 : f32 to vector<16xf32>
      %swap3A_591 = arith.constant 1008 : index
      %swap3A_592 = tpu.vector_load %arg13[%swap3A_591] {strides = array<i32>} : memref<2000xf32, #tpu.memory_space<vmem>>, vector<16xf32>,
      %swap3A_593 = vector.shape_cast %swap3A_592 : vector<16xf32> to vector<16xf32>
      %swap3A_594 = vector.shape_cast %broadcast_in_dim3A_590 : vector<16xf32> to vector<16xf32>
      tpu.vector_store %arg13[%swap3A_591], %swap3A_594 {strides = array<i32>} : memref<2000xf32, #tpu.memory_space<vmem>>, vector<16xf32>,
      %broadcast_in_dim3A_595 = arith.constant 0.000000e+00 : f32
      %broadcast_in_dim3A_596 = vector.broadcast %broadcast_in_dim3A_595 : f32 to vector<16xf32>
      %swap3A_597 = arith.constant 1024 : index
      %swap3A_598 = tpu.vector_load %arg13[%swap3A_597] {strides = array<i32>} : memref<2000xf32, #tpu.memory_space<vmem>>, vector<16xf32>,
      %swap3A_599 = vector.shape_cast %swap3A_598 : vector<16xf32> to vector<16xf32>
      %swap3A_600 = vector.shape_cast %broadcast_in_dim3A_596 : vector<16xf32> to vector<16xf32>
      tpu.vector_store %arg13[%swap3A_597], %swap3A_600 {strides = array<i32>} : memref<2000xf32, #tpu.memory_space<vmem>>, vector<16xf32>,
      %broadcast_in_dim3A_601 = arith.constant 0.000000e+00 : f32
      %broadcast_in_dim3A_602 = vector.broadcast %broadcast_in_dim3A_601 : f32 to vector<16xf32>
      %swap3A_603 = arith.constant 1040 : index
      %swap3A_604 = tpu.vector_load %arg13[%swap3A_603] {strides = array<i32>} : memref<2000xf32, #tpu.memory_space<vmem>>, vector<16xf32>,
      %swap3A_605 = vector.shape_cast %swap3A_604 : vector<16xf32> to vector<16xf32>
      %swap3A_606 = vector.shape_cast %broadcast_in_dim3A_602 : vector<16xf32> to vector<16xf32>
      tpu.vector_store %arg13[%swap3A_603], %swap3A_606 {strides = array<i32>} : memref<2000xf32, #tpu.memory_space<vmem>>, vector<16xf32>,
      %broadcast_in_dim3A_607 = arith.constant 0.000000e+00 : f32
      %broadcast_in_dim3A_608 = vector.broadcast %broadcast_in_dim3A_607 : f32 to vector<16xf32>
      %swap3A_609 = arith.constant 1056 : index
      %swap3A_610 = tpu.vector_load %arg13[%swap3A_609] {strides = array<i32>} : memref<2000xf32, #tpu.memory_space<vmem>>, vector<16xf32>,
      %swap3A_611 = vector.shape_cast %swap3A_610 : vector<16xf32> to vector<16xf32>
      %swap3A_612 = vector.shape_cast %broadcast_in_dim3A_608 : vector<16xf32> to vector<16xf32>
      tpu.vector_store %arg13[%swap3A_609], %swap3A_612 {strides = array<i32>} : memref<2000xf32, #tpu.memory_space<vmem>>, vector<16xf32>,
      %broadcast_in_dim3A_613 = arith.constant 0.000000e+00 : f32
      %broadcast_in_dim3A_614 = vector.broadcast %broadcast_in_dim3A_613 : f32 to vector<16xf32>
      %swap3A_615 = arith.constant 1072 : index
      %swap3A_616 = tpu.vector_load %arg13[%swap3A_615] {strides = array<i32>} : memref<2000xf32, #tpu.memory_space<vmem>>, vector<16xf32>,
      %swap3A_617 = vector.shape_cast %swap3A_616 : vector<16xf32> to vector<16xf32>
      %swap3A_618 = vector.shape_cast %broadcast_in_dim3A_614 : vector<16xf32> to vector<16xf32>
      tpu.vector_store %arg13[%swap3A_615], %swap3A_618 {strides = array<i32>} : memref<2000xf32, #tpu.memory_space<vmem>>, vector<16xf32>,
      %broadcast_in_dim3A_619 = arith.constant 0.000000e+00 : f32
      %broadcast_in_dim3A_620 = vector.broadcast %broadcast_in_dim3A_619 : f32 to vector<16xf32>
      %swap3A_621 = arith.constant 1088 : index
      %swap3A_622 = tpu.vector_load %arg13[%swap3A_621] {strides = array<i32>} : memref<2000xf32, #tpu.memory_space<vmem>>, vector<16xf32>,
      %swap3A_623 = vector.shape_cast %swap3A_622 : vector<16xf32> to vector<16xf32>
      %swap3A_624 = vector.shape_cast %broadcast_in_dim3A_620 : vector<16xf32> to vector<16xf32>
      tpu.vector_store %arg13[%swap3A_621], %swap3A_624 {strides = array<i32>} : memref<2000xf32, #tpu.memory_space<vmem>>, vector<16xf32>,
      %broadcast_in_dim3A_625 = arith.constant 0.000000e+00 : f32
      %broadcast_in_dim3A_626 = vector.broadcast %broadcast_in_dim3A_625 : f32 to vector<16xf32>
      %swap3A_627 = arith.constant 1104 : index
      %swap3A_628 = tpu.vector_load %arg13[%swap3A_627] {strides = array<i32>} : memref<2000xf32, #tpu.memory_space<vmem>>, vector<16xf32>,
      %swap3A_629 = vector.shape_cast %swap3A_628 : vector<16xf32> to vector<16xf32>
      %swap3A_630 = vector.shape_cast %broadcast_in_dim3A_626 : vector<16xf32> to vector<16xf32>
      tpu.vector_store %arg13[%swap3A_627], %swap3A_630 {strides = array<i32>} : memref<2000xf32, #tpu.memory_space<vmem>>, vector<16xf32>,
      %broadcast_in_dim3A_631 = arith.constant 0.000000e+00 : f32
      %broadcast_in_dim3A_632 = vector.broadcast %broadcast_in_dim3A_631 : f32 to vector<16xf32>
      %swap3A_633 = arith.constant 1120 : index
      %swap3A_634 = tpu.vector_load %arg13[%swap3A_633] {strides = array<i32>} : memref<2000xf32, #tpu.memory_space<vmem>>, vector<16xf32>,
      %swap3A_635 = vector.shape_cast %swap3A_634 : vector<16xf32> to vector<16xf32>
      %swap3A_636 = vector.shape_cast %broadcast_in_dim3A_632 : vector<16xf32> to vector<16xf32>
      tpu.vector_store %arg13[%swap3A_633], %swap3A_636 {strides = array<i32>} : memref<2000xf32, #tpu.memory_space<vmem>>, vector<16xf32>,
      %broadcast_in_dim3A_637 = arith.constant 0.000000e+00 : f32
      %broadcast_in_dim3A_638 = vector.broadcast %broadcast_in_dim3A_637 : f32 to vector<16xf32>
      %swap3A_639 = arith.constant 1136 : index
      %swap3A_640 = tpu.vector_load %arg13[%swap3A_639] {strides = array<i32>} : memref<2000xf32, #tpu.memory_space<vmem>>, vector<16xf32>,
      %swap3A_641 = vector.shape_cast %swap3A_640 : vector<16xf32> to vector<16xf32>
      %swap3A_642 = vector.shape_cast %broadcast_in_dim3A_638 : vector<16xf32> to vector<16xf32>
      tpu.vector_store %arg13[%swap3A_639], %swap3A_642 {strides = array<i32>} : memref<2000xf32, #tpu.memory_space<vmem>>, vector<16xf32>,
      %broadcast_in_dim3A_643 = arith.constant 0.000000e+00 : f32
      %broadcast_in_dim3A_644 = vector.broadcast %broadcast_in_dim3A_643 : f32 to vector<16xf32>
      %swap3A_645 = arith.constant 1152 : index
      %swap3A_646 = tpu.vector_load %arg13[%swap3A_645] {strides = array<i32>} : memref<2000xf32, #tpu.memory_space<vmem>>, vector<16xf32>,
      %swap3A_647 = vector.shape_cast %swap3A_646 : vector<16xf32> to vector<16xf32>
      %swap3A_648 = vector.shape_cast %broadcast_in_dim3A_644 : vector<16xf32> to vector<16xf32>
      tpu.vector_store %arg13[%swap3A_645], %swap3A_648 {strides = array<i32>} : memref<2000xf32, #tpu.memory_space<vmem>>, vector<16xf32>,
      %broadcast_in_dim3A_649 = arith.constant 0.000000e+00 : f32
      %broadcast_in_dim3A_650 = vector.broadcast %broadcast_in_dim3A_649 : f32 to vector<16xf32>
      %swap3A_651 = arith.constant 1168 : index
      %swap3A_652 = tpu.vector_load %arg13[%swap3A_651] {strides = array<i32>} : memref<2000xf32, #tpu.memory_space<vmem>>, vector<16xf32>,
      %swap3A_653 = vector.shape_cast %swap3A_652 : vector<16xf32> to vector<16xf32>
      %swap3A_654 = vector.shape_cast %broadcast_in_dim3A_650 : vector<16xf32> to vector<16xf32>
      tpu.vector_store %arg13[%swap3A_651], %swap3A_654 {strides = array<i32>} : memref<2000xf32, #tpu.memory_space<vmem>>, vector<16xf32>,
      %broadcast_in_dim3A_655 = arith.constant 0.000000e+00 : f32
      %broadcast_in_dim3A_656 = vector.broadcast %broadcast_in_dim3A_655 : f32 to vector<16xf32>
      %swap3A_657 = arith.constant 1184 : index
      %swap3A_658 = tpu.vector_load %arg13[%swap3A_657] {strides = array<i32>} : memref<2000xf32, #tpu.memory_space<vmem>>, vector<16xf32>,
      %swap3A_659 = vector.shape_cast %swap3A_658 : vector<16xf32> to vector<16xf32>
      %swap3A_660 = vector.shape_cast %broadcast_in_dim3A_656 : vector<16xf32> to vector<16xf32>
      tpu.vector_store %arg13[%swap3A_657], %swap3A_660 {strides = array<i32>} : memref<2000xf32, #tpu.memory_space<vmem>>, vector<16xf32>,
      %broadcast_in_dim3A_661 = arith.constant 0.000000e+00 : f32
      %broadcast_in_dim3A_662 = vector.broadcast %broadcast_in_dim3A_661 : f32 to vector<16xf32>
      %swap3A_663 = arith.constant 1200 : index
      %swap3A_664 = tpu.vector_load %arg13[%swap3A_663] {strides = array<i32>} : memref<2000xf32, #tpu.memory_space<vmem>>, vector<16xf32>,
      %swap3A_665 = vector.shape_cast %swap3A_664 : vector<16xf32> to vector<16xf32>
      %swap3A_666 = vector.shape_cast %broadcast_in_dim3A_662 : vector<16xf32> to vector<16xf32>
      tpu.vector_store %arg13[%swap3A_663], %swap3A_666 {strides = array<i32>} : memref<2000xf32, #tpu.memory_space<vmem>>, vector<16xf32>,
      %broadcast_in_dim3A_667 = arith.constant 0.000000e+00 : f32
      %broadcast_in_dim3A_668 = vector.broadcast %broadcast_in_dim3A_667 : f32 to vector<16xf32>
      %swap3A_669 = arith.constant 1216 : index
      %swap3A_670 = tpu.vector_load %arg13[%swap3A_669] {strides = array<i32>} : memref<2000xf32, #tpu.memory_space<vmem>>, vector<16xf32>,
      %swap3A_671 = vector.shape_cast %swap3A_670 : vector<16xf32> to vector<16xf32>
      %swap3A_672 = vector.shape_cast %broadcast_in_dim3A_668 : vector<16xf32> to vector<16xf32>
      tpu.vector_store %arg13[%swap3A_669], %swap3A_672 {strides = array<i32>} : memref<2000xf32, #tpu.memory_space<vmem>>, vector<16xf32>,
      %broadcast_in_dim3A_673 = arith.constant 0.000000e+00 : f32
      %broadcast_in_dim3A_674 = vector.broadcast %broadcast_in_dim3A_673 : f32 to vector<16xf32>
      %swap3A_675 = arith.constant 1232 : index
      %swap3A_676 = tpu.vector_load %arg13[%swap3A_675] {strides = array<i32>} : memref<2000xf32, #tpu.memory_space<vmem>>, vector<16xf32>,
      %swap3A_677 = vector.shape_cast %swap3A_676 : vector<16xf32> to vector<16xf32>
      %swap3A_678 = vector.shape_cast %broadcast_in_dim3A_674 : vector<16xf32> to vector<16xf32>
      tpu.vector_store %arg13[%swap3A_675], %swap3A_678 {strides = array<i32>} : memref<2000xf32, #tpu.memory_space<vmem>>, vector<16xf32>,
      %broadcast_in_dim3A_679 = arith.constant 0.000000e+00 : f32
      %broadcast_in_dim3A_680 = vector.broadcast %broadcast_in_dim3A_679 : f32 to vector<16xf32>
      %swap3A_681 = arith.constant 1248 : index
      %swap3A_682 = tpu.vector_load %arg13[%swap3A_681] {strides = array<i32>} : memref<2000xf32, #tpu.memory_space<vmem>>, vector<16xf32>,
      %swap3A_683 = vector.shape_cast %swap3A_682 : vector<16xf32> to vector<16xf32>
      %swap3A_684 = vector.shape_cast %broadcast_in_dim3A_680 : vector<16xf32> to vector<16xf32>
      tpu.vector_store %arg13[%swap3A_681], %swap3A_684 {strides = array<i32>} : memref<2000xf32, #tpu.memory_space<vmem>>, vector<16xf32>,
      %broadcast_in_dim3A_685 = arith.constant 0.000000e+00 : f32
      %broadcast_in_dim3A_686 = vector.broadcast %broadcast_in_dim3A_685 : f32 to vector<16xf32>
      %swap3A_687 = arith.constant 1264 : index
      %swap3A_688 = tpu.vector_load %arg13[%swap3A_687] {strides = array<i32>} : memref<2000xf32, #tpu.memory_space<vmem>>, vector<16xf32>,
      %swap3A_689 = vector.shape_cast %swap3A_688 : vector<16xf32> to vector<16xf32>
      %swap3A_690 = vector.shape_cast %broadcast_in_dim3A_686 : vector<16xf32> to vector<16xf32>
      tpu.vector_store %arg13[%swap3A_687], %swap3A_690 {strides = array<i32>} : memref<2000xf32, #tpu.memory_space<vmem>>, vector<16xf32>,
      %broadcast_in_dim3A_691 = arith.constant 0.000000e+00 : f32
      %broadcast_in_dim3A_692 = vector.broadcast %broadcast_in_dim3A_691 : f32 to vector<16xf32>
      %swap3A_693 = arith.constant 1280 : index
      %swap3A_694 = tpu.vector_load %arg13[%swap3A_693] {strides = array<i32>} : memref<2000xf32, #tpu.memory_space<vmem>>, vector<16xf32>,
      %swap3A_695 = vector.shape_cast %swap3A_694 : vector<16xf32> to vector<16xf32>
      %swap3A_696 = vector.shape_cast %broadcast_in_dim3A_692 : vector<16xf32> to vector<16xf32>
      tpu.vector_store %arg13[%swap3A_693], %swap3A_696 {strides = array<i32>} : memref<2000xf32, #tpu.memory_space<vmem>>, vector<16xf32>,
      %broadcast_in_dim3A_697 = arith.constant 0.000000e+00 : f32
      %broadcast_in_dim3A_698 = vector.broadcast %broadcast_in_dim3A_697 : f32 to vector<16xf32>
      %swap3A_699 = arith.constant 1296 : index
      %swap3A_700 = tpu.vector_load %arg13[%swap3A_699] {strides = array<i32>} : memref<2000xf32, #tpu.memory_space<vmem>>, vector<16xf32>,
      %swap3A_701 = vector.shape_cast %swap3A_700 : vector<16xf32> to vector<16xf32>
      %swap3A_702 = vector.shape_cast %broadcast_in_dim3A_698 : vector<16xf32> to vector<16xf32>
      tpu.vector_store %arg13[%swap3A_699], %swap3A_702 {strides = array<i32>} : memref<2000xf32, #tpu.memory_space<vmem>>, vector<16xf32>,
      %broadcast_in_dim3A_703 = arith.constant 0.000000e+00 : f32
      %broadcast_in_dim3A_704 = vector.broadcast %broadcast_in_dim3A_703 : f32 to vector<16xf32>
      %swap3A_705 = arith.constant 1312 : index
      %swap3A_706 = tpu.vector_load %arg13[%swap3A_705] {strides = array<i32>} : memref<2000xf32, #tpu.memory_space<vmem>>, vector<16xf32>,
      %swap3A_707 = vector.shape_cast %swap3A_706 : vector<16xf32> to vector<16xf32>
      %swap3A_708 = vector.shape_cast %broadcast_in_dim3A_704 : vector<16xf32> to vector<16xf32>
      tpu.vector_store %arg13[%swap3A_705], %swap3A_708 {strides = array<i32>} : memref<2000xf32, #tpu.memory_space<vmem>>, vector<16xf32>,
      %broadcast_in_dim3A_709 = arith.constant 0.000000e+00 : f32
      %broadcast_in_dim3A_710 = vector.broadcast %broadcast_in_dim3A_709 : f32 to vector<16xf32>
      %swap3A_711 = arith.constant 1328 : index
      %swap3A_712 = tpu.vector_load %arg13[%swap3A_711] {strides = array<i32>} : memref<2000xf32, #tpu.memory_space<vmem>>, vector<16xf32>,
      %swap3A_713 = vector.shape_cast %swap3A_712 : vector<16xf32> to vector<16xf32>
      %swap3A_714 = vector.shape_cast %broadcast_in_dim3A_710 : vector<16xf32> to vector<16xf32>
      tpu.vector_store %arg13[%swap3A_711], %swap3A_714 {strides = array<i32>} : memref<2000xf32, #tpu.memory_space<vmem>>, vector<16xf32>,
      %broadcast_in_dim3A_715 = arith.constant 0.000000e+00 : f32
      %broadcast_in_dim3A_716 = vector.broadcast %broadcast_in_dim3A_715 : f32 to vector<16xf32>
      %swap3A_717 = arith.constant 1344 : index
      %swap3A_718 = tpu.vector_load %arg13[%swap3A_717] {strides = array<i32>} : memref<2000xf32, #tpu.memory_space<vmem>>, vector<16xf32>,
      %swap3A_719 = vector.shape_cast %swap3A_718 : vector<16xf32> to vector<16xf32>
      %swap3A_720 = vector.shape_cast %broadcast_in_dim3A_716 : vector<16xf32> to vector<16xf32>
      tpu.vector_store %arg13[%swap3A_717], %swap3A_720 {strides = array<i32>} : memref<2000xf32, #tpu.memory_space<vmem>>, vector<16xf32>,
      %broadcast_in_dim3A_721 = arith.constant 0.000000e+00 : f32
      %broadcast_in_dim3A_722 = vector.broadcast %broadcast_in_dim3A_721 : f32 to vector<16xf32>
      %swap3A_723 = arith.constant 1360 : index
      %swap3A_724 = tpu.vector_load %arg13[%swap3A_723] {strides = array<i32>} : memref<2000xf32, #tpu.memory_space<vmem>>, vector<16xf32>,
      %swap3A_725 = vector.shape_cast %swap3A_724 : vector<16xf32> to vector<16xf32>
      %swap3A_726 = vector.shape_cast %broadcast_in_dim3A_722 : vector<16xf32> to vector<16xf32>
      tpu.vector_store %arg13[%swap3A_723], %swap3A_726 {strides = array<i32>} : memref<2000xf32, #tpu.memory_space<vmem>>, vector<16xf32>,
      %broadcast_in_dim3A_727 = arith.constant 0.000000e+00 : f32
      %broadcast_in_dim3A_728 = vector.broadcast %broadcast_in_dim3A_727 : f32 to vector<16xf32>
      %swap3A_729 = arith.constant 1376 : index
      %swap3A_730 = tpu.vector_load %arg13[%swap3A_729] {strides = array<i32>} : memref<2000xf32, #tpu.memory_space<vmem>>, vector<16xf32>,
      %swap3A_731 = vector.shape_cast %swap3A_730 : vector<16xf32> to vector<16xf32>
      %swap3A_732 = vector.shape_cast %broadcast_in_dim3A_728 : vector<16xf32> to vector<16xf32>
      tpu.vector_store %arg13[%swap3A_729], %swap3A_732 {strides = array<i32>} : memref<2000xf32, #tpu.memory_space<vmem>>, vector<16xf32>,
      %broadcast_in_dim3A_733 = arith.constant 0.000000e+00 : f32
      %broadcast_in_dim3A_734 = vector.broadcast %broadcast_in_dim3A_733 : f32 to vector<16xf32>
      %swap3A_735 = arith.constant 1392 : index
      %swap3A_736 = tpu.vector_load %arg13[%swap3A_735] {strides = array<i32>} : memref<2000xf32, #tpu.memory_space<vmem>>, vector<16xf32>,
      %swap3A_737 = vector.shape_cast %swap3A_736 : vector<16xf32> to vector<16xf32>
      %swap3A_738 = vector.shape_cast %broadcast_in_dim3A_734 : vector<16xf32> to vector<16xf32>
      tpu.vector_store %arg13[%swap3A_735], %swap3A_738 {strides = array<i32>} : memref<2000xf32, #tpu.memory_space<vmem>>, vector<16xf32>,
      %broadcast_in_dim3A_739 = arith.constant 0.000000e+00 : f32
      %broadcast_in_dim3A_740 = vector.broadcast %broadcast_in_dim3A_739 : f32 to vector<16xf32>
      %swap3A_741 = arith.constant 1408 : index
      %swap3A_742 = tpu.vector_load %arg13[%swap3A_741] {strides = array<i32>} : memref<2000xf32, #tpu.memory_space<vmem>>, vector<16xf32>,
      %swap3A_743 = vector.shape_cast %swap3A_742 : vector<16xf32> to vector<16xf32>
      %swap3A_744 = vector.shape_cast %broadcast_in_dim3A_740 : vector<16xf32> to vector<16xf32>
      tpu.vector_store %arg13[%swap3A_741], %swap3A_744 {strides = array<i32>} : memref<2000xf32, #tpu.memory_space<vmem>>, vector<16xf32>,
      %broadcast_in_dim3A_745 = arith.constant 0.000000e+00 : f32
      %broadcast_in_dim3A_746 = vector.broadcast %broadcast_in_dim3A_745 : f32 to vector<16xf32>
      %swap3A_747 = arith.constant 1424 : index
      %swap3A_748 = tpu.vector_load %arg13[%swap3A_747] {strides = array<i32>} : memref<2000xf32, #tpu.memory_space<vmem>>, vector<16xf32>,
      %swap3A_749 = vector.shape_cast %swap3A_748 : vector<16xf32> to vector<16xf32>
      %swap3A_750 = vector.shape_cast %broadcast_in_dim3A_746 : vector<16xf32> to vector<16xf32>
      tpu.vector_store %arg13[%swap3A_747], %swap3A_750 {strides = array<i32>} : memref<2000xf32, #tpu.memory_space<vmem>>, vector<16xf32>,
      %broadcast_in_dim3A_751 = arith.constant 0.000000e+00 : f32
      %broadcast_in_dim3A_752 = vector.broadcast %broadcast_in_dim3A_751 : f32 to vector<16xf32>
      %swap3A_753 = arith.constant 1440 : index
      %swap3A_754 = tpu.vector_load %arg13[%swap3A_753] {strides = array<i32>} : memref<2000xf32, #tpu.memory_space<vmem>>, vector<16xf32>,
      %swap3A_755 = vector.shape_cast %swap3A_754 : vector<16xf32> to vector<16xf32>
      %swap3A_756 = vector.shape_cast %broadcast_in_dim3A_752 : vector<16xf32> to vector<16xf32>
      tpu.vector_store %arg13[%swap3A_753], %swap3A_756 {strides = array<i32>} : memref<2000xf32, #tpu.memory_space<vmem>>, vector<16xf32>,
      %broadcast_in_dim3A_757 = arith.constant 0.000000e+00 : f32
      %broadcast_in_dim3A_758 = vector.broadcast %broadcast_in_dim3A_757 : f32 to vector<16xf32>
      %swap3A_759 = arith.constant 1456 : index
      %swap3A_760 = tpu.vector_load %arg13[%swap3A_759] {strides = array<i32>} : memref<2000xf32, #tpu.memory_space<vmem>>, vector<16xf32>,
      %swap3A_761 = vector.shape_cast %swap3A_760 : vector<16xf32> to vector<16xf32>
      %swap3A_762 = vector.shape_cast %broadcast_in_dim3A_758 : vector<16xf32> to vector<16xf32>
      tpu.vector_store %arg13[%swap3A_759], %swap3A_762 {strides = array<i32>} : memref<2000xf32, #tpu.memory_space<vmem>>, vector<16xf32>,
      %broadcast_in_dim3A_763 = arith.constant 0.000000e+00 : f32
      %broadcast_in_dim3A_764 = vector.broadcast %broadcast_in_dim3A_763 : f32 to vector<16xf32>
      %swap3A_765 = arith.constant 1472 : index
      %swap3A_766 = tpu.vector_load %arg13[%swap3A_765] {strides = array<i32>} : memref<2000xf32, #tpu.memory_space<vmem>>, vector<16xf32>,
      %swap3A_767 = vector.shape_cast %swap3A_766 : vector<16xf32> to vector<16xf32>
      %swap3A_768 = vector.shape_cast %broadcast_in_dim3A_764 : vector<16xf32> to vector<16xf32>
      tpu.vector_store %arg13[%swap3A_765], %swap3A_768 {strides = array<i32>} : memref<2000xf32, #tpu.memory_space<vmem>>, vector<16xf32>,
      %broadcast_in_dim3A_769 = arith.constant 0.000000e+00 : f32
      %broadcast_in_dim3A_770 = vector.broadcast %broadcast_in_dim3A_769 : f32 to vector<16xf32>
      %swap3A_771 = arith.constant 1488 : index
      %swap3A_772 = tpu.vector_load %arg13[%swap3A_771] {strides = array<i32>} : memref<2000xf32, #tpu.memory_space<vmem>>, vector<16xf32>,
      %swap3A_773 = vector.shape_cast %swap3A_772 : vector<16xf32> to vector<16xf32>
      %swap3A_774 = vector.shape_cast %broadcast_in_dim3A_770 : vector<16xf32> to vector<16xf32>
      tpu.vector_store %arg13[%swap3A_771], %swap3A_774 {strides = array<i32>} : memref<2000xf32, #tpu.memory_space<vmem>>, vector<16xf32>,
      %broadcast_in_dim3A_775 = arith.constant 0.000000e+00 : f32
      %broadcast_in_dim3A_776 = vector.broadcast %broadcast_in_dim3A_775 : f32 to vector<16xf32>
      %swap3A_777 = arith.constant 1504 : index
      %swap3A_778 = tpu.vector_load %arg13[%swap3A_777] {strides = array<i32>} : memref<2000xf32, #tpu.memory_space<vmem>>, vector<16xf32>,
      %swap3A_779 = vector.shape_cast %swap3A_778 : vector<16xf32> to vector<16xf32>
      %swap3A_780 = vector.shape_cast %broadcast_in_dim3A_776 : vector<16xf32> to vector<16xf32>
      tpu.vector_store %arg13[%swap3A_777], %swap3A_780 {strides = array<i32>} : memref<2000xf32, #tpu.memory_space<vmem>>, vector<16xf32>,
      %broadcast_in_dim3A_781 = arith.constant 0.000000e+00 : f32
      %broadcast_in_dim3A_782 = vector.broadcast %broadcast_in_dim3A_781 : f32 to vector<16xf32>
      %swap3A_783 = arith.constant 1520 : index
      %swap3A_784 = tpu.vector_load %arg13[%swap3A_783] {strides = array<i32>} : memref<2000xf32, #tpu.memory_space<vmem>>, vector<16xf32>,
      %swap3A_785 = vector.shape_cast %swap3A_784 : vector<16xf32> to vector<16xf32>
      %swap3A_786 = vector.shape_cast %broadcast_in_dim3A_782 : vector<16xf32> to vector<16xf32>
      tpu.vector_store %arg13[%swap3A_783], %swap3A_786 {strides = array<i32>} : memref<2000xf32, #tpu.memory_space<vmem>>, vector<16xf32>,
      %broadcast_in_dim3A_787 = arith.constant 0.000000e+00 : f32
      %broadcast_in_dim3A_788 = vector.broadcast %broadcast_in_dim3A_787 : f32 to vector<16xf32>
      %swap3A_789 = arith.constant 1536 : index
      %swap3A_790 = tpu.vector_load %arg13[%swap3A_789] {strides = array<i32>} : memref<2000xf32, #tpu.memory_space<vmem>>, vector<16xf32>,
      %swap3A_791 = vector.shape_cast %swap3A_790 : vector<16xf32> to vector<16xf32>
      %swap3A_792 = vector.shape_cast %broadcast_in_dim3A_788 : vector<16xf32> to vector<16xf32>
      tpu.vector_store %arg13[%swap3A_789], %swap3A_792 {strides = array<i32>} : memref<2000xf32, #tpu.memory_space<vmem>>, vector<16xf32>,
      %broadcast_in_dim3A_793 = arith.constant 0.000000e+00 : f32
      %broadcast_in_dim3A_794 = vector.broadcast %broadcast_in_dim3A_793 : f32 to vector<16xf32>
      %swap3A_795 = arith.constant 1552 : index
      %swap3A_796 = tpu.vector_load %arg13[%swap3A_795] {strides = array<i32>} : memref<2000xf32, #tpu.memory_space<vmem>>, vector<16xf32>,
      %swap3A_797 = vector.shape_cast %swap3A_796 : vector<16xf32> to vector<16xf32>
      %swap3A_798 = vector.shape_cast %broadcast_in_dim3A_794 : vector<16xf32> to vector<16xf32>
      tpu.vector_store %arg13[%swap3A_795], %swap3A_798 {strides = array<i32>} : memref<2000xf32, #tpu.memory_space<vmem>>, vector<16xf32>,
      %broadcast_in_dim3A_799 = arith.constant 0.000000e+00 : f32
      %broadcast_in_dim3A_800 = vector.broadcast %broadcast_in_dim3A_799 : f32 to vector<16xf32>
      %swap3A_801 = arith.constant 1568 : index
      %swap3A_802 = tpu.vector_load %arg13[%swap3A_801] {strides = array<i32>} : memref<2000xf32, #tpu.memory_space<vmem>>, vector<16xf32>,
      %swap3A_803 = vector.shape_cast %swap3A_802 : vector<16xf32> to vector<16xf32>
      %swap3A_804 = vector.shape_cast %broadcast_in_dim3A_800 : vector<16xf32> to vector<16xf32>
      tpu.vector_store %arg13[%swap3A_801], %swap3A_804 {strides = array<i32>} : memref<2000xf32, #tpu.memory_space<vmem>>, vector<16xf32>,
      %broadcast_in_dim3A_805 = arith.constant 0.000000e+00 : f32
      %broadcast_in_dim3A_806 = vector.broadcast %broadcast_in_dim3A_805 : f32 to vector<16xf32>
      %swap3A_807 = arith.constant 1584 : index
      %swap3A_808 = tpu.vector_load %arg13[%swap3A_807] {strides = array<i32>} : memref<2000xf32, #tpu.memory_space<vmem>>, vector<16xf32>,
      %swap3A_809 = vector.shape_cast %swap3A_808 : vector<16xf32> to vector<16xf32>
      %swap3A_810 = vector.shape_cast %broadcast_in_dim3A_806 : vector<16xf32> to vector<16xf32>
      tpu.vector_store %arg13[%swap3A_807], %swap3A_810 {strides = array<i32>} : memref<2000xf32, #tpu.memory_space<vmem>>, vector<16xf32>,
      %broadcast_in_dim3A_811 = arith.constant 0.000000e+00 : f32
      %broadcast_in_dim3A_812 = vector.broadcast %broadcast_in_dim3A_811 : f32 to vector<16xf32>
      %swap3A_813 = arith.constant 1600 : index
      %swap3A_814 = tpu.vector_load %arg13[%swap3A_813] {strides = array<i32>} : memref<2000xf32, #tpu.memory_space<vmem>>, vector<16xf32>,
      %swap3A_815 = vector.shape_cast %swap3A_814 : vector<16xf32> to vector<16xf32>
      %swap3A_816 = vector.shape_cast %broadcast_in_dim3A_812 : vector<16xf32> to vector<16xf32>
      tpu.vector_store %arg13[%swap3A_813], %swap3A_816 {strides = array<i32>} : memref<2000xf32, #tpu.memory_space<vmem>>, vector<16xf32>,
      %broadcast_in_dim3A_817 = arith.constant 0.000000e+00 : f32
      %broadcast_in_dim3A_818 = vector.broadcast %broadcast_in_dim3A_817 : f32 to vector<16xf32>
      %swap3A_819 = arith.constant 1616 : index
      %swap3A_820 = tpu.vector_load %arg13[%swap3A_819] {strides = array<i32>} : memref<2000xf32, #tpu.memory_space<vmem>>, vector<16xf32>,
      %swap3A_821 = vector.shape_cast %swap3A_820 : vector<16xf32> to vector<16xf32>
      %swap3A_822 = vector.shape_cast %broadcast_in_dim3A_818 : vector<16xf32> to vector<16xf32>
      tpu.vector_store %arg13[%swap3A_819], %swap3A_822 {strides = array<i32>} : memref<2000xf32, #tpu.memory_space<vmem>>, vector<16xf32>,
      %broadcast_in_dim3A_823 = arith.constant 0.000000e+00 : f32
      %broadcast_in_dim3A_824 = vector.broadcast %broadcast_in_dim3A_823 : f32 to vector<16xf32>
      %swap3A_825 = arith.constant 1632 : index
      %swap3A_826 = tpu.vector_load %arg13[%swap3A_825] {strides = array<i32>} : memref<2000xf32, #tpu.memory_space<vmem>>, vector<16xf32>,
      %swap3A_827 = vector.shape_cast %swap3A_826 : vector<16xf32> to vector<16xf32>
      %swap3A_828 = vector.shape_cast %broadcast_in_dim3A_824 : vector<16xf32> to vector<16xf32>
      tpu.vector_store %arg13[%swap3A_825], %swap3A_828 {strides = array<i32>} : memref<2000xf32, #tpu.memory_space<vmem>>, vector<16xf32>,
      %broadcast_in_dim3A_829 = arith.constant 0.000000e+00 : f32
      %broadcast_in_dim3A_830 = vector.broadcast %broadcast_in_dim3A_829 : f32 to vector<16xf32>
      %swap3A_831 = arith.constant 1648 : index
      %swap3A_832 = tpu.vector_load %arg13[%swap3A_831] {strides = array<i32>} : memref<2000xf32, #tpu.memory_space<vmem>>, vector<16xf32>,
      %swap3A_833 = vector.shape_cast %swap3A_832 : vector<16xf32> to vector<16xf32>
      %swap3A_834 = vector.shape_cast %broadcast_in_dim3A_830 : vector<16xf32> to vector<16xf32>
      tpu.vector_store %arg13[%swap3A_831], %swap3A_834 {strides = array<i32>} : memref<2000xf32, #tpu.memory_space<vmem>>, vector<16xf32>,
      %broadcast_in_dim3A_835 = arith.constant 0.000000e+00 : f32
      %broadcast_in_dim3A_836 = vector.broadcast %broadcast_in_dim3A_835 : f32 to vector<16xf32>
      %swap3A_837 = arith.constant 1664 : index
      %swap3A_838 = tpu.vector_load %arg13[%swap3A_837] {strides = array<i32>} : memref<2000xf32, #tpu.memory_space<vmem>>, vector<16xf32>,
      %swap3A_839 = vector.shape_cast %swap3A_838 : vector<16xf32> to vector<16xf32>
      %swap3A_840 = vector.shape_cast %broadcast_in_dim3A_836 : vector<16xf32> to vector<16xf32>
      tpu.vector_store %arg13[%swap3A_837], %swap3A_840 {strides = array<i32>} : memref<2000xf32, #tpu.memory_space<vmem>>, vector<16xf32>,
      %broadcast_in_dim3A_841 = arith.constant 0.000000e+00 : f32
      %broadcast_in_dim3A_842 = vector.broadcast %broadcast_in_dim3A_841 : f32 to vector<16xf32>
      %swap3A_843 = arith.constant 1680 : index
      %swap3A_844 = tpu.vector_load %arg13[%swap3A_843] {strides = array<i32>} : memref<2000xf32, #tpu.memory_space<vmem>>, vector<16xf32>,
      %swap3A_845 = vector.shape_cast %swap3A_844 : vector<16xf32> to vector<16xf32>
      %swap3A_846 = vector.shape_cast %broadcast_in_dim3A_842 : vector<16xf32> to vector<16xf32>
      tpu.vector_store %arg13[%swap3A_843], %swap3A_846 {strides = array<i32>} : memref<2000xf32, #tpu.memory_space<vmem>>, vector<16xf32>,
      %broadcast_in_dim3A_847 = arith.constant 0.000000e+00 : f32
      %broadcast_in_dim3A_848 = vector.broadcast %broadcast_in_dim3A_847 : f32 to vector<16xf32>
      %swap3A_849 = arith.constant 1696 : index
      %swap3A_850 = tpu.vector_load %arg13[%swap3A_849] {strides = array<i32>} : memref<2000xf32, #tpu.memory_space<vmem>>, vector<16xf32>,
      %swap3A_851 = vector.shape_cast %swap3A_850 : vector<16xf32> to vector<16xf32>
      %swap3A_852 = vector.shape_cast %broadcast_in_dim3A_848 : vector<16xf32> to vector<16xf32>
      tpu.vector_store %arg13[%swap3A_849], %swap3A_852 {strides = array<i32>} : memref<2000xf32, #tpu.memory_space<vmem>>, vector<16xf32>,
      %broadcast_in_dim3A_853 = arith.constant 0.000000e+00 : f32
      %broadcast_in_dim3A_854 = vector.broadcast %broadcast_in_dim3A_853 : f32 to vector<16xf32>
      %swap3A_855 = arith.constant 1712 : index
      %swap3A_856 = tpu.vector_load %arg13[%swap3A_855] {strides = array<i32>} : memref<2000xf32, #tpu.memory_space<vmem>>, vector<16xf32>,
      %swap3A_857 = vector.shape_cast %swap3A_856 : vector<16xf32> to vector<16xf32>
      %swap3A_858 = vector.shape_cast %broadcast_in_dim3A_854 : vector<16xf32> to vector<16xf32>
      tpu.vector_store %arg13[%swap3A_855], %swap3A_858 {strides = array<i32>} : memref<2000xf32, #tpu.memory_space<vmem>>, vector<16xf32>,
      %broadcast_in_dim3A_859 = arith.constant 0.000000e+00 : f32
      %broadcast_in_dim3A_860 = vector.broadcast %broadcast_in_dim3A_859 : f32 to vector<16xf32>
      %swap3A_861 = arith.constant 1728 : index
      %swap3A_862 = tpu.vector_load %arg13[%swap3A_861] {strides = array<i32>} : memref<2000xf32, #tpu.memory_space<vmem>>, vector<16xf32>,
      %swap3A_863 = vector.shape_cast %swap3A_862 : vector<16xf32> to vector<16xf32>
      %swap3A_864 = vector.shape_cast %broadcast_in_dim3A_860 : vector<16xf32> to vector<16xf32>
      tpu.vector_store %arg13[%swap3A_861], %swap3A_864 {strides = array<i32>} : memref<2000xf32, #tpu.memory_space<vmem>>, vector<16xf32>,
      %broadcast_in_dim3A_865 = arith.constant 0.000000e+00 : f32
      %broadcast_in_dim3A_866 = vector.broadcast %broadcast_in_dim3A_865 : f32 to vector<16xf32>
      %swap3A_867 = arith.constant 1744 : index
      %swap3A_868 = tpu.vector_load %arg13[%swap3A_867] {strides = array<i32>} : memref<2000xf32, #tpu.memory_space<vmem>>, vector<16xf32>,
      %swap3A_869 = vector.shape_cast %swap3A_868 : vector<16xf32> to vector<16xf32>
      %swap3A_870 = vector.shape_cast %broadcast_in_dim3A_866 : vector<16xf32> to vector<16xf32>
      tpu.vector_store %arg13[%swap3A_867], %swap3A_870 {strides = array<i32>} : memref<2000xf32, #tpu.memory_space<vmem>>, vector<16xf32>,
      %broadcast_in_dim3A_871 = arith.constant 0.000000e+00 : f32
      %broadcast_in_dim3A_872 = vector.broadcast %broadcast_in_dim3A_871 : f32 to vector<16xf32>
      %swap3A_873 = arith.constant 1760 : index
      %swap3A_874 = tpu.vector_load %arg13[%swap3A_873] {strides = array<i32>} : memref<2000xf32, #tpu.memory_space<vmem>>, vector<16xf32>,
      %swap3A_875 = vector.shape_cast %swap3A_874 : vector<16xf32> to vector<16xf32>
      %swap3A_876 = vector.shape_cast %broadcast_in_dim3A_872 : vector<16xf32> to vector<16xf32>
      tpu.vector_store %arg13[%swap3A_873], %swap3A_876 {strides = array<i32>} : memref<2000xf32, #tpu.memory_space<vmem>>, vector<16xf32>,
      %broadcast_in_dim3A_877 = arith.constant 0.000000e+00 : f32
      %broadcast_in_dim3A_878 = vector.broadcast %broadcast_in_dim3A_877 : f32 to vector<16xf32>
      %swap3A_879 = arith.constant 1776 : index
      %swap3A_880 = tpu.vector_load %arg13[%swap3A_879] {strides = array<i32>} : memref<2000xf32, #tpu.memory_space<vmem>>, vector<16xf32>,
      %swap3A_881 = vector.shape_cast %swap3A_880 : vector<16xf32> to vector<16xf32>
      %swap3A_882 = vector.shape_cast %broadcast_in_dim3A_878 : vector<16xf32> to vector<16xf32>
      tpu.vector_store %arg13[%swap3A_879], %swap3A_882 {strides = array<i32>} : memref<2000xf32, #tpu.memory_space<vmem>>, vector<16xf32>,
      %broadcast_in_dim3A_883 = arith.constant 0.000000e+00 : f32
      %broadcast_in_dim3A_884 = vector.broadcast %broadcast_in_dim3A_883 : f32 to vector<16xf32>
      %swap3A_885 = arith.constant 1792 : index
      %swap3A_886 = tpu.vector_load %arg13[%swap3A_885] {strides = array<i32>} : memref<2000xf32, #tpu.memory_space<vmem>>, vector<16xf32>,
      %swap3A_887 = vector.shape_cast %swap3A_886 : vector<16xf32> to vector<16xf32>
      %swap3A_888 = vector.shape_cast %broadcast_in_dim3A_884 : vector<16xf32> to vector<16xf32>
      tpu.vector_store %arg13[%swap3A_885], %swap3A_888 {strides = array<i32>} : memref<2000xf32, #tpu.memory_space<vmem>>, vector<16xf32>,
      %broadcast_in_dim3A_889 = arith.constant 0.000000e+00 : f32
      %broadcast_in_dim3A_890 = vector.broadcast %broadcast_in_dim3A_889 : f32 to vector<16xf32>
      %swap3A_891 = arith.constant 1808 : index
      %swap3A_892 = tpu.vector_load %arg13[%swap3A_891] {strides = array<i32>} : memref<2000xf32, #tpu.memory_space<vmem>>, vector<16xf32>,
      %swap3A_893 = vector.shape_cast %swap3A_892 : vector<16xf32> to vector<16xf32>
      %swap3A_894 = vector.shape_cast %broadcast_in_dim3A_890 : vector<16xf32> to vector<16xf32>
      tpu.vector_store %arg13[%swap3A_891], %swap3A_894 {strides = array<i32>} : memref<2000xf32, #tpu.memory_space<vmem>>, vector<16xf32>,
      %broadcast_in_dim3A_895 = arith.constant 0.000000e+00 : f32
      %broadcast_in_dim3A_896 = vector.broadcast %broadcast_in_dim3A_895 : f32 to vector<16xf32>
      %swap3A_897 = arith.constant 1824 : index
      %swap3A_898 = tpu.vector_load %arg13[%swap3A_897] {strides = array<i32>} : memref<2000xf32, #tpu.memory_space<vmem>>, vector<16xf32>,
      %swap3A_899 = vector.shape_cast %swap3A_898 : vector<16xf32> to vector<16xf32>
      %swap3A_900 = vector.shape_cast %broadcast_in_dim3A_896 : vector<16xf32> to vector<16xf32>
      tpu.vector_store %arg13[%swap3A_897], %swap3A_900 {strides = array<i32>} : memref<2000xf32, #tpu.memory_space<vmem>>, vector<16xf32>,
      %broadcast_in_dim3A_901 = arith.constant 0.000000e+00 : f32
      %broadcast_in_dim3A_902 = vector.broadcast %broadcast_in_dim3A_901 : f32 to vector<16xf32>
      %swap3A_903 = arith.constant 1840 : index
      %swap3A_904 = tpu.vector_load %arg13[%swap3A_903] {strides = array<i32>} : memref<2000xf32, #tpu.memory_space<vmem>>, vector<16xf32>,
      %swap3A_905 = vector.shape_cast %swap3A_904 : vector<16xf32> to vector<16xf32>
      %swap3A_906 = vector.shape_cast %broadcast_in_dim3A_902 : vector<16xf32> to vector<16xf32>
      tpu.vector_store %arg13[%swap3A_903], %swap3A_906 {strides = array<i32>} : memref<2000xf32, #tpu.memory_space<vmem>>, vector<16xf32>,
      %broadcast_in_dim3A_907 = arith.constant 0.000000e+00 : f32
      %broadcast_in_dim3A_908 = vector.broadcast %broadcast_in_dim3A_907 : f32 to vector<16xf32>
      %swap3A_909 = arith.constant 1856 : index
      %swap3A_910 = tpu.vector_load %arg13[%swap3A_909] {strides = array<i32>} : memref<2000xf32, #tpu.memory_space<vmem>>, vector<16xf32>,
      %swap3A_911 = vector.shape_cast %swap3A_910 : vector<16xf32> to vector<16xf32>
      %swap3A_912 = vector.shape_cast %broadcast_in_dim3A_908 : vector<16xf32> to vector<16xf32>
      tpu.vector_store %arg13[%swap3A_909], %swap3A_912 {strides = array<i32>} : memref<2000xf32, #tpu.memory_space<vmem>>, vector<16xf32>,
      %broadcast_in_dim3A_913 = arith.constant 0.000000e+00 : f32
      %broadcast_in_dim3A_914 = vector.broadcast %broadcast_in_dim3A_913 : f32 to vector<16xf32>
      %swap3A_915 = arith.constant 1872 : index
      %swap3A_916 = tpu.vector_load %arg13[%swap3A_915] {strides = array<i32>} : memref<2000xf32, #tpu.memory_space<vmem>>, vector<16xf32>,
      %swap3A_917 = vector.shape_cast %swap3A_916 : vector<16xf32> to vector<16xf32>
      %swap3A_918 = vector.shape_cast %broadcast_in_dim3A_914 : vector<16xf32> to vector<16xf32>
      tpu.vector_store %arg13[%swap3A_915], %swap3A_918 {strides = array<i32>} : memref<2000xf32, #tpu.memory_space<vmem>>, vector<16xf32>,
      %broadcast_in_dim3A_919 = arith.constant 0.000000e+00 : f32
      %broadcast_in_dim3A_920 = vector.broadcast %broadcast_in_dim3A_919 : f32 to vector<16xf32>
      %swap3A_921 = arith.constant 1888 : index
      %swap3A_922 = tpu.vector_load %arg13[%swap3A_921] {strides = array<i32>} : memref<2000xf32, #tpu.memory_space<vmem>>, vector<16xf32>,
      %swap3A_923 = vector.shape_cast %swap3A_922 : vector<16xf32> to vector<16xf32>
      %swap3A_924 = vector.shape_cast %broadcast_in_dim3A_920 : vector<16xf32> to vector<16xf32>
      tpu.vector_store %arg13[%swap3A_921], %swap3A_924 {strides = array<i32>} : memref<2000xf32, #tpu.memory_space<vmem>>, vector<16xf32>,
      %broadcast_in_dim3A_925 = arith.constant 0.000000e+00 : f32
      %broadcast_in_dim3A_926 = vector.broadcast %broadcast_in_dim3A_925 : f32 to vector<16xf32>
      %swap3A_927 = arith.constant 1904 : index
      %swap3A_928 = tpu.vector_load %arg13[%swap3A_927] {strides = array<i32>} : memref<2000xf32, #tpu.memory_space<vmem>>, vector<16xf32>,
      %swap3A_929 = vector.shape_cast %swap3A_928 : vector<16xf32> to vector<16xf32>
      %swap3A_930 = vector.shape_cast %broadcast_in_dim3A_926 : vector<16xf32> to vector<16xf32>
      tpu.vector_store %arg13[%swap3A_927], %swap3A_930 {strides = array<i32>} : memref<2000xf32, #tpu.memory_space<vmem>>, vector<16xf32>,
      %broadcast_in_dim3A_931 = arith.constant 0.000000e+00 : f32
      %broadcast_in_dim3A_932 = vector.broadcast %broadcast_in_dim3A_931 : f32 to vector<16xf32>
      %swap3A_933 = arith.constant 1920 : index
      %swap3A_934 = tpu.vector_load %arg13[%swap3A_933] {strides = array<i32>} : memref<2000xf32, #tpu.memory_space<vmem>>, vector<16xf32>,
      %swap3A_935 = vector.shape_cast %swap3A_934 : vector<16xf32> to vector<16xf32>
      %swap3A_936 = vector.shape_cast %broadcast_in_dim3A_932 : vector<16xf32> to vector<16xf32>
      tpu.vector_store %arg13[%swap3A_933], %swap3A_936 {strides = array<i32>} : memref<2000xf32, #tpu.memory_space<vmem>>, vector<16xf32>,
      %broadcast_in_dim3A_937 = arith.constant 0.000000e+00 : f32
      %broadcast_in_dim3A_938 = vector.broadcast %broadcast_in_dim3A_937 : f32 to vector<16xf32>
      %swap3A_939 = arith.constant 1936 : index
      %swap3A_940 = tpu.vector_load %arg13[%swap3A_939] {strides = array<i32>} : memref<2000xf32, #tpu.memory_space<vmem>>, vector<16xf32>,
      %swap3A_941 = vector.shape_cast %swap3A_940 : vector<16xf32> to vector<16xf32>
      %swap3A_942 = vector.shape_cast %broadcast_in_dim3A_938 : vector<16xf32> to vector<16xf32>
      tpu.vector_store %arg13[%swap3A_939], %swap3A_942 {strides = array<i32>} : memref<2000xf32, #tpu.memory_space<vmem>>, vector<16xf32>,
      %broadcast_in_dim3A_943 = arith.constant 0.000000e+00 : f32
      %broadcast_in_dim3A_944 = vector.broadcast %broadcast_in_dim3A_943 : f32 to vector<16xf32>
      %swap3A_945 = arith.constant 1952 : index
      %swap3A_946 = tpu.vector_load %arg13[%swap3A_945] {strides = array<i32>} : memref<2000xf32, #tpu.memory_space<vmem>>, vector<16xf32>,
      %swap3A_947 = vector.shape_cast %swap3A_946 : vector<16xf32> to vector<16xf32>
      %swap3A_948 = vector.shape_cast %broadcast_in_dim3A_944 : vector<16xf32> to vector<16xf32>
      tpu.vector_store %arg13[%swap3A_945], %swap3A_948 {strides = array<i32>} : memref<2000xf32, #tpu.memory_space<vmem>>, vector<16xf32>,
      %broadcast_in_dim3A_949 = arith.constant 0.000000e+00 : f32
      %broadcast_in_dim3A_950 = vector.broadcast %broadcast_in_dim3A_949 : f32 to vector<16xf32>
      %swap3A_951 = arith.constant 1968 : index
      %swap3A_952 = tpu.vector_load %arg13[%swap3A_951] {strides = array<i32>} : memref<2000xf32, #tpu.memory_space<vmem>>, vector<16xf32>,
      %swap3A_953 = vector.shape_cast %swap3A_952 : vector<16xf32> to vector<16xf32>
      %swap3A_954 = vector.shape_cast %broadcast_in_dim3A_950 : vector<16xf32> to vector<16xf32>
      tpu.vector_store %arg13[%swap3A_951], %swap3A_954 {strides = array<i32>} : memref<2000xf32, #tpu.memory_space<vmem>>, vector<16xf32>,
      %broadcast_in_dim3A_955 = arith.constant 0.000000e+00 : f32
      %broadcast_in_dim3A_956 = vector.broadcast %broadcast_in_dim3A_955 : f32 to vector<16xf32>
      %swap3A_957 = arith.constant 1984 : index
      %swap3A_958 = tpu.vector_load %arg13[%swap3A_957] {strides = array<i32>} : memref<2000xf32, #tpu.memory_space<vmem>>, vector<16xf32>,
      %swap3A_959 = vector.shape_cast %swap3A_958 : vector<16xf32> to vector<16xf32>
      %swap3A_960 = vector.shape_cast %broadcast_in_dim3A_956 : vector<16xf32> to vector<16xf32>
      tpu.vector_store %arg13[%swap3A_957], %swap3A_960 {strides = array<i32>} : memref<2000xf32, #tpu.memory_space<vmem>>, vector<16xf32>,
      %mul3A_961 = arith.constant 2000 : i32
      %mul3A_962 = arith.muli %arg1, %mul3A_961 : i32
      "tpu.region"() ({
        %run_scoped3A = tpu.sem_alloc : memref<!tpu.dma_semaphore, #tpu.memory_space<semaphore_mem>>
        %dma_start3A_963 = tpu.memref_slice %arg15[%mul3A_962] : memref<10000xf32, #tpu.memory_space<vmem_shared>> -> memref<2000xf32, #tpu.memory_space<vmem_shared>>
        %dma_start3A_964 = tpu.memref_slice %arg15[%mul3A_962] : memref<10000xf32, #tpu.memory_space<vmem_shared>> -> memref<2000xf32, #tpu.memory_space<vmem_shared>>
        tpu.enqueue_dma source(%arg13 : memref<2000xf32, #tpu.memory_space<vmem>>) target(%dma_start3A_964 : memref<2000xf32, #tpu.memory_space<vmem_shared>>) target_semaphore(%run_scoped3A : memref<!tpu.dma_semaphore, #tpu.memory_space<semaphore_mem>>)
        %dma_wait3A_965 = tpu.memref_slice %arg15[%mul3A_962] : memref<10000xf32, #tpu.memory_space<vmem_shared>> -> memref<2000xf32, #tpu.memory_space<vmem_shared>>
        %dma_wait3A_966 = tpu.memref_slice %arg15[%mul3A_962] : memref<10000xf32, #tpu.memory_space<vmem_shared>> -> memref<2000xf32, #tpu.memory_space<vmem_shared>>
        tpu.wait_dma2 semaphore(%run_scoped3A : memref<!tpu.dma_semaphore, #tpu.memory_space<semaphore_mem>>) src(%arg13 : memref<2000xf32, #tpu.memory_space<vmem>>) dst(%dma_wait3A_966 : memref<2000xf32, #tpu.memory_space<vmem_shared>>)
        tpu.yield
      }) : () -> ()
    } else {
    }
    %broadcast_in_dim3A = arith.constant 1.000000e+00 : f32
    %broadcast_in_dim3A_8 = vector.broadcast %broadcast_in_dim3A : f32 to vector<16xf32>
    %swap3A = arith.constant 0 : index
    %swap3A_9 = tpu.vector_load %arg12[%swap3A] {strides = array<i32>} : memref<80xf32, #tpu.memory_space<vmem>>, vector<16xf32>,
    %swap3A_10 = vector.shape_cast %swap3A_9 : vector<16xf32> to vector<16xf32>
    %swap3A_11 = vector.shape_cast %broadcast_in_dim3A_8 : vector<16xf32> to vector<16xf32>
    tpu.vector_store %arg12[%swap3A], %swap3A_11 {strides = array<i32>} : memref<80xf32, #tpu.memory_space<vmem>>, vector<16xf32>,
    %broadcast_in_dim3A_12 = arith.constant 1.000000e+00 : f32
    %broadcast_in_dim3A_13 = vector.broadcast %broadcast_in_dim3A_12 : f32 to vector<16xf32>
    %swap3A_14 = arith.constant 16 : index
    %swap3A_15 = tpu.vector_load %arg12[%swap3A_14] {strides = array<i32>} : memref<80xf32, #tpu.memory_space<vmem>>, vector<16xf32>,
    %swap3A_16 = vector.shape_cast %swap3A_15 : vector<16xf32> to vector<16xf32>
    %swap3A_17 = vector.shape_cast %broadcast_in_dim3A_13 : vector<16xf32> to vector<16xf32>
    tpu.vector_store %arg12[%swap3A_14], %swap3A_17 {strides = array<i32>} : memref<80xf32, #tpu.memory_space<vmem>>, vector<16xf32>,
    %broadcast_in_dim3A_18 = arith.constant 1.000000e+00 : f32
    %broadcast_in_dim3A_19 = vector.broadcast %broadcast_in_dim3A_18 : f32 to vector<16xf32>
    %swap3A_20 = arith.constant 32 : index
    %swap3A_21 = tpu.vector_load %arg12[%swap3A_20] {strides = array<i32>} : memref<80xf32, #tpu.memory_space<vmem>>, vector<16xf32>,
    %swap3A_22 = vector.shape_cast %swap3A_21 : vector<16xf32> to vector<16xf32>
    %swap3A_23 = vector.shape_cast %broadcast_in_dim3A_19 : vector<16xf32> to vector<16xf32>
    tpu.vector_store %arg12[%swap3A_20], %swap3A_23 {strides = array<i32>} : memref<80xf32, #tpu.memory_space<vmem>>, vector<16xf32>,
    %broadcast_in_dim3A_24 = arith.constant 1.000000e+00 : f32
    %broadcast_in_dim3A_25 = vector.broadcast %broadcast_in_dim3A_24 : f32 to vector<16xf32>
    %swap3A_26 = arith.constant 48 : index
    %swap3A_27 = tpu.vector_load %arg12[%swap3A_26] {strides = array<i32>} : memref<80xf32, #tpu.memory_space<vmem>>, vector<16xf32>,
    %swap3A_28 = vector.shape_cast %swap3A_27 : vector<16xf32> to vector<16xf32>
    %swap3A_29 = vector.shape_cast %broadcast_in_dim3A_25 : vector<16xf32> to vector<16xf32>
    tpu.vector_store %arg12[%swap3A_26], %swap3A_29 {strides = array<i32>} : memref<80xf32, #tpu.memory_space<vmem>>, vector<16xf32>,
    %broadcast_in_dim3A_30 = arith.constant 1.000000e+00 : f32
    %broadcast_in_dim3A_31 = vector.broadcast %broadcast_in_dim3A_30 : f32 to vector<16xf32>
    %swap3A_32 = arith.constant 64 : index
    %swap3A_33 = tpu.vector_load %arg12[%swap3A_32] {strides = array<i32>} : memref<80xf32, #tpu.memory_space<vmem>>, vector<16xf32>,
    %swap3A_34 = vector.shape_cast %swap3A_33 : vector<16xf32> to vector<16xf32>
    %swap3A_35 = vector.shape_cast %broadcast_in_dim3A_31 : vector<16xf32> to vector<16xf32>
    tpu.vector_store %arg12[%swap3A_32], %swap3A_35 {strides = array<i32>} : memref<80xf32, #tpu.memory_space<vmem>>, vector<16xf32>,
    %barrier3A = arith.constant 0 : index
    tpu.barrier barrier_id(%barrier3A)
    %mul3A_36 = arith.constant 0 : i32
    %mul3A_37 = arith.constant 2 : i32
    %mul3A_38 = arith.muli %mul3A_36, %mul3A_37 : i32
    %dma_start3A = arith.constant 0 : i32
    %dma_start3A_39 = arith.constant 0 : i32
    %dma_start3A_40 = arith.constant 0 : i32
    %dma_start3A_41 = arith.constant 0 : i32
    %dma_start3A_42 = tpu.memref_slice %arg9[%dma_start3A, %dma_start3A_40, %dma_start3A_41] : memref<2x2x80xi32, #tpu.memory_space<vmem>> -> memref<1x2x80xi32, #tpu.memory_space<vmem>>
    %dma_start3A_43 = tpu.memref_squeeze %dma_start3A_42 : memref<1x2x80xi32, #tpu.memory_space<vmem>> -> memref<2x80xi32, #tpu.memory_space<vmem>>
    %dma_start3A_44 = arith.constant 0 : i32
    %dma_start3A_45 = tpu.memref_slice %arg3[%add3A, %mul3A_38, %dma_start3A_44] : memref<32x128x80xi32, #tpu.memory_space<hbm>> -> memref<1x2x80xi32, #tpu.memory_space<hbm>>
    %dma_start3A_46 = tpu.memref_squeeze %dma_start3A_45 : memref<1x2x80xi32, #tpu.memory_space<hbm>> -> memref<2x80xi32, #tpu.memory_space<hbm>>
    %dma_start3A_47 = tpu.memref_slice %arg19[%dma_start3A_39] : memref<2x!tpu.dma_semaphore, #tpu.memory_space<semaphore_mem>> -> memref<1x!tpu.dma_semaphore, #tpu.memory_space<semaphore_mem>>
    %dma_start3A_48 = tpu.memref_squeeze %dma_start3A_47 : memref<1x!tpu.dma_semaphore, #tpu.memory_space<semaphore_mem>> -> memref<!tpu.dma_semaphore, #tpu.memory_space<semaphore_mem>>
    %dma_start3A_49 = arith.constant 0 : i32
    %dma_start3A_50 = arith.constant 0 : i32
    %dma_start3A_51 = tpu.memref_slice %arg9[%dma_start3A, %dma_start3A_49, %dma_start3A_50] : memref<2x2x80xi32, #tpu.memory_space<vmem>> -> memref<1x2x80xi32, #tpu.memory_space<vmem>>
    %dma_start3A_52 = tpu.memref_squeeze %dma_start3A_51 : memref<1x2x80xi32, #tpu.memory_space<vmem>> -> memref<2x80xi32, #tpu.memory_space<vmem>>
    %dma_start3A_53 = arith.constant 0 : i32
    %dma_start3A_54 = tpu.memref_slice %arg3[%add3A, %mul3A_38, %dma_start3A_53] : memref<32x128x80xi32, #tpu.memory_space<hbm>> -> memref<1x2x80xi32, #tpu.memory_space<hbm>>
    %dma_start3A_55 = tpu.memref_squeeze %dma_start3A_54 : memref<1x2x80xi32, #tpu.memory_space<hbm>> -> memref<2x80xi32, #tpu.memory_space<hbm>>
    tpu.enqueue_dma source(%dma_start3A_55 : memref<2x80xi32, #tpu.memory_space<hbm>>) target(%dma_start3A_52 : memref<2x80xi32, #tpu.memory_space<vmem>>) target_semaphore(%dma_start3A_48 : memref<!tpu.dma_semaphore, #tpu.memory_space<semaphore_mem>>)
    %mul3A_56 = arith.constant 0 : i32
    %mul3A_57 = arith.constant 2 : i32
    %mul3A_58 = arith.muli %mul3A_56, %mul3A_57 : i32
    %dma_start3A_59 = arith.constant 0 : i32
    %dma_start3A_60 = arith.constant 0 : i32
    %dma_start3A_61 = arith.constant 0 : i32
    %dma_start3A_62 = arith.constant 0 : i32
    %dma_start3A_63 = tpu.memref_slice %arg10[%dma_start3A_59, %dma_start3A_61, %dma_start3A_62] : memref<2x2x80xi32, #tpu.memory_space<vmem>> -> memref<1x2x80xi32, #tpu.memory_space<vmem>>
    %dma_start3A_64 = tpu.memref_squeeze %dma_start3A_63 : memref<1x2x80xi32, #tpu.memory_space<vmem>> -> memref<2x80xi32, #tpu.memory_space<vmem>>
    %dma_start3A_65 = arith.constant 0 : i32
    %dma_start3A_66 = tpu.memref_slice %arg4[%add3A, %mul3A_58, %dma_start3A_65] : memref<32x128x80xi32, #tpu.memory_space<hbm>> -> memref<1x2x80xi32, #tpu.memory_space<hbm>>
    %dma_start3A_67 = tpu.memref_squeeze %dma_start3A_66 : memref<1x2x80xi32, #tpu.memory_space<hbm>> -> memref<2x80xi32, #tpu.memory_space<hbm>>
    %dma_start3A_68 = tpu.memref_slice %arg19[%dma_start3A_60] : memref<2x!tpu.dma_semaphore, #tpu.memory_space<semaphore_mem>> -> memref<1x!tpu.dma_semaphore, #tpu.memory_space<semaphore_mem>>
    %dma_start3A_69 = tpu.memref_squeeze %dma_start3A_68 : memref<1x!tpu.dma_semaphore, #tpu.memory_space<semaphore_mem>> -> memref<!tpu.dma_semaphore, #tpu.memory_space<semaphore_mem>>
    %dma_start3A_70 = arith.constant 0 : i32
    %dma_start3A_71 = arith.constant 0 : i32
    %dma_start3A_72 = tpu.memref_slice %arg10[%dma_start3A_59, %dma_start3A_70, %dma_start3A_71] : memref<2x2x80xi32, #tpu.memory_space<vmem>> -> memref<1x2x80xi32, #tpu.memory_space<vmem>>
    %dma_start3A_73 = tpu.memref_squeeze %dma_start3A_72 : memref<1x2x80xi32, #tpu.memory_space<vmem>> -> memref<2x80xi32, #tpu.memory_space<vmem>>
    %dma_start3A_74 = arith.constant 0 : i32
    %dma_start3A_75 = tpu.memref_slice %arg4[%add3A, %mul3A_58, %dma_start3A_74] : memref<32x128x80xi32, #tpu.memory_space<hbm>> -> memref<1x2x80xi32, #tpu.memory_space<hbm>>
    %dma_start3A_76 = tpu.memref_squeeze %dma_start3A_75 : memref<1x2x80xi32, #tpu.memory_space<hbm>> -> memref<2x80xi32, #tpu.memory_space<hbm>>
    tpu.enqueue_dma source(%dma_start3A_76 : memref<2x80xi32, #tpu.memory_space<hbm>>) target(%dma_start3A_73 : memref<2x80xi32, #tpu.memory_space<vmem>>) target_semaphore(%dma_start3A_69 : memref<!tpu.dma_semaphore, #tpu.memory_space<semaphore_mem>>)
    %dma_wait3A = arith.constant 0 : i32
    %dma_wait3A_77 = arith.constant 0 : i32
    %dma_wait3A_78 = arith.constant 0 : i32
    %dma_wait3A_79 = arith.constant 0 : i32
    %dma_wait3A_80 = tpu.memref_slice %arg9[%dma_wait3A, %dma_wait3A_78, %dma_wait3A_79] : memref<2x2x80xi32, #tpu.memory_space<vmem>> -> memref<1x2x80xi32, #tpu.memory_space<vmem>>
    %dma_wait3A_81 = tpu.memref_squeeze %dma_wait3A_80 : memref<1x2x80xi32, #tpu.memory_space<vmem>> -> memref<2x80xi32, #tpu.memory_space<vmem>>
    %dma_wait3A_82 = arith.constant 0 : i32
    %dma_wait3A_83 = arith.constant 0 : i32
    %dma_wait3A_84 = tpu.memref_slice %arg3[%add3A, %dma_wait3A_82, %dma_wait3A_83] : memref<32x128x80xi32, #tpu.memory_space<hbm>> -> memref<1x2x80xi32, #tpu.memory_space<hbm>>
    %dma_wait3A_85 = tpu.memref_squeeze %dma_wait3A_84 : memref<1x2x80xi32, #tpu.memory_space<hbm>> -> memref<2x80xi32, #tpu.memory_space<hbm>>
    %dma_wait3A_86 = tpu.memref_slice %arg19[%dma_wait3A_77] : memref<2x!tpu.dma_semaphore, #tpu.memory_space<semaphore_mem>> -> memref<1x!tpu.dma_semaphore, #tpu.memory_space<semaphore_mem>>
    %dma_wait3A_87 = tpu.memref_squeeze %dma_wait3A_86 : memref<1x!tpu.dma_semaphore, #tpu.memory_space<semaphore_mem>> -> memref<!tpu.dma_semaphore, #tpu.memory_space<semaphore_mem>>
    %dma_wait3A_88 = arith.constant 0 : i32
    %dma_wait3A_89 = arith.constant 0 : i32
    %dma_wait3A_90 = tpu.memref_slice %arg9[%dma_wait3A, %dma_wait3A_88, %dma_wait3A_89] : memref<2x2x80xi32, #tpu.memory_space<vmem>> -> memref<1x2x80xi32, #tpu.memory_space<vmem>>
    %dma_wait3A_91 = tpu.memref_squeeze %dma_wait3A_90 : memref<1x2x80xi32, #tpu.memory_space<vmem>> -> memref<2x80xi32, #tpu.memory_space<vmem>>
    %dma_wait3A_92 = arith.constant 0 : i32
    %dma_wait3A_93 = arith.constant 0 : i32
    %dma_wait3A_94 = tpu.memref_slice %arg3[%add3A, %dma_wait3A_92, %dma_wait3A_93] : memref<32x128x80xi32, #tpu.memory_space<hbm>> -> memref<1x2x80xi32, #tpu.memory_space<hbm>>
    %dma_wait3A_95 = tpu.memref_squeeze %dma_wait3A_94 : memref<1x2x80xi32, #tpu.memory_space<hbm>> -> memref<2x80xi32, #tpu.memory_space<hbm>>
    tpu.wait_dma2 semaphore(%dma_wait3A_87 : memref<!tpu.dma_semaphore, #tpu.memory_space<semaphore_mem>>) src(%dma_wait3A_95 : memref<2x80xi32, #tpu.memory_space<hbm>>) dst(%dma_wait3A_91 : memref<2x80xi32, #tpu.memory_space<vmem>>)
    %dma_wait3A_96 = arith.constant 0 : i32
    %dma_wait3A_97 = arith.constant 0 : i32
    %dma_wait3A_98 = arith.constant 0 : i32
    %dma_wait3A_99 = arith.constant 0 : i32
    %dma_wait3A_100 = tpu.memref_slice %arg10[%dma_wait3A_96, %dma_wait3A_98, %dma_wait3A_99] : memref<2x2x80xi32, #tpu.memory_space<vmem>> -> memref<1x2x80xi32, #tpu.memory_space<vmem>>
    %dma_wait3A_101 = tpu.memref_squeeze %dma_wait3A_100 : memref<1x2x80xi32, #tpu.memory_space<vmem>> -> memref<2x80xi32, #tpu.memory_space<vmem>>
    %dma_wait3A_102 = arith.constant 0 : i32
    %dma_wait3A_103 = arith.constant 0 : i32
    %dma_wait3A_104 = tpu.memref_slice %arg4[%add3A, %dma_wait3A_102, %dma_wait3A_103] : memref<32x128x80xi32, #tpu.memory_space<hbm>> -> memref<1x2x80xi32, #tpu.memory_space<hbm>>
    %dma_wait3A_105 = tpu.memref_squeeze %dma_wait3A_104 : memref<1x2x80xi32, #tpu.memory_space<hbm>> -> memref<2x80xi32, #tpu.memory_space<hbm>>
    %dma_wait3A_106 = tpu.memref_slice %arg19[%dma_wait3A_97] : memref<2x!tpu.dma_semaphore, #tpu.memory_space<semaphore_mem>> -> memref<1x!tpu.dma_semaphore, #tpu.memory_space<semaphore_mem>>
    %dma_wait3A_107 = tpu.memref_squeeze %dma_wait3A_106 : memref<1x!tpu.dma_semaphore, #tpu.memory_space<semaphore_mem>> -> memref<!tpu.dma_semaphore, #tpu.memory_space<semaphore_mem>>
    %dma_wait3A_108 = arith.constant 0 : i32
    %dma_wait3A_109 = arith.constant 0 : i32
    %dma_wait3A_110 = tpu.memref_slice %arg10[%dma_wait3A_96, %dma_wait3A_108, %dma_wait3A_109] : memref<2x2x80xi32, #tpu.memory_space<vmem>> -> memref<1x2x80xi32, #tpu.memory_space<vmem>>
    %dma_wait3A_111 = tpu.memref_squeeze %dma_wait3A_110 : memref<1x2x80xi32, #tpu.memory_space<vmem>> -> memref<2x80xi32, #tpu.memory_space<vmem>>
    %dma_wait3A_112 = arith.constant 0 : i32
    %dma_wait3A_113 = arith.constant 0 : i32
    %dma_wait3A_114 = tpu.memref_slice %arg4[%add3A, %dma_wait3A_112, %dma_wait3A_113] : memref<32x128x80xi32, #tpu.memory_space<hbm>> -> memref<1x2x80xi32, #tpu.memory_space<hbm>>
    %dma_wait3A_115 = tpu.memref_squeeze %dma_wait3A_114 : memref<1x2x80xi32, #tpu.memory_space<hbm>> -> memref<2x80xi32, #tpu.memory_space<hbm>>
    tpu.wait_dma2 semaphore(%dma_wait3A_107 : memref<!tpu.dma_semaphore, #tpu.memory_space<semaphore_mem>>) src(%dma_wait3A_115 : memref<2x80xi32, #tpu.memory_space<hbm>>) dst(%dma_wait3A_111 : memref<2x80xi32, #tpu.memory_space<vmem>>)
    %mul3A_116 = arith.constant 1 : i32
    %mul3A_117 = arith.constant 2 : i32
    %mul3A_118 = arith.muli %mul3A_116, %mul3A_117 : i32
    %dma_start3A_119 = arith.constant 1 : i32
    %dma_start3A_120 = arith.constant 1 : i32
    %dma_start3A_121 = arith.constant 0 : i32
    %dma_start3A_122 = arith.constant 0 : i32
    %dma_start3A_123 = tpu.memref_slice %arg9[%dma_start3A_119, %dma_start3A_121, %dma_start3A_122] : memref<2x2x80xi32, #tpu.memory_space<vmem>> -> memref<1x2x80xi32, #tpu.memory_space<vmem>>
    %dma_start3A_124 = tpu.memref_squeeze %dma_start3A_123 : memref<1x2x80xi32, #tpu.memory_space<vmem>> -> memref<2x80xi32, #tpu.memory_space<vmem>>
    %dma_start3A_125 = arith.constant 0 : i32
    %dma_start3A_126 = tpu.memref_slice %arg3[%add3A, %mul3A_118, %dma_start3A_125] : memref<32x128x80xi32, #tpu.memory_space<hbm>> -> memref<1x2x80xi32, #tpu.memory_space<hbm>>
    %dma_start3A_127 = tpu.memref_squeeze %dma_start3A_126 : memref<1x2x80xi32, #tpu.memory_space<hbm>> -> memref<2x80xi32, #tpu.memory_space<hbm>>
    %dma_start3A_128 = tpu.memref_slice %arg19[%dma_start3A_120] : memref<2x!tpu.dma_semaphore, #tpu.memory_space<semaphore_mem>> -> memref<1x!tpu.dma_semaphore, #tpu.memory_space<semaphore_mem>>
    %dma_start3A_129 = tpu.memref_squeeze %dma_start3A_128 : memref<1x!tpu.dma_semaphore, #tpu.memory_space<semaphore_mem>> -> memref<!tpu.dma_semaphore, #tpu.memory_space<semaphore_mem>>
    %dma_start3A_130 = arith.constant 0 : i32
    %dma_start3A_131 = arith.constant 0 : i32
    %dma_start3A_132 = tpu.memref_slice %arg9[%dma_start3A_119, %dma_start3A_130, %dma_start3A_131] : memref<2x2x80xi32, #tpu.memory_space<vmem>> -> memref<1x2x80xi32, #tpu.memory_space<vmem>>
    %dma_start3A_133 = tpu.memref_squeeze %dma_start3A_132 : memref<1x2x80xi32, #tpu.memory_space<vmem>> -> memref<2x80xi32, #tpu.memory_space<vmem>>
    %dma_start3A_134 = arith.constant 0 : i32
    %dma_start3A_135 = tpu.memref_slice %arg3[%add3A, %mul3A_118, %dma_start3A_134] : memref<32x128x80xi32, #tpu.memory_space<hbm>> -> memref<1x2x80xi32, #tpu.memory_space<hbm>>
    %dma_start3A_136 = tpu.memref_squeeze %dma_start3A_135 : memref<1x2x80xi32, #tpu.memory_space<hbm>> -> memref<2x80xi32, #tpu.memory_space<hbm>>
    tpu.enqueue_dma source(%dma_start3A_136 : memref<2x80xi32, #tpu.memory_space<hbm>>) target(%dma_start3A_133 : memref<2x80xi32, #tpu.memory_space<vmem>>) target_semaphore(%dma_start3A_129 : memref<!tpu.dma_semaphore, #tpu.memory_space<semaphore_mem>>)
    %mul3A_137 = arith.constant 1 : i32
    %mul3A_138 = arith.constant 2 : i32
    %mul3A_139 = arith.muli %mul3A_137, %mul3A_138 : i32
    %dma_start3A_140 = arith.constant 1 : i32
    %dma_start3A_141 = arith.constant 1 : i32
    %dma_start3A_142 = arith.constant 0 : i32
    %dma_start3A_143 = arith.constant 0 : i32
    %dma_start3A_144 = tpu.memref_slice %arg10[%dma_start3A_140, %dma_start3A_142, %dma_start3A_143] : memref<2x2x80xi32, #tpu.memory_space<vmem>> -> memref<1x2x80xi32, #tpu.memory_space<vmem>>
    %dma_start3A_145 = tpu.memref_squeeze %dma_start3A_144 : memref<1x2x80xi32, #tpu.memory_space<vmem>> -> memref<2x80xi32, #tpu.memory_space<vmem>>
    %dma_start3A_146 = arith.constant 0 : i32
    %dma_start3A_147 = tpu.memref_slice %arg4[%add3A, %mul3A_139, %dma_start3A_146] : memref<32x128x80xi32, #tpu.memory_space<hbm>> -> memref<1x2x80xi32, #tpu.memory_space<hbm>>
    %dma_start3A_148 = tpu.memref_squeeze %dma_start3A_147 : memref<1x2x80xi32, #tpu.memory_space<hbm>> -> memref<2x80xi32, #tpu.memory_space<hbm>>
    %dma_start3A_149 = tpu.memref_slice %arg19[%dma_start3A_141] : memref<2x!tpu.dma_semaphore, #tpu.memory_space<semaphore_mem>> -> memref<1x!tpu.dma_semaphore, #tpu.memory_space<semaphore_mem>>
    %dma_start3A_150 = tpu.memref_squeeze %dma_start3A_149 : memref<1x!tpu.dma_semaphore, #tpu.memory_space<semaphore_mem>> -> memref<!tpu.dma_semaphore, #tpu.memory_space<semaphore_mem>>
    %dma_start3A_151 = arith.constant 0 : i32
    %dma_start3A_152 = arith.constant 0 : i32
    %dma_start3A_153 = tpu.memref_slice %arg10[%dma_start3A_140, %dma_start3A_151, %dma_start3A_152] : memref<2x2x80xi32, #tpu.memory_space<vmem>> -> memref<1x2x80xi32, #tpu.memory_space<vmem>>
    %dma_start3A_154 = tpu.memref_squeeze %dma_start3A_153 : memref<1x2x80xi32, #tpu.memory_space<vmem>> -> memref<2x80xi32, #tpu.memory_space<vmem>>
    %dma_start3A_155 = arith.constant 0 : i32
    %dma_start3A_156 = tpu.memref_slice %arg4[%add3A, %mul3A_139, %dma_start3A_155] : memref<32x128x80xi32, #tpu.memory_space<hbm>> -> memref<1x2x80xi32, #tpu.memory_space<hbm>>
    %dma_start3A_157 = tpu.memref_squeeze %dma_start3A_156 : memref<1x2x80xi32, #tpu.memory_space<hbm>> -> memref<2x80xi32, #tpu.memory_space<hbm>>
    tpu.enqueue_dma source(%dma_start3A_157 : memref<2x80xi32, #tpu.memory_space<hbm>>) target(%dma_start3A_154 : memref<2x80xi32, #tpu.memory_space<vmem>>) target_semaphore(%dma_start3A_150 : memref<!tpu.dma_semaphore, #tpu.memory_space<semaphore_mem>>)
    %dma_start3A_158 = arith.constant 0 : i32
    %dma_start3A_159 = arith.constant 0 : i32
    %dma_start3A_160 = arith.constant 0 : i32
    %dma_start3A_161 = arith.constant 0 : i32
    %dma_start3A_162 = arith.constant 0 : i32
    %dma_start3A_163 = arith.constant 0 : i32
    %dma_start3A_164 = tpu.memref_slice %arg11[%dma_start3A_160, %dma_start3A_162, %dma_start3A_163] : memref<2x80x128xf32, #tpu.memory_space<vmem>> -> memref<1x80x128xf32, #tpu.memory_space<vmem>>
    %dma_start3A_165 = tpu.memref_squeeze %dma_start3A_164 : memref<1x80x128xf32, #tpu.memory_space<vmem>> -> memref<80x128xf32, #tpu.memory_space<vmem>>
    %dma_start3A_166 = arith.constant 0 : i32
    %dma_start3A_167 = tpu.memref_slice %arg9[%dma_start3A_158, %dma_start3A_159, %dma_start3A_166] : memref<2x2x80xi32, #tpu.memory_space<vmem>> -> memref<1x1x80xi32, #tpu.memory_space<vmem>>
    %dma_start3A_168 = tpu.memref_squeeze %dma_start3A_167 : memref<1x1x80xi32, #tpu.memory_space<vmem>> -> memref<80xi32, #tpu.memory_space<vmem>>
    %dma_start3A_169 = arith.constant 0 : i32
    %dma_start3A_170 = arith.constant 0 : i32
    %dma_start3A_171 = tpu.memref_slice %arg2[%dma_start3A_169, %dma_start3A_170] : memref<10000x128xf32, #tpu.memory_space<hbm>> -> memref<10000x128xf32, #tpu.memory_space<hbm>>
    %dma_start3A_172 = tpu.memref_slice %arg16[%dma_start3A_161] : memref<2x!tpu.dma_semaphore, #tpu.memory_space<semaphore_mem>> -> memref<1x!tpu.dma_semaphore, #tpu.memory_space<semaphore_mem>>
    %dma_start3A_173 = tpu.memref_squeeze %dma_start3A_172 : memref<1x!tpu.dma_semaphore, #tpu.memory_space<semaphore_mem>> -> memref<!tpu.dma_semaphore, #tpu.memory_space<semaphore_mem>>
    tpu.enqueue_indirect_dma source(%dma_start3A_171 : memref<10000x128xf32, #tpu.memory_space<hbm>>) target(%dma_start3A_165 : memref<80x128xf32, #tpu.memory_space<vmem>>) offsets(%dma_start3A_168 : memref<80xi32, #tpu.memory_space<vmem>>) semaphore(%dma_start3A_173 : memref<!tpu.dma_semaphore, #tpu.memory_space<semaphore_mem>>)
    %dma_start3A_174 = arith.constant 0 : i32
    %dma_start3A_175 = arith.constant 1 : i32
    %dma_start3A_176 = arith.constant 1 : i32
    %dma_start3A_177 = arith.constant 1 : i32
    %dma_start3A_178 = arith.constant 0 : i32
    %dma_start3A_179 = arith.constant 0 : i32
    %dma_start3A_180 = tpu.memref_slice %arg11[%dma_start3A_176, %dma_start3A_178, %dma_start3A_179] : memref<2x80x128xf32, #tpu.memory_space<vmem>> -> memref<1x80x128xf32, #tpu.memory_space<vmem>>
    %dma_start3A_181 = tpu.memref_squeeze %dma_start3A_180 : memref<1x80x128xf32, #tpu.memory_space<vmem>> -> memref<80x128xf32, #tpu.memory_space<vmem>>
    %dma_start3A_182 = arith.constant 0 : i32
    %dma_start3A_183 = tpu.memref_slice %arg9[%dma_start3A_174, %dma_start3A_175, %dma_start3A_182] : memref<2x2x80xi32, #tpu.memory_space<vmem>> -> memref<1x1x80xi32, #tpu.memory_space<vmem>>
    %dma_start3A_184 = tpu.memref_squeeze %dma_start3A_183 : memref<1x1x80xi32, #tpu.memory_space<vmem>> -> memref<80xi32, #tpu.memory_space<vmem>>
    %dma_start3A_185 = arith.constant 0 : i32
    %dma_start3A_186 = arith.constant 0 : i32
    %dma_start3A_187 = tpu.memref_slice %arg2[%dma_start3A_185, %dma_start3A_186] : memref<10000x128xf32, #tpu.memory_space<hbm>> -> memref<10000x128xf32, #tpu.memory_space<hbm>>
    %dma_start3A_188 = tpu.memref_slice %arg16[%dma_start3A_177] : memref<2x!tpu.dma_semaphore, #tpu.memory_space<semaphore_mem>> -> memref<1x!tpu.dma_semaphore, #tpu.memory_space<semaphore_mem>>
    %dma_start3A_189 = tpu.memref_squeeze %dma_start3A_188 : memref<1x!tpu.dma_semaphore, #tpu.memory_space<semaphore_mem>> -> memref<!tpu.dma_semaphore, #tpu.memory_space<semaphore_mem>>
    tpu.enqueue_indirect_dma source(%dma_start3A_187 : memref<10000x128xf32, #tpu.memory_space<hbm>>) target(%dma_start3A_181 : memref<80x128xf32, #tpu.memory_space<vmem>>) offsets(%dma_start3A_184 : memref<80xi32, #tpu.memory_space<vmem>>) semaphore(%dma_start3A_189 : memref<!tpu.dma_semaphore, #tpu.memory_space<semaphore_mem>>)
    %while3A = arith.constant 0 : i64
    %while3A_190 = arith.constant 0 : i32
    %while3A_191 = arith.constant 64 : i32
    %while3A_192 = arith.subi %while3A_191, %while3A_190 : i32
    %while3A_193 = arith.addi %while3A_190, %while3A_192 : i32
    %while3A_194 = arith.constant 1 : i32
    %while3A_195 = arith.divsi %while3A_192, %while3A_194 : i32
    %while3A_196 = arith.muli %while3A_195, %while3A_194 : i32
    %while3A_197 = arith.addi %while3A_190, %while3A_196 : i32
    %while3A_198 = arith.constant 1 : i32
    scf.for %while3A_211 = %while3A_190 to %while3A_197 step %while3A_198  : i32 {
      %rem3A = arith.constant 2 : i32
      %rem3A_212 = arith.remsi %while3A_211, %rem3A : i32
      %mul3A_213 = arith.constant 2 : i32
      %mul3A_214 = arith.muli %while3A_211, %mul3A_213 : i32
      %add3A_215 = arith.constant 0 : i32
      %add3A_216 = arith.addi %mul3A_214, %add3A_215 : i32
      %lt3A_217 = arith.constant 125 : i32
      %lt3A_218 = arith.cmpi slt, %add3A_216, %lt3A_217 : i32
      %convert_element_type3A_219 = arith.extui %lt3A_218 : i1 to i32
      %cond3A_220 = arith.constant 0 : i32
      %cond3A_221 = arith.cmpi ne, %convert_element_type3A_219, %cond3A_220 : i32
      scf.if %cond3A_221 {
        %dma_wait3A_277 = arith.constant 0 : i32
        %dma_wait3A_278 = arith.constant 0 : i32
        %dma_wait3A_279 = arith.constant 0 : i32
        %dma_wait3A_280 = arith.constant 0 : i32
        %dma_wait3A_281 = arith.constant 0 : i32
        %dma_wait3A_282 = tpu.memref_slice %arg11[%dma_wait3A_278, %dma_wait3A_280, %dma_wait3A_281] : memref<2x80x128xf32, #tpu.memory_space<vmem>> -> memref<1x80x128xf32, #tpu.memory_space<vmem>>
        %dma_wait3A_283 = tpu.memref_squeeze %dma_wait3A_282 : memref<1x80x128xf32, #tpu.memory_space<vmem>> -> memref<80x128xf32, #tpu.memory_space<vmem>>
        %dma_wait3A_284 = arith.constant 0 : i32
        %dma_wait3A_285 = tpu.memref_slice %arg9[%rem3A_212, %dma_wait3A_277, %dma_wait3A_284] : memref<2x2x80xi32, #tpu.memory_space<vmem>> -> memref<1x1x80xi32, #tpu.memory_space<vmem>>
        %dma_wait3A_286 = tpu.memref_squeeze %dma_wait3A_285 : memref<1x1x80xi32, #tpu.memory_space<vmem>> -> memref<80xi32, #tpu.memory_space<vmem>>
        %dma_wait3A_287 = arith.constant 0 : i32
        %dma_wait3A_288 = arith.constant 0 : i32
        %dma_wait3A_289 = tpu.memref_slice %arg2[%dma_wait3A_287, %dma_wait3A_288] : memref<10000x128xf32, #tpu.memory_space<hbm>> -> memref<10000x128xf32, #tpu.memory_space<hbm>>
        %dma_wait3A_290 = tpu.memref_slice %arg16[%dma_wait3A_279] : memref<2x!tpu.dma_semaphore, #tpu.memory_space<semaphore_mem>> -> memref<1x!tpu.dma_semaphore, #tpu.memory_space<semaphore_mem>>
        %dma_wait3A_291 = tpu.memref_squeeze %dma_wait3A_290 : memref<1x!tpu.dma_semaphore, #tpu.memory_space<semaphore_mem>> -> memref<!tpu.dma_semaphore, #tpu.memory_space<semaphore_mem>>
        tpu.wait_indirect_dma semaphore(%dma_wait3A_291 : memref<!tpu.dma_semaphore, #tpu.memory_space<semaphore_mem>>) src(%dma_wait3A_289 : memref<10000x128xf32, #tpu.memory_space<hbm>>) dst(%dma_wait3A_283 : memref<80x128xf32, #tpu.memory_space<vmem>>)
        %dma_start3A_292 = arith.constant 0 : i32
        %dma_start3A_293 = arith.constant 0 : i32
        %dma_start3A_294 = arith.constant 0 : i32
        %dma_start3A_295 = arith.constant 0 : i32
        %dma_start3A_296 = arith.constant 0 : i32
        %dma_start3A_297 = tpu.memref_slice %arg11[%dma_start3A_292, %dma_start3A_295, %dma_start3A_296] : memref<2x80x128xf32, #tpu.memory_space<vmem>> -> memref<1x80x128xf32, #tpu.memory_space<vmem>>
        %dma_start3A_298 = tpu.memref_squeeze %dma_start3A_297 : memref<1x80x128xf32, #tpu.memory_space<vmem>> -> memref<80x128xf32, #tpu.memory_space<vmem>>
        %dma_start3A_299 = arith.constant 0 : i32
        %dma_start3A_300 = tpu.memref_slice %arg10[%rem3A_212, %dma_start3A_293, %dma_start3A_299] : memref<2x2x80xi32, #tpu.memory_space<vmem>> -> memref<1x1x80xi32, #tpu.memory_space<vmem>>
        %dma_start3A_301 = tpu.memref_squeeze %dma_start3A_300 : memref<1x1x80xi32, #tpu.memory_space<vmem>> -> memref<80xi32, #tpu.memory_space<vmem>>
        %dma_start3A_302 = arith.constant 0 : i32
        %dma_start3A_303 = arith.constant 0 : i32
        %dma_start3A_304 = tpu.memref_slice %arg14[%dma_start3A_302, %dma_start3A_303] : memref<10000x128xf32, #tpu.memory_space<vmem_shared>> -> memref<10000x128xf32, #tpu.memory_space<vmem_shared>>
        %dma_start3A_305 = tpu.memref_slice %arg17[%dma_start3A_294] : memref<2x!tpu.dma_semaphore, #tpu.memory_space<semaphore_mem>> -> memref<1x!tpu.dma_semaphore, #tpu.memory_space<semaphore_mem>>
        %dma_start3A_306 = tpu.memref_squeeze %dma_start3A_305 : memref<1x!tpu.dma_semaphore, #tpu.memory_space<semaphore_mem>> -> memref<!tpu.dma_semaphore, #tpu.memory_space<semaphore_mem>>
        tpu.enqueue_indirect_dma source(%dma_start3A_298 : memref<80x128xf32, #tpu.memory_space<vmem>>) target(%dma_start3A_304 : memref<10000x128xf32, #tpu.memory_space<vmem_shared>>) offsets(%dma_start3A_301 : memref<80xi32, #tpu.memory_space<vmem>>) semaphore(%dma_start3A_306 : memref<!tpu.dma_semaphore, #tpu.memory_space<semaphore_mem>>) {add = true}
        %dma_start3A_307 = arith.constant 0 : i32
        %dma_start3A_308 = arith.constant 0 : i32
        %dma_start3A_309 = arith.constant 0 : i32
        %dma_start3A_310 = tpu.memref_slice %arg10[%rem3A_212, %dma_start3A_307, %dma_start3A_309] : memref<2x2x80xi32, #tpu.memory_space<vmem>> -> memref<1x1x80xi32, #tpu.memory_space<vmem>>
        %dma_start3A_311 = tpu.memref_squeeze %dma_start3A_310 : memref<1x1x80xi32, #tpu.memory_space<vmem>> -> memref<80xi32, #tpu.memory_space<vmem>>
        %dma_start3A_312 = arith.constant 0 : i32
        %dma_start3A_313 = tpu.memref_slice %arg15[%dma_start3A_312] : memref<10000xf32, #tpu.memory_space<vmem_shared>> -> memref<10000xf32, #tpu.memory_space<vmem_shared>>
        %dma_start3A_314 = tpu.memref_slice %arg18[%dma_start3A_308] : memref<2x!tpu.dma_semaphore, #tpu.memory_space<semaphore_mem>> -> memref<1x!tpu.dma_semaphore, #tpu.memory_space<semaphore_mem>>
        %dma_start3A_315 = tpu.memref_squeeze %dma_start3A_314 : memref<1x!tpu.dma_semaphore, #tpu.memory_space<semaphore_mem>> -> memref<!tpu.dma_semaphore, #tpu.memory_space<semaphore_mem>>
        tpu.enqueue_indirect_dma source(%arg12 : memref<80xf32, #tpu.memory_space<vmem>>) target(%dma_start3A_313 : memref<10000xf32, #tpu.memory_space<vmem_shared>>) offsets(%dma_start3A_311 : memref<80xi32, #tpu.memory_space<vmem>>) semaphore(%dma_start3A_315 : memref<!tpu.dma_semaphore, #tpu.memory_space<semaphore_mem>>) {add = true}
      } else {
      }
      %mul3A_222 = arith.constant 2 : i32
      %mul3A_223 = arith.muli %while3A_211, %mul3A_222 : i32
      %add3A_224 = arith.constant 1 : i32
      %add3A_225 = arith.addi %mul3A_223, %add3A_224 : i32
      %lt3A_226 = arith.constant 125 : i32
      %lt3A_227 = arith.cmpi slt, %add3A_225, %lt3A_226 : i32
      %convert_element_type3A_228 = arith.extui %lt3A_227 : i1 to i32
      %cond3A_229 = arith.constant 0 : i32
      %cond3A_230 = arith.cmpi ne, %convert_element_type3A_228, %cond3A_229 : i32
      scf.if %cond3A_230 {
        %dma_wait3A_277 = arith.constant 1 : i32
        %dma_wait3A_278 = arith.constant 1 : i32
        %dma_wait3A_279 = arith.constant 1 : i32
        %dma_wait3A_280 = arith.constant 0 : i32
        %dma_wait3A_281 = arith.constant 0 : i32
        %dma_wait3A_282 = tpu.memref_slice %arg11[%dma_wait3A_278, %dma_wait3A_280, %dma_wait3A_281] : memref<2x80x128xf32, #tpu.memory_space<vmem>> -> memref<1x80x128xf32, #tpu.memory_space<vmem>>
        %dma_wait3A_283 = tpu.memref_squeeze %dma_wait3A_282 : memref<1x80x128xf32, #tpu.memory_space<vmem>> -> memref<80x128xf32, #tpu.memory_space<vmem>>
        %dma_wait3A_284 = arith.constant 0 : i32
        %dma_wait3A_285 = tpu.memref_slice %arg9[%rem3A_212, %dma_wait3A_277, %dma_wait3A_284] : memref<2x2x80xi32, #tpu.memory_space<vmem>> -> memref<1x1x80xi32, #tpu.memory_space<vmem>>
        %dma_wait3A_286 = tpu.memref_squeeze %dma_wait3A_285 : memref<1x1x80xi32, #tpu.memory_space<vmem>> -> memref<80xi32, #tpu.memory_space<vmem>>
        %dma_wait3A_287 = arith.constant 0 : i32
        %dma_wait3A_288 = arith.constant 0 : i32
        %dma_wait3A_289 = tpu.memref_slice %arg2[%dma_wait3A_287, %dma_wait3A_288] : memref<10000x128xf32, #tpu.memory_space<hbm>> -> memref<10000x128xf32, #tpu.memory_space<hbm>>
        %dma_wait3A_290 = tpu.memref_slice %arg16[%dma_wait3A_279] : memref<2x!tpu.dma_semaphore, #tpu.memory_space<semaphore_mem>> -> memref<1x!tpu.dma_semaphore, #tpu.memory_space<semaphore_mem>>
        %dma_wait3A_291 = tpu.memref_squeeze %dma_wait3A_290 : memref<1x!tpu.dma_semaphore, #tpu.memory_space<semaphore_mem>> -> memref<!tpu.dma_semaphore, #tpu.memory_space<semaphore_mem>>
        tpu.wait_indirect_dma semaphore(%dma_wait3A_291 : memref<!tpu.dma_semaphore, #tpu.memory_space<semaphore_mem>>) src(%dma_wait3A_289 : memref<10000x128xf32, #tpu.memory_space<hbm>>) dst(%dma_wait3A_283 : memref<80x128xf32, #tpu.memory_space<vmem>>)
        %dma_start3A_292 = arith.constant 1 : i32
        %dma_start3A_293 = arith.constant 1 : i32
        %dma_start3A_294 = arith.constant 1 : i32
        %dma_start3A_295 = arith.constant 0 : i32
        %dma_start3A_296 = arith.constant 0 : i32
        %dma_start3A_297 = tpu.memref_slice %arg11[%dma_start3A_292, %dma_start3A_295, %dma_start3A_296] : memref<2x80x128xf32, #tpu.memory_space<vmem>> -> memref<1x80x128xf32, #tpu.memory_space<vmem>>
        %dma_start3A_298 = tpu.memref_squeeze %dma_start3A_297 : memref<1x80x128xf32, #tpu.memory_space<vmem>> -> memref<80x128xf32, #tpu.memory_space<vmem>>
        %dma_start3A_299 = arith.constant 0 : i32
        %dma_start3A_300 = tpu.memref_slice %arg10[%rem3A_212, %dma_start3A_293, %dma_start3A_299] : memref<2x2x80xi32, #tpu.memory_space<vmem>> -> memref<1x1x80xi32, #tpu.memory_space<vmem>>
        %dma_start3A_301 = tpu.memref_squeeze %dma_start3A_300 : memref<1x1x80xi32, #tpu.memory_space<vmem>> -> memref<80xi32, #tpu.memory_space<vmem>>
        %dma_start3A_302 = arith.constant 0 : i32
        %dma_start3A_303 = arith.constant 0 : i32
        %dma_start3A_304 = tpu.memref_slice %arg14[%dma_start3A_302, %dma_start3A_303] : memref<10000x128xf32, #tpu.memory_space<vmem_shared>> -> memref<10000x128xf32, #tpu.memory_space<vmem_shared>>
        %dma_start3A_305 = tpu.memref_slice %arg17[%dma_start3A_294] : memref<2x!tpu.dma_semaphore, #tpu.memory_space<semaphore_mem>> -> memref<1x!tpu.dma_semaphore, #tpu.memory_space<semaphore_mem>>
        %dma_start3A_306 = tpu.memref_squeeze %dma_start3A_305 : memref<1x!tpu.dma_semaphore, #tpu.memory_space<semaphore_mem>> -> memref<!tpu.dma_semaphore, #tpu.memory_space<semaphore_mem>>
        tpu.enqueue_indirect_dma source(%dma_start3A_298 : memref<80x128xf32, #tpu.memory_space<vmem>>) target(%dma_start3A_304 : memref<10000x128xf32, #tpu.memory_space<vmem_shared>>) offsets(%dma_start3A_301 : memref<80xi32, #tpu.memory_space<vmem>>) semaphore(%dma_start3A_306 : memref<!tpu.dma_semaphore, #tpu.memory_space<semaphore_mem>>) {add = true}
        %dma_start3A_307 = arith.constant 1 : i32
        %dma_start3A_308 = arith.constant 1 : i32
        %dma_start3A_309 = arith.constant 0 : i32
        %dma_start3A_310 = tpu.memref_slice %arg10[%rem3A_212, %dma_start3A_307, %dma_start3A_309] : memref<2x2x80xi32, #tpu.memory_space<vmem>> -> memref<1x1x80xi32, #tpu.memory_space<vmem>>
        %dma_start3A_311 = tpu.memref_squeeze %dma_start3A_310 : memref<1x1x80xi32, #tpu.memory_space<vmem>> -> memref<80xi32, #tpu.memory_space<vmem>>
        %dma_start3A_312 = arith.constant 0 : i32
        %dma_start3A_313 = tpu.memref_slice %arg15[%dma_start3A_312] : memref<10000xf32, #tpu.memory_space<vmem_shared>> -> memref<10000xf32, #tpu.memory_space<vmem_shared>>
        %dma_start3A_314 = tpu.memref_slice %arg18[%dma_start3A_308] : memref<2x!tpu.dma_semaphore, #tpu.memory_space<semaphore_mem>> -> memref<1x!tpu.dma_semaphore, #tpu.memory_space<semaphore_mem>>
        %dma_start3A_315 = tpu.memref_squeeze %dma_start3A_314 : memref<1x!tpu.dma_semaphore, #tpu.memory_space<semaphore_mem>> -> memref<!tpu.dma_semaphore, #tpu.memory_space<semaphore_mem>>
        tpu.enqueue_indirect_dma source(%arg12 : memref<80xf32, #tpu.memory_space<vmem>>) target(%dma_start3A_313 : memref<10000xf32, #tpu.memory_space<vmem_shared>>) offsets(%dma_start3A_311 : memref<80xi32, #tpu.memory_space<vmem>>) semaphore(%dma_start3A_315 : memref<!tpu.dma_semaphore, #tpu.memory_space<semaphore_mem>>) {add = true}
      } else {
      }
      %add3A_231 = arith.constant 1 : i32
      %add3A_232 = arith.addi %while3A_211, %add3A_231 : i32
      %lt3A_233 = arith.constant 64 : i32
      %lt3A_234 = arith.cmpi slt, %add3A_232, %lt3A_233 : i32
      %convert_element_type3A_235 = arith.extui %lt3A_234 : i1 to i32
      %cond3A_236 = arith.constant 0 : i32
      %cond3A_237 = arith.cmpi ne, %convert_element_type3A_235, %cond3A_236 : i32
      scf.if %cond3A_237 {
        %sub3A = arith.constant 1 : i32
        %sub3A_277 = arith.subi %sub3A, %rem3A_212 : i32
        %dma_wait3A_278 = arith.constant 0 : i32
        %dma_wait3A_279 = arith.constant 0 : i32
        %dma_wait3A_280 = tpu.memref_slice %arg9[%sub3A_277, %dma_wait3A_278, %dma_wait3A_279] : memref<2x2x80xi32, #tpu.memory_space<vmem>> -> memref<1x2x80xi32, #tpu.memory_space<vmem>>
        %dma_wait3A_281 = tpu.memref_squeeze %dma_wait3A_280 : memref<1x2x80xi32, #tpu.memory_space<vmem>> -> memref<2x80xi32, #tpu.memory_space<vmem>>
        %dma_wait3A_282 = arith.constant 0 : i32
        %dma_wait3A_283 = arith.constant 0 : i32
        %dma_wait3A_284 = tpu.memref_slice %arg3[%add3A, %dma_wait3A_282, %dma_wait3A_283] : memref<32x128x80xi32, #tpu.memory_space<hbm>> -> memref<1x2x80xi32, #tpu.memory_space<hbm>>
        %dma_wait3A_285 = tpu.memref_squeeze %dma_wait3A_284 : memref<1x2x80xi32, #tpu.memory_space<hbm>> -> memref<2x80xi32, #tpu.memory_space<hbm>>
        %dma_wait3A_286 = tpu.memref_slice %arg19[%sub3A_277] : memref<2x!tpu.dma_semaphore, #tpu.memory_space<semaphore_mem>> -> memref<1x!tpu.dma_semaphore, #tpu.memory_space<semaphore_mem>>
        %dma_wait3A_287 = tpu.memref_squeeze %dma_wait3A_286 : memref<1x!tpu.dma_semaphore, #tpu.memory_space<semaphore_mem>> -> memref<!tpu.dma_semaphore, #tpu.memory_space<semaphore_mem>>
        %dma_wait3A_288 = arith.constant 0 : i32
        %dma_wait3A_289 = arith.constant 0 : i32
        %dma_wait3A_290 = tpu.memref_slice %arg9[%sub3A_277, %dma_wait3A_288, %dma_wait3A_289] : memref<2x2x80xi32, #tpu.memory_space<vmem>> -> memref<1x2x80xi32, #tpu.memory_space<vmem>>
        %dma_wait3A_291 = tpu.memref_squeeze %dma_wait3A_290 : memref<1x2x80xi32, #tpu.memory_space<vmem>> -> memref<2x80xi32, #tpu.memory_space<vmem>>
        %dma_wait3A_292 = arith.constant 0 : i32
        %dma_wait3A_293 = arith.constant 0 : i32
        %dma_wait3A_294 = tpu.memref_slice %arg3[%add3A, %dma_wait3A_292, %dma_wait3A_293] : memref<32x128x80xi32, #tpu.memory_space<hbm>> -> memref<1x2x80xi32, #tpu.memory_space<hbm>>
        %dma_wait3A_295 = tpu.memref_squeeze %dma_wait3A_294 : memref<1x2x80xi32, #tpu.memory_space<hbm>> -> memref<2x80xi32, #tpu.memory_space<hbm>>
        tpu.wait_dma2 semaphore(%dma_wait3A_287 : memref<!tpu.dma_semaphore, #tpu.memory_space<semaphore_mem>>) src(%dma_wait3A_295 : memref<2x80xi32, #tpu.memory_space<hbm>>) dst(%dma_wait3A_291 : memref<2x80xi32, #tpu.memory_space<vmem>>)
        %dma_wait3A_296 = arith.constant 0 : i32
        %dma_wait3A_297 = arith.constant 0 : i32
        %dma_wait3A_298 = tpu.memref_slice %arg10[%sub3A_277, %dma_wait3A_296, %dma_wait3A_297] : memref<2x2x80xi32, #tpu.memory_space<vmem>> -> memref<1x2x80xi32, #tpu.memory_space<vmem>>
        %dma_wait3A_299 = tpu.memref_squeeze %dma_wait3A_298 : memref<1x2x80xi32, #tpu.memory_space<vmem>> -> memref<2x80xi32, #tpu.memory_space<vmem>>
        %dma_wait3A_300 = arith.constant 0 : i32
        %dma_wait3A_301 = arith.constant 0 : i32
        %dma_wait3A_302 = tpu.memref_slice %arg4[%add3A, %dma_wait3A_300, %dma_wait3A_301] : memref<32x128x80xi32, #tpu.memory_space<hbm>> -> memref<1x2x80xi32, #tpu.memory_space<hbm>>
        %dma_wait3A_303 = tpu.memref_squeeze %dma_wait3A_302 : memref<1x2x80xi32, #tpu.memory_space<hbm>> -> memref<2x80xi32, #tpu.memory_space<hbm>>
        %dma_wait3A_304 = tpu.memref_slice %arg19[%sub3A_277] : memref<2x!tpu.dma_semaphore, #tpu.memory_space<semaphore_mem>> -> memref<1x!tpu.dma_semaphore, #tpu.memory_space<semaphore_mem>>
        %dma_wait3A_305 = tpu.memref_squeeze %dma_wait3A_304 : memref<1x!tpu.dma_semaphore, #tpu.memory_space<semaphore_mem>> -> memref<!tpu.dma_semaphore, #tpu.memory_space<semaphore_mem>>
        %dma_wait3A_306 = arith.constant 0 : i32
        %dma_wait3A_307 = arith.constant 0 : i32
        %dma_wait3A_308 = tpu.memref_slice %arg10[%sub3A_277, %dma_wait3A_306, %dma_wait3A_307] : memref<2x2x80xi32, #tpu.memory_space<vmem>> -> memref<1x2x80xi32, #tpu.memory_space<vmem>>
        %dma_wait3A_309 = tpu.memref_squeeze %dma_wait3A_308 : memref<1x2x80xi32, #tpu.memory_space<vmem>> -> memref<2x80xi32, #tpu.memory_space<vmem>>
        %dma_wait3A_310 = arith.constant 0 : i32
        %dma_wait3A_311 = arith.constant 0 : i32
        %dma_wait3A_312 = tpu.memref_slice %arg4[%add3A, %dma_wait3A_310, %dma_wait3A_311] : memref<32x128x80xi32, #tpu.memory_space<hbm>> -> memref<1x2x80xi32, #tpu.memory_space<hbm>>
        %dma_wait3A_313 = tpu.memref_squeeze %dma_wait3A_312 : memref<1x2x80xi32, #tpu.memory_space<hbm>> -> memref<2x80xi32, #tpu.memory_space<hbm>>
        tpu.wait_dma2 semaphore(%dma_wait3A_305 : memref<!tpu.dma_semaphore, #tpu.memory_space<semaphore_mem>>) src(%dma_wait3A_313 : memref<2x80xi32, #tpu.memory_space<hbm>>) dst(%dma_wait3A_309 : memref<2x80xi32, #tpu.memory_space<vmem>>)
      } else {
      }
      %mul3A_238 = arith.constant 2 : i32
      %mul3A_239 = arith.muli %while3A_211, %mul3A_238 : i32
      %add3A_240 = arith.constant 0 : i32
      %add3A_241 = arith.addi %mul3A_239, %add3A_240 : i32
      %add3A_242 = arith.constant 2 : i32
      %add3A_243 = arith.addi %add3A_241, %add3A_242 : i32
      %lt3A_244 = arith.constant 125 : i32
      %lt3A_245 = arith.cmpi slt, %add3A_241, %lt3A_244 : i32
      %convert_element_type3A_246 = arith.extui %lt3A_245 : i1 to i32
      %cond3A_247 = arith.constant 0 : i32
      %cond3A_248 = arith.cmpi ne, %convert_element_type3A_246, %cond3A_247 : i32
      scf.if %cond3A_248 {
        %dma_wait3A_277 = arith.constant 0 : i32
        %dma_wait3A_278 = arith.constant 0 : i32
        %dma_wait3A_279 = arith.constant 0 : i32
        %dma_wait3A_280 = arith.constant 0 : i32
        %dma_wait3A_281 = arith.constant 0 : i32
        %dma_wait3A_282 = tpu.memref_slice %arg11[%dma_wait3A_277, %dma_wait3A_280, %dma_wait3A_281] : memref<2x80x128xf32, #tpu.memory_space<vmem>> -> memref<1x80x128xf32, #tpu.memory_space<vmem>>
        %dma_wait3A_283 = tpu.memref_squeeze %dma_wait3A_282 : memref<1x80x128xf32, #tpu.memory_space<vmem>> -> memref<80x128xf32, #tpu.memory_space<vmem>>
        %dma_wait3A_284 = arith.constant 0 : i32
        %dma_wait3A_285 = tpu.memref_slice %arg10[%rem3A_212, %dma_wait3A_278, %dma_wait3A_284] : memref<2x2x80xi32, #tpu.memory_space<vmem>> -> memref<1x1x80xi32, #tpu.memory_space<vmem>>
        %dma_wait3A_286 = tpu.memref_squeeze %dma_wait3A_285 : memref<1x1x80xi32, #tpu.memory_space<vmem>> -> memref<80xi32, #tpu.memory_space<vmem>>
        %dma_wait3A_287 = arith.constant 0 : i32
        %dma_wait3A_288 = arith.constant 0 : i32
        %dma_wait3A_289 = tpu.memref_slice %arg14[%dma_wait3A_287, %dma_wait3A_288] : memref<10000x128xf32, #tpu.memory_space<vmem_shared>> -> memref<10000x128xf32, #tpu.memory_space<vmem_shared>>
        %dma_wait3A_290 = tpu.memref_slice %arg17[%dma_wait3A_279] : memref<2x!tpu.dma_semaphore, #tpu.memory_space<semaphore_mem>> -> memref<1x!tpu.dma_semaphore, #tpu.memory_space<semaphore_mem>>
        %dma_wait3A_291 = tpu.memref_squeeze %dma_wait3A_290 : memref<1x!tpu.dma_semaphore, #tpu.memory_space<semaphore_mem>> -> memref<!tpu.dma_semaphore, #tpu.memory_space<semaphore_mem>>
        tpu.wait_indirect_dma semaphore(%dma_wait3A_291 : memref<!tpu.dma_semaphore, #tpu.memory_space<semaphore_mem>>) src(%dma_wait3A_283 : memref<80x128xf32, #tpu.memory_space<vmem>>) dst(%dma_wait3A_289 : memref<10000x128xf32, #tpu.memory_space<vmem_shared>>)
        %dma_wait3A_292 = arith.constant 0 : i32
        %dma_wait3A_293 = arith.constant 0 : i32
        %dma_wait3A_294 = arith.constant 0 : i32
        %dma_wait3A_295 = tpu.memref_slice %arg10[%rem3A_212, %dma_wait3A_292, %dma_wait3A_294] : memref<2x2x80xi32, #tpu.memory_space<vmem>> -> memref<1x1x80xi32, #tpu.memory_space<vmem>>
        %dma_wait3A_296 = tpu.memref_squeeze %dma_wait3A_295 : memref<1x1x80xi32, #tpu.memory_space<vmem>> -> memref<80xi32, #tpu.memory_space<vmem>>
        %dma_wait3A_297 = arith.constant 0 : i32
        %dma_wait3A_298 = tpu.memref_slice %arg15[%dma_wait3A_297] : memref<10000xf32, #tpu.memory_space<vmem_shared>> -> memref<10000xf32, #tpu.memory_space<vmem_shared>>
        %dma_wait3A_299 = tpu.memref_slice %arg18[%dma_wait3A_293] : memref<2x!tpu.dma_semaphore, #tpu.memory_space<semaphore_mem>> -> memref<1x!tpu.dma_semaphore, #tpu.memory_space<semaphore_mem>>
        %dma_wait3A_300 = tpu.memref_squeeze %dma_wait3A_299 : memref<1x!tpu.dma_semaphore, #tpu.memory_space<semaphore_mem>> -> memref<!tpu.dma_semaphore, #tpu.memory_space<semaphore_mem>>
        tpu.wait_indirect_dma semaphore(%dma_wait3A_300 : memref<!tpu.dma_semaphore, #tpu.memory_space<semaphore_mem>>) src(%arg12 : memref<80xf32, #tpu.memory_space<vmem>>) dst(%dma_wait3A_298 : memref<10000xf32, #tpu.memory_space<vmem_shared>>)
      } else {
      }
      %lt3A_249 = arith.constant 125 : i32
      %lt3A_250 = arith.cmpi slt, %add3A_243, %lt3A_249 : i32
      %convert_element_type3A_251 = arith.extui %lt3A_250 : i1 to i32
      %cond3A_252 = arith.constant 0 : i32
      %cond3A_253 = arith.cmpi ne, %convert_element_type3A_251, %cond3A_252 : i32
      scf.if %cond3A_253 {
        %sub3A = arith.constant 1 : i32
        %sub3A_277 = arith.subi %sub3A, %rem3A_212 : i32
        %dma_start3A_278 = arith.constant 0 : i32
        %dma_start3A_279 = arith.constant 0 : i32
        %dma_start3A_280 = arith.constant 0 : i32
        %dma_start3A_281 = arith.constant 0 : i32
        %dma_start3A_282 = arith.constant 0 : i32
        %dma_start3A_283 = tpu.memref_slice %arg11[%dma_start3A_279, %dma_start3A_281, %dma_start3A_282] : memref<2x80x128xf32, #tpu.memory_space<vmem>> -> memref<1x80x128xf32, #tpu.memory_space<vmem>>
        %dma_start3A_284 = tpu.memref_squeeze %dma_start3A_283 : memref<1x80x128xf32, #tpu.memory_space<vmem>> -> memref<80x128xf32, #tpu.memory_space<vmem>>
        %dma_start3A_285 = arith.constant 0 : i32
        %dma_start3A_286 = tpu.memref_slice %arg9[%sub3A_277, %dma_start3A_278, %dma_start3A_285] : memref<2x2x80xi32, #tpu.memory_space<vmem>> -> memref<1x1x80xi32, #tpu.memory_space<vmem>>
        %dma_start3A_287 = tpu.memref_squeeze %dma_start3A_286 : memref<1x1x80xi32, #tpu.memory_space<vmem>> -> memref<80xi32, #tpu.memory_space<vmem>>
        %dma_start3A_288 = arith.constant 0 : i32
        %dma_start3A_289 = arith.constant 0 : i32
        %dma_start3A_290 = tpu.memref_slice %arg2[%dma_start3A_288, %dma_start3A_289] : memref<10000x128xf32, #tpu.memory_space<hbm>> -> memref<10000x128xf32, #tpu.memory_space<hbm>>
        %dma_start3A_291 = tpu.memref_slice %arg16[%dma_start3A_280] : memref<2x!tpu.dma_semaphore, #tpu.memory_space<semaphore_mem>> -> memref<1x!tpu.dma_semaphore, #tpu.memory_space<semaphore_mem>>
        %dma_start3A_292 = tpu.memref_squeeze %dma_start3A_291 : memref<1x!tpu.dma_semaphore, #tpu.memory_space<semaphore_mem>> -> memref<!tpu.dma_semaphore, #tpu.memory_space<semaphore_mem>>
        tpu.enqueue_indirect_dma source(%dma_start3A_290 : memref<10000x128xf32, #tpu.memory_space<hbm>>) target(%dma_start3A_284 : memref<80x128xf32, #tpu.memory_space<vmem>>) offsets(%dma_start3A_287 : memref<80xi32, #tpu.memory_space<vmem>>) semaphore(%dma_start3A_292 : memref<!tpu.dma_semaphore, #tpu.memory_space<semaphore_mem>>)
      } else {
      }
      %mul3A_254 = arith.constant 2 : i32
      %mul3A_255 = arith.muli %while3A_211, %mul3A_254 : i32
      %add3A_256 = arith.constant 1 : i32
      %add3A_257 = arith.addi %mul3A_255, %add3A_256 : i32
      %add3A_258 = arith.constant 2 : i32
      %add3A_259 = arith.addi %add3A_257, %add3A_258 : i32
      %lt3A_260 = arith.constant 125 : i32
      %lt3A_261 = arith.cmpi slt, %add3A_257, %lt3A_260 : i32
      %convert_element_type3A_262 = arith.extui %lt3A_261 : i1 to i32
      %cond3A_263 = arith.constant 0 : i32
      %cond3A_264 = arith.cmpi ne, %convert_element_type3A_262, %cond3A_263 : i32
      scf.if %cond3A_264 {
        %dma_wait3A_277 = arith.constant 1 : i32
        %dma_wait3A_278 = arith.constant 1 : i32
        %dma_wait3A_279 = arith.constant 1 : i32
        %dma_wait3A_280 = arith.constant 0 : i32
        %dma_wait3A_281 = arith.constant 0 : i32
        %dma_wait3A_282 = tpu.memref_slice %arg11[%dma_wait3A_277, %dma_wait3A_280, %dma_wait3A_281] : memref<2x80x128xf32, #tpu.memory_space<vmem>> -> memref<1x80x128xf32, #tpu.memory_space<vmem>>
        %dma_wait3A_283 = tpu.memref_squeeze %dma_wait3A_282 : memref<1x80x128xf32, #tpu.memory_space<vmem>> -> memref<80x128xf32, #tpu.memory_space<vmem>>
        %dma_wait3A_284 = arith.constant 0 : i32
        %dma_wait3A_285 = tpu.memref_slice %arg10[%rem3A_212, %dma_wait3A_278, %dma_wait3A_284] : memref<2x2x80xi32, #tpu.memory_space<vmem>> -> memref<1x1x80xi32, #tpu.memory_space<vmem>>
        %dma_wait3A_286 = tpu.memref_squeeze %dma_wait3A_285 : memref<1x1x80xi32, #tpu.memory_space<vmem>> -> memref<80xi32, #tpu.memory_space<vmem>>
        %dma_wait3A_287 = arith.constant 0 : i32
        %dma_wait3A_288 = arith.constant 0 : i32
        %dma_wait3A_289 = tpu.memref_slice %arg14[%dma_wait3A_287, %dma_wait3A_288] : memref<10000x128xf32, #tpu.memory_space<vmem_shared>> -> memref<10000x128xf32, #tpu.memory_space<vmem_shared>>
        %dma_wait3A_290 = tpu.memref_slice %arg17[%dma_wait3A_279] : memref<2x!tpu.dma_semaphore, #tpu.memory_space<semaphore_mem>> -> memref<1x!tpu.dma_semaphore, #tpu.memory_space<semaphore_mem>>
        %dma_wait3A_291 = tpu.memref_squeeze %dma_wait3A_290 : memref<1x!tpu.dma_semaphore, #tpu.memory_space<semaphore_mem>> -> memref<!tpu.dma_semaphore, #tpu.memory_space<semaphore_mem>>
        tpu.wait_indirect_dma semaphore(%dma_wait3A_291 : memref<!tpu.dma_semaphore, #tpu.memory_space<semaphore_mem>>) src(%dma_wait3A_283 : memref<80x128xf32, #tpu.memory_space<vmem>>) dst(%dma_wait3A_289 : memref<10000x128xf32, #tpu.memory_space<vmem_shared>>)
        %dma_wait3A_292 = arith.constant 1 : i32
        %dma_wait3A_293 = arith.constant 1 : i32
        %dma_wait3A_294 = arith.constant 0 : i32
        %dma_wait3A_295 = tpu.memref_slice %arg10[%rem3A_212, %dma_wait3A_292, %dma_wait3A_294] : memref<2x2x80xi32, #tpu.memory_space<vmem>> -> memref<1x1x80xi32, #tpu.memory_space<vmem>>
        %dma_wait3A_296 = tpu.memref_squeeze %dma_wait3A_295 : memref<1x1x80xi32, #tpu.memory_space<vmem>> -> memref<80xi32, #tpu.memory_space<vmem>>
        %dma_wait3A_297 = arith.constant 0 : i32
        %dma_wait3A_298 = tpu.memref_slice %arg15[%dma_wait3A_297] : memref<10000xf32, #tpu.memory_space<vmem_shared>> -> memref<10000xf32, #tpu.memory_space<vmem_shared>>
        %dma_wait3A_299 = tpu.memref_slice %arg18[%dma_wait3A_293] : memref<2x!tpu.dma_semaphore, #tpu.memory_space<semaphore_mem>> -> memref<1x!tpu.dma_semaphore, #tpu.memory_space<semaphore_mem>>
        %dma_wait3A_300 = tpu.memref_squeeze %dma_wait3A_299 : memref<1x!tpu.dma_semaphore, #tpu.memory_space<semaphore_mem>> -> memref<!tpu.dma_semaphore, #tpu.memory_space<semaphore_mem>>
        tpu.wait_indirect_dma semaphore(%dma_wait3A_300 : memref<!tpu.dma_semaphore, #tpu.memory_space<semaphore_mem>>) src(%arg12 : memref<80xf32, #tpu.memory_space<vmem>>) dst(%dma_wait3A_298 : memref<10000xf32, #tpu.memory_space<vmem_shared>>)
      } else {
      }
      %lt3A_265 = arith.constant 125 : i32
      %lt3A_266 = arith.cmpi slt, %add3A_259, %lt3A_265 : i32
      %convert_element_type3A_267 = arith.extui %lt3A_266 : i1 to i32
      %cond3A_268 = arith.constant 0 : i32
      %cond3A_269 = arith.cmpi ne, %convert_element_type3A_267, %cond3A_268 : i32
      scf.if %cond3A_269 {
        %sub3A = arith.constant 1 : i32
        %sub3A_277 = arith.subi %sub3A, %rem3A_212 : i32
        %dma_start3A_278 = arith.constant 1 : i32
        %dma_start3A_279 = arith.constant 1 : i32
        %dma_start3A_280 = arith.constant 1 : i32
        %dma_start3A_281 = arith.constant 0 : i32
        %dma_start3A_282 = arith.constant 0 : i32
        %dma_start3A_283 = tpu.memref_slice %arg11[%dma_start3A_279, %dma_start3A_281, %dma_start3A_282] : memref<2x80x128xf32, #tpu.memory_space<vmem>> -> memref<1x80x128xf32, #tpu.memory_space<vmem>>
        %dma_start3A_284 = tpu.memref_squeeze %dma_start3A_283 : memref<1x80x128xf32, #tpu.memory_space<vmem>> -> memref<80x128xf32, #tpu.memory_space<vmem>>
        %dma_start3A_285 = arith.constant 0 : i32
        %dma_start3A_286 = tpu.memref_slice %arg9[%sub3A_277, %dma_start3A_278, %dma_start3A_285] : memref<2x2x80xi32, #tpu.memory_space<vmem>> -> memref<1x1x80xi32, #tpu.memory_space<vmem>>
        %dma_start3A_287 = tpu.memref_squeeze %dma_start3A_286 : memref<1x1x80xi32, #tpu.memory_space<vmem>> -> memref<80xi32, #tpu.memory_space<vmem>>
        %dma_start3A_288 = arith.constant 0 : i32
        %dma_start3A_289 = arith.constant 0 : i32
        %dma_start3A_290 = tpu.memref_slice %arg2[%dma_start3A_288, %dma_start3A_289] : memref<10000x128xf32, #tpu.memory_space<hbm>> -> memref<10000x128xf32, #tpu.memory_space<hbm>>
        %dma_start3A_291 = tpu.memref_slice %arg16[%dma_start3A_280] : memref<2x!tpu.dma_semaphore, #tpu.memory_space<semaphore_mem>> -> memref<1x!tpu.dma_semaphore, #tpu.memory_space<semaphore_mem>>
        %dma_start3A_292 = tpu.memref_squeeze %dma_start3A_291 : memref<1x!tpu.dma_semaphore, #tpu.memory_space<semaphore_mem>> -> memref<!tpu.dma_semaphore, #tpu.memory_space<semaphore_mem>>
        tpu.enqueue_indirect_dma source(%dma_start3A_290 : memref<10000x128xf32, #tpu.memory_space<hbm>>) target(%dma_start3A_284 : memref<80x128xf32, #tpu.memory_space<vmem>>) offsets(%dma_start3A_287 : memref<80xi32, #tpu.memory_space<vmem>>) semaphore(%dma_start3A_292 : memref<!tpu.dma_semaphore, #tpu.memory_space<semaphore_mem>>)
      } else {
      }
      %add3A_270 = arith.constant 2 : i32
      %add3A_271 = arith.addi %while3A_211, %add3A_270 : i32
      %lt3A_272 = arith.constant 64 : i32
      %lt3A_273 = arith.cmpi slt, %add3A_271, %lt3A_272 : i32
      %convert_element_type3A_274 = arith.extui %lt3A_273 : i1 to i32
      %cond3A_275 = arith.constant 0 : i32
      %cond3A_276 = arith.cmpi ne, %convert_element_type3A_274, %cond3A_275 : i32
      scf.if %cond3A_276 {
        %add3A_277 = arith.constant 2 : i32
        %add3A_278 = arith.addi %while3A_211, %add3A_277 : i32
        %mul3A_279 = arith.constant 2 : i32
        %mul3A_280 = arith.muli %add3A_278, %mul3A_279 : i32
        %dma_start3A_281 = arith.constant 0 : i32
        %dma_start3A_282 = arith.constant 0 : i32
        %dma_start3A_283 = tpu.memref_slice %arg9[%rem3A_212, %dma_start3A_281, %dma_start3A_282] : memref<2x2x80xi32, #tpu.memory_space<vmem>> -> memref<1x2x80xi32, #tpu.memory_space<vmem>>
        %dma_start3A_284 = tpu.memref_squeeze %dma_start3A_283 : memref<1x2x80xi32, #tpu.memory_space<vmem>> -> memref<2x80xi32, #tpu.memory_space<vmem>>
        %dma_start3A_285 = arith.constant 0 : i32
        %dma_start3A_286 = tpu.memref_slice %arg3[%add3A, %mul3A_280, %dma_start3A_285] : memref<32x128x80xi32, #tpu.memory_space<hbm>> -> memref<1x2x80xi32, #tpu.memory_space<hbm>>
        %dma_start3A_287 = tpu.memref_squeeze %dma_start3A_286 : memref<1x2x80xi32, #tpu.memory_space<hbm>> -> memref<2x80xi32, #tpu.memory_space<hbm>>
        %dma_start3A_288 = tpu.memref_slice %arg19[%rem3A_212] : memref<2x!tpu.dma_semaphore, #tpu.memory_space<semaphore_mem>> -> memref<1x!tpu.dma_semaphore, #tpu.memory_space<semaphore_mem>>
        %dma_start3A_289 = tpu.memref_squeeze %dma_start3A_288 : memref<1x!tpu.dma_semaphore, #tpu.memory_space<semaphore_mem>> -> memref<!tpu.dma_semaphore, #tpu.memory_space<semaphore_mem>>
        %dma_start3A_290 = arith.constant 0 : i32
        %dma_start3A_291 = arith.constant 0 : i32
        %dma_start3A_292 = tpu.memref_slice %arg9[%rem3A_212, %dma_start3A_290, %dma_start3A_291] : memref<2x2x80xi32, #tpu.memory_space<vmem>> -> memref<1x2x80xi32, #tpu.memory_space<vmem>>
        %dma_start3A_293 = tpu.memref_squeeze %dma_start3A_292 : memref<1x2x80xi32, #tpu.memory_space<vmem>> -> memref<2x80xi32, #tpu.memory_space<vmem>>
        %dma_start3A_294 = arith.constant 0 : i32
        %dma_start3A_295 = tpu.memref_slice %arg3[%add3A, %mul3A_280, %dma_start3A_294] : memref<32x128x80xi32, #tpu.memory_space<hbm>> -> memref<1x2x80xi32, #tpu.memory_space<hbm>>
        %dma_start3A_296 = tpu.memref_squeeze %dma_start3A_295 : memref<1x2x80xi32, #tpu.memory_space<hbm>> -> memref<2x80xi32, #tpu.memory_space<hbm>>
        tpu.enqueue_dma source(%dma_start3A_296 : memref<2x80xi32, #tpu.memory_space<hbm>>) target(%dma_start3A_293 : memref<2x80xi32, #tpu.memory_space<vmem>>) target_semaphore(%dma_start3A_289 : memref<!tpu.dma_semaphore, #tpu.memory_space<semaphore_mem>>)
        %mul3A_297 = arith.constant 2 : i32
        %mul3A_298 = arith.muli %add3A_278, %mul3A_297 : i32
        %dma_start3A_299 = arith.constant 0 : i32
        %dma_start3A_300 = arith.constant 0 : i32
        %dma_start3A_301 = tpu.memref_slice %arg10[%rem3A_212, %dma_start3A_299, %dma_start3A_300] : memref<2x2x80xi32, #tpu.memory_space<vmem>> -> memref<1x2x80xi32, #tpu.memory_space<vmem>>
        %dma_start3A_302 = tpu.memref_squeeze %dma_start3A_301 : memref<1x2x80xi32, #tpu.memory_space<vmem>> -> memref<2x80xi32, #tpu.memory_space<vmem>>
        %dma_start3A_303 = arith.constant 0 : i32
        %dma_start3A_304 = tpu.memref_slice %arg4[%add3A, %mul3A_298, %dma_start3A_303] : memref<32x128x80xi32, #tpu.memory_space<hbm>> -> memref<1x2x80xi32, #tpu.memory_space<hbm>>
        %dma_start3A_305 = tpu.memref_squeeze %dma_start3A_304 : memref<1x2x80xi32, #tpu.memory_space<hbm>> -> memref<2x80xi32, #tpu.memory_space<hbm>>
        %dma_start3A_306 = tpu.memref_slice %arg19[%rem3A_212] : memref<2x!tpu.dma_semaphore, #tpu.memory_space<semaphore_mem>> -> memref<1x!tpu.dma_semaphore, #tpu.memory_space<semaphore_mem>>
        %dma_start3A_307 = tpu.memref_squeeze %dma_start3A_306 : memref<1x!tpu.dma_semaphore, #tpu.memory_space<semaphore_mem>> -> memref<!tpu.dma_semaphore, #tpu.memory_space<semaphore_mem>>
        %dma_start3A_308 = arith.constant 0 : i32
        %dma_start3A_309 = arith.constant 0 : i32
        %dma_start3A_310 = tpu.memref_slice %arg10[%rem3A_212, %dma_start3A_308, %dma_start3A_309] : memref<2x2x80xi32, #tpu.memory_space<vmem>> -> memref<1x2x80xi32, #tpu.memory_space<vmem>>
        %dma_start3A_311 = tpu.memref_squeeze %dma_start3A_310 : memref<1x2x80xi32, #tpu.memory_space<vmem>> -> memref<2x80xi32, #tpu.memory_space<vmem>>
        %dma_start3A_312 = arith.constant 0 : i32
        %dma_start3A_313 = tpu.memref_slice %arg4[%add3A, %mul3A_298, %dma_start3A_312] : memref<32x128x80xi32, #tpu.memory_space<hbm>> -> memref<1x2x80xi32, #tpu.memory_space<hbm>>
        %dma_start3A_314 = tpu.memref_squeeze %dma_start3A_313 : memref<1x2x80xi32, #tpu.memory_space<hbm>> -> memref<2x80xi32, #tpu.memory_space<hbm>>
        tpu.enqueue_dma source(%dma_start3A_314 : memref<2x80xi32, #tpu.memory_space<hbm>>) target(%dma_start3A_311 : memref<2x80xi32, #tpu.memory_space<vmem>>) target_semaphore(%dma_start3A_307 : memref<!tpu.dma_semaphore, #tpu.memory_space<semaphore_mem>>)
      } else {
      }
    }
    %while3A_199 = arith.constant 1 : i32
    scf.for %while3A_211 = %while3A_197 to %while3A_193 step %while3A_199  : i32 {
      %rem3A = arith.constant 2 : i32
      %rem3A_212 = arith.remsi %while3A_211, %rem3A : i32
      %mul3A_213 = arith.constant 2 : i32
      %mul3A_214 = arith.muli %while3A_211, %mul3A_213 : i32
      %add3A_215 = arith.constant 0 : i32
      %add3A_216 = arith.addi %mul3A_214, %add3A_215 : i32
      %lt3A_217 = arith.constant 125 : i32
      %lt3A_218 = arith.cmpi slt, %add3A_216, %lt3A_217 : i32
      %convert_element_type3A_219 = arith.extui %lt3A_218 : i1 to i32
      %cond3A_220 = arith.constant 0 : i32
      %cond3A_221 = arith.cmpi ne, %convert_element_type3A_219, %cond3A_220 : i32
      scf.if %cond3A_221 {
        %dma_wait3A_277 = arith.constant 0 : i32
        %dma_wait3A_278 = arith.constant 0 : i32
        %dma_wait3A_279 = arith.constant 0 : i32
        %dma_wait3A_280 = arith.constant 0 : i32
        %dma_wait3A_281 = arith.constant 0 : i32
        %dma_wait3A_282 = tpu.memref_slice %arg11[%dma_wait3A_278, %dma_wait3A_280, %dma_wait3A_281] : memref<2x80x128xf32, #tpu.memory_space<vmem>> -> memref<1x80x128xf32, #tpu.memory_space<vmem>>
        %dma_wait3A_283 = tpu.memref_squeeze %dma_wait3A_282 : memref<1x80x128xf32, #tpu.memory_space<vmem>> -> memref<80x128xf32, #tpu.memory_space<vmem>>
        %dma_wait3A_284 = arith.constant 0 : i32
        %dma_wait3A_285 = tpu.memref_slice %arg9[%rem3A_212, %dma_wait3A_277, %dma_wait3A_284] : memref<2x2x80xi32, #tpu.memory_space<vmem>> -> memref<1x1x80xi32, #tpu.memory_space<vmem>>
        %dma_wait3A_286 = tpu.memref_squeeze %dma_wait3A_285 : memref<1x1x80xi32, #tpu.memory_space<vmem>> -> memref<80xi32, #tpu.memory_space<vmem>>
        %dma_wait3A_287 = arith.constant 0 : i32
        %dma_wait3A_288 = arith.constant 0 : i32
        %dma_wait3A_289 = tpu.memref_slice %arg2[%dma_wait3A_287, %dma_wait3A_288] : memref<10000x128xf32, #tpu.memory_space<hbm>> -> memref<10000x128xf32, #tpu.memory_space<hbm>>
        %dma_wait3A_290 = tpu.memref_slice %arg16[%dma_wait3A_279] : memref<2x!tpu.dma_semaphore, #tpu.memory_space<semaphore_mem>> -> memref<1x!tpu.dma_semaphore, #tpu.memory_space<semaphore_mem>>
        %dma_wait3A_291 = tpu.memref_squeeze %dma_wait3A_290 : memref<1x!tpu.dma_semaphore, #tpu.memory_space<semaphore_mem>> -> memref<!tpu.dma_semaphore, #tpu.memory_space<semaphore_mem>>
        tpu.wait_indirect_dma semaphore(%dma_wait3A_291 : memref<!tpu.dma_semaphore, #tpu.memory_space<semaphore_mem>>) src(%dma_wait3A_289 : memref<10000x128xf32, #tpu.memory_space<hbm>>) dst(%dma_wait3A_283 : memref<80x128xf32, #tpu.memory_space<vmem>>)
        %dma_start3A_292 = arith.constant 0 : i32
        %dma_start3A_293 = arith.constant 0 : i32
        %dma_start3A_294 = arith.constant 0 : i32
        %dma_start3A_295 = arith.constant 0 : i32
        %dma_start3A_296 = arith.constant 0 : i32
        %dma_start3A_297 = tpu.memref_slice %arg11[%dma_start3A_292, %dma_start3A_295, %dma_start3A_296] : memref<2x80x128xf32, #tpu.memory_space<vmem>> -> memref<1x80x128xf32, #tpu.memory_space<vmem>>
        %dma_start3A_298 = tpu.memref_squeeze %dma_start3A_297 : memref<1x80x128xf32, #tpu.memory_space<vmem>> -> memref<80x128xf32, #tpu.memory_space<vmem>>
        %dma_start3A_299 = arith.constant 0 : i32
        %dma_start3A_300 = tpu.memref_slice %arg10[%rem3A_212, %dma_start3A_293, %dma_start3A_299] : memref<2x2x80xi32, #tpu.memory_space<vmem>> -> memref<1x1x80xi32, #tpu.memory_space<vmem>>
        %dma_start3A_301 = tpu.memref_squeeze %dma_start3A_300 : memref<1x1x80xi32, #tpu.memory_space<vmem>> -> memref<80xi32, #tpu.memory_space<vmem>>
        %dma_start3A_302 = arith.constant 0 : i32
        %dma_start3A_303 = arith.constant 0 : i32
        %dma_start3A_304 = tpu.memref_slice %arg14[%dma_start3A_302, %dma_start3A_303] : memref<10000x128xf32, #tpu.memory_space<vmem_shared>> -> memref<10000x128xf32, #tpu.memory_space<vmem_shared>>
        %dma_start3A_305 = tpu.memref_slice %arg17[%dma_start3A_294] : memref<2x!tpu.dma_semaphore, #tpu.memory_space<semaphore_mem>> -> memref<1x!tpu.dma_semaphore, #tpu.memory_space<semaphore_mem>>
        %dma_start3A_306 = tpu.memref_squeeze %dma_start3A_305 : memref<1x!tpu.dma_semaphore, #tpu.memory_space<semaphore_mem>> -> memref<!tpu.dma_semaphore, #tpu.memory_space<semaphore_mem>>
        tpu.enqueue_indirect_dma source(%dma_start3A_298 : memref<80x128xf32, #tpu.memory_space<vmem>>) target(%dma_start3A_304 : memref<10000x128xf32, #tpu.memory_space<vmem_shared>>) offsets(%dma_start3A_301 : memref<80xi32, #tpu.memory_space<vmem>>) semaphore(%dma_start3A_306 : memref<!tpu.dma_semaphore, #tpu.memory_space<semaphore_mem>>) {add = true}
        %dma_start3A_307 = arith.constant 0 : i32
        %dma_start3A_308 = arith.constant 0 : i32
        %dma_start3A_309 = arith.constant 0 : i32
        %dma_start3A_310 = tpu.memref_slice %arg10[%rem3A_212, %dma_start3A_307, %dma_start3A_309] : memref<2x2x80xi32, #tpu.memory_space<vmem>> -> memref<1x1x80xi32, #tpu.memory_space<vmem>>
        %dma_start3A_311 = tpu.memref_squeeze %dma_start3A_310 : memref<1x1x80xi32, #tpu.memory_space<vmem>> -> memref<80xi32, #tpu.memory_space<vmem>>
        %dma_start3A_312 = arith.constant 0 : i32
        %dma_start3A_313 = tpu.memref_slice %arg15[%dma_start3A_312] : memref<10000xf32, #tpu.memory_space<vmem_shared>> -> memref<10000xf32, #tpu.memory_space<vmem_shared>>
        %dma_start3A_314 = tpu.memref_slice %arg18[%dma_start3A_308] : memref<2x!tpu.dma_semaphore, #tpu.memory_space<semaphore_mem>> -> memref<1x!tpu.dma_semaphore, #tpu.memory_space<semaphore_mem>>
        %dma_start3A_315 = tpu.memref_squeeze %dma_start3A_314 : memref<1x!tpu.dma_semaphore, #tpu.memory_space<semaphore_mem>> -> memref<!tpu.dma_semaphore, #tpu.memory_space<semaphore_mem>>
        tpu.enqueue_indirect_dma source(%arg12 : memref<80xf32, #tpu.memory_space<vmem>>) target(%dma_start3A_313 : memref<10000xf32, #tpu.memory_space<vmem_shared>>) offsets(%dma_start3A_311 : memref<80xi32, #tpu.memory_space<vmem>>) semaphore(%dma_start3A_315 : memref<!tpu.dma_semaphore, #tpu.memory_space<semaphore_mem>>) {add = true}
      } else {
      }
      %mul3A_222 = arith.constant 2 : i32
      %mul3A_223 = arith.muli %while3A_211, %mul3A_222 : i32
      %add3A_224 = arith.constant 1 : i32
      %add3A_225 = arith.addi %mul3A_223, %add3A_224 : i32
      %lt3A_226 = arith.constant 125 : i32
      %lt3A_227 = arith.cmpi slt, %add3A_225, %lt3A_226 : i32
      %convert_element_type3A_228 = arith.extui %lt3A_227 : i1 to i32
      %cond3A_229 = arith.constant 0 : i32
      %cond3A_230 = arith.cmpi ne, %convert_element_type3A_228, %cond3A_229 : i32
      scf.if %cond3A_230 {
        %dma_wait3A_277 = arith.constant 1 : i32
        %dma_wait3A_278 = arith.constant 1 : i32
        %dma_wait3A_279 = arith.constant 1 : i32
        %dma_wait3A_280 = arith.constant 0 : i32
        %dma_wait3A_281 = arith.constant 0 : i32
        %dma_wait3A_282 = tpu.memref_slice %arg11[%dma_wait3A_278, %dma_wait3A_280, %dma_wait3A_281] : memref<2x80x128xf32, #tpu.memory_space<vmem>> -> memref<1x80x128xf32, #tpu.memory_space<vmem>>
        %dma_wait3A_283 = tpu.memref_squeeze %dma_wait3A_282 : memref<1x80x128xf32, #tpu.memory_space<vmem>> -> memref<80x128xf32, #tpu.memory_space<vmem>>
        %dma_wait3A_284 = arith.constant 0 : i32
        %dma_wait3A_285 = tpu.memref_slice %arg9[%rem3A_212, %dma_wait3A_277, %dma_wait3A_284] : memref<2x2x80xi32, #tpu.memory_space<vmem>> -> memref<1x1x80xi32, #tpu.memory_space<vmem>>
        %dma_wait3A_286 = tpu.memref_squeeze %dma_wait3A_285 : memref<1x1x80xi32, #tpu.memory_space<vmem>> -> memref<80xi32, #tpu.memory_space<vmem>>
        %dma_wait3A_287 = arith.constant 0 : i32
        %dma_wait3A_288 = arith.constant 0 : i32
        %dma_wait3A_289 = tpu.memref_slice %arg2[%dma_wait3A_287, %dma_wait3A_288] : memref<10000x128xf32, #tpu.memory_space<hbm>> -> memref<10000x128xf32, #tpu.memory_space<hbm>>
        %dma_wait3A_290 = tpu.memref_slice %arg16[%dma_wait3A_279] : memref<2x!tpu.dma_semaphore, #tpu.memory_space<semaphore_mem>> -> memref<1x!tpu.dma_semaphore, #tpu.memory_space<semaphore_mem>>
        %dma_wait3A_291 = tpu.memref_squeeze %dma_wait3A_290 : memref<1x!tpu.dma_semaphore, #tpu.memory_space<semaphore_mem>> -> memref<!tpu.dma_semaphore, #tpu.memory_space<semaphore_mem>>
        tpu.wait_indirect_dma semaphore(%dma_wait3A_291 : memref<!tpu.dma_semaphore, #tpu.memory_space<semaphore_mem>>) src(%dma_wait3A_289 : memref<10000x128xf32, #tpu.memory_space<hbm>>) dst(%dma_wait3A_283 : memref<80x128xf32, #tpu.memory_space<vmem>>)
        %dma_start3A_292 = arith.constant 1 : i32
        %dma_start3A_293 = arith.constant 1 : i32
        %dma_start3A_294 = arith.constant 1 : i32
        %dma_start3A_295 = arith.constant 0 : i32
        %dma_start3A_296 = arith.constant 0 : i32
        %dma_start3A_297 = tpu.memref_slice %arg11[%dma_start3A_292, %dma_start3A_295, %dma_start3A_296] : memref<2x80x128xf32, #tpu.memory_space<vmem>> -> memref<1x80x128xf32, #tpu.memory_space<vmem>>
        %dma_start3A_298 = tpu.memref_squeeze %dma_start3A_297 : memref<1x80x128xf32, #tpu.memory_space<vmem>> -> memref<80x128xf32, #tpu.memory_space<vmem>>
        %dma_start3A_299 = arith.constant 0 : i32
        %dma_start3A_300 = tpu.memref_slice %arg10[%rem3A_212, %dma_start3A_293, %dma_start3A_299] : memref<2x2x80xi32, #tpu.memory_space<vmem>> -> memref<1x1x80xi32, #tpu.memory_space<vmem>>
        %dma_start3A_301 = tpu.memref_squeeze %dma_start3A_300 : memref<1x1x80xi32, #tpu.memory_space<vmem>> -> memref<80xi32, #tpu.memory_space<vmem>>
        %dma_start3A_302 = arith.constant 0 : i32
        %dma_start3A_303 = arith.constant 0 : i32
        %dma_start3A_304 = tpu.memref_slice %arg14[%dma_start3A_302, %dma_start3A_303] : memref<10000x128xf32, #tpu.memory_space<vmem_shared>> -> memref<10000x128xf32, #tpu.memory_space<vmem_shared>>
        %dma_start3A_305 = tpu.memref_slice %arg17[%dma_start3A_294] : memref<2x!tpu.dma_semaphore, #tpu.memory_space<semaphore_mem>> -> memref<1x!tpu.dma_semaphore, #tpu.memory_space<semaphore_mem>>
        %dma_start3A_306 = tpu.memref_squeeze %dma_start3A_305 : memref<1x!tpu.dma_semaphore, #tpu.memory_space<semaphore_mem>> -> memref<!tpu.dma_semaphore, #tpu.memory_space<semaphore_mem>>
        tpu.enqueue_indirect_dma source(%dma_start3A_298 : memref<80x128xf32, #tpu.memory_space<vmem>>) target(%dma_start3A_304 : memref<10000x128xf32, #tpu.memory_space<vmem_shared>>) offsets(%dma_start3A_301 : memref<80xi32, #tpu.memory_space<vmem>>) semaphore(%dma_start3A_306 : memref<!tpu.dma_semaphore, #tpu.memory_space<semaphore_mem>>) {add = true}
        %dma_start3A_307 = arith.constant 1 : i32
        %dma_start3A_308 = arith.constant 1 : i32
        %dma_start3A_309 = arith.constant 0 : i32
        %dma_start3A_310 = tpu.memref_slice %arg10[%rem3A_212, %dma_start3A_307, %dma_start3A_309] : memref<2x2x80xi32, #tpu.memory_space<vmem>> -> memref<1x1x80xi32, #tpu.memory_space<vmem>>
        %dma_start3A_311 = tpu.memref_squeeze %dma_start3A_310 : memref<1x1x80xi32, #tpu.memory_space<vmem>> -> memref<80xi32, #tpu.memory_space<vmem>>
        %dma_start3A_312 = arith.constant 0 : i32
        %dma_start3A_313 = tpu.memref_slice %arg15[%dma_start3A_312] : memref<10000xf32, #tpu.memory_space<vmem_shared>> -> memref<10000xf32, #tpu.memory_space<vmem_shared>>
        %dma_start3A_314 = tpu.memref_slice %arg18[%dma_start3A_308] : memref<2x!tpu.dma_semaphore, #tpu.memory_space<semaphore_mem>> -> memref<1x!tpu.dma_semaphore, #tpu.memory_space<semaphore_mem>>
        %dma_start3A_315 = tpu.memref_squeeze %dma_start3A_314 : memref<1x!tpu.dma_semaphore, #tpu.memory_space<semaphore_mem>> -> memref<!tpu.dma_semaphore, #tpu.memory_space<semaphore_mem>>
        tpu.enqueue_indirect_dma source(%arg12 : memref<80xf32, #tpu.memory_space<vmem>>) target(%dma_start3A_313 : memref<10000xf32, #tpu.memory_space<vmem_shared>>) offsets(%dma_start3A_311 : memref<80xi32, #tpu.memory_space<vmem>>) semaphore(%dma_start3A_315 : memref<!tpu.dma_semaphore, #tpu.memory_space<semaphore_mem>>) {add = true}
      } else {
      }
      %add3A_231 = arith.constant 1 : i32
      %add3A_232 = arith.addi %while3A_211, %add3A_231 : i32
      %lt3A_233 = arith.constant 64 : i32
      %lt3A_234 = arith.cmpi slt, %add3A_232, %lt3A_233 : i32
      %convert_element_type3A_235 = arith.extui %lt3A_234 : i1 to i32
      %cond3A_236 = arith.constant 0 : i32
      %cond3A_237 = arith.cmpi ne, %convert_element_type3A_235, %cond3A_236 : i32
      scf.if %cond3A_237 {
        %sub3A = arith.constant 1 : i32
        %sub3A_277 = arith.subi %sub3A, %rem3A_212 : i32
        %dma_wait3A_278 = arith.constant 0 : i32
        %dma_wait3A_279 = arith.constant 0 : i32
        %dma_wait3A_280 = tpu.memref_slice %arg9[%sub3A_277, %dma_wait3A_278, %dma_wait3A_279] : memref<2x2x80xi32, #tpu.memory_space<vmem>> -> memref<1x2x80xi32, #tpu.memory_space<vmem>>
        %dma_wait3A_281 = tpu.memref_squeeze %dma_wait3A_280 : memref<1x2x80xi32, #tpu.memory_space<vmem>> -> memref<2x80xi32, #tpu.memory_space<vmem>>
        %dma_wait3A_282 = arith.constant 0 : i32
        %dma_wait3A_283 = arith.constant 0 : i32
        %dma_wait3A_284 = tpu.memref_slice %arg3[%add3A, %dma_wait3A_282, %dma_wait3A_283] : memref<32x128x80xi32, #tpu.memory_space<hbm>> -> memref<1x2x80xi32, #tpu.memory_space<hbm>>
        %dma_wait3A_285 = tpu.memref_squeeze %dma_wait3A_284 : memref<1x2x80xi32, #tpu.memory_space<hbm>> -> memref<2x80xi32, #tpu.memory_space<hbm>>
        %dma_wait3A_286 = tpu.memref_slice %arg19[%sub3A_277] : memref<2x!tpu.dma_semaphore, #tpu.memory_space<semaphore_mem>> -> memref<1x!tpu.dma_semaphore, #tpu.memory_space<semaphore_mem>>
        %dma_wait3A_287 = tpu.memref_squeeze %dma_wait3A_286 : memref<1x!tpu.dma_semaphore, #tpu.memory_space<semaphore_mem>> -> memref<!tpu.dma_semaphore, #tpu.memory_space<semaphore_mem>>
        %dma_wait3A_288 = arith.constant 0 : i32
        %dma_wait3A_289 = arith.constant 0 : i32
        %dma_wait3A_290 = tpu.memref_slice %arg9[%sub3A_277, %dma_wait3A_288, %dma_wait3A_289] : memref<2x2x80xi32, #tpu.memory_space<vmem>> -> memref<1x2x80xi32, #tpu.memory_space<vmem>>
        %dma_wait3A_291 = tpu.memref_squeeze %dma_wait3A_290 : memref<1x2x80xi32, #tpu.memory_space<vmem>> -> memref<2x80xi32, #tpu.memory_space<vmem>>
        %dma_wait3A_292 = arith.constant 0 : i32
        %dma_wait3A_293 = arith.constant 0 : i32
        %dma_wait3A_294 = tpu.memref_slice %arg3[%add3A, %dma_wait3A_292, %dma_wait3A_293] : memref<32x128x80xi32, #tpu.memory_space<hbm>> -> memref<1x2x80xi32, #tpu.memory_space<hbm>>
        %dma_wait3A_295 = tpu.memref_squeeze %dma_wait3A_294 : memref<1x2x80xi32, #tpu.memory_space<hbm>> -> memref<2x80xi32, #tpu.memory_space<hbm>>
        tpu.wait_dma2 semaphore(%dma_wait3A_287 : memref<!tpu.dma_semaphore, #tpu.memory_space<semaphore_mem>>) src(%dma_wait3A_295 : memref<2x80xi32, #tpu.memory_space<hbm>>) dst(%dma_wait3A_291 : memref<2x80xi32, #tpu.memory_space<vmem>>)
        %dma_wait3A_296 = arith.constant 0 : i32
        %dma_wait3A_297 = arith.constant 0 : i32
        %dma_wait3A_298 = tpu.memref_slice %arg10[%sub3A_277, %dma_wait3A_296, %dma_wait3A_297] : memref<2x2x80xi32, #tpu.memory_space<vmem>> -> memref<1x2x80xi32, #tpu.memory_space<vmem>>
        %dma_wait3A_299 = tpu.memref_squeeze %dma_wait3A_298 : memref<1x2x80xi32, #tpu.memory_space<vmem>> -> memref<2x80xi32, #tpu.memory_space<vmem>>
        %dma_wait3A_300 = arith.constant 0 : i32
        %dma_wait3A_301 = arith.constant 0 : i32
        %dma_wait3A_302 = tpu.memref_slice %arg4[%add3A, %dma_wait3A_300, %dma_wait3A_301] : memref<32x128x80xi32, #tpu.memory_space<hbm>> -> memref<1x2x80xi32, #tpu.memory_space<hbm>>
        %dma_wait3A_303 = tpu.memref_squeeze %dma_wait3A_302 : memref<1x2x80xi32, #tpu.memory_space<hbm>> -> memref<2x80xi32, #tpu.memory_space<hbm>>
        %dma_wait3A_304 = tpu.memref_slice %arg19[%sub3A_277] : memref<2x!tpu.dma_semaphore, #tpu.memory_space<semaphore_mem>> -> memref<1x!tpu.dma_semaphore, #tpu.memory_space<semaphore_mem>>
        %dma_wait3A_305 = tpu.memref_squeeze %dma_wait3A_304 : memref<1x!tpu.dma_semaphore, #tpu.memory_space<semaphore_mem>> -> memref<!tpu.dma_semaphore, #tpu.memory_space<semaphore_mem>>
        %dma_wait3A_306 = arith.constant 0 : i32
        %dma_wait3A_307 = arith.constant 0 : i32
        %dma_wait3A_308 = tpu.memref_slice %arg10[%sub3A_277, %dma_wait3A_306, %dma_wait3A_307] : memref<2x2x80xi32, #tpu.memory_space<vmem>> -> memref<1x2x80xi32, #tpu.memory_space<vmem>>
        %dma_wait3A_309 = tpu.memref_squeeze %dma_wait3A_308 : memref<1x2x80xi32, #tpu.memory_space<vmem>> -> memref<2x80xi32, #tpu.memory_space<vmem>>
        %dma_wait3A_310 = arith.constant 0 : i32
        %dma_wait3A_311 = arith.constant 0 : i32
        %dma_wait3A_312 = tpu.memref_slice %arg4[%add3A, %dma_wait3A_310, %dma_wait3A_311] : memref<32x128x80xi32, #tpu.memory_space<hbm>> -> memref<1x2x80xi32, #tpu.memory_space<hbm>>
        %dma_wait3A_313 = tpu.memref_squeeze %dma_wait3A_312 : memref<1x2x80xi32, #tpu.memory_space<hbm>> -> memref<2x80xi32, #tpu.memory_space<hbm>>
        tpu.wait_dma2 semaphore(%dma_wait3A_305 : memref<!tpu.dma_semaphore, #tpu.memory_space<semaphore_mem>>) src(%dma_wait3A_313 : memref<2x80xi32, #tpu.memory_space<hbm>>) dst(%dma_wait3A_309 : memref<2x80xi32, #tpu.memory_space<vmem>>)
      } else {
      }
      %mul3A_238 = arith.constant 2 : i32
      %mul3A_239 = arith.muli %while3A_211, %mul3A_238 : i32
      %add3A_240 = arith.constant 0 : i32
      %add3A_241 = arith.addi %mul3A_239, %add3A_240 : i32
      %add3A_242 = arith.constant 2 : i32
      %add3A_243 = arith.addi %add3A_241, %add3A_242 : i32
      %lt3A_244 = arith.constant 125 : i32
      %lt3A_245 = arith.cmpi slt, %add3A_241, %lt3A_244 : i32
      %convert_element_type3A_246 = arith.extui %lt3A_245 : i1 to i32
      %cond3A_247 = arith.constant 0 : i32
      %cond3A_248 = arith.cmpi ne, %convert_element_type3A_246, %cond3A_247 : i32
      scf.if %cond3A_248 {
        %dma_wait3A_277 = arith.constant 0 : i32
        %dma_wait3A_278 = arith.constant 0 : i32
        %dma_wait3A_279 = arith.constant 0 : i32
        %dma_wait3A_280 = arith.constant 0 : i32
        %dma_wait3A_281 = arith.constant 0 : i32
        %dma_wait3A_282 = tpu.memref_slice %arg11[%dma_wait3A_277, %dma_wait3A_280, %dma_wait3A_281] : memref<2x80x128xf32, #tpu.memory_space<vmem>> -> memref<1x80x128xf32, #tpu.memory_space<vmem>>
        %dma_wait3A_283 = tpu.memref_squeeze %dma_wait3A_282 : memref<1x80x128xf32, #tpu.memory_space<vmem>> -> memref<80x128xf32, #tpu.memory_space<vmem>>
        %dma_wait3A_284 = arith.constant 0 : i32
        %dma_wait3A_285 = tpu.memref_slice %arg10[%rem3A_212, %dma_wait3A_278, %dma_wait3A_284] : memref<2x2x80xi32, #tpu.memory_space<vmem>> -> memref<1x1x80xi32, #tpu.memory_space<vmem>>
        %dma_wait3A_286 = tpu.memref_squeeze %dma_wait3A_285 : memref<1x1x80xi32, #tpu.memory_space<vmem>> -> memref<80xi32, #tpu.memory_space<vmem>>
        %dma_wait3A_287 = arith.constant 0 : i32
        %dma_wait3A_288 = arith.constant 0 : i32
        %dma_wait3A_289 = tpu.memref_slice %arg14[%dma_wait3A_287, %dma_wait3A_288] : memref<10000x128xf32, #tpu.memory_space<vmem_shared>> -> memref<10000x128xf32, #tpu.memory_space<vmem_shared>>
        %dma_wait3A_290 = tpu.memref_slice %arg17[%dma_wait3A_279] : memref<2x!tpu.dma_semaphore, #tpu.memory_space<semaphore_mem>> -> memref<1x!tpu.dma_semaphore, #tpu.memory_space<semaphore_mem>>
        %dma_wait3A_291 = tpu.memref_squeeze %dma_wait3A_290 : memref<1x!tpu.dma_semaphore, #tpu.memory_space<semaphore_mem>> -> memref<!tpu.dma_semaphore, #tpu.memory_space<semaphore_mem>>
        tpu.wait_indirect_dma semaphore(%dma_wait3A_291 : memref<!tpu.dma_semaphore, #tpu.memory_space<semaphore_mem>>) src(%dma_wait3A_283 : memref<80x128xf32, #tpu.memory_space<vmem>>) dst(%dma_wait3A_289 : memref<10000x128xf32, #tpu.memory_space<vmem_shared>>)
        %dma_wait3A_292 = arith.constant 0 : i32
        %dma_wait3A_293 = arith.constant 0 : i32
        %dma_wait3A_294 = arith.constant 0 : i32
        %dma_wait3A_295 = tpu.memref_slice %arg10[%rem3A_212, %dma_wait3A_292, %dma_wait3A_294] : memref<2x2x80xi32, #tpu.memory_space<vmem>> -> memref<1x1x80xi32, #tpu.memory_space<vmem>>
        %dma_wait3A_296 = tpu.memref_squeeze %dma_wait3A_295 : memref<1x1x80xi32, #tpu.memory_space<vmem>> -> memref<80xi32, #tpu.memory_space<vmem>>
        %dma_wait3A_297 = arith.constant 0 : i32
        %dma_wait3A_298 = tpu.memref_slice %arg15[%dma_wait3A_297] : memref<10000xf32, #tpu.memory_space<vmem_shared>> -> memref<10000xf32, #tpu.memory_space<vmem_shared>>
        %dma_wait3A_299 = tpu.memref_slice %arg18[%dma_wait3A_293] : memref<2x!tpu.dma_semaphore, #tpu.memory_space<semaphore_mem>> -> memref<1x!tpu.dma_semaphore, #tpu.memory_space<semaphore_mem>>
        %dma_wait3A_300 = tpu.memref_squeeze %dma_wait3A_299 : memref<1x!tpu.dma_semaphore, #tpu.memory_space<semaphore_mem>> -> memref<!tpu.dma_semaphore, #tpu.memory_space<semaphore_mem>>
        tpu.wait_indirect_dma semaphore(%dma_wait3A_300 : memref<!tpu.dma_semaphore, #tpu.memory_space<semaphore_mem>>) src(%arg12 : memref<80xf32, #tpu.memory_space<vmem>>) dst(%dma_wait3A_298 : memref<10000xf32, #tpu.memory_space<vmem_shared>>)
      } else {
      }
      %lt3A_249 = arith.constant 125 : i32
      %lt3A_250 = arith.cmpi slt, %add3A_243, %lt3A_249 : i32
      %convert_element_type3A_251 = arith.extui %lt3A_250 : i1 to i32
      %cond3A_252 = arith.constant 0 : i32
      %cond3A_253 = arith.cmpi ne, %convert_element_type3A_251, %cond3A_252 : i32
      scf.if %cond3A_253 {
        %sub3A = arith.constant 1 : i32
        %sub3A_277 = arith.subi %sub3A, %rem3A_212 : i32
        %dma_start3A_278 = arith.constant 0 : i32
        %dma_start3A_279 = arith.constant 0 : i32
        %dma_start3A_280 = arith.constant 0 : i32
        %dma_start3A_281 = arith.constant 0 : i32
        %dma_start3A_282 = arith.constant 0 : i32
        %dma_start3A_283 = tpu.memref_slice %arg11[%dma_start3A_279, %dma_start3A_281, %dma_start3A_282] : memref<2x80x128xf32, #tpu.memory_space<vmem>> -> memref<1x80x128xf32, #tpu.memory_space<vmem>>
        %dma_start3A_284 = tpu.memref_squeeze %dma_start3A_283 : memref<1x80x128xf32, #tpu.memory_space<vmem>> -> memref<80x128xf32, #tpu.memory_space<vmem>>
        %dma_start3A_285 = arith.constant 0 : i32
        %dma_start3A_286 = tpu.memref_slice %arg9[%sub3A_277, %dma_start3A_278, %dma_start3A_285] : memref<2x2x80xi32, #tpu.memory_space<vmem>> -> memref<1x1x80xi32, #tpu.memory_space<vmem>>
        %dma_start3A_287 = tpu.memref_squeeze %dma_start3A_286 : memref<1x1x80xi32, #tpu.memory_space<vmem>> -> memref<80xi32, #tpu.memory_space<vmem>>
        %dma_start3A_288 = arith.constant 0 : i32
        %dma_start3A_289 = arith.constant 0 : i32
        %dma_start3A_290 = tpu.memref_slice %arg2[%dma_start3A_288, %dma_start3A_289] : memref<10000x128xf32, #tpu.memory_space<hbm>> -> memref<10000x128xf32, #tpu.memory_space<hbm>>
        %dma_start3A_291 = tpu.memref_slice %arg16[%dma_start3A_280] : memref<2x!tpu.dma_semaphore, #tpu.memory_space<semaphore_mem>> -> memref<1x!tpu.dma_semaphore, #tpu.memory_space<semaphore_mem>>
        %dma_start3A_292 = tpu.memref_squeeze %dma_start3A_291 : memref<1x!tpu.dma_semaphore, #tpu.memory_space<semaphore_mem>> -> memref<!tpu.dma_semaphore, #tpu.memory_space<semaphore_mem>>
        tpu.enqueue_indirect_dma source(%dma_start3A_290 : memref<10000x128xf32, #tpu.memory_space<hbm>>) target(%dma_start3A_284 : memref<80x128xf32, #tpu.memory_space<vmem>>) offsets(%dma_start3A_287 : memref<80xi32, #tpu.memory_space<vmem>>) semaphore(%dma_start3A_292 : memref<!tpu.dma_semaphore, #tpu.memory_space<semaphore_mem>>)
      } else {
      }
      %mul3A_254 = arith.constant 2 : i32
      %mul3A_255 = arith.muli %while3A_211, %mul3A_254 : i32
      %add3A_256 = arith.constant 1 : i32
      %add3A_257 = arith.addi %mul3A_255, %add3A_256 : i32
      %add3A_258 = arith.constant 2 : i32
      %add3A_259 = arith.addi %add3A_257, %add3A_258 : i32
      %lt3A_260 = arith.constant 125 : i32
      %lt3A_261 = arith.cmpi slt, %add3A_257, %lt3A_260 : i32
      %convert_element_type3A_262 = arith.extui %lt3A_261 : i1 to i32
      %cond3A_263 = arith.constant 0 : i32
      %cond3A_264 = arith.cmpi ne, %convert_element_type3A_262, %cond3A_263 : i32
      scf.if %cond3A_264 {
        %dma_wait3A_277 = arith.constant 1 : i32
        %dma_wait3A_278 = arith.constant 1 : i32
        %dma_wait3A_279 = arith.constant 1 : i32
        %dma_wait3A_280 = arith.constant 0 : i32
        %dma_wait3A_281 = arith.constant 0 : i32
        %dma_wait3A_282 = tpu.memref_slice %arg11[%dma_wait3A_277, %dma_wait3A_280, %dma_wait3A_281] : memref<2x80x128xf32, #tpu.memory_space<vmem>> -> memref<1x80x128xf32, #tpu.memory_space<vmem>>
        %dma_wait3A_283 = tpu.memref_squeeze %dma_wait3A_282 : memref<1x80x128xf32, #tpu.memory_space<vmem>> -> memref<80x128xf32, #tpu.memory_space<vmem>>
        %dma_wait3A_284 = arith.constant 0 : i32
        %dma_wait3A_285 = tpu.memref_slice %arg10[%rem3A_212, %dma_wait3A_278, %dma_wait3A_284] : memref<2x2x80xi32, #tpu.memory_space<vmem>> -> memref<1x1x80xi32, #tpu.memory_space<vmem>>
        %dma_wait3A_286 = tpu.memref_squeeze %dma_wait3A_285 : memref<1x1x80xi32, #tpu.memory_space<vmem>> -> memref<80xi32, #tpu.memory_space<vmem>>
        %dma_wait3A_287 = arith.constant 0 : i32
        %dma_wait3A_288 = arith.constant 0 : i32
        %dma_wait3A_289 = tpu.memref_slice %arg14[%dma_wait3A_287, %dma_wait3A_288] : memref<10000x128xf32, #tpu.memory_space<vmem_shared>> -> memref<10000x128xf32, #tpu.memory_space<vmem_shared>>
        %dma_wait3A_290 = tpu.memref_slice %arg17[%dma_wait3A_279] : memref<2x!tpu.dma_semaphore, #tpu.memory_space<semaphore_mem>> -> memref<1x!tpu.dma_semaphore, #tpu.memory_space<semaphore_mem>>
        %dma_wait3A_291 = tpu.memref_squeeze %dma_wait3A_290 : memref<1x!tpu.dma_semaphore, #tpu.memory_space<semaphore_mem>> -> memref<!tpu.dma_semaphore, #tpu.memory_space<semaphore_mem>>
        tpu.wait_indirect_dma semaphore(%dma_wait3A_291 : memref<!tpu.dma_semaphore, #tpu.memory_space<semaphore_mem>>) src(%dma_wait3A_283 : memref<80x128xf32, #tpu.memory_space<vmem>>) dst(%dma_wait3A_289 : memref<10000x128xf32, #tpu.memory_space<vmem_shared>>)
        %dma_wait3A_292 = arith.constant 1 : i32
        %dma_wait3A_293 = arith.constant 1 : i32
        %dma_wait3A_294 = arith.constant 0 : i32
        %dma_wait3A_295 = tpu.memref_slice %arg10[%rem3A_212, %dma_wait3A_292, %dma_wait3A_294] : memref<2x2x80xi32, #tpu.memory_space<vmem>> -> memref<1x1x80xi32, #tpu.memory_space<vmem>>
        %dma_wait3A_296 = tpu.memref_squeeze %dma_wait3A_295 : memref<1x1x80xi32, #tpu.memory_space<vmem>> -> memref<80xi32, #tpu.memory_space<vmem>>
        %dma_wait3A_297 = arith.constant 0 : i32
        %dma_wait3A_298 = tpu.memref_slice %arg15[%dma_wait3A_297] : memref<10000xf32, #tpu.memory_space<vmem_shared>> -> memref<10000xf32, #tpu.memory_space<vmem_shared>>
        %dma_wait3A_299 = tpu.memref_slice %arg18[%dma_wait3A_293] : memref<2x!tpu.dma_semaphore, #tpu.memory_space<semaphore_mem>> -> memref<1x!tpu.dma_semaphore, #tpu.memory_space<semaphore_mem>>
        %dma_wait3A_300 = tpu.memref_squeeze %dma_wait3A_299 : memref<1x!tpu.dma_semaphore, #tpu.memory_space<semaphore_mem>> -> memref<!tpu.dma_semaphore, #tpu.memory_space<semaphore_mem>>
        tpu.wait_indirect_dma semaphore(%dma_wait3A_300 : memref<!tpu.dma_semaphore, #tpu.memory_space<semaphore_mem>>) src(%arg12 : memref<80xf32, #tpu.memory_space<vmem>>) dst(%dma_wait3A_298 : memref<10000xf32, #tpu.memory_space<vmem_shared>>)
      } else {
      }
      %lt3A_265 = arith.constant 125 : i32
      %lt3A_266 = arith.cmpi slt, %add3A_259, %lt3A_265 : i32
      %convert_element_type3A_267 = arith.extui %lt3A_266 : i1 to i32
      %cond3A_268 = arith.constant 0 : i32
      %cond3A_269 = arith.cmpi ne, %convert_element_type3A_267, %cond3A_268 : i32
      scf.if %cond3A_269 {
        %sub3A = arith.constant 1 : i32
        %sub3A_277 = arith.subi %sub3A, %rem3A_212 : i32
        %dma_start3A_278 = arith.constant 1 : i32
        %dma_start3A_279 = arith.constant 1 : i32
        %dma_start3A_280 = arith.constant 1 : i32
        %dma_start3A_281 = arith.constant 0 : i32
        %dma_start3A_282 = arith.constant 0 : i32
        %dma_start3A_283 = tpu.memref_slice %arg11[%dma_start3A_279, %dma_start3A_281, %dma_start3A_282] : memref<2x80x128xf32, #tpu.memory_space<vmem>> -> memref<1x80x128xf32, #tpu.memory_space<vmem>>
        %dma_start3A_284 = tpu.memref_squeeze %dma_start3A_283 : memref<1x80x128xf32, #tpu.memory_space<vmem>> -> memref<80x128xf32, #tpu.memory_space<vmem>>
        %dma_start3A_285 = arith.constant 0 : i32
        %dma_start3A_286 = tpu.memref_slice %arg9[%sub3A_277, %dma_start3A_278, %dma_start3A_285] : memref<2x2x80xi32, #tpu.memory_space<vmem>> -> memref<1x1x80xi32, #tpu.memory_space<vmem>>
        %dma_start3A_287 = tpu.memref_squeeze %dma_start3A_286 : memref<1x1x80xi32, #tpu.memory_space<vmem>> -> memref<80xi32, #tpu.memory_space<vmem>>
        %dma_start3A_288 = arith.constant 0 : i32
        %dma_start3A_289 = arith.constant 0 : i32
        %dma_start3A_290 = tpu.memref_slice %arg2[%dma_start3A_288, %dma_start3A_289] : memref<10000x128xf32, #tpu.memory_space<hbm>> -> memref<10000x128xf32, #tpu.memory_space<hbm>>
        %dma_start3A_291 = tpu.memref_slice %arg16[%dma_start3A_280] : memref<2x!tpu.dma_semaphore, #tpu.memory_space<semaphore_mem>> -> memref<1x!tpu.dma_semaphore, #tpu.memory_space<semaphore_mem>>
        %dma_start3A_292 = tpu.memref_squeeze %dma_start3A_291 : memref<1x!tpu.dma_semaphore, #tpu.memory_space<semaphore_mem>> -> memref<!tpu.dma_semaphore, #tpu.memory_space<semaphore_mem>>
        tpu.enqueue_indirect_dma source(%dma_start3A_290 : memref<10000x128xf32, #tpu.memory_space<hbm>>) target(%dma_start3A_284 : memref<80x128xf32, #tpu.memory_space<vmem>>) offsets(%dma_start3A_287 : memref<80xi32, #tpu.memory_space<vmem>>) semaphore(%dma_start3A_292 : memref<!tpu.dma_semaphore, #tpu.memory_space<semaphore_mem>>)
      } else {
      }
      %add3A_270 = arith.constant 2 : i32
      %add3A_271 = arith.addi %while3A_211, %add3A_270 : i32
      %lt3A_272 = arith.constant 64 : i32
      %lt3A_273 = arith.cmpi slt, %add3A_271, %lt3A_272 : i32
      %convert_element_type3A_274 = arith.extui %lt3A_273 : i1 to i32
      %cond3A_275 = arith.constant 0 : i32
      %cond3A_276 = arith.cmpi ne, %convert_element_type3A_274, %cond3A_275 : i32
      scf.if %cond3A_276 {
        %add3A_277 = arith.constant 2 : i32
        %add3A_278 = arith.addi %while3A_211, %add3A_277 : i32
        %mul3A_279 = arith.constant 2 : i32
        %mul3A_280 = arith.muli %add3A_278, %mul3A_279 : i32
        %dma_start3A_281 = arith.constant 0 : i32
        %dma_start3A_282 = arith.constant 0 : i32
        %dma_start3A_283 = tpu.memref_slice %arg9[%rem3A_212, %dma_start3A_281, %dma_start3A_282] : memref<2x2x80xi32, #tpu.memory_space<vmem>> -> memref<1x2x80xi32, #tpu.memory_space<vmem>>
        %dma_start3A_284 = tpu.memref_squeeze %dma_start3A_283 : memref<1x2x80xi32, #tpu.memory_space<vmem>> -> memref<2x80xi32, #tpu.memory_space<vmem>>
        %dma_start3A_285 = arith.constant 0 : i32
        %dma_start3A_286 = tpu.memref_slice %arg3[%add3A, %mul3A_280, %dma_start3A_285] : memref<32x128x80xi32, #tpu.memory_space<hbm>> -> memref<1x2x80xi32, #tpu.memory_space<hbm>>
        %dma_start3A_287 = tpu.memref_squeeze %dma_start3A_286 : memref<1x2x80xi32, #tpu.memory_space<hbm>> -> memref<2x80xi32, #tpu.memory_space<hbm>>
        %dma_start3A_288 = tpu.memref_slice %arg19[%rem3A_212] : memref<2x!tpu.dma_semaphore, #tpu.memory_space<semaphore_mem>> -> memref<1x!tpu.dma_semaphore, #tpu.memory_space<semaphore_mem>>
        %dma_start3A_289 = tpu.memref_squeeze %dma_start3A_288 : memref<1x!tpu.dma_semaphore, #tpu.memory_space<semaphore_mem>> -> memref<!tpu.dma_semaphore, #tpu.memory_space<semaphore_mem>>
        %dma_start3A_290 = arith.constant 0 : i32
        %dma_start3A_291 = arith.constant 0 : i32
        %dma_start3A_292 = tpu.memref_slice %arg9[%rem3A_212, %dma_start3A_290, %dma_start3A_291] : memref<2x2x80xi32, #tpu.memory_space<vmem>> -> memref<1x2x80xi32, #tpu.memory_space<vmem>>
        %dma_start3A_293 = tpu.memref_squeeze %dma_start3A_292 : memref<1x2x80xi32, #tpu.memory_space<vmem>> -> memref<2x80xi32, #tpu.memory_space<vmem>>
        %dma_start3A_294 = arith.constant 0 : i32
        %dma_start3A_295 = tpu.memref_slice %arg3[%add3A, %mul3A_280, %dma_start3A_294] : memref<32x128x80xi32, #tpu.memory_space<hbm>> -> memref<1x2x80xi32, #tpu.memory_space<hbm>>
        %dma_start3A_296 = tpu.memref_squeeze %dma_start3A_295 : memref<1x2x80xi32, #tpu.memory_space<hbm>> -> memref<2x80xi32, #tpu.memory_space<hbm>>
        tpu.enqueue_dma source(%dma_start3A_296 : memref<2x80xi32, #tpu.memory_space<hbm>>) target(%dma_start3A_293 : memref<2x80xi32, #tpu.memory_space<vmem>>) target_semaphore(%dma_start3A_289 : memref<!tpu.dma_semaphore, #tpu.memory_space<semaphore_mem>>)
        %mul3A_297 = arith.constant 2 : i32
        %mul3A_298 = arith.muli %add3A_278, %mul3A_297 : i32
        %dma_start3A_299 = arith.constant 0 : i32
        %dma_start3A_300 = arith.constant 0 : i32
        %dma_start3A_301 = tpu.memref_slice %arg10[%rem3A_212, %dma_start3A_299, %dma_start3A_300] : memref<2x2x80xi32, #tpu.memory_space<vmem>> -> memref<1x2x80xi32, #tpu.memory_space<vmem>>
        %dma_start3A_302 = tpu.memref_squeeze %dma_start3A_301 : memref<1x2x80xi32, #tpu.memory_space<vmem>> -> memref<2x80xi32, #tpu.memory_space<vmem>>
        %dma_start3A_303 = arith.constant 0 : i32
        %dma_start3A_304 = tpu.memref_slice %arg4[%add3A, %mul3A_298, %dma_start3A_303] : memref<32x128x80xi32, #tpu.memory_space<hbm>> -> memref<1x2x80xi32, #tpu.memory_space<hbm>>
        %dma_start3A_305 = tpu.memref_squeeze %dma_start3A_304 : memref<1x2x80xi32, #tpu.memory_space<hbm>> -> memref<2x80xi32, #tpu.memory_space<hbm>>
        %dma_start3A_306 = tpu.memref_slice %arg19[%rem3A_212] : memref<2x!tpu.dma_semaphore, #tpu.memory_space<semaphore_mem>> -> memref<1x!tpu.dma_semaphore, #tpu.memory_space<semaphore_mem>>
        %dma_start3A_307 = tpu.memref_squeeze %dma_start3A_306 : memref<1x!tpu.dma_semaphore, #tpu.memory_space<semaphore_mem>> -> memref<!tpu.dma_semaphore, #tpu.memory_space<semaphore_mem>>
        %dma_start3A_308 = arith.constant 0 : i32
        %dma_start3A_309 = arith.constant 0 : i32
        %dma_start3A_310 = tpu.memref_slice %arg10[%rem3A_212, %dma_start3A_308, %dma_start3A_309] : memref<2x2x80xi32, #tpu.memory_space<vmem>> -> memref<1x2x80xi32, #tpu.memory_space<vmem>>
        %dma_start3A_311 = tpu.memref_squeeze %dma_start3A_310 : memref<1x2x80xi32, #tpu.memory_space<vmem>> -> memref<2x80xi32, #tpu.memory_space<vmem>>
        %dma_start3A_312 = arith.constant 0 : i32
        %dma_start3A_313 = tpu.memref_slice %arg4[%add3A, %mul3A_298, %dma_start3A_312] : memref<32x128x80xi32, #tpu.memory_space<hbm>> -> memref<1x2x80xi32, #tpu.memory_space<hbm>>
        %dma_start3A_314 = tpu.memref_squeeze %dma_start3A_313 : memref<1x2x80xi32, #tpu.memory_space<hbm>> -> memref<2x80xi32, #tpu.memory_space<hbm>>
        tpu.enqueue_dma source(%dma_start3A_314 : memref<2x80xi32, #tpu.memory_space<hbm>>) target(%dma_start3A_311 : memref<2x80xi32, #tpu.memory_space<vmem>>) target_semaphore(%dma_start3A_307 : memref<!tpu.dma_semaphore, #tpu.memory_space<semaphore_mem>>)
      } else {
      }
    }
    %barrier3A_200 = arith.constant 0 : index
    tpu.barrier barrier_id(%barrier3A_200)
    %lt3A_201 = arith.constant 10 : i32
    %lt3A_202 = arith.cmpi slt, %arg1, %lt3A_201 : i32
    %convert_element_type3A_203 = arith.extui %lt3A_202 : i1 to i32
    %cond3A_204 = arith.constant 0 : i32
    %cond3A_205 = arith.cmpi ne, %convert_element_type3A_203, %cond3A_204 : i32
    scf.if %cond3A_205 {
      %mul3A_211 = arith.constant 1000 : i32
      %mul3A_212 = arith.muli %arg1, %mul3A_211 : i32
      %mul3A_213 = arith.constant 1000 : i32
      %mul3A_214 = arith.muli %arg1, %mul3A_213 : i32
      "tpu.region"() ({
        %run_scoped3A = tpu.sem_alloc : memref<!tpu.dma_semaphore, #tpu.memory_space<semaphore_mem>>
        %dma_start3A_215 = arith.constant 0 : i32
        %dma_start3A_216 = tpu.memref_slice %arg6[%arg0, %mul3A_214, %dma_start3A_215] : memref<2x10000x128xf32, #tpu.memory_space<hbm>> -> memref<1x1000x128xf32, #tpu.memory_space<hbm>>
        %dma_start3A_217 = tpu.memref_squeeze %dma_start3A_216 : memref<1x1000x128xf32, #tpu.memory_space<hbm>> -> memref<1000x128xf32, #tpu.memory_space<hbm>>
        %dma_start3A_218 = arith.constant 0 : i32
        %dma_start3A_219 = tpu.memref_slice %arg14[%mul3A_212, %dma_start3A_218] : memref<10000x128xf32, #tpu.memory_space<vmem_shared>> -> memref<1000x128xf32, #tpu.memory_space<vmem_shared>>
        tpu.enqueue_dma source(%dma_start3A_219 : memref<1000x128xf32, #tpu.memory_space<vmem_shared>>) target(%dma_start3A_217 : memref<1000x128xf32, #tpu.memory_space<hbm>>) target_semaphore(%run_scoped3A : memref<!tpu.dma_semaphore, #tpu.memory_space<semaphore_mem>>)
        %dma_wait3A_220 = arith.constant 0 : i32
        %dma_wait3A_221 = tpu.memref_slice %arg6[%arg0, %mul3A_214, %dma_wait3A_220] : memref<2x10000x128xf32, #tpu.memory_space<hbm>> -> memref<1x1000x128xf32, #tpu.memory_space<hbm>>
        %dma_wait3A_222 = tpu.memref_squeeze %dma_wait3A_221 : memref<1x1000x128xf32, #tpu.memory_space<hbm>> -> memref<1000x128xf32, #tpu.memory_space<hbm>>
        %dma_wait3A_223 = arith.constant 0 : i32
        %dma_wait3A_224 = tpu.memref_slice %arg14[%mul3A_212, %dma_wait3A_223] : memref<10000x128xf32, #tpu.memory_space<vmem_shared>> -> memref<1000x128xf32, #tpu.memory_space<vmem_shared>>
        tpu.wait_dma2 semaphore(%run_scoped3A : memref<!tpu.dma_semaphore, #tpu.memory_space<semaphore_mem>>) src(%dma_wait3A_224 : memref<1000x128xf32, #tpu.memory_space<vmem_shared>>) dst(%dma_wait3A_222 : memref<1000x128xf32, #tpu.memory_space<hbm>>)
        tpu.yield
      }) : () -> ()
    } else {
    }
    %lt3A_206 = arith.constant 5 : i32
    %lt3A_207 = arith.cmpi slt, %arg1, %lt3A_206 : i32
    %convert_element_type3A_208 = arith.extui %lt3A_207 : i1 to i32
    %cond3A_209 = arith.constant 0 : i32
    %cond3A_210 = arith.cmpi ne, %convert_element_type3A_208, %cond3A_209 : i32
    scf.if %cond3A_210 {
      %mul3A_211 = arith.constant 2000 : i32
      %mul3A_212 = arith.muli %arg1, %mul3A_211 : i32
      "tpu.region"() ({
        %run_scoped3A = tpu.sem_alloc : memref<!tpu.dma_semaphore, #tpu.memory_space<semaphore_mem>>
        %dma_start3A_222 = tpu.memref_slice %arg15[%mul3A_212] : memref<10000xf32, #tpu.memory_space<vmem_shared>> -> memref<2000xf32, #tpu.memory_space<vmem_shared>>
        %dma_start3A_223 = tpu.memref_slice %arg15[%mul3A_212] : memref<10000xf32, #tpu.memory_space<vmem_shared>> -> memref<2000xf32, #tpu.memory_space<vmem_shared>>
        tpu.enqueue_dma source(%dma_start3A_223 : memref<2000xf32, #tpu.memory_space<vmem_shared>>) target(%arg13 : memref<2000xf32, #tpu.memory_space<vmem>>) target_semaphore(%run_scoped3A : memref<!tpu.dma_semaphore, #tpu.memory_space<semaphore_mem>>)
        %dma_wait3A_224 = tpu.memref_slice %arg15[%mul3A_212] : memref<10000xf32, #tpu.memory_space<vmem_shared>> -> memref<2000xf32, #tpu.memory_space<vmem_shared>>
        %dma_wait3A_225 = tpu.memref_slice %arg15[%mul3A_212] : memref<10000xf32, #tpu.memory_space<vmem_shared>> -> memref<2000xf32, #tpu.memory_space<vmem_shared>>
        tpu.wait_dma2 semaphore(%run_scoped3A : memref<!tpu.dma_semaphore, #tpu.memory_space<semaphore_mem>>) src(%dma_wait3A_225 : memref<2000xf32, #tpu.memory_space<vmem_shared>>) dst(%arg13 : memref<2000xf32, #tpu.memory_space<vmem>>)
        tpu.yield
      }) : () -> ()
      %eq3A = arith.constant 0 : i32
      %eq3A_213 = arith.cmpi eq, %arg0, %eq3A : i32
      %convert_element_type3A_214 = arith.extui %eq3A_213 : i1 to i32
      %cond3A_215 = arith.constant 0 : i32
      %cond3A_216 = arith.cmpi ne, %convert_element_type3A_214, %cond3A_215 : i32
      scf.if %cond3A_216 {
        %mul3A_222 = arith.constant 2000 : i32
        %mul3A_223 = arith.muli %arg1, %mul3A_222 : i32
        "tpu.region"() ({
          %run_scoped3A = tpu.sem_alloc : memref<!tpu.dma_semaphore, #tpu.memory_space<semaphore_mem>>
          %dma_start3A_224 = tpu.memref_slice %arg7[%mul3A_223] : memref<10000xf32, #tpu.memory_space<hbm>> -> memref<2000xf32, #tpu.memory_space<hbm>>
          %dma_start3A_225 = tpu.memref_slice %arg7[%mul3A_223] : memref<10000xf32, #tpu.memory_space<hbm>> -> memref<2000xf32, #tpu.memory_space<hbm>>
          tpu.enqueue_dma source(%arg13 : memref<2000xf32, #tpu.memory_space<vmem>>) target(%dma_start3A_225 : memref<2000xf32, #tpu.memory_space<hbm>>) target_semaphore(%run_scoped3A : memref<!tpu.dma_semaphore, #tpu.memory_space<semaphore_mem>>)
          %dma_wait3A_226 = tpu.memref_slice %arg7[%mul3A_223] : memref<10000xf32, #tpu.memory_space<hbm>> -> memref<2000xf32, #tpu.memory_space<hbm>>
          %dma_wait3A_227 = tpu.memref_slice %arg7[%mul3A_223] : memref<10000xf32, #tpu.memory_space<hbm>> -> memref<2000xf32, #tpu.memory_space<hbm>>
          tpu.wait_dma2 semaphore(%run_scoped3A : memref<!tpu.dma_semaphore, #tpu.memory_space<semaphore_mem>>) src(%arg13 : memref<2000xf32, #tpu.memory_space<vmem>>) dst(%dma_wait3A_227 : memref<2000xf32, #tpu.memory_space<hbm>>)
          tpu.yield
        }) : () -> ()
      } else {
      }
      %eq3A_217 = arith.constant 1 : i32
      %eq3A_218 = arith.cmpi eq, %arg0, %eq3A_217 : i32
      %convert_element_type3A_219 = arith.extui %eq3A_218 : i1 to i32
      %cond3A_220 = arith.constant 0 : i32
      %cond3A_221 = arith.cmpi ne, %convert_element_type3A_219, %cond3A_220 : i32
      scf.if %cond3A_221 {
        %mul3A_222 = arith.constant 2000 : i32
        %mul3A_223 = arith.muli %arg1, %mul3A_222 : i32
        "tpu.region"() ({
          %run_scoped3A = tpu.sem_alloc : memref<!tpu.dma_semaphore, #tpu.memory_space<semaphore_mem>>
          %dma_start3A_224 = tpu.memref_slice %arg8[%mul3A_223] : memref<10000xf32, #tpu.memory_space<hbm>> -> memref<2000xf32, #tpu.memory_space<hbm>>
          %dma_start3A_225 = tpu.memref_slice %arg8[%mul3A_223] : memref<10000xf32, #tpu.memory_space<hbm>> -> memref<2000xf32, #tpu.memory_space<hbm>>
          tpu.enqueue_dma source(%arg13 : memref<2000xf32, #tpu.memory_space<vmem>>) target(%dma_start3A_225 : memref<2000xf32, #tpu.memory_space<hbm>>) target_semaphore(%run_scoped3A : memref<!tpu.dma_semaphore, #tpu.memory_space<semaphore_mem>>)
          %dma_wait3A_226 = tpu.memref_slice %arg8[%mul3A_223] : memref<10000xf32, #tpu.memory_space<hbm>> -> memref<2000xf32, #tpu.memory_space<hbm>>
          %dma_wait3A_227 = tpu.memref_slice %arg8[%mul3A_223] : memref<10000xf32, #tpu.memory_space<hbm>> -> memref<2000xf32, #tpu.memory_space<hbm>>
          tpu.wait_dma2 semaphore(%run_scoped3A : memref<!tpu.dma_semaphore, #tpu.memory_space<semaphore_mem>>) src(%arg13 : memref<2000xf32, #tpu.memory_space<vmem>>) dst(%dma_wait3A_227 : memref<2000xf32, #tpu.memory_space<hbm>>)
          tpu.yield
        }) : () -> ()
      } else {
      }
    } else {
    }
    return
  }
}

#map = affine_map<(d0, d1) -> (0, 0)>
#map1 = affine_map<(d0, d1) -> (0, 0, 0)>
module attributes {stable_mosaic.version = 14 : i64} {
  func.func @sage_sc_agg(%arg0: i32, %arg1: i32, %arg2: memref<10000x128xf32, #tpu.memory_space<hbm>>, %arg3: memref<32x128x80xi32, #tpu.memory_space<hbm>>, %arg4: memref<32x128x80xi32, #tpu.memory_space<hbm>>, %arg5: memref<10000x128xf32, #tpu.memory_space<hbm>>, %arg6: memref<2x10000x128xf32, #tpu.memory_space<hbm>>, %arg7: memref<2x2x80xi32, #tpu.memory_space<vmem>>, %arg8: memref<2x2x80xi32, #tpu.memory_space<vmem>>, %arg9: memref<2x80x128xf32, #tpu.memory_space<vmem>>, %arg10: memref<10000x128xf32, #tpu.memory_space<vmem_shared>>, %arg11: memref<2x!tpu.dma_semaphore, #tpu.memory_space<semaphore_mem>>, %arg12: memref<2x!tpu.dma_semaphore, #tpu.memory_space<semaphore_mem>>, %arg13: memref<2x!tpu.dma_semaphore, #tpu.memory_space<semaphore_mem>>) attributes {dimension_semantics = [#tpu.dimension_semantics<core_parallel>, #tpu.dimension_semantics<subcore_parallel>], iteration_bounds = array<i64: 2, 16>, scalar_prefetch = 0 : i64, scratch_operands = 7 : i64, tpu.core_type = #tpu.core_type<sc_vector_subcore>, window_params = [{transform_indices = #map}, {transform_indices = #map1}, {transform_indices = #map1}, {transform_indices = #map}, {transform_indices = #map1}]} {
    %mul3A = arith.constant 16 : i32
    %mul3A_0 = arith.muli %arg0, %mul3A : i32
    %add3A = arith.addi %mul3A_0, %arg1 : i32
    %lt3A = arith.constant 10 : i32
    %lt3A_1 = arith.cmpi slt, %arg1, %lt3A : i32
    %convert_element_type3A = arith.extui %lt3A_1 : i1 to i32
    %cond3A = arith.constant 0 : i32
    %cond3A_2 = arith.cmpi ne, %convert_element_type3A, %cond3A : i32
    scf.if %cond3A_2 {
      %mul3A_173 = arith.constant 1000 : i32
      %mul3A_174 = arith.muli %arg1, %mul3A_173 : i32
      %mul3A_175 = arith.constant 1000 : i32
      %mul3A_176 = arith.muli %arg1, %mul3A_175 : i32
      "tpu.region"() ({
        %run_scoped3A = tpu.sem_alloc : memref<!tpu.dma_semaphore, #tpu.memory_space<semaphore_mem>>
        %dma_start3A_177 = arith.constant 0 : i32
        %dma_start3A_178 = tpu.memref_slice %arg10[%mul3A_176, %dma_start3A_177] : memref<10000x128xf32, #tpu.memory_space<vmem_shared>> -> memref<1000x128xf32, #tpu.memory_space<vmem_shared>>
        %dma_start3A_179 = arith.constant 0 : i32
        %dma_start3A_180 = tpu.memref_slice %arg5[%mul3A_174, %dma_start3A_179] : memref<10000x128xf32, #tpu.memory_space<hbm>> -> memref<1000x128xf32, #tpu.memory_space<hbm>>
        tpu.enqueue_dma source(%dma_start3A_180 : memref<1000x128xf32, #tpu.memory_space<hbm>>) target(%dma_start3A_178 : memref<1000x128xf32, #tpu.memory_space<vmem_shared>>) target_semaphore(%run_scoped3A : memref<!tpu.dma_semaphore, #tpu.memory_space<semaphore_mem>>)
        %dma_wait3A_181 = arith.constant 0 : i32
        %dma_wait3A_182 = tpu.memref_slice %arg10[%mul3A_176, %dma_wait3A_181] : memref<10000x128xf32, #tpu.memory_space<vmem_shared>> -> memref<1000x128xf32, #tpu.memory_space<vmem_shared>>
        %dma_wait3A_183 = arith.constant 0 : i32
        %dma_wait3A_184 = tpu.memref_slice %arg5[%mul3A_174, %dma_wait3A_183] : memref<10000x128xf32, #tpu.memory_space<hbm>> -> memref<1000x128xf32, #tpu.memory_space<hbm>>
        tpu.wait_dma2 semaphore(%run_scoped3A : memref<!tpu.dma_semaphore, #tpu.memory_space<semaphore_mem>>) src(%dma_wait3A_184 : memref<1000x128xf32, #tpu.memory_space<hbm>>) dst(%dma_wait3A_182 : memref<1000x128xf32, #tpu.memory_space<vmem_shared>>)
        tpu.yield
      }) : () -> ()
    } else {
    }
    %barrier3A = arith.constant 0 : index
    tpu.barrier barrier_id(%barrier3A)
    %mul3A_3 = arith.constant 0 : i32
    %mul3A_4 = arith.constant 2 : i32
    %mul3A_5 = arith.muli %mul3A_3, %mul3A_4 : i32
    %dma_start3A = arith.constant 0 : i32
    %dma_start3A_6 = arith.constant 0 : i32
    %dma_start3A_7 = arith.constant 0 : i32
    %dma_start3A_8 = arith.constant 0 : i32
    %dma_start3A_9 = tpu.memref_slice %arg7[%dma_start3A, %dma_start3A_7, %dma_start3A_8] : memref<2x2x80xi32, #tpu.memory_space<vmem>> -> memref<1x2x80xi32, #tpu.memory_space<vmem>>
    %dma_start3A_10 = tpu.memref_squeeze %dma_start3A_9 : memref<1x2x80xi32, #tpu.memory_space<vmem>> -> memref<2x80xi32, #tpu.memory_space<vmem>>
    %dma_start3A_11 = arith.constant 0 : i32
    %dma_start3A_12 = tpu.memref_slice %arg3[%add3A, %mul3A_5, %dma_start3A_11] : memref<32x128x80xi32, #tpu.memory_space<hbm>> -> memref<1x2x80xi32, #tpu.memory_space<hbm>>
    %dma_start3A_13 = tpu.memref_squeeze %dma_start3A_12 : memref<1x2x80xi32, #tpu.memory_space<hbm>> -> memref<2x80xi32, #tpu.memory_space<hbm>>
    %dma_start3A_14 = tpu.memref_slice %arg13[%dma_start3A_6] : memref<2x!tpu.dma_semaphore, #tpu.memory_space<semaphore_mem>> -> memref<1x!tpu.dma_semaphore, #tpu.memory_space<semaphore_mem>>
    %dma_start3A_15 = tpu.memref_squeeze %dma_start3A_14 : memref<1x!tpu.dma_semaphore, #tpu.memory_space<semaphore_mem>> -> memref<!tpu.dma_semaphore, #tpu.memory_space<semaphore_mem>>
    %dma_start3A_16 = arith.constant 0 : i32
    %dma_start3A_17 = arith.constant 0 : i32
    %dma_start3A_18 = tpu.memref_slice %arg7[%dma_start3A, %dma_start3A_16, %dma_start3A_17] : memref<2x2x80xi32, #tpu.memory_space<vmem>> -> memref<1x2x80xi32, #tpu.memory_space<vmem>>
    %dma_start3A_19 = tpu.memref_squeeze %dma_start3A_18 : memref<1x2x80xi32, #tpu.memory_space<vmem>> -> memref<2x80xi32, #tpu.memory_space<vmem>>
    %dma_start3A_20 = arith.constant 0 : i32
    %dma_start3A_21 = tpu.memref_slice %arg3[%add3A, %mul3A_5, %dma_start3A_20] : memref<32x128x80xi32, #tpu.memory_space<hbm>> -> memref<1x2x80xi32, #tpu.memory_space<hbm>>
    %dma_start3A_22 = tpu.memref_squeeze %dma_start3A_21 : memref<1x2x80xi32, #tpu.memory_space<hbm>> -> memref<2x80xi32, #tpu.memory_space<hbm>>
    tpu.enqueue_dma source(%dma_start3A_22 : memref<2x80xi32, #tpu.memory_space<hbm>>) target(%dma_start3A_19 : memref<2x80xi32, #tpu.memory_space<vmem>>) target_semaphore(%dma_start3A_15 : memref<!tpu.dma_semaphore, #tpu.memory_space<semaphore_mem>>)
    %mul3A_23 = arith.constant 0 : i32
    %mul3A_24 = arith.constant 2 : i32
    %mul3A_25 = arith.muli %mul3A_23, %mul3A_24 : i32
    %dma_start3A_26 = arith.constant 0 : i32
    %dma_start3A_27 = arith.constant 0 : i32
    %dma_start3A_28 = arith.constant 0 : i32
    %dma_start3A_29 = arith.constant 0 : i32
    %dma_start3A_30 = tpu.memref_slice %arg8[%dma_start3A_26, %dma_start3A_28, %dma_start3A_29] : memref<2x2x80xi32, #tpu.memory_space<vmem>> -> memref<1x2x80xi32, #tpu.memory_space<vmem>>
    %dma_start3A_31 = tpu.memref_squeeze %dma_start3A_30 : memref<1x2x80xi32, #tpu.memory_space<vmem>> -> memref<2x80xi32, #tpu.memory_space<vmem>>
    %dma_start3A_32 = arith.constant 0 : i32
    %dma_start3A_33 = tpu.memref_slice %arg4[%add3A, %mul3A_25, %dma_start3A_32] : memref<32x128x80xi32, #tpu.memory_space<hbm>> -> memref<1x2x80xi32, #tpu.memory_space<hbm>>
    %dma_start3A_34 = tpu.memref_squeeze %dma_start3A_33 : memref<1x2x80xi32, #tpu.memory_space<hbm>> -> memref<2x80xi32, #tpu.memory_space<hbm>>
    %dma_start3A_35 = tpu.memref_slice %arg13[%dma_start3A_27] : memref<2x!tpu.dma_semaphore, #tpu.memory_space<semaphore_mem>> -> memref<1x!tpu.dma_semaphore, #tpu.memory_space<semaphore_mem>>
    %dma_start3A_36 = tpu.memref_squeeze %dma_start3A_35 : memref<1x!tpu.dma_semaphore, #tpu.memory_space<semaphore_mem>> -> memref<!tpu.dma_semaphore, #tpu.memory_space<semaphore_mem>>
    %dma_start3A_37 = arith.constant 0 : i32
    %dma_start3A_38 = arith.constant 0 : i32
    %dma_start3A_39 = tpu.memref_slice %arg8[%dma_start3A_26, %dma_start3A_37, %dma_start3A_38] : memref<2x2x80xi32, #tpu.memory_space<vmem>> -> memref<1x2x80xi32, #tpu.memory_space<vmem>>
    %dma_start3A_40 = tpu.memref_squeeze %dma_start3A_39 : memref<1x2x80xi32, #tpu.memory_space<vmem>> -> memref<2x80xi32, #tpu.memory_space<vmem>>
    %dma_start3A_41 = arith.constant 0 : i32
    %dma_start3A_42 = tpu.memref_slice %arg4[%add3A, %mul3A_25, %dma_start3A_41] : memref<32x128x80xi32, #tpu.memory_space<hbm>> -> memref<1x2x80xi32, #tpu.memory_space<hbm>>
    %dma_start3A_43 = tpu.memref_squeeze %dma_start3A_42 : memref<1x2x80xi32, #tpu.memory_space<hbm>> -> memref<2x80xi32, #tpu.memory_space<hbm>>
    tpu.enqueue_dma source(%dma_start3A_43 : memref<2x80xi32, #tpu.memory_space<hbm>>) target(%dma_start3A_40 : memref<2x80xi32, #tpu.memory_space<vmem>>) target_semaphore(%dma_start3A_36 : memref<!tpu.dma_semaphore, #tpu.memory_space<semaphore_mem>>)
    %dma_wait3A = arith.constant 0 : i32
    %dma_wait3A_44 = arith.constant 0 : i32
    %dma_wait3A_45 = arith.constant 0 : i32
    %dma_wait3A_46 = arith.constant 0 : i32
    %dma_wait3A_47 = tpu.memref_slice %arg7[%dma_wait3A, %dma_wait3A_45, %dma_wait3A_46] : memref<2x2x80xi32, #tpu.memory_space<vmem>> -> memref<1x2x80xi32, #tpu.memory_space<vmem>>
    %dma_wait3A_48 = tpu.memref_squeeze %dma_wait3A_47 : memref<1x2x80xi32, #tpu.memory_space<vmem>> -> memref<2x80xi32, #tpu.memory_space<vmem>>
    %dma_wait3A_49 = arith.constant 0 : i32
    %dma_wait3A_50 = arith.constant 0 : i32
    %dma_wait3A_51 = tpu.memref_slice %arg3[%add3A, %dma_wait3A_49, %dma_wait3A_50] : memref<32x128x80xi32, #tpu.memory_space<hbm>> -> memref<1x2x80xi32, #tpu.memory_space<hbm>>
    %dma_wait3A_52 = tpu.memref_squeeze %dma_wait3A_51 : memref<1x2x80xi32, #tpu.memory_space<hbm>> -> memref<2x80xi32, #tpu.memory_space<hbm>>
    %dma_wait3A_53 = tpu.memref_slice %arg13[%dma_wait3A_44] : memref<2x!tpu.dma_semaphore, #tpu.memory_space<semaphore_mem>> -> memref<1x!tpu.dma_semaphore, #tpu.memory_space<semaphore_mem>>
    %dma_wait3A_54 = tpu.memref_squeeze %dma_wait3A_53 : memref<1x!tpu.dma_semaphore, #tpu.memory_space<semaphore_mem>> -> memref<!tpu.dma_semaphore, #tpu.memory_space<semaphore_mem>>
    %dma_wait3A_55 = arith.constant 0 : i32
    %dma_wait3A_56 = arith.constant 0 : i32
    %dma_wait3A_57 = tpu.memref_slice %arg7[%dma_wait3A, %dma_wait3A_55, %dma_wait3A_56] : memref<2x2x80xi32, #tpu.memory_space<vmem>> -> memref<1x2x80xi32, #tpu.memory_space<vmem>>
    %dma_wait3A_58 = tpu.memref_squeeze %dma_wait3A_57 : memref<1x2x80xi32, #tpu.memory_space<vmem>> -> memref<2x80xi32, #tpu.memory_space<vmem>>
    %dma_wait3A_59 = arith.constant 0 : i32
    %dma_wait3A_60 = arith.constant 0 : i32
    %dma_wait3A_61 = tpu.memref_slice %arg3[%add3A, %dma_wait3A_59, %dma_wait3A_60] : memref<32x128x80xi32, #tpu.memory_space<hbm>> -> memref<1x2x80xi32, #tpu.memory_space<hbm>>
    %dma_wait3A_62 = tpu.memref_squeeze %dma_wait3A_61 : memref<1x2x80xi32, #tpu.memory_space<hbm>> -> memref<2x80xi32, #tpu.memory_space<hbm>>
    tpu.wait_dma2 semaphore(%dma_wait3A_54 : memref<!tpu.dma_semaphore, #tpu.memory_space<semaphore_mem>>) src(%dma_wait3A_62 : memref<2x80xi32, #tpu.memory_space<hbm>>) dst(%dma_wait3A_58 : memref<2x80xi32, #tpu.memory_space<vmem>>)
    %dma_wait3A_63 = arith.constant 0 : i32
    %dma_wait3A_64 = arith.constant 0 : i32
    %dma_wait3A_65 = arith.constant 0 : i32
    %dma_wait3A_66 = arith.constant 0 : i32
    %dma_wait3A_67 = tpu.memref_slice %arg8[%dma_wait3A_63, %dma_wait3A_65, %dma_wait3A_66] : memref<2x2x80xi32, #tpu.memory_space<vmem>> -> memref<1x2x80xi32, #tpu.memory_space<vmem>>
    %dma_wait3A_68 = tpu.memref_squeeze %dma_wait3A_67 : memref<1x2x80xi32, #tpu.memory_space<vmem>> -> memref<2x80xi32, #tpu.memory_space<vmem>>
    %dma_wait3A_69 = arith.constant 0 : i32
    %dma_wait3A_70 = arith.constant 0 : i32
    %dma_wait3A_71 = tpu.memref_slice %arg4[%add3A, %dma_wait3A_69, %dma_wait3A_70] : memref<32x128x80xi32, #tpu.memory_space<hbm>> -> memref<1x2x80xi32, #tpu.memory_space<hbm>>
    %dma_wait3A_72 = tpu.memref_squeeze %dma_wait3A_71 : memref<1x2x80xi32, #tpu.memory_space<hbm>> -> memref<2x80xi32, #tpu.memory_space<hbm>>
    %dma_wait3A_73 = tpu.memref_slice %arg13[%dma_wait3A_64] : memref<2x!tpu.dma_semaphore, #tpu.memory_space<semaphore_mem>> -> memref<1x!tpu.dma_semaphore, #tpu.memory_space<semaphore_mem>>
    %dma_wait3A_74 = tpu.memref_squeeze %dma_wait3A_73 : memref<1x!tpu.dma_semaphore, #tpu.memory_space<semaphore_mem>> -> memref<!tpu.dma_semaphore, #tpu.memory_space<semaphore_mem>>
    %dma_wait3A_75 = arith.constant 0 : i32
    %dma_wait3A_76 = arith.constant 0 : i32
    %dma_wait3A_77 = tpu.memref_slice %arg8[%dma_wait3A_63, %dma_wait3A_75, %dma_wait3A_76] : memref<2x2x80xi32, #tpu.memory_space<vmem>> -> memref<1x2x80xi32, #tpu.memory_space<vmem>>
    %dma_wait3A_78 = tpu.memref_squeeze %dma_wait3A_77 : memref<1x2x80xi32, #tpu.memory_space<vmem>> -> memref<2x80xi32, #tpu.memory_space<vmem>>
    %dma_wait3A_79 = arith.constant 0 : i32
    %dma_wait3A_80 = arith.constant 0 : i32
    %dma_wait3A_81 = tpu.memref_slice %arg4[%add3A, %dma_wait3A_79, %dma_wait3A_80] : memref<32x128x80xi32, #tpu.memory_space<hbm>> -> memref<1x2x80xi32, #tpu.memory_space<hbm>>
    %dma_wait3A_82 = tpu.memref_squeeze %dma_wait3A_81 : memref<1x2x80xi32, #tpu.memory_space<hbm>> -> memref<2x80xi32, #tpu.memory_space<hbm>>
    tpu.wait_dma2 semaphore(%dma_wait3A_74 : memref<!tpu.dma_semaphore, #tpu.memory_space<semaphore_mem>>) src(%dma_wait3A_82 : memref<2x80xi32, #tpu.memory_space<hbm>>) dst(%dma_wait3A_78 : memref<2x80xi32, #tpu.memory_space<vmem>>)
    %mul3A_83 = arith.constant 1 : i32
    %mul3A_84 = arith.constant 2 : i32
    %mul3A_85 = arith.muli %mul3A_83, %mul3A_84 : i32
    %dma_start3A_86 = arith.constant 1 : i32
    %dma_start3A_87 = arith.constant 1 : i32
    %dma_start3A_88 = arith.constant 0 : i32
    %dma_start3A_89 = arith.constant 0 : i32
    %dma_start3A_90 = tpu.memref_slice %arg7[%dma_start3A_86, %dma_start3A_88, %dma_start3A_89] : memref<2x2x80xi32, #tpu.memory_space<vmem>> -> memref<1x2x80xi32, #tpu.memory_space<vmem>>
    %dma_start3A_91 = tpu.memref_squeeze %dma_start3A_90 : memref<1x2x80xi32, #tpu.memory_space<vmem>> -> memref<2x80xi32, #tpu.memory_space<vmem>>
    %dma_start3A_92 = arith.constant 0 : i32
    %dma_start3A_93 = tpu.memref_slice %arg3[%add3A, %mul3A_85, %dma_start3A_92] : memref<32x128x80xi32, #tpu.memory_space<hbm>> -> memref<1x2x80xi32, #tpu.memory_space<hbm>>
    %dma_start3A_94 = tpu.memref_squeeze %dma_start3A_93 : memref<1x2x80xi32, #tpu.memory_space<hbm>> -> memref<2x80xi32, #tpu.memory_space<hbm>>
    %dma_start3A_95 = tpu.memref_slice %arg13[%dma_start3A_87] : memref<2x!tpu.dma_semaphore, #tpu.memory_space<semaphore_mem>> -> memref<1x!tpu.dma_semaphore, #tpu.memory_space<semaphore_mem>>
    %dma_start3A_96 = tpu.memref_squeeze %dma_start3A_95 : memref<1x!tpu.dma_semaphore, #tpu.memory_space<semaphore_mem>> -> memref<!tpu.dma_semaphore, #tpu.memory_space<semaphore_mem>>
    %dma_start3A_97 = arith.constant 0 : i32
    %dma_start3A_98 = arith.constant 0 : i32
    %dma_start3A_99 = tpu.memref_slice %arg7[%dma_start3A_86, %dma_start3A_97, %dma_start3A_98] : memref<2x2x80xi32, #tpu.memory_space<vmem>> -> memref<1x2x80xi32, #tpu.memory_space<vmem>>
    %dma_start3A_100 = tpu.memref_squeeze %dma_start3A_99 : memref<1x2x80xi32, #tpu.memory_space<vmem>> -> memref<2x80xi32, #tpu.memory_space<vmem>>
    %dma_start3A_101 = arith.constant 0 : i32
    %dma_start3A_102 = tpu.memref_slice %arg3[%add3A, %mul3A_85, %dma_start3A_101] : memref<32x128x80xi32, #tpu.memory_space<hbm>> -> memref<1x2x80xi32, #tpu.memory_space<hbm>>
    %dma_start3A_103 = tpu.memref_squeeze %dma_start3A_102 : memref<1x2x80xi32, #tpu.memory_space<hbm>> -> memref<2x80xi32, #tpu.memory_space<hbm>>
    tpu.enqueue_dma source(%dma_start3A_103 : memref<2x80xi32, #tpu.memory_space<hbm>>) target(%dma_start3A_100 : memref<2x80xi32, #tpu.memory_space<vmem>>) target_semaphore(%dma_start3A_96 : memref<!tpu.dma_semaphore, #tpu.memory_space<semaphore_mem>>)
    %mul3A_104 = arith.constant 1 : i32
    %mul3A_105 = arith.constant 2 : i32
    %mul3A_106 = arith.muli %mul3A_104, %mul3A_105 : i32
    %dma_start3A_107 = arith.constant 1 : i32
    %dma_start3A_108 = arith.constant 1 : i32
    %dma_start3A_109 = arith.constant 0 : i32
    %dma_start3A_110 = arith.constant 0 : i32
    %dma_start3A_111 = tpu.memref_slice %arg8[%dma_start3A_107, %dma_start3A_109, %dma_start3A_110] : memref<2x2x80xi32, #tpu.memory_space<vmem>> -> memref<1x2x80xi32, #tpu.memory_space<vmem>>
    %dma_start3A_112 = tpu.memref_squeeze %dma_start3A_111 : memref<1x2x80xi32, #tpu.memory_space<vmem>> -> memref<2x80xi32, #tpu.memory_space<vmem>>
    %dma_start3A_113 = arith.constant 0 : i32
    %dma_start3A_114 = tpu.memref_slice %arg4[%add3A, %mul3A_106, %dma_start3A_113] : memref<32x128x80xi32, #tpu.memory_space<hbm>> -> memref<1x2x80xi32, #tpu.memory_space<hbm>>
    %dma_start3A_115 = tpu.memref_squeeze %dma_start3A_114 : memref<1x2x80xi32, #tpu.memory_space<hbm>> -> memref<2x80xi32, #tpu.memory_space<hbm>>
    %dma_start3A_116 = tpu.memref_slice %arg13[%dma_start3A_108] : memref<2x!tpu.dma_semaphore, #tpu.memory_space<semaphore_mem>> -> memref<1x!tpu.dma_semaphore, #tpu.memory_space<semaphore_mem>>
    %dma_start3A_117 = tpu.memref_squeeze %dma_start3A_116 : memref<1x!tpu.dma_semaphore, #tpu.memory_space<semaphore_mem>> -> memref<!tpu.dma_semaphore, #tpu.memory_space<semaphore_mem>>
    %dma_start3A_118 = arith.constant 0 : i32
    %dma_start3A_119 = arith.constant 0 : i32
    %dma_start3A_120 = tpu.memref_slice %arg8[%dma_start3A_107, %dma_start3A_118, %dma_start3A_119] : memref<2x2x80xi32, #tpu.memory_space<vmem>> -> memref<1x2x80xi32, #tpu.memory_space<vmem>>
    %dma_start3A_121 = tpu.memref_squeeze %dma_start3A_120 : memref<1x2x80xi32, #tpu.memory_space<vmem>> -> memref<2x80xi32, #tpu.memory_space<vmem>>
    %dma_start3A_122 = arith.constant 0 : i32
    %dma_start3A_123 = tpu.memref_slice %arg4[%add3A, %mul3A_106, %dma_start3A_122] : memref<32x128x80xi32, #tpu.memory_space<hbm>> -> memref<1x2x80xi32, #tpu.memory_space<hbm>>
    %dma_start3A_124 = tpu.memref_squeeze %dma_start3A_123 : memref<1x2x80xi32, #tpu.memory_space<hbm>> -> memref<2x80xi32, #tpu.memory_space<hbm>>
    tpu.enqueue_dma source(%dma_start3A_124 : memref<2x80xi32, #tpu.memory_space<hbm>>) target(%dma_start3A_121 : memref<2x80xi32, #tpu.memory_space<vmem>>) target_semaphore(%dma_start3A_117 : memref<!tpu.dma_semaphore, #tpu.memory_space<semaphore_mem>>)
    %dma_start3A_125 = arith.constant 0 : i32
    %dma_start3A_126 = arith.constant 0 : i32
    %dma_start3A_127 = arith.constant 0 : i32
    %dma_start3A_128 = arith.constant 0 : i32
    %dma_start3A_129 = arith.constant 0 : i32
    %dma_start3A_130 = arith.constant 0 : i32
    %dma_start3A_131 = tpu.memref_slice %arg9[%dma_start3A_127, %dma_start3A_129, %dma_start3A_130] : memref<2x80x128xf32, #tpu.memory_space<vmem>> -> memref<1x80x128xf32, #tpu.memory_space<vmem>>
    %dma_start3A_132 = tpu.memref_squeeze %dma_start3A_131 : memref<1x80x128xf32, #tpu.memory_space<vmem>> -> memref<80x128xf32, #tpu.memory_space<vmem>>
    %dma_start3A_133 = arith.constant 0 : i32
    %dma_start3A_134 = tpu.memref_slice %arg7[%dma_start3A_125, %dma_start3A_126, %dma_start3A_133] : memref<2x2x80xi32, #tpu.memory_space<vmem>> -> memref<1x1x80xi32, #tpu.memory_space<vmem>>
    %dma_start3A_135 = tpu.memref_squeeze %dma_start3A_134 : memref<1x1x80xi32, #tpu.memory_space<vmem>> -> memref<80xi32, #tpu.memory_space<vmem>>
    %dma_start3A_136 = arith.constant 0 : i32
    %dma_start3A_137 = arith.constant 0 : i32
    %dma_start3A_138 = tpu.memref_slice %arg2[%dma_start3A_136, %dma_start3A_137] : memref<10000x128xf32, #tpu.memory_space<hbm>> -> memref<10000x128xf32, #tpu.memory_space<hbm>>
    %dma_start3A_139 = tpu.memref_slice %arg11[%dma_start3A_128] : memref<2x!tpu.dma_semaphore, #tpu.memory_space<semaphore_mem>> -> memref<1x!tpu.dma_semaphore, #tpu.memory_space<semaphore_mem>>
    %dma_start3A_140 = tpu.memref_squeeze %dma_start3A_139 : memref<1x!tpu.dma_semaphore, #tpu.memory_space<semaphore_mem>> -> memref<!tpu.dma_semaphore, #tpu.memory_space<semaphore_mem>>
    tpu.enqueue_indirect_dma source(%dma_start3A_138 : memref<10000x128xf32, #tpu.memory_space<hbm>>) target(%dma_start3A_132 : memref<80x128xf32, #tpu.memory_space<vmem>>) offsets(%dma_start3A_135 : memref<80xi32, #tpu.memory_space<vmem>>) semaphore(%dma_start3A_140 : memref<!tpu.dma_semaphore, #tpu.memory_space<semaphore_mem>>)
    %dma_start3A_141 = arith.constant 0 : i32
    %dma_start3A_142 = arith.constant 1 : i32
    %dma_start3A_143 = arith.constant 1 : i32
    %dma_start3A_144 = arith.constant 1 : i32
    %dma_start3A_145 = arith.constant 0 : i32
    %dma_start3A_146 = arith.constant 0 : i32
    %dma_start3A_147 = tpu.memref_slice %arg9[%dma_start3A_143, %dma_start3A_145, %dma_start3A_146] : memref<2x80x128xf32, #tpu.memory_space<vmem>> -> memref<1x80x128xf32, #tpu.memory_space<vmem>>
    %dma_start3A_148 = tpu.memref_squeeze %dma_start3A_147 : memref<1x80x128xf32, #tpu.memory_space<vmem>> -> memref<80x128xf32, #tpu.memory_space<vmem>>
    %dma_start3A_149 = arith.constant 0 : i32
    %dma_start3A_150 = tpu.memref_slice %arg7[%dma_start3A_141, %dma_start3A_142, %dma_start3A_149] : memref<2x2x80xi32, #tpu.memory_space<vmem>> -> memref<1x1x80xi32, #tpu.memory_space<vmem>>
    %dma_start3A_151 = tpu.memref_squeeze %dma_start3A_150 : memref<1x1x80xi32, #tpu.memory_space<vmem>> -> memref<80xi32, #tpu.memory_space<vmem>>
    %dma_start3A_152 = arith.constant 0 : i32
    %dma_start3A_153 = arith.constant 0 : i32
    %dma_start3A_154 = tpu.memref_slice %arg2[%dma_start3A_152, %dma_start3A_153] : memref<10000x128xf32, #tpu.memory_space<hbm>> -> memref<10000x128xf32, #tpu.memory_space<hbm>>
    %dma_start3A_155 = tpu.memref_slice %arg11[%dma_start3A_144] : memref<2x!tpu.dma_semaphore, #tpu.memory_space<semaphore_mem>> -> memref<1x!tpu.dma_semaphore, #tpu.memory_space<semaphore_mem>>
    %dma_start3A_156 = tpu.memref_squeeze %dma_start3A_155 : memref<1x!tpu.dma_semaphore, #tpu.memory_space<semaphore_mem>> -> memref<!tpu.dma_semaphore, #tpu.memory_space<semaphore_mem>>
    tpu.enqueue_indirect_dma source(%dma_start3A_154 : memref<10000x128xf32, #tpu.memory_space<hbm>>) target(%dma_start3A_148 : memref<80x128xf32, #tpu.memory_space<vmem>>) offsets(%dma_start3A_151 : memref<80xi32, #tpu.memory_space<vmem>>) semaphore(%dma_start3A_156 : memref<!tpu.dma_semaphore, #tpu.memory_space<semaphore_mem>>)
    %while3A = arith.constant 0 : i64
    %while3A_157 = arith.constant 0 : i32
    %while3A_158 = arith.constant 64 : i32
    %while3A_159 = arith.subi %while3A_158, %while3A_157 : i32
    %while3A_160 = arith.addi %while3A_157, %while3A_159 : i32
    %while3A_161 = arith.constant 1 : i32
    %while3A_162 = arith.divsi %while3A_159, %while3A_161 : i32
    %while3A_163 = arith.muli %while3A_162, %while3A_161 : i32
    %while3A_164 = arith.addi %while3A_157, %while3A_163 : i32
    %while3A_165 = arith.constant 1 : i32
    scf.for %while3A_173 = %while3A_157 to %while3A_164 step %while3A_165  : i32 {
      %rem3A = arith.constant 2 : i32
      %rem3A_174 = arith.remsi %while3A_173, %rem3A : i32
      %mul3A_175 = arith.constant 2 : i32
      %mul3A_176 = arith.muli %while3A_173, %mul3A_175 : i32
      %add3A_177 = arith.constant 0 : i32
      %add3A_178 = arith.addi %mul3A_176, %add3A_177 : i32
      %lt3A_179 = arith.constant 125 : i32
      %lt3A_180 = arith.cmpi slt, %add3A_178, %lt3A_179 : i32
      %convert_element_type3A_181 = arith.extui %lt3A_180 : i1 to i32
      %cond3A_182 = arith.constant 0 : i32
      %cond3A_183 = arith.cmpi ne, %convert_element_type3A_181, %cond3A_182 : i32
      scf.if %cond3A_183 {
        %dma_wait3A_239 = arith.constant 0 : i32
        %dma_wait3A_240 = arith.constant 0 : i32
        %dma_wait3A_241 = arith.constant 0 : i32
        %dma_wait3A_242 = arith.constant 0 : i32
        %dma_wait3A_243 = arith.constant 0 : i32
        %dma_wait3A_244 = tpu.memref_slice %arg9[%dma_wait3A_240, %dma_wait3A_242, %dma_wait3A_243] : memref<2x80x128xf32, #tpu.memory_space<vmem>> -> memref<1x80x128xf32, #tpu.memory_space<vmem>>
        %dma_wait3A_245 = tpu.memref_squeeze %dma_wait3A_244 : memref<1x80x128xf32, #tpu.memory_space<vmem>> -> memref<80x128xf32, #tpu.memory_space<vmem>>
        %dma_wait3A_246 = arith.constant 0 : i32
        %dma_wait3A_247 = tpu.memref_slice %arg7[%rem3A_174, %dma_wait3A_239, %dma_wait3A_246] : memref<2x2x80xi32, #tpu.memory_space<vmem>> -> memref<1x1x80xi32, #tpu.memory_space<vmem>>
        %dma_wait3A_248 = tpu.memref_squeeze %dma_wait3A_247 : memref<1x1x80xi32, #tpu.memory_space<vmem>> -> memref<80xi32, #tpu.memory_space<vmem>>
        %dma_wait3A_249 = arith.constant 0 : i32
        %dma_wait3A_250 = arith.constant 0 : i32
        %dma_wait3A_251 = tpu.memref_slice %arg2[%dma_wait3A_249, %dma_wait3A_250] : memref<10000x128xf32, #tpu.memory_space<hbm>> -> memref<10000x128xf32, #tpu.memory_space<hbm>>
        %dma_wait3A_252 = tpu.memref_slice %arg11[%dma_wait3A_241] : memref<2x!tpu.dma_semaphore, #tpu.memory_space<semaphore_mem>> -> memref<1x!tpu.dma_semaphore, #tpu.memory_space<semaphore_mem>>
        %dma_wait3A_253 = tpu.memref_squeeze %dma_wait3A_252 : memref<1x!tpu.dma_semaphore, #tpu.memory_space<semaphore_mem>> -> memref<!tpu.dma_semaphore, #tpu.memory_space<semaphore_mem>>
        tpu.wait_indirect_dma semaphore(%dma_wait3A_253 : memref<!tpu.dma_semaphore, #tpu.memory_space<semaphore_mem>>) src(%dma_wait3A_251 : memref<10000x128xf32, #tpu.memory_space<hbm>>) dst(%dma_wait3A_245 : memref<80x128xf32, #tpu.memory_space<vmem>>)
        %dma_start3A_254 = arith.constant 0 : i32
        %dma_start3A_255 = arith.constant 0 : i32
        %dma_start3A_256 = arith.constant 0 : i32
        %dma_start3A_257 = arith.constant 0 : i32
        %dma_start3A_258 = arith.constant 0 : i32
        %dma_start3A_259 = tpu.memref_slice %arg9[%dma_start3A_254, %dma_start3A_257, %dma_start3A_258] : memref<2x80x128xf32, #tpu.memory_space<vmem>> -> memref<1x80x128xf32, #tpu.memory_space<vmem>>
        %dma_start3A_260 = tpu.memref_squeeze %dma_start3A_259 : memref<1x80x128xf32, #tpu.memory_space<vmem>> -> memref<80x128xf32, #tpu.memory_space<vmem>>
        %dma_start3A_261 = arith.constant 0 : i32
        %dma_start3A_262 = tpu.memref_slice %arg8[%rem3A_174, %dma_start3A_255, %dma_start3A_261] : memref<2x2x80xi32, #tpu.memory_space<vmem>> -> memref<1x1x80xi32, #tpu.memory_space<vmem>>
        %dma_start3A_263 = tpu.memref_squeeze %dma_start3A_262 : memref<1x1x80xi32, #tpu.memory_space<vmem>> -> memref<80xi32, #tpu.memory_space<vmem>>
        %dma_start3A_264 = arith.constant 0 : i32
        %dma_start3A_265 = arith.constant 0 : i32
        %dma_start3A_266 = tpu.memref_slice %arg10[%dma_start3A_264, %dma_start3A_265] : memref<10000x128xf32, #tpu.memory_space<vmem_shared>> -> memref<10000x128xf32, #tpu.memory_space<vmem_shared>>
        %dma_start3A_267 = tpu.memref_slice %arg12[%dma_start3A_256] : memref<2x!tpu.dma_semaphore, #tpu.memory_space<semaphore_mem>> -> memref<1x!tpu.dma_semaphore, #tpu.memory_space<semaphore_mem>>
        %dma_start3A_268 = tpu.memref_squeeze %dma_start3A_267 : memref<1x!tpu.dma_semaphore, #tpu.memory_space<semaphore_mem>> -> memref<!tpu.dma_semaphore, #tpu.memory_space<semaphore_mem>>
        tpu.enqueue_indirect_dma source(%dma_start3A_260 : memref<80x128xf32, #tpu.memory_space<vmem>>) target(%dma_start3A_266 : memref<10000x128xf32, #tpu.memory_space<vmem_shared>>) offsets(%dma_start3A_263 : memref<80xi32, #tpu.memory_space<vmem>>) semaphore(%dma_start3A_268 : memref<!tpu.dma_semaphore, #tpu.memory_space<semaphore_mem>>) {add = true}
      } else {
      }
      %mul3A_184 = arith.constant 2 : i32
      %mul3A_185 = arith.muli %while3A_173, %mul3A_184 : i32
      %add3A_186 = arith.constant 1 : i32
      %add3A_187 = arith.addi %mul3A_185, %add3A_186 : i32
      %lt3A_188 = arith.constant 125 : i32
      %lt3A_189 = arith.cmpi slt, %add3A_187, %lt3A_188 : i32
      %convert_element_type3A_190 = arith.extui %lt3A_189 : i1 to i32
      %cond3A_191 = arith.constant 0 : i32
      %cond3A_192 = arith.cmpi ne, %convert_element_type3A_190, %cond3A_191 : i32
      scf.if %cond3A_192 {
        %dma_wait3A_239 = arith.constant 1 : i32
        %dma_wait3A_240 = arith.constant 1 : i32
        %dma_wait3A_241 = arith.constant 1 : i32
        %dma_wait3A_242 = arith.constant 0 : i32
        %dma_wait3A_243 = arith.constant 0 : i32
        %dma_wait3A_244 = tpu.memref_slice %arg9[%dma_wait3A_240, %dma_wait3A_242, %dma_wait3A_243] : memref<2x80x128xf32, #tpu.memory_space<vmem>> -> memref<1x80x128xf32, #tpu.memory_space<vmem>>
        %dma_wait3A_245 = tpu.memref_squeeze %dma_wait3A_244 : memref<1x80x128xf32, #tpu.memory_space<vmem>> -> memref<80x128xf32, #tpu.memory_space<vmem>>
        %dma_wait3A_246 = arith.constant 0 : i32
        %dma_wait3A_247 = tpu.memref_slice %arg7[%rem3A_174, %dma_wait3A_239, %dma_wait3A_246] : memref<2x2x80xi32, #tpu.memory_space<vmem>> -> memref<1x1x80xi32, #tpu.memory_space<vmem>>
        %dma_wait3A_248 = tpu.memref_squeeze %dma_wait3A_247 : memref<1x1x80xi32, #tpu.memory_space<vmem>> -> memref<80xi32, #tpu.memory_space<vmem>>
        %dma_wait3A_249 = arith.constant 0 : i32
        %dma_wait3A_250 = arith.constant 0 : i32
        %dma_wait3A_251 = tpu.memref_slice %arg2[%dma_wait3A_249, %dma_wait3A_250] : memref<10000x128xf32, #tpu.memory_space<hbm>> -> memref<10000x128xf32, #tpu.memory_space<hbm>>
        %dma_wait3A_252 = tpu.memref_slice %arg11[%dma_wait3A_241] : memref<2x!tpu.dma_semaphore, #tpu.memory_space<semaphore_mem>> -> memref<1x!tpu.dma_semaphore, #tpu.memory_space<semaphore_mem>>
        %dma_wait3A_253 = tpu.memref_squeeze %dma_wait3A_252 : memref<1x!tpu.dma_semaphore, #tpu.memory_space<semaphore_mem>> -> memref<!tpu.dma_semaphore, #tpu.memory_space<semaphore_mem>>
        tpu.wait_indirect_dma semaphore(%dma_wait3A_253 : memref<!tpu.dma_semaphore, #tpu.memory_space<semaphore_mem>>) src(%dma_wait3A_251 : memref<10000x128xf32, #tpu.memory_space<hbm>>) dst(%dma_wait3A_245 : memref<80x128xf32, #tpu.memory_space<vmem>>)
        %dma_start3A_254 = arith.constant 1 : i32
        %dma_start3A_255 = arith.constant 1 : i32
        %dma_start3A_256 = arith.constant 1 : i32
        %dma_start3A_257 = arith.constant 0 : i32
        %dma_start3A_258 = arith.constant 0 : i32
        %dma_start3A_259 = tpu.memref_slice %arg9[%dma_start3A_254, %dma_start3A_257, %dma_start3A_258] : memref<2x80x128xf32, #tpu.memory_space<vmem>> -> memref<1x80x128xf32, #tpu.memory_space<vmem>>
        %dma_start3A_260 = tpu.memref_squeeze %dma_start3A_259 : memref<1x80x128xf32, #tpu.memory_space<vmem>> -> memref<80x128xf32, #tpu.memory_space<vmem>>
        %dma_start3A_261 = arith.constant 0 : i32
        %dma_start3A_262 = tpu.memref_slice %arg8[%rem3A_174, %dma_start3A_255, %dma_start3A_261] : memref<2x2x80xi32, #tpu.memory_space<vmem>> -> memref<1x1x80xi32, #tpu.memory_space<vmem>>
        %dma_start3A_263 = tpu.memref_squeeze %dma_start3A_262 : memref<1x1x80xi32, #tpu.memory_space<vmem>> -> memref<80xi32, #tpu.memory_space<vmem>>
        %dma_start3A_264 = arith.constant 0 : i32
        %dma_start3A_265 = arith.constant 0 : i32
        %dma_start3A_266 = tpu.memref_slice %arg10[%dma_start3A_264, %dma_start3A_265] : memref<10000x128xf32, #tpu.memory_space<vmem_shared>> -> memref<10000x128xf32, #tpu.memory_space<vmem_shared>>
        %dma_start3A_267 = tpu.memref_slice %arg12[%dma_start3A_256] : memref<2x!tpu.dma_semaphore, #tpu.memory_space<semaphore_mem>> -> memref<1x!tpu.dma_semaphore, #tpu.memory_space<semaphore_mem>>
        %dma_start3A_268 = tpu.memref_squeeze %dma_start3A_267 : memref<1x!tpu.dma_semaphore, #tpu.memory_space<semaphore_mem>> -> memref<!tpu.dma_semaphore, #tpu.memory_space<semaphore_mem>>
        tpu.enqueue_indirect_dma source(%dma_start3A_260 : memref<80x128xf32, #tpu.memory_space<vmem>>) target(%dma_start3A_266 : memref<10000x128xf32, #tpu.memory_space<vmem_shared>>) offsets(%dma_start3A_263 : memref<80xi32, #tpu.memory_space<vmem>>) semaphore(%dma_start3A_268 : memref<!tpu.dma_semaphore, #tpu.memory_space<semaphore_mem>>) {add = true}
      } else {
      }
      %add3A_193 = arith.constant 1 : i32
      %add3A_194 = arith.addi %while3A_173, %add3A_193 : i32
      %lt3A_195 = arith.constant 64 : i32
      %lt3A_196 = arith.cmpi slt, %add3A_194, %lt3A_195 : i32
      %convert_element_type3A_197 = arith.extui %lt3A_196 : i1 to i32
      %cond3A_198 = arith.constant 0 : i32
      %cond3A_199 = arith.cmpi ne, %convert_element_type3A_197, %cond3A_198 : i32
      scf.if %cond3A_199 {
        %sub3A = arith.constant 1 : i32
        %sub3A_239 = arith.subi %sub3A, %rem3A_174 : i32
        %dma_wait3A_240 = arith.constant 0 : i32
        %dma_wait3A_241 = arith.constant 0 : i32
        %dma_wait3A_242 = tpu.memref_slice %arg7[%sub3A_239, %dma_wait3A_240, %dma_wait3A_241] : memref<2x2x80xi32, #tpu.memory_space<vmem>> -> memref<1x2x80xi32, #tpu.memory_space<vmem>>
        %dma_wait3A_243 = tpu.memref_squeeze %dma_wait3A_242 : memref<1x2x80xi32, #tpu.memory_space<vmem>> -> memref<2x80xi32, #tpu.memory_space<vmem>>
        %dma_wait3A_244 = arith.constant 0 : i32
        %dma_wait3A_245 = arith.constant 0 : i32
        %dma_wait3A_246 = tpu.memref_slice %arg3[%add3A, %dma_wait3A_244, %dma_wait3A_245] : memref<32x128x80xi32, #tpu.memory_space<hbm>> -> memref<1x2x80xi32, #tpu.memory_space<hbm>>
        %dma_wait3A_247 = tpu.memref_squeeze %dma_wait3A_246 : memref<1x2x80xi32, #tpu.memory_space<hbm>> -> memref<2x80xi32, #tpu.memory_space<hbm>>
        %dma_wait3A_248 = tpu.memref_slice %arg13[%sub3A_239] : memref<2x!tpu.dma_semaphore, #tpu.memory_space<semaphore_mem>> -> memref<1x!tpu.dma_semaphore, #tpu.memory_space<semaphore_mem>>
        %dma_wait3A_249 = tpu.memref_squeeze %dma_wait3A_248 : memref<1x!tpu.dma_semaphore, #tpu.memory_space<semaphore_mem>> -> memref<!tpu.dma_semaphore, #tpu.memory_space<semaphore_mem>>
        %dma_wait3A_250 = arith.constant 0 : i32
        %dma_wait3A_251 = arith.constant 0 : i32
        %dma_wait3A_252 = tpu.memref_slice %arg7[%sub3A_239, %dma_wait3A_250, %dma_wait3A_251] : memref<2x2x80xi32, #tpu.memory_space<vmem>> -> memref<1x2x80xi32, #tpu.memory_space<vmem>>
        %dma_wait3A_253 = tpu.memref_squeeze %dma_wait3A_252 : memref<1x2x80xi32, #tpu.memory_space<vmem>> -> memref<2x80xi32, #tpu.memory_space<vmem>>
        %dma_wait3A_254 = arith.constant 0 : i32
        %dma_wait3A_255 = arith.constant 0 : i32
        %dma_wait3A_256 = tpu.memref_slice %arg3[%add3A, %dma_wait3A_254, %dma_wait3A_255] : memref<32x128x80xi32, #tpu.memory_space<hbm>> -> memref<1x2x80xi32, #tpu.memory_space<hbm>>
        %dma_wait3A_257 = tpu.memref_squeeze %dma_wait3A_256 : memref<1x2x80xi32, #tpu.memory_space<hbm>> -> memref<2x80xi32, #tpu.memory_space<hbm>>
        tpu.wait_dma2 semaphore(%dma_wait3A_249 : memref<!tpu.dma_semaphore, #tpu.memory_space<semaphore_mem>>) src(%dma_wait3A_257 : memref<2x80xi32, #tpu.memory_space<hbm>>) dst(%dma_wait3A_253 : memref<2x80xi32, #tpu.memory_space<vmem>>)
        %dma_wait3A_258 = arith.constant 0 : i32
        %dma_wait3A_259 = arith.constant 0 : i32
        %dma_wait3A_260 = tpu.memref_slice %arg8[%sub3A_239, %dma_wait3A_258, %dma_wait3A_259] : memref<2x2x80xi32, #tpu.memory_space<vmem>> -> memref<1x2x80xi32, #tpu.memory_space<vmem>>
        %dma_wait3A_261 = tpu.memref_squeeze %dma_wait3A_260 : memref<1x2x80xi32, #tpu.memory_space<vmem>> -> memref<2x80xi32, #tpu.memory_space<vmem>>
        %dma_wait3A_262 = arith.constant 0 : i32
        %dma_wait3A_263 = arith.constant 0 : i32
        %dma_wait3A_264 = tpu.memref_slice %arg4[%add3A, %dma_wait3A_262, %dma_wait3A_263] : memref<32x128x80xi32, #tpu.memory_space<hbm>> -> memref<1x2x80xi32, #tpu.memory_space<hbm>>
        %dma_wait3A_265 = tpu.memref_squeeze %dma_wait3A_264 : memref<1x2x80xi32, #tpu.memory_space<hbm>> -> memref<2x80xi32, #tpu.memory_space<hbm>>
        %dma_wait3A_266 = tpu.memref_slice %arg13[%sub3A_239] : memref<2x!tpu.dma_semaphore, #tpu.memory_space<semaphore_mem>> -> memref<1x!tpu.dma_semaphore, #tpu.memory_space<semaphore_mem>>
        %dma_wait3A_267 = tpu.memref_squeeze %dma_wait3A_266 : memref<1x!tpu.dma_semaphore, #tpu.memory_space<semaphore_mem>> -> memref<!tpu.dma_semaphore, #tpu.memory_space<semaphore_mem>>
        %dma_wait3A_268 = arith.constant 0 : i32
        %dma_wait3A_269 = arith.constant 0 : i32
        %dma_wait3A_270 = tpu.memref_slice %arg8[%sub3A_239, %dma_wait3A_268, %dma_wait3A_269] : memref<2x2x80xi32, #tpu.memory_space<vmem>> -> memref<1x2x80xi32, #tpu.memory_space<vmem>>
        %dma_wait3A_271 = tpu.memref_squeeze %dma_wait3A_270 : memref<1x2x80xi32, #tpu.memory_space<vmem>> -> memref<2x80xi32, #tpu.memory_space<vmem>>
        %dma_wait3A_272 = arith.constant 0 : i32
        %dma_wait3A_273 = arith.constant 0 : i32
        %dma_wait3A_274 = tpu.memref_slice %arg4[%add3A, %dma_wait3A_272, %dma_wait3A_273] : memref<32x128x80xi32, #tpu.memory_space<hbm>> -> memref<1x2x80xi32, #tpu.memory_space<hbm>>
        %dma_wait3A_275 = tpu.memref_squeeze %dma_wait3A_274 : memref<1x2x80xi32, #tpu.memory_space<hbm>> -> memref<2x80xi32, #tpu.memory_space<hbm>>
        tpu.wait_dma2 semaphore(%dma_wait3A_267 : memref<!tpu.dma_semaphore, #tpu.memory_space<semaphore_mem>>) src(%dma_wait3A_275 : memref<2x80xi32, #tpu.memory_space<hbm>>) dst(%dma_wait3A_271 : memref<2x80xi32, #tpu.memory_space<vmem>>)
      } else {
      }
      %mul3A_200 = arith.constant 2 : i32
      %mul3A_201 = arith.muli %while3A_173, %mul3A_200 : i32
      %add3A_202 = arith.constant 0 : i32
      %add3A_203 = arith.addi %mul3A_201, %add3A_202 : i32
      %add3A_204 = arith.constant 2 : i32
      %add3A_205 = arith.addi %add3A_203, %add3A_204 : i32
      %lt3A_206 = arith.constant 125 : i32
      %lt3A_207 = arith.cmpi slt, %add3A_203, %lt3A_206 : i32
      %convert_element_type3A_208 = arith.extui %lt3A_207 : i1 to i32
      %cond3A_209 = arith.constant 0 : i32
      %cond3A_210 = arith.cmpi ne, %convert_element_type3A_208, %cond3A_209 : i32
      scf.if %cond3A_210 {
        %dma_wait3A_239 = arith.constant 0 : i32
        %dma_wait3A_240 = arith.constant 0 : i32
        %dma_wait3A_241 = arith.constant 0 : i32
        %dma_wait3A_242 = arith.constant 0 : i32
        %dma_wait3A_243 = arith.constant 0 : i32
        %dma_wait3A_244 = tpu.memref_slice %arg9[%dma_wait3A_239, %dma_wait3A_242, %dma_wait3A_243] : memref<2x80x128xf32, #tpu.memory_space<vmem>> -> memref<1x80x128xf32, #tpu.memory_space<vmem>>
        %dma_wait3A_245 = tpu.memref_squeeze %dma_wait3A_244 : memref<1x80x128xf32, #tpu.memory_space<vmem>> -> memref<80x128xf32, #tpu.memory_space<vmem>>
        %dma_wait3A_246 = arith.constant 0 : i32
        %dma_wait3A_247 = tpu.memref_slice %arg8[%rem3A_174, %dma_wait3A_240, %dma_wait3A_246] : memref<2x2x80xi32, #tpu.memory_space<vmem>> -> memref<1x1x80xi32, #tpu.memory_space<vmem>>
        %dma_wait3A_248 = tpu.memref_squeeze %dma_wait3A_247 : memref<1x1x80xi32, #tpu.memory_space<vmem>> -> memref<80xi32, #tpu.memory_space<vmem>>
        %dma_wait3A_249 = arith.constant 0 : i32
        %dma_wait3A_250 = arith.constant 0 : i32
        %dma_wait3A_251 = tpu.memref_slice %arg10[%dma_wait3A_249, %dma_wait3A_250] : memref<10000x128xf32, #tpu.memory_space<vmem_shared>> -> memref<10000x128xf32, #tpu.memory_space<vmem_shared>>
        %dma_wait3A_252 = tpu.memref_slice %arg12[%dma_wait3A_241] : memref<2x!tpu.dma_semaphore, #tpu.memory_space<semaphore_mem>> -> memref<1x!tpu.dma_semaphore, #tpu.memory_space<semaphore_mem>>
        %dma_wait3A_253 = tpu.memref_squeeze %dma_wait3A_252 : memref<1x!tpu.dma_semaphore, #tpu.memory_space<semaphore_mem>> -> memref<!tpu.dma_semaphore, #tpu.memory_space<semaphore_mem>>
        tpu.wait_indirect_dma semaphore(%dma_wait3A_253 : memref<!tpu.dma_semaphore, #tpu.memory_space<semaphore_mem>>) src(%dma_wait3A_245 : memref<80x128xf32, #tpu.memory_space<vmem>>) dst(%dma_wait3A_251 : memref<10000x128xf32, #tpu.memory_space<vmem_shared>>)
      } else {
      }
      %lt3A_211 = arith.constant 125 : i32
      %lt3A_212 = arith.cmpi slt, %add3A_205, %lt3A_211 : i32
      %convert_element_type3A_213 = arith.extui %lt3A_212 : i1 to i32
      %cond3A_214 = arith.constant 0 : i32
      %cond3A_215 = arith.cmpi ne, %convert_element_type3A_213, %cond3A_214 : i32
      scf.if %cond3A_215 {
        %sub3A = arith.constant 1 : i32
        %sub3A_239 = arith.subi %sub3A, %rem3A_174 : i32
        %dma_start3A_240 = arith.constant 0 : i32
        %dma_start3A_241 = arith.constant 0 : i32
        %dma_start3A_242 = arith.constant 0 : i32
        %dma_start3A_243 = arith.constant 0 : i32
        %dma_start3A_244 = arith.constant 0 : i32
        %dma_start3A_245 = tpu.memref_slice %arg9[%dma_start3A_241, %dma_start3A_243, %dma_start3A_244] : memref<2x80x128xf32, #tpu.memory_space<vmem>> -> memref<1x80x128xf32, #tpu.memory_space<vmem>>
        %dma_start3A_246 = tpu.memref_squeeze %dma_start3A_245 : memref<1x80x128xf32, #tpu.memory_space<vmem>> -> memref<80x128xf32, #tpu.memory_space<vmem>>
        %dma_start3A_247 = arith.constant 0 : i32
        %dma_start3A_248 = tpu.memref_slice %arg7[%sub3A_239, %dma_start3A_240, %dma_start3A_247] : memref<2x2x80xi32, #tpu.memory_space<vmem>> -> memref<1x1x80xi32, #tpu.memory_space<vmem>>
        %dma_start3A_249 = tpu.memref_squeeze %dma_start3A_248 : memref<1x1x80xi32, #tpu.memory_space<vmem>> -> memref<80xi32, #tpu.memory_space<vmem>>
        %dma_start3A_250 = arith.constant 0 : i32
        %dma_start3A_251 = arith.constant 0 : i32
        %dma_start3A_252 = tpu.memref_slice %arg2[%dma_start3A_250, %dma_start3A_251] : memref<10000x128xf32, #tpu.memory_space<hbm>> -> memref<10000x128xf32, #tpu.memory_space<hbm>>
        %dma_start3A_253 = tpu.memref_slice %arg11[%dma_start3A_242] : memref<2x!tpu.dma_semaphore, #tpu.memory_space<semaphore_mem>> -> memref<1x!tpu.dma_semaphore, #tpu.memory_space<semaphore_mem>>
        %dma_start3A_254 = tpu.memref_squeeze %dma_start3A_253 : memref<1x!tpu.dma_semaphore, #tpu.memory_space<semaphore_mem>> -> memref<!tpu.dma_semaphore, #tpu.memory_space<semaphore_mem>>
        tpu.enqueue_indirect_dma source(%dma_start3A_252 : memref<10000x128xf32, #tpu.memory_space<hbm>>) target(%dma_start3A_246 : memref<80x128xf32, #tpu.memory_space<vmem>>) offsets(%dma_start3A_249 : memref<80xi32, #tpu.memory_space<vmem>>) semaphore(%dma_start3A_254 : memref<!tpu.dma_semaphore, #tpu.memory_space<semaphore_mem>>)
      } else {
      }
      %mul3A_216 = arith.constant 2 : i32
      %mul3A_217 = arith.muli %while3A_173, %mul3A_216 : i32
      %add3A_218 = arith.constant 1 : i32
      %add3A_219 = arith.addi %mul3A_217, %add3A_218 : i32
      %add3A_220 = arith.constant 2 : i32
      %add3A_221 = arith.addi %add3A_219, %add3A_220 : i32
      %lt3A_222 = arith.constant 125 : i32
      %lt3A_223 = arith.cmpi slt, %add3A_219, %lt3A_222 : i32
      %convert_element_type3A_224 = arith.extui %lt3A_223 : i1 to i32
      %cond3A_225 = arith.constant 0 : i32
      %cond3A_226 = arith.cmpi ne, %convert_element_type3A_224, %cond3A_225 : i32
      scf.if %cond3A_226 {
        %dma_wait3A_239 = arith.constant 1 : i32
        %dma_wait3A_240 = arith.constant 1 : i32
        %dma_wait3A_241 = arith.constant 1 : i32
        %dma_wait3A_242 = arith.constant 0 : i32
        %dma_wait3A_243 = arith.constant 0 : i32
        %dma_wait3A_244 = tpu.memref_slice %arg9[%dma_wait3A_239, %dma_wait3A_242, %dma_wait3A_243] : memref<2x80x128xf32, #tpu.memory_space<vmem>> -> memref<1x80x128xf32, #tpu.memory_space<vmem>>
        %dma_wait3A_245 = tpu.memref_squeeze %dma_wait3A_244 : memref<1x80x128xf32, #tpu.memory_space<vmem>> -> memref<80x128xf32, #tpu.memory_space<vmem>>
        %dma_wait3A_246 = arith.constant 0 : i32
        %dma_wait3A_247 = tpu.memref_slice %arg8[%rem3A_174, %dma_wait3A_240, %dma_wait3A_246] : memref<2x2x80xi32, #tpu.memory_space<vmem>> -> memref<1x1x80xi32, #tpu.memory_space<vmem>>
        %dma_wait3A_248 = tpu.memref_squeeze %dma_wait3A_247 : memref<1x1x80xi32, #tpu.memory_space<vmem>> -> memref<80xi32, #tpu.memory_space<vmem>>
        %dma_wait3A_249 = arith.constant 0 : i32
        %dma_wait3A_250 = arith.constant 0 : i32
        %dma_wait3A_251 = tpu.memref_slice %arg10[%dma_wait3A_249, %dma_wait3A_250] : memref<10000x128xf32, #tpu.memory_space<vmem_shared>> -> memref<10000x128xf32, #tpu.memory_space<vmem_shared>>
        %dma_wait3A_252 = tpu.memref_slice %arg12[%dma_wait3A_241] : memref<2x!tpu.dma_semaphore, #tpu.memory_space<semaphore_mem>> -> memref<1x!tpu.dma_semaphore, #tpu.memory_space<semaphore_mem>>
        %dma_wait3A_253 = tpu.memref_squeeze %dma_wait3A_252 : memref<1x!tpu.dma_semaphore, #tpu.memory_space<semaphore_mem>> -> memref<!tpu.dma_semaphore, #tpu.memory_space<semaphore_mem>>
        tpu.wait_indirect_dma semaphore(%dma_wait3A_253 : memref<!tpu.dma_semaphore, #tpu.memory_space<semaphore_mem>>) src(%dma_wait3A_245 : memref<80x128xf32, #tpu.memory_space<vmem>>) dst(%dma_wait3A_251 : memref<10000x128xf32, #tpu.memory_space<vmem_shared>>)
      } else {
      }
      %lt3A_227 = arith.constant 125 : i32
      %lt3A_228 = arith.cmpi slt, %add3A_221, %lt3A_227 : i32
      %convert_element_type3A_229 = arith.extui %lt3A_228 : i1 to i32
      %cond3A_230 = arith.constant 0 : i32
      %cond3A_231 = arith.cmpi ne, %convert_element_type3A_229, %cond3A_230 : i32
      scf.if %cond3A_231 {
        %sub3A = arith.constant 1 : i32
        %sub3A_239 = arith.subi %sub3A, %rem3A_174 : i32
        %dma_start3A_240 = arith.constant 1 : i32
        %dma_start3A_241 = arith.constant 1 : i32
        %dma_start3A_242 = arith.constant 1 : i32
        %dma_start3A_243 = arith.constant 0 : i32
        %dma_start3A_244 = arith.constant 0 : i32
        %dma_start3A_245 = tpu.memref_slice %arg9[%dma_start3A_241, %dma_start3A_243, %dma_start3A_244] : memref<2x80x128xf32, #tpu.memory_space<vmem>> -> memref<1x80x128xf32, #tpu.memory_space<vmem>>
        %dma_start3A_246 = tpu.memref_squeeze %dma_start3A_245 : memref<1x80x128xf32, #tpu.memory_space<vmem>> -> memref<80x128xf32, #tpu.memory_space<vmem>>
        %dma_start3A_247 = arith.constant 0 : i32
        %dma_start3A_248 = tpu.memref_slice %arg7[%sub3A_239, %dma_start3A_240, %dma_start3A_247] : memref<2x2x80xi32, #tpu.memory_space<vmem>> -> memref<1x1x80xi32, #tpu.memory_space<vmem>>
        %dma_start3A_249 = tpu.memref_squeeze %dma_start3A_248 : memref<1x1x80xi32, #tpu.memory_space<vmem>> -> memref<80xi32, #tpu.memory_space<vmem>>
        %dma_start3A_250 = arith.constant 0 : i32
        %dma_start3A_251 = arith.constant 0 : i32
        %dma_start3A_252 = tpu.memref_slice %arg2[%dma_start3A_250, %dma_start3A_251] : memref<10000x128xf32, #tpu.memory_space<hbm>> -> memref<10000x128xf32, #tpu.memory_space<hbm>>
        %dma_start3A_253 = tpu.memref_slice %arg11[%dma_start3A_242] : memref<2x!tpu.dma_semaphore, #tpu.memory_space<semaphore_mem>> -> memref<1x!tpu.dma_semaphore, #tpu.memory_space<semaphore_mem>>
        %dma_start3A_254 = tpu.memref_squeeze %dma_start3A_253 : memref<1x!tpu.dma_semaphore, #tpu.memory_space<semaphore_mem>> -> memref<!tpu.dma_semaphore, #tpu.memory_space<semaphore_mem>>
        tpu.enqueue_indirect_dma source(%dma_start3A_252 : memref<10000x128xf32, #tpu.memory_space<hbm>>) target(%dma_start3A_246 : memref<80x128xf32, #tpu.memory_space<vmem>>) offsets(%dma_start3A_249 : memref<80xi32, #tpu.memory_space<vmem>>) semaphore(%dma_start3A_254 : memref<!tpu.dma_semaphore, #tpu.memory_space<semaphore_mem>>)
      } else {
      }
      %add3A_232 = arith.constant 2 : i32
      %add3A_233 = arith.addi %while3A_173, %add3A_232 : i32
      %lt3A_234 = arith.constant 64 : i32
      %lt3A_235 = arith.cmpi slt, %add3A_233, %lt3A_234 : i32
      %convert_element_type3A_236 = arith.extui %lt3A_235 : i1 to i32
      %cond3A_237 = arith.constant 0 : i32
      %cond3A_238 = arith.cmpi ne, %convert_element_type3A_236, %cond3A_237 : i32
      scf.if %cond3A_238 {
        %add3A_239 = arith.constant 2 : i32
        %add3A_240 = arith.addi %while3A_173, %add3A_239 : i32
        %mul3A_241 = arith.constant 2 : i32
        %mul3A_242 = arith.muli %add3A_240, %mul3A_241 : i32
        %dma_start3A_243 = arith.constant 0 : i32
        %dma_start3A_244 = arith.constant 0 : i32
        %dma_start3A_245 = tpu.memref_slice %arg7[%rem3A_174, %dma_start3A_243, %dma_start3A_244] : memref<2x2x80xi32, #tpu.memory_space<vmem>> -> memref<1x2x80xi32, #tpu.memory_space<vmem>>
        %dma_start3A_246 = tpu.memref_squeeze %dma_start3A_245 : memref<1x2x80xi32, #tpu.memory_space<vmem>> -> memref<2x80xi32, #tpu.memory_space<vmem>>
        %dma_start3A_247 = arith.constant 0 : i32
        %dma_start3A_248 = tpu.memref_slice %arg3[%add3A, %mul3A_242, %dma_start3A_247] : memref<32x128x80xi32, #tpu.memory_space<hbm>> -> memref<1x2x80xi32, #tpu.memory_space<hbm>>
        %dma_start3A_249 = tpu.memref_squeeze %dma_start3A_248 : memref<1x2x80xi32, #tpu.memory_space<hbm>> -> memref<2x80xi32, #tpu.memory_space<hbm>>
        %dma_start3A_250 = tpu.memref_slice %arg13[%rem3A_174] : memref<2x!tpu.dma_semaphore, #tpu.memory_space<semaphore_mem>> -> memref<1x!tpu.dma_semaphore, #tpu.memory_space<semaphore_mem>>
        %dma_start3A_251 = tpu.memref_squeeze %dma_start3A_250 : memref<1x!tpu.dma_semaphore, #tpu.memory_space<semaphore_mem>> -> memref<!tpu.dma_semaphore, #tpu.memory_space<semaphore_mem>>
        %dma_start3A_252 = arith.constant 0 : i32
        %dma_start3A_253 = arith.constant 0 : i32
        %dma_start3A_254 = tpu.memref_slice %arg7[%rem3A_174, %dma_start3A_252, %dma_start3A_253] : memref<2x2x80xi32, #tpu.memory_space<vmem>> -> memref<1x2x80xi32, #tpu.memory_space<vmem>>
        %dma_start3A_255 = tpu.memref_squeeze %dma_start3A_254 : memref<1x2x80xi32, #tpu.memory_space<vmem>> -> memref<2x80xi32, #tpu.memory_space<vmem>>
        %dma_start3A_256 = arith.constant 0 : i32
        %dma_start3A_257 = tpu.memref_slice %arg3[%add3A, %mul3A_242, %dma_start3A_256] : memref<32x128x80xi32, #tpu.memory_space<hbm>> -> memref<1x2x80xi32, #tpu.memory_space<hbm>>
        %dma_start3A_258 = tpu.memref_squeeze %dma_start3A_257 : memref<1x2x80xi32, #tpu.memory_space<hbm>> -> memref<2x80xi32, #tpu.memory_space<hbm>>
        tpu.enqueue_dma source(%dma_start3A_258 : memref<2x80xi32, #tpu.memory_space<hbm>>) target(%dma_start3A_255 : memref<2x80xi32, #tpu.memory_space<vmem>>) target_semaphore(%dma_start3A_251 : memref<!tpu.dma_semaphore, #tpu.memory_space<semaphore_mem>>)
        %mul3A_259 = arith.constant 2 : i32
        %mul3A_260 = arith.muli %add3A_240, %mul3A_259 : i32
        %dma_start3A_261 = arith.constant 0 : i32
        %dma_start3A_262 = arith.constant 0 : i32
        %dma_start3A_263 = tpu.memref_slice %arg8[%rem3A_174, %dma_start3A_261, %dma_start3A_262] : memref<2x2x80xi32, #tpu.memory_space<vmem>> -> memref<1x2x80xi32, #tpu.memory_space<vmem>>
        %dma_start3A_264 = tpu.memref_squeeze %dma_start3A_263 : memref<1x2x80xi32, #tpu.memory_space<vmem>> -> memref<2x80xi32, #tpu.memory_space<vmem>>
        %dma_start3A_265 = arith.constant 0 : i32
        %dma_start3A_266 = tpu.memref_slice %arg4[%add3A, %mul3A_260, %dma_start3A_265] : memref<32x128x80xi32, #tpu.memory_space<hbm>> -> memref<1x2x80xi32, #tpu.memory_space<hbm>>
        %dma_start3A_267 = tpu.memref_squeeze %dma_start3A_266 : memref<1x2x80xi32, #tpu.memory_space<hbm>> -> memref<2x80xi32, #tpu.memory_space<hbm>>
        %dma_start3A_268 = tpu.memref_slice %arg13[%rem3A_174] : memref<2x!tpu.dma_semaphore, #tpu.memory_space<semaphore_mem>> -> memref<1x!tpu.dma_semaphore, #tpu.memory_space<semaphore_mem>>
        %dma_start3A_269 = tpu.memref_squeeze %dma_start3A_268 : memref<1x!tpu.dma_semaphore, #tpu.memory_space<semaphore_mem>> -> memref<!tpu.dma_semaphore, #tpu.memory_space<semaphore_mem>>
        %dma_start3A_270 = arith.constant 0 : i32
        %dma_start3A_271 = arith.constant 0 : i32
        %dma_start3A_272 = tpu.memref_slice %arg8[%rem3A_174, %dma_start3A_270, %dma_start3A_271] : memref<2x2x80xi32, #tpu.memory_space<vmem>> -> memref<1x2x80xi32, #tpu.memory_space<vmem>>
        %dma_start3A_273 = tpu.memref_squeeze %dma_start3A_272 : memref<1x2x80xi32, #tpu.memory_space<vmem>> -> memref<2x80xi32, #tpu.memory_space<vmem>>
        %dma_start3A_274 = arith.constant 0 : i32
        %dma_start3A_275 = tpu.memref_slice %arg4[%add3A, %mul3A_260, %dma_start3A_274] : memref<32x128x80xi32, #tpu.memory_space<hbm>> -> memref<1x2x80xi32, #tpu.memory_space<hbm>>
        %dma_start3A_276 = tpu.memref_squeeze %dma_start3A_275 : memref<1x2x80xi32, #tpu.memory_space<hbm>> -> memref<2x80xi32, #tpu.memory_space<hbm>>
        tpu.enqueue_dma source(%dma_start3A_276 : memref<2x80xi32, #tpu.memory_space<hbm>>) target(%dma_start3A_273 : memref<2x80xi32, #tpu.memory_space<vmem>>) target_semaphore(%dma_start3A_269 : memref<!tpu.dma_semaphore, #tpu.memory_space<semaphore_mem>>)
      } else {
      }
    }
    %while3A_166 = arith.constant 1 : i32
    scf.for %while3A_173 = %while3A_164 to %while3A_160 step %while3A_166  : i32 {
      %rem3A = arith.constant 2 : i32
      %rem3A_174 = arith.remsi %while3A_173, %rem3A : i32
      %mul3A_175 = arith.constant 2 : i32
      %mul3A_176 = arith.muli %while3A_173, %mul3A_175 : i32
      %add3A_177 = arith.constant 0 : i32
      %add3A_178 = arith.addi %mul3A_176, %add3A_177 : i32
      %lt3A_179 = arith.constant 125 : i32
      %lt3A_180 = arith.cmpi slt, %add3A_178, %lt3A_179 : i32
      %convert_element_type3A_181 = arith.extui %lt3A_180 : i1 to i32
      %cond3A_182 = arith.constant 0 : i32
      %cond3A_183 = arith.cmpi ne, %convert_element_type3A_181, %cond3A_182 : i32
      scf.if %cond3A_183 {
        %dma_wait3A_239 = arith.constant 0 : i32
        %dma_wait3A_240 = arith.constant 0 : i32
        %dma_wait3A_241 = arith.constant 0 : i32
        %dma_wait3A_242 = arith.constant 0 : i32
        %dma_wait3A_243 = arith.constant 0 : i32
        %dma_wait3A_244 = tpu.memref_slice %arg9[%dma_wait3A_240, %dma_wait3A_242, %dma_wait3A_243] : memref<2x80x128xf32, #tpu.memory_space<vmem>> -> memref<1x80x128xf32, #tpu.memory_space<vmem>>
        %dma_wait3A_245 = tpu.memref_squeeze %dma_wait3A_244 : memref<1x80x128xf32, #tpu.memory_space<vmem>> -> memref<80x128xf32, #tpu.memory_space<vmem>>
        %dma_wait3A_246 = arith.constant 0 : i32
        %dma_wait3A_247 = tpu.memref_slice %arg7[%rem3A_174, %dma_wait3A_239, %dma_wait3A_246] : memref<2x2x80xi32, #tpu.memory_space<vmem>> -> memref<1x1x80xi32, #tpu.memory_space<vmem>>
        %dma_wait3A_248 = tpu.memref_squeeze %dma_wait3A_247 : memref<1x1x80xi32, #tpu.memory_space<vmem>> -> memref<80xi32, #tpu.memory_space<vmem>>
        %dma_wait3A_249 = arith.constant 0 : i32
        %dma_wait3A_250 = arith.constant 0 : i32
        %dma_wait3A_251 = tpu.memref_slice %arg2[%dma_wait3A_249, %dma_wait3A_250] : memref<10000x128xf32, #tpu.memory_space<hbm>> -> memref<10000x128xf32, #tpu.memory_space<hbm>>
        %dma_wait3A_252 = tpu.memref_slice %arg11[%dma_wait3A_241] : memref<2x!tpu.dma_semaphore, #tpu.memory_space<semaphore_mem>> -> memref<1x!tpu.dma_semaphore, #tpu.memory_space<semaphore_mem>>
        %dma_wait3A_253 = tpu.memref_squeeze %dma_wait3A_252 : memref<1x!tpu.dma_semaphore, #tpu.memory_space<semaphore_mem>> -> memref<!tpu.dma_semaphore, #tpu.memory_space<semaphore_mem>>
        tpu.wait_indirect_dma semaphore(%dma_wait3A_253 : memref<!tpu.dma_semaphore, #tpu.memory_space<semaphore_mem>>) src(%dma_wait3A_251 : memref<10000x128xf32, #tpu.memory_space<hbm>>) dst(%dma_wait3A_245 : memref<80x128xf32, #tpu.memory_space<vmem>>)
        %dma_start3A_254 = arith.constant 0 : i32
        %dma_start3A_255 = arith.constant 0 : i32
        %dma_start3A_256 = arith.constant 0 : i32
        %dma_start3A_257 = arith.constant 0 : i32
        %dma_start3A_258 = arith.constant 0 : i32
        %dma_start3A_259 = tpu.memref_slice %arg9[%dma_start3A_254, %dma_start3A_257, %dma_start3A_258] : memref<2x80x128xf32, #tpu.memory_space<vmem>> -> memref<1x80x128xf32, #tpu.memory_space<vmem>>
        %dma_start3A_260 = tpu.memref_squeeze %dma_start3A_259 : memref<1x80x128xf32, #tpu.memory_space<vmem>> -> memref<80x128xf32, #tpu.memory_space<vmem>>
        %dma_start3A_261 = arith.constant 0 : i32
        %dma_start3A_262 = tpu.memref_slice %arg8[%rem3A_174, %dma_start3A_255, %dma_start3A_261] : memref<2x2x80xi32, #tpu.memory_space<vmem>> -> memref<1x1x80xi32, #tpu.memory_space<vmem>>
        %dma_start3A_263 = tpu.memref_squeeze %dma_start3A_262 : memref<1x1x80xi32, #tpu.memory_space<vmem>> -> memref<80xi32, #tpu.memory_space<vmem>>
        %dma_start3A_264 = arith.constant 0 : i32
        %dma_start3A_265 = arith.constant 0 : i32
        %dma_start3A_266 = tpu.memref_slice %arg10[%dma_start3A_264, %dma_start3A_265] : memref<10000x128xf32, #tpu.memory_space<vmem_shared>> -> memref<10000x128xf32, #tpu.memory_space<vmem_shared>>
        %dma_start3A_267 = tpu.memref_slice %arg12[%dma_start3A_256] : memref<2x!tpu.dma_semaphore, #tpu.memory_space<semaphore_mem>> -> memref<1x!tpu.dma_semaphore, #tpu.memory_space<semaphore_mem>>
        %dma_start3A_268 = tpu.memref_squeeze %dma_start3A_267 : memref<1x!tpu.dma_semaphore, #tpu.memory_space<semaphore_mem>> -> memref<!tpu.dma_semaphore, #tpu.memory_space<semaphore_mem>>
        tpu.enqueue_indirect_dma source(%dma_start3A_260 : memref<80x128xf32, #tpu.memory_space<vmem>>) target(%dma_start3A_266 : memref<10000x128xf32, #tpu.memory_space<vmem_shared>>) offsets(%dma_start3A_263 : memref<80xi32, #tpu.memory_space<vmem>>) semaphore(%dma_start3A_268 : memref<!tpu.dma_semaphore, #tpu.memory_space<semaphore_mem>>) {add = true}
      } else {
      }
      %mul3A_184 = arith.constant 2 : i32
      %mul3A_185 = arith.muli %while3A_173, %mul3A_184 : i32
      %add3A_186 = arith.constant 1 : i32
      %add3A_187 = arith.addi %mul3A_185, %add3A_186 : i32
      %lt3A_188 = arith.constant 125 : i32
      %lt3A_189 = arith.cmpi slt, %add3A_187, %lt3A_188 : i32
      %convert_element_type3A_190 = arith.extui %lt3A_189 : i1 to i32
      %cond3A_191 = arith.constant 0 : i32
      %cond3A_192 = arith.cmpi ne, %convert_element_type3A_190, %cond3A_191 : i32
      scf.if %cond3A_192 {
        %dma_wait3A_239 = arith.constant 1 : i32
        %dma_wait3A_240 = arith.constant 1 : i32
        %dma_wait3A_241 = arith.constant 1 : i32
        %dma_wait3A_242 = arith.constant 0 : i32
        %dma_wait3A_243 = arith.constant 0 : i32
        %dma_wait3A_244 = tpu.memref_slice %arg9[%dma_wait3A_240, %dma_wait3A_242, %dma_wait3A_243] : memref<2x80x128xf32, #tpu.memory_space<vmem>> -> memref<1x80x128xf32, #tpu.memory_space<vmem>>
        %dma_wait3A_245 = tpu.memref_squeeze %dma_wait3A_244 : memref<1x80x128xf32, #tpu.memory_space<vmem>> -> memref<80x128xf32, #tpu.memory_space<vmem>>
        %dma_wait3A_246 = arith.constant 0 : i32
        %dma_wait3A_247 = tpu.memref_slice %arg7[%rem3A_174, %dma_wait3A_239, %dma_wait3A_246] : memref<2x2x80xi32, #tpu.memory_space<vmem>> -> memref<1x1x80xi32, #tpu.memory_space<vmem>>
        %dma_wait3A_248 = tpu.memref_squeeze %dma_wait3A_247 : memref<1x1x80xi32, #tpu.memory_space<vmem>> -> memref<80xi32, #tpu.memory_space<vmem>>
        %dma_wait3A_249 = arith.constant 0 : i32
        %dma_wait3A_250 = arith.constant 0 : i32
        %dma_wait3A_251 = tpu.memref_slice %arg2[%dma_wait3A_249, %dma_wait3A_250] : memref<10000x128xf32, #tpu.memory_space<hbm>> -> memref<10000x128xf32, #tpu.memory_space<hbm>>
        %dma_wait3A_252 = tpu.memref_slice %arg11[%dma_wait3A_241] : memref<2x!tpu.dma_semaphore, #tpu.memory_space<semaphore_mem>> -> memref<1x!tpu.dma_semaphore, #tpu.memory_space<semaphore_mem>>
        %dma_wait3A_253 = tpu.memref_squeeze %dma_wait3A_252 : memref<1x!tpu.dma_semaphore, #tpu.memory_space<semaphore_mem>> -> memref<!tpu.dma_semaphore, #tpu.memory_space<semaphore_mem>>
        tpu.wait_indirect_dma semaphore(%dma_wait3A_253 : memref<!tpu.dma_semaphore, #tpu.memory_space<semaphore_mem>>) src(%dma_wait3A_251 : memref<10000x128xf32, #tpu.memory_space<hbm>>) dst(%dma_wait3A_245 : memref<80x128xf32, #tpu.memory_space<vmem>>)
        %dma_start3A_254 = arith.constant 1 : i32
        %dma_start3A_255 = arith.constant 1 : i32
        %dma_start3A_256 = arith.constant 1 : i32
        %dma_start3A_257 = arith.constant 0 : i32
        %dma_start3A_258 = arith.constant 0 : i32
        %dma_start3A_259 = tpu.memref_slice %arg9[%dma_start3A_254, %dma_start3A_257, %dma_start3A_258] : memref<2x80x128xf32, #tpu.memory_space<vmem>> -> memref<1x80x128xf32, #tpu.memory_space<vmem>>
        %dma_start3A_260 = tpu.memref_squeeze %dma_start3A_259 : memref<1x80x128xf32, #tpu.memory_space<vmem>> -> memref<80x128xf32, #tpu.memory_space<vmem>>
        %dma_start3A_261 = arith.constant 0 : i32
        %dma_start3A_262 = tpu.memref_slice %arg8[%rem3A_174, %dma_start3A_255, %dma_start3A_261] : memref<2x2x80xi32, #tpu.memory_space<vmem>> -> memref<1x1x80xi32, #tpu.memory_space<vmem>>
        %dma_start3A_263 = tpu.memref_squeeze %dma_start3A_262 : memref<1x1x80xi32, #tpu.memory_space<vmem>> -> memref<80xi32, #tpu.memory_space<vmem>>
        %dma_start3A_264 = arith.constant 0 : i32
        %dma_start3A_265 = arith.constant 0 : i32
        %dma_start3A_266 = tpu.memref_slice %arg10[%dma_start3A_264, %dma_start3A_265] : memref<10000x128xf32, #tpu.memory_space<vmem_shared>> -> memref<10000x128xf32, #tpu.memory_space<vmem_shared>>
        %dma_start3A_267 = tpu.memref_slice %arg12[%dma_start3A_256] : memref<2x!tpu.dma_semaphore, #tpu.memory_space<semaphore_mem>> -> memref<1x!tpu.dma_semaphore, #tpu.memory_space<semaphore_mem>>
        %dma_start3A_268 = tpu.memref_squeeze %dma_start3A_267 : memref<1x!tpu.dma_semaphore, #tpu.memory_space<semaphore_mem>> -> memref<!tpu.dma_semaphore, #tpu.memory_space<semaphore_mem>>
        tpu.enqueue_indirect_dma source(%dma_start3A_260 : memref<80x128xf32, #tpu.memory_space<vmem>>) target(%dma_start3A_266 : memref<10000x128xf32, #tpu.memory_space<vmem_shared>>) offsets(%dma_start3A_263 : memref<80xi32, #tpu.memory_space<vmem>>) semaphore(%dma_start3A_268 : memref<!tpu.dma_semaphore, #tpu.memory_space<semaphore_mem>>) {add = true}
      } else {
      }
      %add3A_193 = arith.constant 1 : i32
      %add3A_194 = arith.addi %while3A_173, %add3A_193 : i32
      %lt3A_195 = arith.constant 64 : i32
      %lt3A_196 = arith.cmpi slt, %add3A_194, %lt3A_195 : i32
      %convert_element_type3A_197 = arith.extui %lt3A_196 : i1 to i32
      %cond3A_198 = arith.constant 0 : i32
      %cond3A_199 = arith.cmpi ne, %convert_element_type3A_197, %cond3A_198 : i32
      scf.if %cond3A_199 {
        %sub3A = arith.constant 1 : i32
        %sub3A_239 = arith.subi %sub3A, %rem3A_174 : i32
        %dma_wait3A_240 = arith.constant 0 : i32
        %dma_wait3A_241 = arith.constant 0 : i32
        %dma_wait3A_242 = tpu.memref_slice %arg7[%sub3A_239, %dma_wait3A_240, %dma_wait3A_241] : memref<2x2x80xi32, #tpu.memory_space<vmem>> -> memref<1x2x80xi32, #tpu.memory_space<vmem>>
        %dma_wait3A_243 = tpu.memref_squeeze %dma_wait3A_242 : memref<1x2x80xi32, #tpu.memory_space<vmem>> -> memref<2x80xi32, #tpu.memory_space<vmem>>
        %dma_wait3A_244 = arith.constant 0 : i32
        %dma_wait3A_245 = arith.constant 0 : i32
        %dma_wait3A_246 = tpu.memref_slice %arg3[%add3A, %dma_wait3A_244, %dma_wait3A_245] : memref<32x128x80xi32, #tpu.memory_space<hbm>> -> memref<1x2x80xi32, #tpu.memory_space<hbm>>
        %dma_wait3A_247 = tpu.memref_squeeze %dma_wait3A_246 : memref<1x2x80xi32, #tpu.memory_space<hbm>> -> memref<2x80xi32, #tpu.memory_space<hbm>>
        %dma_wait3A_248 = tpu.memref_slice %arg13[%sub3A_239] : memref<2x!tpu.dma_semaphore, #tpu.memory_space<semaphore_mem>> -> memref<1x!tpu.dma_semaphore, #tpu.memory_space<semaphore_mem>>
        %dma_wait3A_249 = tpu.memref_squeeze %dma_wait3A_248 : memref<1x!tpu.dma_semaphore, #tpu.memory_space<semaphore_mem>> -> memref<!tpu.dma_semaphore, #tpu.memory_space<semaphore_mem>>
        %dma_wait3A_250 = arith.constant 0 : i32
        %dma_wait3A_251 = arith.constant 0 : i32
        %dma_wait3A_252 = tpu.memref_slice %arg7[%sub3A_239, %dma_wait3A_250, %dma_wait3A_251] : memref<2x2x80xi32, #tpu.memory_space<vmem>> -> memref<1x2x80xi32, #tpu.memory_space<vmem>>
        %dma_wait3A_253 = tpu.memref_squeeze %dma_wait3A_252 : memref<1x2x80xi32, #tpu.memory_space<vmem>> -> memref<2x80xi32, #tpu.memory_space<vmem>>
        %dma_wait3A_254 = arith.constant 0 : i32
        %dma_wait3A_255 = arith.constant 0 : i32
        %dma_wait3A_256 = tpu.memref_slice %arg3[%add3A, %dma_wait3A_254, %dma_wait3A_255] : memref<32x128x80xi32, #tpu.memory_space<hbm>> -> memref<1x2x80xi32, #tpu.memory_space<hbm>>
        %dma_wait3A_257 = tpu.memref_squeeze %dma_wait3A_256 : memref<1x2x80xi32, #tpu.memory_space<hbm>> -> memref<2x80xi32, #tpu.memory_space<hbm>>
        tpu.wait_dma2 semaphore(%dma_wait3A_249 : memref<!tpu.dma_semaphore, #tpu.memory_space<semaphore_mem>>) src(%dma_wait3A_257 : memref<2x80xi32, #tpu.memory_space<hbm>>) dst(%dma_wait3A_253 : memref<2x80xi32, #tpu.memory_space<vmem>>)
        %dma_wait3A_258 = arith.constant 0 : i32
        %dma_wait3A_259 = arith.constant 0 : i32
        %dma_wait3A_260 = tpu.memref_slice %arg8[%sub3A_239, %dma_wait3A_258, %dma_wait3A_259] : memref<2x2x80xi32, #tpu.memory_space<vmem>> -> memref<1x2x80xi32, #tpu.memory_space<vmem>>
        %dma_wait3A_261 = tpu.memref_squeeze %dma_wait3A_260 : memref<1x2x80xi32, #tpu.memory_space<vmem>> -> memref<2x80xi32, #tpu.memory_space<vmem>>
        %dma_wait3A_262 = arith.constant 0 : i32
        %dma_wait3A_263 = arith.constant 0 : i32
        %dma_wait3A_264 = tpu.memref_slice %arg4[%add3A, %dma_wait3A_262, %dma_wait3A_263] : memref<32x128x80xi32, #tpu.memory_space<hbm>> -> memref<1x2x80xi32, #tpu.memory_space<hbm>>
        %dma_wait3A_265 = tpu.memref_squeeze %dma_wait3A_264 : memref<1x2x80xi32, #tpu.memory_space<hbm>> -> memref<2x80xi32, #tpu.memory_space<hbm>>
        %dma_wait3A_266 = tpu.memref_slice %arg13[%sub3A_239] : memref<2x!tpu.dma_semaphore, #tpu.memory_space<semaphore_mem>> -> memref<1x!tpu.dma_semaphore, #tpu.memory_space<semaphore_mem>>
        %dma_wait3A_267 = tpu.memref_squeeze %dma_wait3A_266 : memref<1x!tpu.dma_semaphore, #tpu.memory_space<semaphore_mem>> -> memref<!tpu.dma_semaphore, #tpu.memory_space<semaphore_mem>>
        %dma_wait3A_268 = arith.constant 0 : i32
        %dma_wait3A_269 = arith.constant 0 : i32
        %dma_wait3A_270 = tpu.memref_slice %arg8[%sub3A_239, %dma_wait3A_268, %dma_wait3A_269] : memref<2x2x80xi32, #tpu.memory_space<vmem>> -> memref<1x2x80xi32, #tpu.memory_space<vmem>>
        %dma_wait3A_271 = tpu.memref_squeeze %dma_wait3A_270 : memref<1x2x80xi32, #tpu.memory_space<vmem>> -> memref<2x80xi32, #tpu.memory_space<vmem>>
        %dma_wait3A_272 = arith.constant 0 : i32
        %dma_wait3A_273 = arith.constant 0 : i32
        %dma_wait3A_274 = tpu.memref_slice %arg4[%add3A, %dma_wait3A_272, %dma_wait3A_273] : memref<32x128x80xi32, #tpu.memory_space<hbm>> -> memref<1x2x80xi32, #tpu.memory_space<hbm>>
        %dma_wait3A_275 = tpu.memref_squeeze %dma_wait3A_274 : memref<1x2x80xi32, #tpu.memory_space<hbm>> -> memref<2x80xi32, #tpu.memory_space<hbm>>
        tpu.wait_dma2 semaphore(%dma_wait3A_267 : memref<!tpu.dma_semaphore, #tpu.memory_space<semaphore_mem>>) src(%dma_wait3A_275 : memref<2x80xi32, #tpu.memory_space<hbm>>) dst(%dma_wait3A_271 : memref<2x80xi32, #tpu.memory_space<vmem>>)
      } else {
      }
      %mul3A_200 = arith.constant 2 : i32
      %mul3A_201 = arith.muli %while3A_173, %mul3A_200 : i32
      %add3A_202 = arith.constant 0 : i32
      %add3A_203 = arith.addi %mul3A_201, %add3A_202 : i32
      %add3A_204 = arith.constant 2 : i32
      %add3A_205 = arith.addi %add3A_203, %add3A_204 : i32
      %lt3A_206 = arith.constant 125 : i32
      %lt3A_207 = arith.cmpi slt, %add3A_203, %lt3A_206 : i32
      %convert_element_type3A_208 = arith.extui %lt3A_207 : i1 to i32
      %cond3A_209 = arith.constant 0 : i32
      %cond3A_210 = arith.cmpi ne, %convert_element_type3A_208, %cond3A_209 : i32
      scf.if %cond3A_210 {
        %dma_wait3A_239 = arith.constant 0 : i32
        %dma_wait3A_240 = arith.constant 0 : i32
        %dma_wait3A_241 = arith.constant 0 : i32
        %dma_wait3A_242 = arith.constant 0 : i32
        %dma_wait3A_243 = arith.constant 0 : i32
        %dma_wait3A_244 = tpu.memref_slice %arg9[%dma_wait3A_239, %dma_wait3A_242, %dma_wait3A_243] : memref<2x80x128xf32, #tpu.memory_space<vmem>> -> memref<1x80x128xf32, #tpu.memory_space<vmem>>
        %dma_wait3A_245 = tpu.memref_squeeze %dma_wait3A_244 : memref<1x80x128xf32, #tpu.memory_space<vmem>> -> memref<80x128xf32, #tpu.memory_space<vmem>>
        %dma_wait3A_246 = arith.constant 0 : i32
        %dma_wait3A_247 = tpu.memref_slice %arg8[%rem3A_174, %dma_wait3A_240, %dma_wait3A_246] : memref<2x2x80xi32, #tpu.memory_space<vmem>> -> memref<1x1x80xi32, #tpu.memory_space<vmem>>
        %dma_wait3A_248 = tpu.memref_squeeze %dma_wait3A_247 : memref<1x1x80xi32, #tpu.memory_space<vmem>> -> memref<80xi32, #tpu.memory_space<vmem>>
        %dma_wait3A_249 = arith.constant 0 : i32
        %dma_wait3A_250 = arith.constant 0 : i32
        %dma_wait3A_251 = tpu.memref_slice %arg10[%dma_wait3A_249, %dma_wait3A_250] : memref<10000x128xf32, #tpu.memory_space<vmem_shared>> -> memref<10000x128xf32, #tpu.memory_space<vmem_shared>>
        %dma_wait3A_252 = tpu.memref_slice %arg12[%dma_wait3A_241] : memref<2x!tpu.dma_semaphore, #tpu.memory_space<semaphore_mem>> -> memref<1x!tpu.dma_semaphore, #tpu.memory_space<semaphore_mem>>
        %dma_wait3A_253 = tpu.memref_squeeze %dma_wait3A_252 : memref<1x!tpu.dma_semaphore, #tpu.memory_space<semaphore_mem>> -> memref<!tpu.dma_semaphore, #tpu.memory_space<semaphore_mem>>
        tpu.wait_indirect_dma semaphore(%dma_wait3A_253 : memref<!tpu.dma_semaphore, #tpu.memory_space<semaphore_mem>>) src(%dma_wait3A_245 : memref<80x128xf32, #tpu.memory_space<vmem>>) dst(%dma_wait3A_251 : memref<10000x128xf32, #tpu.memory_space<vmem_shared>>)
      } else {
      }
      %lt3A_211 = arith.constant 125 : i32
      %lt3A_212 = arith.cmpi slt, %add3A_205, %lt3A_211 : i32
      %convert_element_type3A_213 = arith.extui %lt3A_212 : i1 to i32
      %cond3A_214 = arith.constant 0 : i32
      %cond3A_215 = arith.cmpi ne, %convert_element_type3A_213, %cond3A_214 : i32
      scf.if %cond3A_215 {
        %sub3A = arith.constant 1 : i32
        %sub3A_239 = arith.subi %sub3A, %rem3A_174 : i32
        %dma_start3A_240 = arith.constant 0 : i32
        %dma_start3A_241 = arith.constant 0 : i32
        %dma_start3A_242 = arith.constant 0 : i32
        %dma_start3A_243 = arith.constant 0 : i32
        %dma_start3A_244 = arith.constant 0 : i32
        %dma_start3A_245 = tpu.memref_slice %arg9[%dma_start3A_241, %dma_start3A_243, %dma_start3A_244] : memref<2x80x128xf32, #tpu.memory_space<vmem>> -> memref<1x80x128xf32, #tpu.memory_space<vmem>>
        %dma_start3A_246 = tpu.memref_squeeze %dma_start3A_245 : memref<1x80x128xf32, #tpu.memory_space<vmem>> -> memref<80x128xf32, #tpu.memory_space<vmem>>
        %dma_start3A_247 = arith.constant 0 : i32
        %dma_start3A_248 = tpu.memref_slice %arg7[%sub3A_239, %dma_start3A_240, %dma_start3A_247] : memref<2x2x80xi32, #tpu.memory_space<vmem>> -> memref<1x1x80xi32, #tpu.memory_space<vmem>>
        %dma_start3A_249 = tpu.memref_squeeze %dma_start3A_248 : memref<1x1x80xi32, #tpu.memory_space<vmem>> -> memref<80xi32, #tpu.memory_space<vmem>>
        %dma_start3A_250 = arith.constant 0 : i32
        %dma_start3A_251 = arith.constant 0 : i32
        %dma_start3A_252 = tpu.memref_slice %arg2[%dma_start3A_250, %dma_start3A_251] : memref<10000x128xf32, #tpu.memory_space<hbm>> -> memref<10000x128xf32, #tpu.memory_space<hbm>>
        %dma_start3A_253 = tpu.memref_slice %arg11[%dma_start3A_242] : memref<2x!tpu.dma_semaphore, #tpu.memory_space<semaphore_mem>> -> memref<1x!tpu.dma_semaphore, #tpu.memory_space<semaphore_mem>>
        %dma_start3A_254 = tpu.memref_squeeze %dma_start3A_253 : memref<1x!tpu.dma_semaphore, #tpu.memory_space<semaphore_mem>> -> memref<!tpu.dma_semaphore, #tpu.memory_space<semaphore_mem>>
        tpu.enqueue_indirect_dma source(%dma_start3A_252 : memref<10000x128xf32, #tpu.memory_space<hbm>>) target(%dma_start3A_246 : memref<80x128xf32, #tpu.memory_space<vmem>>) offsets(%dma_start3A_249 : memref<80xi32, #tpu.memory_space<vmem>>) semaphore(%dma_start3A_254 : memref<!tpu.dma_semaphore, #tpu.memory_space<semaphore_mem>>)
      } else {
      }
      %mul3A_216 = arith.constant 2 : i32
      %mul3A_217 = arith.muli %while3A_173, %mul3A_216 : i32
      %add3A_218 = arith.constant 1 : i32
      %add3A_219 = arith.addi %mul3A_217, %add3A_218 : i32
      %add3A_220 = arith.constant 2 : i32
      %add3A_221 = arith.addi %add3A_219, %add3A_220 : i32
      %lt3A_222 = arith.constant 125 : i32
      %lt3A_223 = arith.cmpi slt, %add3A_219, %lt3A_222 : i32
      %convert_element_type3A_224 = arith.extui %lt3A_223 : i1 to i32
      %cond3A_225 = arith.constant 0 : i32
      %cond3A_226 = arith.cmpi ne, %convert_element_type3A_224, %cond3A_225 : i32
      scf.if %cond3A_226 {
        %dma_wait3A_239 = arith.constant 1 : i32
        %dma_wait3A_240 = arith.constant 1 : i32
        %dma_wait3A_241 = arith.constant 1 : i32
        %dma_wait3A_242 = arith.constant 0 : i32
        %dma_wait3A_243 = arith.constant 0 : i32
        %dma_wait3A_244 = tpu.memref_slice %arg9[%dma_wait3A_239, %dma_wait3A_242, %dma_wait3A_243] : memref<2x80x128xf32, #tpu.memory_space<vmem>> -> memref<1x80x128xf32, #tpu.memory_space<vmem>>
        %dma_wait3A_245 = tpu.memref_squeeze %dma_wait3A_244 : memref<1x80x128xf32, #tpu.memory_space<vmem>> -> memref<80x128xf32, #tpu.memory_space<vmem>>
        %dma_wait3A_246 = arith.constant 0 : i32
        %dma_wait3A_247 = tpu.memref_slice %arg8[%rem3A_174, %dma_wait3A_240, %dma_wait3A_246] : memref<2x2x80xi32, #tpu.memory_space<vmem>> -> memref<1x1x80xi32, #tpu.memory_space<vmem>>
        %dma_wait3A_248 = tpu.memref_squeeze %dma_wait3A_247 : memref<1x1x80xi32, #tpu.memory_space<vmem>> -> memref<80xi32, #tpu.memory_space<vmem>>
        %dma_wait3A_249 = arith.constant 0 : i32
        %dma_wait3A_250 = arith.constant 0 : i32
        %dma_wait3A_251 = tpu.memref_slice %arg10[%dma_wait3A_249, %dma_wait3A_250] : memref<10000x128xf32, #tpu.memory_space<vmem_shared>> -> memref<10000x128xf32, #tpu.memory_space<vmem_shared>>
        %dma_wait3A_252 = tpu.memref_slice %arg12[%dma_wait3A_241] : memref<2x!tpu.dma_semaphore, #tpu.memory_space<semaphore_mem>> -> memref<1x!tpu.dma_semaphore, #tpu.memory_space<semaphore_mem>>
        %dma_wait3A_253 = tpu.memref_squeeze %dma_wait3A_252 : memref<1x!tpu.dma_semaphore, #tpu.memory_space<semaphore_mem>> -> memref<!tpu.dma_semaphore, #tpu.memory_space<semaphore_mem>>
        tpu.wait_indirect_dma semaphore(%dma_wait3A_253 : memref<!tpu.dma_semaphore, #tpu.memory_space<semaphore_mem>>) src(%dma_wait3A_245 : memref<80x128xf32, #tpu.memory_space<vmem>>) dst(%dma_wait3A_251 : memref<10000x128xf32, #tpu.memory_space<vmem_shared>>)
      } else {
      }
      %lt3A_227 = arith.constant 125 : i32
      %lt3A_228 = arith.cmpi slt, %add3A_221, %lt3A_227 : i32
      %convert_element_type3A_229 = arith.extui %lt3A_228 : i1 to i32
      %cond3A_230 = arith.constant 0 : i32
      %cond3A_231 = arith.cmpi ne, %convert_element_type3A_229, %cond3A_230 : i32
      scf.if %cond3A_231 {
        %sub3A = arith.constant 1 : i32
        %sub3A_239 = arith.subi %sub3A, %rem3A_174 : i32
        %dma_start3A_240 = arith.constant 1 : i32
        %dma_start3A_241 = arith.constant 1 : i32
        %dma_start3A_242 = arith.constant 1 : i32
        %dma_start3A_243 = arith.constant 0 : i32
        %dma_start3A_244 = arith.constant 0 : i32
        %dma_start3A_245 = tpu.memref_slice %arg9[%dma_start3A_241, %dma_start3A_243, %dma_start3A_244] : memref<2x80x128xf32, #tpu.memory_space<vmem>> -> memref<1x80x128xf32, #tpu.memory_space<vmem>>
        %dma_start3A_246 = tpu.memref_squeeze %dma_start3A_245 : memref<1x80x128xf32, #tpu.memory_space<vmem>> -> memref<80x128xf32, #tpu.memory_space<vmem>>
        %dma_start3A_247 = arith.constant 0 : i32
        %dma_start3A_248 = tpu.memref_slice %arg7[%sub3A_239, %dma_start3A_240, %dma_start3A_247] : memref<2x2x80xi32, #tpu.memory_space<vmem>> -> memref<1x1x80xi32, #tpu.memory_space<vmem>>
        %dma_start3A_249 = tpu.memref_squeeze %dma_start3A_248 : memref<1x1x80xi32, #tpu.memory_space<vmem>> -> memref<80xi32, #tpu.memory_space<vmem>>
        %dma_start3A_250 = arith.constant 0 : i32
        %dma_start3A_251 = arith.constant 0 : i32
        %dma_start3A_252 = tpu.memref_slice %arg2[%dma_start3A_250, %dma_start3A_251] : memref<10000x128xf32, #tpu.memory_space<hbm>> -> memref<10000x128xf32, #tpu.memory_space<hbm>>
        %dma_start3A_253 = tpu.memref_slice %arg11[%dma_start3A_242] : memref<2x!tpu.dma_semaphore, #tpu.memory_space<semaphore_mem>> -> memref<1x!tpu.dma_semaphore, #tpu.memory_space<semaphore_mem>>
        %dma_start3A_254 = tpu.memref_squeeze %dma_start3A_253 : memref<1x!tpu.dma_semaphore, #tpu.memory_space<semaphore_mem>> -> memref<!tpu.dma_semaphore, #tpu.memory_space<semaphore_mem>>
        tpu.enqueue_indirect_dma source(%dma_start3A_252 : memref<10000x128xf32, #tpu.memory_space<hbm>>) target(%dma_start3A_246 : memref<80x128xf32, #tpu.memory_space<vmem>>) offsets(%dma_start3A_249 : memref<80xi32, #tpu.memory_space<vmem>>) semaphore(%dma_start3A_254 : memref<!tpu.dma_semaphore, #tpu.memory_space<semaphore_mem>>)
      } else {
      }
      %add3A_232 = arith.constant 2 : i32
      %add3A_233 = arith.addi %while3A_173, %add3A_232 : i32
      %lt3A_234 = arith.constant 64 : i32
      %lt3A_235 = arith.cmpi slt, %add3A_233, %lt3A_234 : i32
      %convert_element_type3A_236 = arith.extui %lt3A_235 : i1 to i32
      %cond3A_237 = arith.constant 0 : i32
      %cond3A_238 = arith.cmpi ne, %convert_element_type3A_236, %cond3A_237 : i32
      scf.if %cond3A_238 {
        %add3A_239 = arith.constant 2 : i32
        %add3A_240 = arith.addi %while3A_173, %add3A_239 : i32
        %mul3A_241 = arith.constant 2 : i32
        %mul3A_242 = arith.muli %add3A_240, %mul3A_241 : i32
        %dma_start3A_243 = arith.constant 0 : i32
        %dma_start3A_244 = arith.constant 0 : i32
        %dma_start3A_245 = tpu.memref_slice %arg7[%rem3A_174, %dma_start3A_243, %dma_start3A_244] : memref<2x2x80xi32, #tpu.memory_space<vmem>> -> memref<1x2x80xi32, #tpu.memory_space<vmem>>
        %dma_start3A_246 = tpu.memref_squeeze %dma_start3A_245 : memref<1x2x80xi32, #tpu.memory_space<vmem>> -> memref<2x80xi32, #tpu.memory_space<vmem>>
        %dma_start3A_247 = arith.constant 0 : i32
        %dma_start3A_248 = tpu.memref_slice %arg3[%add3A, %mul3A_242, %dma_start3A_247] : memref<32x128x80xi32, #tpu.memory_space<hbm>> -> memref<1x2x80xi32, #tpu.memory_space<hbm>>
        %dma_start3A_249 = tpu.memref_squeeze %dma_start3A_248 : memref<1x2x80xi32, #tpu.memory_space<hbm>> -> memref<2x80xi32, #tpu.memory_space<hbm>>
        %dma_start3A_250 = tpu.memref_slice %arg13[%rem3A_174] : memref<2x!tpu.dma_semaphore, #tpu.memory_space<semaphore_mem>> -> memref<1x!tpu.dma_semaphore, #tpu.memory_space<semaphore_mem>>
        %dma_start3A_251 = tpu.memref_squeeze %dma_start3A_250 : memref<1x!tpu.dma_semaphore, #tpu.memory_space<semaphore_mem>> -> memref<!tpu.dma_semaphore, #tpu.memory_space<semaphore_mem>>
        %dma_start3A_252 = arith.constant 0 : i32
        %dma_start3A_253 = arith.constant 0 : i32
        %dma_start3A_254 = tpu.memref_slice %arg7[%rem3A_174, %dma_start3A_252, %dma_start3A_253] : memref<2x2x80xi32, #tpu.memory_space<vmem>> -> memref<1x2x80xi32, #tpu.memory_space<vmem>>
        %dma_start3A_255 = tpu.memref_squeeze %dma_start3A_254 : memref<1x2x80xi32, #tpu.memory_space<vmem>> -> memref<2x80xi32, #tpu.memory_space<vmem>>
        %dma_start3A_256 = arith.constant 0 : i32
        %dma_start3A_257 = tpu.memref_slice %arg3[%add3A, %mul3A_242, %dma_start3A_256] : memref<32x128x80xi32, #tpu.memory_space<hbm>> -> memref<1x2x80xi32, #tpu.memory_space<hbm>>
        %dma_start3A_258 = tpu.memref_squeeze %dma_start3A_257 : memref<1x2x80xi32, #tpu.memory_space<hbm>> -> memref<2x80xi32, #tpu.memory_space<hbm>>
        tpu.enqueue_dma source(%dma_start3A_258 : memref<2x80xi32, #tpu.memory_space<hbm>>) target(%dma_start3A_255 : memref<2x80xi32, #tpu.memory_space<vmem>>) target_semaphore(%dma_start3A_251 : memref<!tpu.dma_semaphore, #tpu.memory_space<semaphore_mem>>)
        %mul3A_259 = arith.constant 2 : i32
        %mul3A_260 = arith.muli %add3A_240, %mul3A_259 : i32
        %dma_start3A_261 = arith.constant 0 : i32
        %dma_start3A_262 = arith.constant 0 : i32
        %dma_start3A_263 = tpu.memref_slice %arg8[%rem3A_174, %dma_start3A_261, %dma_start3A_262] : memref<2x2x80xi32, #tpu.memory_space<vmem>> -> memref<1x2x80xi32, #tpu.memory_space<vmem>>
        %dma_start3A_264 = tpu.memref_squeeze %dma_start3A_263 : memref<1x2x80xi32, #tpu.memory_space<vmem>> -> memref<2x80xi32, #tpu.memory_space<vmem>>
        %dma_start3A_265 = arith.constant 0 : i32
        %dma_start3A_266 = tpu.memref_slice %arg4[%add3A, %mul3A_260, %dma_start3A_265] : memref<32x128x80xi32, #tpu.memory_space<hbm>> -> memref<1x2x80xi32, #tpu.memory_space<hbm>>
        %dma_start3A_267 = tpu.memref_squeeze %dma_start3A_266 : memref<1x2x80xi32, #tpu.memory_space<hbm>> -> memref<2x80xi32, #tpu.memory_space<hbm>>
        %dma_start3A_268 = tpu.memref_slice %arg13[%rem3A_174] : memref<2x!tpu.dma_semaphore, #tpu.memory_space<semaphore_mem>> -> memref<1x!tpu.dma_semaphore, #tpu.memory_space<semaphore_mem>>
        %dma_start3A_269 = tpu.memref_squeeze %dma_start3A_268 : memref<1x!tpu.dma_semaphore, #tpu.memory_space<semaphore_mem>> -> memref<!tpu.dma_semaphore, #tpu.memory_space<semaphore_mem>>
        %dma_start3A_270 = arith.constant 0 : i32
        %dma_start3A_271 = arith.constant 0 : i32
        %dma_start3A_272 = tpu.memref_slice %arg8[%rem3A_174, %dma_start3A_270, %dma_start3A_271] : memref<2x2x80xi32, #tpu.memory_space<vmem>> -> memref<1x2x80xi32, #tpu.memory_space<vmem>>
        %dma_start3A_273 = tpu.memref_squeeze %dma_start3A_272 : memref<1x2x80xi32, #tpu.memory_space<vmem>> -> memref<2x80xi32, #tpu.memory_space<vmem>>
        %dma_start3A_274 = arith.constant 0 : i32
        %dma_start3A_275 = tpu.memref_slice %arg4[%add3A, %mul3A_260, %dma_start3A_274] : memref<32x128x80xi32, #tpu.memory_space<hbm>> -> memref<1x2x80xi32, #tpu.memory_space<hbm>>
        %dma_start3A_276 = tpu.memref_squeeze %dma_start3A_275 : memref<1x2x80xi32, #tpu.memory_space<hbm>> -> memref<2x80xi32, #tpu.memory_space<hbm>>
        tpu.enqueue_dma source(%dma_start3A_276 : memref<2x80xi32, #tpu.memory_space<hbm>>) target(%dma_start3A_273 : memref<2x80xi32, #tpu.memory_space<vmem>>) target_semaphore(%dma_start3A_269 : memref<!tpu.dma_semaphore, #tpu.memory_space<semaphore_mem>>)
      } else {
      }
    }
    %barrier3A_167 = arith.constant 0 : index
    tpu.barrier barrier_id(%barrier3A_167)
    %lt3A_168 = arith.constant 10 : i32
    %lt3A_169 = arith.cmpi slt, %arg1, %lt3A_168 : i32
    %convert_element_type3A_170 = arith.extui %lt3A_169 : i1 to i32
    %cond3A_171 = arith.constant 0 : i32
    %cond3A_172 = arith.cmpi ne, %convert_element_type3A_170, %cond3A_171 : i32
    scf.if %cond3A_172 {
      %mul3A_173 = arith.constant 1000 : i32
      %mul3A_174 = arith.muli %arg1, %mul3A_173 : i32
      %mul3A_175 = arith.constant 1000 : i32
      %mul3A_176 = arith.muli %arg1, %mul3A_175 : i32
      "tpu.region"() ({
        %run_scoped3A = tpu.sem_alloc : memref<!tpu.dma_semaphore, #tpu.memory_space<semaphore_mem>>
        %dma_start3A_177 = arith.constant 0 : i32
        %dma_start3A_178 = tpu.memref_slice %arg6[%arg0, %mul3A_176, %dma_start3A_177] : memref<2x10000x128xf32, #tpu.memory_space<hbm>> -> memref<1x1000x128xf32, #tpu.memory_space<hbm>>
        %dma_start3A_179 = tpu.memref_squeeze %dma_start3A_178 : memref<1x1000x128xf32, #tpu.memory_space<hbm>> -> memref<1000x128xf32, #tpu.memory_space<hbm>>
        %dma_start3A_180 = arith.constant 0 : i32
        %dma_start3A_181 = tpu.memref_slice %arg10[%mul3A_174, %dma_start3A_180] : memref<10000x128xf32, #tpu.memory_space<vmem_shared>> -> memref<1000x128xf32, #tpu.memory_space<vmem_shared>>
        tpu.enqueue_dma source(%dma_start3A_181 : memref<1000x128xf32, #tpu.memory_space<vmem_shared>>) target(%dma_start3A_179 : memref<1000x128xf32, #tpu.memory_space<hbm>>) target_semaphore(%run_scoped3A : memref<!tpu.dma_semaphore, #tpu.memory_space<semaphore_mem>>)
        %dma_wait3A_182 = arith.constant 0 : i32
        %dma_wait3A_183 = tpu.memref_slice %arg6[%arg0, %mul3A_176, %dma_wait3A_182] : memref<2x10000x128xf32, #tpu.memory_space<hbm>> -> memref<1x1000x128xf32, #tpu.memory_space<hbm>>
        %dma_wait3A_184 = tpu.memref_squeeze %dma_wait3A_183 : memref<1x1000x128xf32, #tpu.memory_space<hbm>> -> memref<1000x128xf32, #tpu.memory_space<hbm>>
        %dma_wait3A_185 = arith.constant 0 : i32
        %dma_wait3A_186 = tpu.memref_slice %arg10[%mul3A_174, %dma_wait3A_185] : memref<10000x128xf32, #tpu.memory_space<vmem_shared>> -> memref<1000x128xf32, #tpu.memory_space<vmem_shared>>
        tpu.wait_dma2 semaphore(%run_scoped3A : memref<!tpu.dma_semaphore, #tpu.memory_space<semaphore_mem>>) src(%dma_wait3A_186 : memref<1000x128xf32, #tpu.memory_space<vmem_shared>>) dst(%dma_wait3A_184 : memref<1000x128xf32, #tpu.memory_space<hbm>>)
        tpu.yield
      }) : () -> ()
    } else {
    }
    return
  }
}

#map = affine_map<(d0, d1) -> (0, 0)>
#map1 = affine_map<(d0, d1) -> (0, 0, 0)>
module attributes {stable_mosaic.version = 14 : i64} {
  func.func @sage_sc_agg(%arg0: i32, %arg1: i32, %arg2: memref<10000x128xf32, #tpu.memory_space<hbm>>, %arg3: memref<32x128x80xi32, #tpu.memory_space<hbm>>, %arg4: memref<32x128x80xi32, #tpu.memory_space<hbm>>, %arg5: memref<10000x128xf32, #tpu.memory_space<hbm>>, %arg6: memref<2x10000x128xf32, #tpu.memory_space<hbm>>, %arg7: memref<2x2x80xi32, #tpu.memory_space<vmem>>, %arg8: memref<2x2x80xi32, #tpu.memory_space<vmem>>, %arg9: memref<2x80x128xf32, #tpu.memory_space<vmem>>, %arg10: memref<10000x128xf32, #tpu.memory_space<vmem_shared>>, %arg11: memref<2x!tpu.dma_semaphore, #tpu.memory_space<semaphore_mem>>, %arg12: memref<2x!tpu.dma_semaphore, #tpu.memory_space<semaphore_mem>>, %arg13: memref<2x!tpu.dma_semaphore, #tpu.memory_space<semaphore_mem>>) attributes {dimension_semantics = [#tpu.dimension_semantics<core_parallel>, #tpu.dimension_semantics<subcore_parallel>], iteration_bounds = array<i64: 2, 16>, scalar_prefetch = 0 : i64, scratch_operands = 7 : i64, tpu.core_type = #tpu.core_type<sc_vector_subcore>, window_params = [{transform_indices = #map}, {transform_indices = #map1}, {transform_indices = #map1}, {transform_indices = #map}, {transform_indices = #map1}]} {
    %mul3A = arith.constant 16 : i32
    %mul3A_0 = arith.muli %arg0, %mul3A : i32
    %add3A = arith.addi %mul3A_0, %arg1 : i32
    %lt3A = arith.constant 10 : i32
    %lt3A_1 = arith.cmpi slt, %arg1, %lt3A : i32
    %convert_element_type3A = arith.extui %lt3A_1 : i1 to i32
    %cond3A = arith.constant 0 : i32
    %cond3A_2 = arith.cmpi ne, %convert_element_type3A, %cond3A : i32
    scf.if %cond3A_2 {
      %mul3A_173 = arith.constant 1000 : i32
      %mul3A_174 = arith.muli %arg1, %mul3A_173 : i32
      %mul3A_175 = arith.constant 1000 : i32
      %mul3A_176 = arith.muli %arg1, %mul3A_175 : i32
      "tpu.region"() ({
        %run_scoped3A = tpu.sem_alloc : memref<!tpu.dma_semaphore, #tpu.memory_space<semaphore_mem>>
        %dma_start3A_177 = arith.constant 0 : i32
        %dma_start3A_178 = tpu.memref_slice %arg10[%mul3A_176, %dma_start3A_177] : memref<10000x128xf32, #tpu.memory_space<vmem_shared>> -> memref<1000x128xf32, #tpu.memory_space<vmem_shared>>
        %dma_start3A_179 = arith.constant 0 : i32
        %dma_start3A_180 = tpu.memref_slice %arg5[%mul3A_174, %dma_start3A_179] : memref<10000x128xf32, #tpu.memory_space<hbm>> -> memref<1000x128xf32, #tpu.memory_space<hbm>>
        tpu.enqueue_dma source(%dma_start3A_180 : memref<1000x128xf32, #tpu.memory_space<hbm>>) target(%dma_start3A_178 : memref<1000x128xf32, #tpu.memory_space<vmem_shared>>) target_semaphore(%run_scoped3A : memref<!tpu.dma_semaphore, #tpu.memory_space<semaphore_mem>>)
        %dma_wait3A_181 = arith.constant 0 : i32
        %dma_wait3A_182 = tpu.memref_slice %arg10[%mul3A_176, %dma_wait3A_181] : memref<10000x128xf32, #tpu.memory_space<vmem_shared>> -> memref<1000x128xf32, #tpu.memory_space<vmem_shared>>
        %dma_wait3A_183 = arith.constant 0 : i32
        %dma_wait3A_184 = tpu.memref_slice %arg5[%mul3A_174, %dma_wait3A_183] : memref<10000x128xf32, #tpu.memory_space<hbm>> -> memref<1000x128xf32, #tpu.memory_space<hbm>>
        tpu.wait_dma2 semaphore(%run_scoped3A : memref<!tpu.dma_semaphore, #tpu.memory_space<semaphore_mem>>) src(%dma_wait3A_184 : memref<1000x128xf32, #tpu.memory_space<hbm>>) dst(%dma_wait3A_182 : memref<1000x128xf32, #tpu.memory_space<vmem_shared>>)
        tpu.yield
      }) : () -> ()
    } else {
    }
    %barrier3A = arith.constant 0 : index
    tpu.barrier barrier_id(%barrier3A)
    %mul3A_3 = arith.constant 0 : i32
    %mul3A_4 = arith.constant 2 : i32
    %mul3A_5 = arith.muli %mul3A_3, %mul3A_4 : i32
    %dma_start3A = arith.constant 0 : i32
    %dma_start3A_6 = arith.constant 0 : i32
    %dma_start3A_7 = arith.constant 0 : i32
    %dma_start3A_8 = arith.constant 0 : i32
    %dma_start3A_9 = tpu.memref_slice %arg7[%dma_start3A, %dma_start3A_7, %dma_start3A_8] : memref<2x2x80xi32, #tpu.memory_space<vmem>> -> memref<1x2x80xi32, #tpu.memory_space<vmem>>
    %dma_start3A_10 = tpu.memref_squeeze %dma_start3A_9 : memref<1x2x80xi32, #tpu.memory_space<vmem>> -> memref<2x80xi32, #tpu.memory_space<vmem>>
    %dma_start3A_11 = arith.constant 0 : i32
    %dma_start3A_12 = tpu.memref_slice %arg3[%add3A, %mul3A_5, %dma_start3A_11] : memref<32x128x80xi32, #tpu.memory_space<hbm>> -> memref<1x2x80xi32, #tpu.memory_space<hbm>>
    %dma_start3A_13 = tpu.memref_squeeze %dma_start3A_12 : memref<1x2x80xi32, #tpu.memory_space<hbm>> -> memref<2x80xi32, #tpu.memory_space<hbm>>
    %dma_start3A_14 = tpu.memref_slice %arg13[%dma_start3A_6] : memref<2x!tpu.dma_semaphore, #tpu.memory_space<semaphore_mem>> -> memref<1x!tpu.dma_semaphore, #tpu.memory_space<semaphore_mem>>
    %dma_start3A_15 = tpu.memref_squeeze %dma_start3A_14 : memref<1x!tpu.dma_semaphore, #tpu.memory_space<semaphore_mem>> -> memref<!tpu.dma_semaphore, #tpu.memory_space<semaphore_mem>>
    %dma_start3A_16 = arith.constant 0 : i32
    %dma_start3A_17 = arith.constant 0 : i32
    %dma_start3A_18 = tpu.memref_slice %arg7[%dma_start3A, %dma_start3A_16, %dma_start3A_17] : memref<2x2x80xi32, #tpu.memory_space<vmem>> -> memref<1x2x80xi32, #tpu.memory_space<vmem>>
    %dma_start3A_19 = tpu.memref_squeeze %dma_start3A_18 : memref<1x2x80xi32, #tpu.memory_space<vmem>> -> memref<2x80xi32, #tpu.memory_space<vmem>>
    %dma_start3A_20 = arith.constant 0 : i32
    %dma_start3A_21 = tpu.memref_slice %arg3[%add3A, %mul3A_5, %dma_start3A_20] : memref<32x128x80xi32, #tpu.memory_space<hbm>> -> memref<1x2x80xi32, #tpu.memory_space<hbm>>
    %dma_start3A_22 = tpu.memref_squeeze %dma_start3A_21 : memref<1x2x80xi32, #tpu.memory_space<hbm>> -> memref<2x80xi32, #tpu.memory_space<hbm>>
    tpu.enqueue_dma source(%dma_start3A_22 : memref<2x80xi32, #tpu.memory_space<hbm>>) target(%dma_start3A_19 : memref<2x80xi32, #tpu.memory_space<vmem>>) target_semaphore(%dma_start3A_15 : memref<!tpu.dma_semaphore, #tpu.memory_space<semaphore_mem>>)
    %mul3A_23 = arith.constant 0 : i32
    %mul3A_24 = arith.constant 2 : i32
    %mul3A_25 = arith.muli %mul3A_23, %mul3A_24 : i32
    %dma_start3A_26 = arith.constant 0 : i32
    %dma_start3A_27 = arith.constant 0 : i32
    %dma_start3A_28 = arith.constant 0 : i32
    %dma_start3A_29 = arith.constant 0 : i32
    %dma_start3A_30 = tpu.memref_slice %arg8[%dma_start3A_26, %dma_start3A_28, %dma_start3A_29] : memref<2x2x80xi32, #tpu.memory_space<vmem>> -> memref<1x2x80xi32, #tpu.memory_space<vmem>>
    %dma_start3A_31 = tpu.memref_squeeze %dma_start3A_30 : memref<1x2x80xi32, #tpu.memory_space<vmem>> -> memref<2x80xi32, #tpu.memory_space<vmem>>
    %dma_start3A_32 = arith.constant 0 : i32
    %dma_start3A_33 = tpu.memref_slice %arg4[%add3A, %mul3A_25, %dma_start3A_32] : memref<32x128x80xi32, #tpu.memory_space<hbm>> -> memref<1x2x80xi32, #tpu.memory_space<hbm>>
    %dma_start3A_34 = tpu.memref_squeeze %dma_start3A_33 : memref<1x2x80xi32, #tpu.memory_space<hbm>> -> memref<2x80xi32, #tpu.memory_space<hbm>>
    %dma_start3A_35 = tpu.memref_slice %arg13[%dma_start3A_27] : memref<2x!tpu.dma_semaphore, #tpu.memory_space<semaphore_mem>> -> memref<1x!tpu.dma_semaphore, #tpu.memory_space<semaphore_mem>>
    %dma_start3A_36 = tpu.memref_squeeze %dma_start3A_35 : memref<1x!tpu.dma_semaphore, #tpu.memory_space<semaphore_mem>> -> memref<!tpu.dma_semaphore, #tpu.memory_space<semaphore_mem>>
    %dma_start3A_37 = arith.constant 0 : i32
    %dma_start3A_38 = arith.constant 0 : i32
    %dma_start3A_39 = tpu.memref_slice %arg8[%dma_start3A_26, %dma_start3A_37, %dma_start3A_38] : memref<2x2x80xi32, #tpu.memory_space<vmem>> -> memref<1x2x80xi32, #tpu.memory_space<vmem>>
    %dma_start3A_40 = tpu.memref_squeeze %dma_start3A_39 : memref<1x2x80xi32, #tpu.memory_space<vmem>> -> memref<2x80xi32, #tpu.memory_space<vmem>>
    %dma_start3A_41 = arith.constant 0 : i32
    %dma_start3A_42 = tpu.memref_slice %arg4[%add3A, %mul3A_25, %dma_start3A_41] : memref<32x128x80xi32, #tpu.memory_space<hbm>> -> memref<1x2x80xi32, #tpu.memory_space<hbm>>
    %dma_start3A_43 = tpu.memref_squeeze %dma_start3A_42 : memref<1x2x80xi32, #tpu.memory_space<hbm>> -> memref<2x80xi32, #tpu.memory_space<hbm>>
    tpu.enqueue_dma source(%dma_start3A_43 : memref<2x80xi32, #tpu.memory_space<hbm>>) target(%dma_start3A_40 : memref<2x80xi32, #tpu.memory_space<vmem>>) target_semaphore(%dma_start3A_36 : memref<!tpu.dma_semaphore, #tpu.memory_space<semaphore_mem>>)
    %dma_wait3A = arith.constant 0 : i32
    %dma_wait3A_44 = arith.constant 0 : i32
    %dma_wait3A_45 = arith.constant 0 : i32
    %dma_wait3A_46 = arith.constant 0 : i32
    %dma_wait3A_47 = tpu.memref_slice %arg7[%dma_wait3A, %dma_wait3A_45, %dma_wait3A_46] : memref<2x2x80xi32, #tpu.memory_space<vmem>> -> memref<1x2x80xi32, #tpu.memory_space<vmem>>
    %dma_wait3A_48 = tpu.memref_squeeze %dma_wait3A_47 : memref<1x2x80xi32, #tpu.memory_space<vmem>> -> memref<2x80xi32, #tpu.memory_space<vmem>>
    %dma_wait3A_49 = arith.constant 0 : i32
    %dma_wait3A_50 = arith.constant 0 : i32
    %dma_wait3A_51 = tpu.memref_slice %arg3[%add3A, %dma_wait3A_49, %dma_wait3A_50] : memref<32x128x80xi32, #tpu.memory_space<hbm>> -> memref<1x2x80xi32, #tpu.memory_space<hbm>>
    %dma_wait3A_52 = tpu.memref_squeeze %dma_wait3A_51 : memref<1x2x80xi32, #tpu.memory_space<hbm>> -> memref<2x80xi32, #tpu.memory_space<hbm>>
    %dma_wait3A_53 = tpu.memref_slice %arg13[%dma_wait3A_44] : memref<2x!tpu.dma_semaphore, #tpu.memory_space<semaphore_mem>> -> memref<1x!tpu.dma_semaphore, #tpu.memory_space<semaphore_mem>>
    %dma_wait3A_54 = tpu.memref_squeeze %dma_wait3A_53 : memref<1x!tpu.dma_semaphore, #tpu.memory_space<semaphore_mem>> -> memref<!tpu.dma_semaphore, #tpu.memory_space<semaphore_mem>>
    %dma_wait3A_55 = arith.constant 0 : i32
    %dma_wait3A_56 = arith.constant 0 : i32
    %dma_wait3A_57 = tpu.memref_slice %arg7[%dma_wait3A, %dma_wait3A_55, %dma_wait3A_56] : memref<2x2x80xi32, #tpu.memory_space<vmem>> -> memref<1x2x80xi32, #tpu.memory_space<vmem>>
    %dma_wait3A_58 = tpu.memref_squeeze %dma_wait3A_57 : memref<1x2x80xi32, #tpu.memory_space<vmem>> -> memref<2x80xi32, #tpu.memory_space<vmem>>
    %dma_wait3A_59 = arith.constant 0 : i32
    %dma_wait3A_60 = arith.constant 0 : i32
    %dma_wait3A_61 = tpu.memref_slice %arg3[%add3A, %dma_wait3A_59, %dma_wait3A_60] : memref<32x128x80xi32, #tpu.memory_space<hbm>> -> memref<1x2x80xi32, #tpu.memory_space<hbm>>
    %dma_wait3A_62 = tpu.memref_squeeze %dma_wait3A_61 : memref<1x2x80xi32, #tpu.memory_space<hbm>> -> memref<2x80xi32, #tpu.memory_space<hbm>>
    tpu.wait_dma2 semaphore(%dma_wait3A_54 : memref<!tpu.dma_semaphore, #tpu.memory_space<semaphore_mem>>) src(%dma_wait3A_62 : memref<2x80xi32, #tpu.memory_space<hbm>>) dst(%dma_wait3A_58 : memref<2x80xi32, #tpu.memory_space<vmem>>)
    %dma_wait3A_63 = arith.constant 0 : i32
    %dma_wait3A_64 = arith.constant 0 : i32
    %dma_wait3A_65 = arith.constant 0 : i32
    %dma_wait3A_66 = arith.constant 0 : i32
    %dma_wait3A_67 = tpu.memref_slice %arg8[%dma_wait3A_63, %dma_wait3A_65, %dma_wait3A_66] : memref<2x2x80xi32, #tpu.memory_space<vmem>> -> memref<1x2x80xi32, #tpu.memory_space<vmem>>
    %dma_wait3A_68 = tpu.memref_squeeze %dma_wait3A_67 : memref<1x2x80xi32, #tpu.memory_space<vmem>> -> memref<2x80xi32, #tpu.memory_space<vmem>>
    %dma_wait3A_69 = arith.constant 0 : i32
    %dma_wait3A_70 = arith.constant 0 : i32
    %dma_wait3A_71 = tpu.memref_slice %arg4[%add3A, %dma_wait3A_69, %dma_wait3A_70] : memref<32x128x80xi32, #tpu.memory_space<hbm>> -> memref<1x2x80xi32, #tpu.memory_space<hbm>>
    %dma_wait3A_72 = tpu.memref_squeeze %dma_wait3A_71 : memref<1x2x80xi32, #tpu.memory_space<hbm>> -> memref<2x80xi32, #tpu.memory_space<hbm>>
    %dma_wait3A_73 = tpu.memref_slice %arg13[%dma_wait3A_64] : memref<2x!tpu.dma_semaphore, #tpu.memory_space<semaphore_mem>> -> memref<1x!tpu.dma_semaphore, #tpu.memory_space<semaphore_mem>>
    %dma_wait3A_74 = tpu.memref_squeeze %dma_wait3A_73 : memref<1x!tpu.dma_semaphore, #tpu.memory_space<semaphore_mem>> -> memref<!tpu.dma_semaphore, #tpu.memory_space<semaphore_mem>>
    %dma_wait3A_75 = arith.constant 0 : i32
    %dma_wait3A_76 = arith.constant 0 : i32
    %dma_wait3A_77 = tpu.memref_slice %arg8[%dma_wait3A_63, %dma_wait3A_75, %dma_wait3A_76] : memref<2x2x80xi32, #tpu.memory_space<vmem>> -> memref<1x2x80xi32, #tpu.memory_space<vmem>>
    %dma_wait3A_78 = tpu.memref_squeeze %dma_wait3A_77 : memref<1x2x80xi32, #tpu.memory_space<vmem>> -> memref<2x80xi32, #tpu.memory_space<vmem>>
    %dma_wait3A_79 = arith.constant 0 : i32
    %dma_wait3A_80 = arith.constant 0 : i32
    %dma_wait3A_81 = tpu.memref_slice %arg4[%add3A, %dma_wait3A_79, %dma_wait3A_80] : memref<32x128x80xi32, #tpu.memory_space<hbm>> -> memref<1x2x80xi32, #tpu.memory_space<hbm>>
    %dma_wait3A_82 = tpu.memref_squeeze %dma_wait3A_81 : memref<1x2x80xi32, #tpu.memory_space<hbm>> -> memref<2x80xi32, #tpu.memory_space<hbm>>
    tpu.wait_dma2 semaphore(%dma_wait3A_74 : memref<!tpu.dma_semaphore, #tpu.memory_space<semaphore_mem>>) src(%dma_wait3A_82 : memref<2x80xi32, #tpu.memory_space<hbm>>) dst(%dma_wait3A_78 : memref<2x80xi32, #tpu.memory_space<vmem>>)
    %mul3A_83 = arith.constant 1 : i32
    %mul3A_84 = arith.constant 2 : i32
    %mul3A_85 = arith.muli %mul3A_83, %mul3A_84 : i32
    %dma_start3A_86 = arith.constant 1 : i32
    %dma_start3A_87 = arith.constant 1 : i32
    %dma_start3A_88 = arith.constant 0 : i32
    %dma_start3A_89 = arith.constant 0 : i32
    %dma_start3A_90 = tpu.memref_slice %arg7[%dma_start3A_86, %dma_start3A_88, %dma_start3A_89] : memref<2x2x80xi32, #tpu.memory_space<vmem>> -> memref<1x2x80xi32, #tpu.memory_space<vmem>>
    %dma_start3A_91 = tpu.memref_squeeze %dma_start3A_90 : memref<1x2x80xi32, #tpu.memory_space<vmem>> -> memref<2x80xi32, #tpu.memory_space<vmem>>
    %dma_start3A_92 = arith.constant 0 : i32
    %dma_start3A_93 = tpu.memref_slice %arg3[%add3A, %mul3A_85, %dma_start3A_92] : memref<32x128x80xi32, #tpu.memory_space<hbm>> -> memref<1x2x80xi32, #tpu.memory_space<hbm>>
    %dma_start3A_94 = tpu.memref_squeeze %dma_start3A_93 : memref<1x2x80xi32, #tpu.memory_space<hbm>> -> memref<2x80xi32, #tpu.memory_space<hbm>>
    %dma_start3A_95 = tpu.memref_slice %arg13[%dma_start3A_87] : memref<2x!tpu.dma_semaphore, #tpu.memory_space<semaphore_mem>> -> memref<1x!tpu.dma_semaphore, #tpu.memory_space<semaphore_mem>>
    %dma_start3A_96 = tpu.memref_squeeze %dma_start3A_95 : memref<1x!tpu.dma_semaphore, #tpu.memory_space<semaphore_mem>> -> memref<!tpu.dma_semaphore, #tpu.memory_space<semaphore_mem>>
    %dma_start3A_97 = arith.constant 0 : i32
    %dma_start3A_98 = arith.constant 0 : i32
    %dma_start3A_99 = tpu.memref_slice %arg7[%dma_start3A_86, %dma_start3A_97, %dma_start3A_98] : memref<2x2x80xi32, #tpu.memory_space<vmem>> -> memref<1x2x80xi32, #tpu.memory_space<vmem>>
    %dma_start3A_100 = tpu.memref_squeeze %dma_start3A_99 : memref<1x2x80xi32, #tpu.memory_space<vmem>> -> memref<2x80xi32, #tpu.memory_space<vmem>>
    %dma_start3A_101 = arith.constant 0 : i32
    %dma_start3A_102 = tpu.memref_slice %arg3[%add3A, %mul3A_85, %dma_start3A_101] : memref<32x128x80xi32, #tpu.memory_space<hbm>> -> memref<1x2x80xi32, #tpu.memory_space<hbm>>
    %dma_start3A_103 = tpu.memref_squeeze %dma_start3A_102 : memref<1x2x80xi32, #tpu.memory_space<hbm>> -> memref<2x80xi32, #tpu.memory_space<hbm>>
    tpu.enqueue_dma source(%dma_start3A_103 : memref<2x80xi32, #tpu.memory_space<hbm>>) target(%dma_start3A_100 : memref<2x80xi32, #tpu.memory_space<vmem>>) target_semaphore(%dma_start3A_96 : memref<!tpu.dma_semaphore, #tpu.memory_space<semaphore_mem>>)
    %mul3A_104 = arith.constant 1 : i32
    %mul3A_105 = arith.constant 2 : i32
    %mul3A_106 = arith.muli %mul3A_104, %mul3A_105 : i32
    %dma_start3A_107 = arith.constant 1 : i32
    %dma_start3A_108 = arith.constant 1 : i32
    %dma_start3A_109 = arith.constant 0 : i32
    %dma_start3A_110 = arith.constant 0 : i32
    %dma_start3A_111 = tpu.memref_slice %arg8[%dma_start3A_107, %dma_start3A_109, %dma_start3A_110] : memref<2x2x80xi32, #tpu.memory_space<vmem>> -> memref<1x2x80xi32, #tpu.memory_space<vmem>>
    %dma_start3A_112 = tpu.memref_squeeze %dma_start3A_111 : memref<1x2x80xi32, #tpu.memory_space<vmem>> -> memref<2x80xi32, #tpu.memory_space<vmem>>
    %dma_start3A_113 = arith.constant 0 : i32
    %dma_start3A_114 = tpu.memref_slice %arg4[%add3A, %mul3A_106, %dma_start3A_113] : memref<32x128x80xi32, #tpu.memory_space<hbm>> -> memref<1x2x80xi32, #tpu.memory_space<hbm>>
    %dma_start3A_115 = tpu.memref_squeeze %dma_start3A_114 : memref<1x2x80xi32, #tpu.memory_space<hbm>> -> memref<2x80xi32, #tpu.memory_space<hbm>>
    %dma_start3A_116 = tpu.memref_slice %arg13[%dma_start3A_108] : memref<2x!tpu.dma_semaphore, #tpu.memory_space<semaphore_mem>> -> memref<1x!tpu.dma_semaphore, #tpu.memory_space<semaphore_mem>>
    %dma_start3A_117 = tpu.memref_squeeze %dma_start3A_116 : memref<1x!tpu.dma_semaphore, #tpu.memory_space<semaphore_mem>> -> memref<!tpu.dma_semaphore, #tpu.memory_space<semaphore_mem>>
    %dma_start3A_118 = arith.constant 0 : i32
    %dma_start3A_119 = arith.constant 0 : i32
    %dma_start3A_120 = tpu.memref_slice %arg8[%dma_start3A_107, %dma_start3A_118, %dma_start3A_119] : memref<2x2x80xi32, #tpu.memory_space<vmem>> -> memref<1x2x80xi32, #tpu.memory_space<vmem>>
    %dma_start3A_121 = tpu.memref_squeeze %dma_start3A_120 : memref<1x2x80xi32, #tpu.memory_space<vmem>> -> memref<2x80xi32, #tpu.memory_space<vmem>>
    %dma_start3A_122 = arith.constant 0 : i32
    %dma_start3A_123 = tpu.memref_slice %arg4[%add3A, %mul3A_106, %dma_start3A_122] : memref<32x128x80xi32, #tpu.memory_space<hbm>> -> memref<1x2x80xi32, #tpu.memory_space<hbm>>
    %dma_start3A_124 = tpu.memref_squeeze %dma_start3A_123 : memref<1x2x80xi32, #tpu.memory_space<hbm>> -> memref<2x80xi32, #tpu.memory_space<hbm>>
    tpu.enqueue_dma source(%dma_start3A_124 : memref<2x80xi32, #tpu.memory_space<hbm>>) target(%dma_start3A_121 : memref<2x80xi32, #tpu.memory_space<vmem>>) target_semaphore(%dma_start3A_117 : memref<!tpu.dma_semaphore, #tpu.memory_space<semaphore_mem>>)
    %dma_start3A_125 = arith.constant 0 : i32
    %dma_start3A_126 = arith.constant 0 : i32
    %dma_start3A_127 = arith.constant 0 : i32
    %dma_start3A_128 = arith.constant 0 : i32
    %dma_start3A_129 = arith.constant 0 : i32
    %dma_start3A_130 = arith.constant 0 : i32
    %dma_start3A_131 = tpu.memref_slice %arg9[%dma_start3A_127, %dma_start3A_129, %dma_start3A_130] : memref<2x80x128xf32, #tpu.memory_space<vmem>> -> memref<1x80x128xf32, #tpu.memory_space<vmem>>
    %dma_start3A_132 = tpu.memref_squeeze %dma_start3A_131 : memref<1x80x128xf32, #tpu.memory_space<vmem>> -> memref<80x128xf32, #tpu.memory_space<vmem>>
    %dma_start3A_133 = arith.constant 0 : i32
    %dma_start3A_134 = tpu.memref_slice %arg7[%dma_start3A_125, %dma_start3A_126, %dma_start3A_133] : memref<2x2x80xi32, #tpu.memory_space<vmem>> -> memref<1x1x80xi32, #tpu.memory_space<vmem>>
    %dma_start3A_135 = tpu.memref_squeeze %dma_start3A_134 : memref<1x1x80xi32, #tpu.memory_space<vmem>> -> memref<80xi32, #tpu.memory_space<vmem>>
    %dma_start3A_136 = arith.constant 0 : i32
    %dma_start3A_137 = arith.constant 0 : i32
    %dma_start3A_138 = tpu.memref_slice %arg2[%dma_start3A_136, %dma_start3A_137] : memref<10000x128xf32, #tpu.memory_space<hbm>> -> memref<10000x128xf32, #tpu.memory_space<hbm>>
    %dma_start3A_139 = tpu.memref_slice %arg11[%dma_start3A_128] : memref<2x!tpu.dma_semaphore, #tpu.memory_space<semaphore_mem>> -> memref<1x!tpu.dma_semaphore, #tpu.memory_space<semaphore_mem>>
    %dma_start3A_140 = tpu.memref_squeeze %dma_start3A_139 : memref<1x!tpu.dma_semaphore, #tpu.memory_space<semaphore_mem>> -> memref<!tpu.dma_semaphore, #tpu.memory_space<semaphore_mem>>
    tpu.enqueue_indirect_dma source(%dma_start3A_138 : memref<10000x128xf32, #tpu.memory_space<hbm>>) target(%dma_start3A_132 : memref<80x128xf32, #tpu.memory_space<vmem>>) offsets(%dma_start3A_135 : memref<80xi32, #tpu.memory_space<vmem>>) semaphore(%dma_start3A_140 : memref<!tpu.dma_semaphore, #tpu.memory_space<semaphore_mem>>)
    %dma_start3A_141 = arith.constant 0 : i32
    %dma_start3A_142 = arith.constant 1 : i32
    %dma_start3A_143 = arith.constant 1 : i32
    %dma_start3A_144 = arith.constant 1 : i32
    %dma_start3A_145 = arith.constant 0 : i32
    %dma_start3A_146 = arith.constant 0 : i32
    %dma_start3A_147 = tpu.memref_slice %arg9[%dma_start3A_143, %dma_start3A_145, %dma_start3A_146] : memref<2x80x128xf32, #tpu.memory_space<vmem>> -> memref<1x80x128xf32, #tpu.memory_space<vmem>>
    %dma_start3A_148 = tpu.memref_squeeze %dma_start3A_147 : memref<1x80x128xf32, #tpu.memory_space<vmem>> -> memref<80x128xf32, #tpu.memory_space<vmem>>
    %dma_start3A_149 = arith.constant 0 : i32
    %dma_start3A_150 = tpu.memref_slice %arg7[%dma_start3A_141, %dma_start3A_142, %dma_start3A_149] : memref<2x2x80xi32, #tpu.memory_space<vmem>> -> memref<1x1x80xi32, #tpu.memory_space<vmem>>
    %dma_start3A_151 = tpu.memref_squeeze %dma_start3A_150 : memref<1x1x80xi32, #tpu.memory_space<vmem>> -> memref<80xi32, #tpu.memory_space<vmem>>
    %dma_start3A_152 = arith.constant 0 : i32
    %dma_start3A_153 = arith.constant 0 : i32
    %dma_start3A_154 = tpu.memref_slice %arg2[%dma_start3A_152, %dma_start3A_153] : memref<10000x128xf32, #tpu.memory_space<hbm>> -> memref<10000x128xf32, #tpu.memory_space<hbm>>
    %dma_start3A_155 = tpu.memref_slice %arg11[%dma_start3A_144] : memref<2x!tpu.dma_semaphore, #tpu.memory_space<semaphore_mem>> -> memref<1x!tpu.dma_semaphore, #tpu.memory_space<semaphore_mem>>
    %dma_start3A_156 = tpu.memref_squeeze %dma_start3A_155 : memref<1x!tpu.dma_semaphore, #tpu.memory_space<semaphore_mem>> -> memref<!tpu.dma_semaphore, #tpu.memory_space<semaphore_mem>>
    tpu.enqueue_indirect_dma source(%dma_start3A_154 : memref<10000x128xf32, #tpu.memory_space<hbm>>) target(%dma_start3A_148 : memref<80x128xf32, #tpu.memory_space<vmem>>) offsets(%dma_start3A_151 : memref<80xi32, #tpu.memory_space<vmem>>) semaphore(%dma_start3A_156 : memref<!tpu.dma_semaphore, #tpu.memory_space<semaphore_mem>>)
    %while3A = arith.constant 0 : i64
    %while3A_157 = arith.constant 0 : i32
    %while3A_158 = arith.constant 64 : i32
    %while3A_159 = arith.subi %while3A_158, %while3A_157 : i32
    %while3A_160 = arith.addi %while3A_157, %while3A_159 : i32
    %while3A_161 = arith.constant 1 : i32
    %while3A_162 = arith.divsi %while3A_159, %while3A_161 : i32
    %while3A_163 = arith.muli %while3A_162, %while3A_161 : i32
    %while3A_164 = arith.addi %while3A_157, %while3A_163 : i32
    %while3A_165 = arith.constant 1 : i32
    scf.for %while3A_173 = %while3A_157 to %while3A_164 step %while3A_165  : i32 {
      %rem3A = arith.constant 2 : i32
      %rem3A_174 = arith.remsi %while3A_173, %rem3A : i32
      %mul3A_175 = arith.constant 2 : i32
      %mul3A_176 = arith.muli %while3A_173, %mul3A_175 : i32
      %add3A_177 = arith.constant 0 : i32
      %add3A_178 = arith.addi %mul3A_176, %add3A_177 : i32
      %lt3A_179 = arith.constant 125 : i32
      %lt3A_180 = arith.cmpi slt, %add3A_178, %lt3A_179 : i32
      %convert_element_type3A_181 = arith.extui %lt3A_180 : i1 to i32
      %cond3A_182 = arith.constant 0 : i32
      %cond3A_183 = arith.cmpi ne, %convert_element_type3A_181, %cond3A_182 : i32
      scf.if %cond3A_183 {
        %dma_wait3A_239 = arith.constant 0 : i32
        %dma_wait3A_240 = arith.constant 0 : i32
        %dma_wait3A_241 = arith.constant 0 : i32
        %dma_wait3A_242 = arith.constant 0 : i32
        %dma_wait3A_243 = arith.constant 0 : i32
        %dma_wait3A_244 = tpu.memref_slice %arg9[%dma_wait3A_240, %dma_wait3A_242, %dma_wait3A_243] : memref<2x80x128xf32, #tpu.memory_space<vmem>> -> memref<1x80x128xf32, #tpu.memory_space<vmem>>
        %dma_wait3A_245 = tpu.memref_squeeze %dma_wait3A_244 : memref<1x80x128xf32, #tpu.memory_space<vmem>> -> memref<80x128xf32, #tpu.memory_space<vmem>>
        %dma_wait3A_246 = arith.constant 0 : i32
        %dma_wait3A_247 = tpu.memref_slice %arg7[%rem3A_174, %dma_wait3A_239, %dma_wait3A_246] : memref<2x2x80xi32, #tpu.memory_space<vmem>> -> memref<1x1x80xi32, #tpu.memory_space<vmem>>
        %dma_wait3A_248 = tpu.memref_squeeze %dma_wait3A_247 : memref<1x1x80xi32, #tpu.memory_space<vmem>> -> memref<80xi32, #tpu.memory_space<vmem>>
        %dma_wait3A_249 = arith.constant 0 : i32
        %dma_wait3A_250 = arith.constant 0 : i32
        %dma_wait3A_251 = tpu.memref_slice %arg2[%dma_wait3A_249, %dma_wait3A_250] : memref<10000x128xf32, #tpu.memory_space<hbm>> -> memref<10000x128xf32, #tpu.memory_space<hbm>>
        %dma_wait3A_252 = tpu.memref_slice %arg11[%dma_wait3A_241] : memref<2x!tpu.dma_semaphore, #tpu.memory_space<semaphore_mem>> -> memref<1x!tpu.dma_semaphore, #tpu.memory_space<semaphore_mem>>
        %dma_wait3A_253 = tpu.memref_squeeze %dma_wait3A_252 : memref<1x!tpu.dma_semaphore, #tpu.memory_space<semaphore_mem>> -> memref<!tpu.dma_semaphore, #tpu.memory_space<semaphore_mem>>
        tpu.wait_indirect_dma semaphore(%dma_wait3A_253 : memref<!tpu.dma_semaphore, #tpu.memory_space<semaphore_mem>>) src(%dma_wait3A_251 : memref<10000x128xf32, #tpu.memory_space<hbm>>) dst(%dma_wait3A_245 : memref<80x128xf32, #tpu.memory_space<vmem>>)
        %dma_start3A_254 = arith.constant 0 : i32
        %dma_start3A_255 = arith.constant 0 : i32
        %dma_start3A_256 = arith.constant 0 : i32
        %dma_start3A_257 = arith.constant 0 : i32
        %dma_start3A_258 = arith.constant 0 : i32
        %dma_start3A_259 = tpu.memref_slice %arg9[%dma_start3A_254, %dma_start3A_257, %dma_start3A_258] : memref<2x80x128xf32, #tpu.memory_space<vmem>> -> memref<1x80x128xf32, #tpu.memory_space<vmem>>
        %dma_start3A_260 = tpu.memref_squeeze %dma_start3A_259 : memref<1x80x128xf32, #tpu.memory_space<vmem>> -> memref<80x128xf32, #tpu.memory_space<vmem>>
        %dma_start3A_261 = arith.constant 0 : i32
        %dma_start3A_262 = tpu.memref_slice %arg8[%rem3A_174, %dma_start3A_255, %dma_start3A_261] : memref<2x2x80xi32, #tpu.memory_space<vmem>> -> memref<1x1x80xi32, #tpu.memory_space<vmem>>
        %dma_start3A_263 = tpu.memref_squeeze %dma_start3A_262 : memref<1x1x80xi32, #tpu.memory_space<vmem>> -> memref<80xi32, #tpu.memory_space<vmem>>
        %dma_start3A_264 = arith.constant 0 : i32
        %dma_start3A_265 = arith.constant 0 : i32
        %dma_start3A_266 = tpu.memref_slice %arg10[%dma_start3A_264, %dma_start3A_265] : memref<10000x128xf32, #tpu.memory_space<vmem_shared>> -> memref<10000x128xf32, #tpu.memory_space<vmem_shared>>
        %dma_start3A_267 = tpu.memref_slice %arg12[%dma_start3A_256] : memref<2x!tpu.dma_semaphore, #tpu.memory_space<semaphore_mem>> -> memref<1x!tpu.dma_semaphore, #tpu.memory_space<semaphore_mem>>
        %dma_start3A_268 = tpu.memref_squeeze %dma_start3A_267 : memref<1x!tpu.dma_semaphore, #tpu.memory_space<semaphore_mem>> -> memref<!tpu.dma_semaphore, #tpu.memory_space<semaphore_mem>>
        tpu.enqueue_indirect_dma source(%dma_start3A_260 : memref<80x128xf32, #tpu.memory_space<vmem>>) target(%dma_start3A_266 : memref<10000x128xf32, #tpu.memory_space<vmem_shared>>) offsets(%dma_start3A_263 : memref<80xi32, #tpu.memory_space<vmem>>) semaphore(%dma_start3A_268 : memref<!tpu.dma_semaphore, #tpu.memory_space<semaphore_mem>>) {add = true}
      } else {
      }
      %mul3A_184 = arith.constant 2 : i32
      %mul3A_185 = arith.muli %while3A_173, %mul3A_184 : i32
      %add3A_186 = arith.constant 1 : i32
      %add3A_187 = arith.addi %mul3A_185, %add3A_186 : i32
      %lt3A_188 = arith.constant 125 : i32
      %lt3A_189 = arith.cmpi slt, %add3A_187, %lt3A_188 : i32
      %convert_element_type3A_190 = arith.extui %lt3A_189 : i1 to i32
      %cond3A_191 = arith.constant 0 : i32
      %cond3A_192 = arith.cmpi ne, %convert_element_type3A_190, %cond3A_191 : i32
      scf.if %cond3A_192 {
        %dma_wait3A_239 = arith.constant 1 : i32
        %dma_wait3A_240 = arith.constant 1 : i32
        %dma_wait3A_241 = arith.constant 1 : i32
        %dma_wait3A_242 = arith.constant 0 : i32
        %dma_wait3A_243 = arith.constant 0 : i32
        %dma_wait3A_244 = tpu.memref_slice %arg9[%dma_wait3A_240, %dma_wait3A_242, %dma_wait3A_243] : memref<2x80x128xf32, #tpu.memory_space<vmem>> -> memref<1x80x128xf32, #tpu.memory_space<vmem>>
        %dma_wait3A_245 = tpu.memref_squeeze %dma_wait3A_244 : memref<1x80x128xf32, #tpu.memory_space<vmem>> -> memref<80x128xf32, #tpu.memory_space<vmem>>
        %dma_wait3A_246 = arith.constant 0 : i32
        %dma_wait3A_247 = tpu.memref_slice %arg7[%rem3A_174, %dma_wait3A_239, %dma_wait3A_246] : memref<2x2x80xi32, #tpu.memory_space<vmem>> -> memref<1x1x80xi32, #tpu.memory_space<vmem>>
        %dma_wait3A_248 = tpu.memref_squeeze %dma_wait3A_247 : memref<1x1x80xi32, #tpu.memory_space<vmem>> -> memref<80xi32, #tpu.memory_space<vmem>>
        %dma_wait3A_249 = arith.constant 0 : i32
        %dma_wait3A_250 = arith.constant 0 : i32
        %dma_wait3A_251 = tpu.memref_slice %arg2[%dma_wait3A_249, %dma_wait3A_250] : memref<10000x128xf32, #tpu.memory_space<hbm>> -> memref<10000x128xf32, #tpu.memory_space<hbm>>
        %dma_wait3A_252 = tpu.memref_slice %arg11[%dma_wait3A_241] : memref<2x!tpu.dma_semaphore, #tpu.memory_space<semaphore_mem>> -> memref<1x!tpu.dma_semaphore, #tpu.memory_space<semaphore_mem>>
        %dma_wait3A_253 = tpu.memref_squeeze %dma_wait3A_252 : memref<1x!tpu.dma_semaphore, #tpu.memory_space<semaphore_mem>> -> memref<!tpu.dma_semaphore, #tpu.memory_space<semaphore_mem>>
        tpu.wait_indirect_dma semaphore(%dma_wait3A_253 : memref<!tpu.dma_semaphore, #tpu.memory_space<semaphore_mem>>) src(%dma_wait3A_251 : memref<10000x128xf32, #tpu.memory_space<hbm>>) dst(%dma_wait3A_245 : memref<80x128xf32, #tpu.memory_space<vmem>>)
        %dma_start3A_254 = arith.constant 1 : i32
        %dma_start3A_255 = arith.constant 1 : i32
        %dma_start3A_256 = arith.constant 1 : i32
        %dma_start3A_257 = arith.constant 0 : i32
        %dma_start3A_258 = arith.constant 0 : i32
        %dma_start3A_259 = tpu.memref_slice %arg9[%dma_start3A_254, %dma_start3A_257, %dma_start3A_258] : memref<2x80x128xf32, #tpu.memory_space<vmem>> -> memref<1x80x128xf32, #tpu.memory_space<vmem>>
        %dma_start3A_260 = tpu.memref_squeeze %dma_start3A_259 : memref<1x80x128xf32, #tpu.memory_space<vmem>> -> memref<80x128xf32, #tpu.memory_space<vmem>>
        %dma_start3A_261 = arith.constant 0 : i32
        %dma_start3A_262 = tpu.memref_slice %arg8[%rem3A_174, %dma_start3A_255, %dma_start3A_261] : memref<2x2x80xi32, #tpu.memory_space<vmem>> -> memref<1x1x80xi32, #tpu.memory_space<vmem>>
        %dma_start3A_263 = tpu.memref_squeeze %dma_start3A_262 : memref<1x1x80xi32, #tpu.memory_space<vmem>> -> memref<80xi32, #tpu.memory_space<vmem>>
        %dma_start3A_264 = arith.constant 0 : i32
        %dma_start3A_265 = arith.constant 0 : i32
        %dma_start3A_266 = tpu.memref_slice %arg10[%dma_start3A_264, %dma_start3A_265] : memref<10000x128xf32, #tpu.memory_space<vmem_shared>> -> memref<10000x128xf32, #tpu.memory_space<vmem_shared>>
        %dma_start3A_267 = tpu.memref_slice %arg12[%dma_start3A_256] : memref<2x!tpu.dma_semaphore, #tpu.memory_space<semaphore_mem>> -> memref<1x!tpu.dma_semaphore, #tpu.memory_space<semaphore_mem>>
        %dma_start3A_268 = tpu.memref_squeeze %dma_start3A_267 : memref<1x!tpu.dma_semaphore, #tpu.memory_space<semaphore_mem>> -> memref<!tpu.dma_semaphore, #tpu.memory_space<semaphore_mem>>
        tpu.enqueue_indirect_dma source(%dma_start3A_260 : memref<80x128xf32, #tpu.memory_space<vmem>>) target(%dma_start3A_266 : memref<10000x128xf32, #tpu.memory_space<vmem_shared>>) offsets(%dma_start3A_263 : memref<80xi32, #tpu.memory_space<vmem>>) semaphore(%dma_start3A_268 : memref<!tpu.dma_semaphore, #tpu.memory_space<semaphore_mem>>) {add = true}
      } else {
      }
      %add3A_193 = arith.constant 1 : i32
      %add3A_194 = arith.addi %while3A_173, %add3A_193 : i32
      %lt3A_195 = arith.constant 64 : i32
      %lt3A_196 = arith.cmpi slt, %add3A_194, %lt3A_195 : i32
      %convert_element_type3A_197 = arith.extui %lt3A_196 : i1 to i32
      %cond3A_198 = arith.constant 0 : i32
      %cond3A_199 = arith.cmpi ne, %convert_element_type3A_197, %cond3A_198 : i32
      scf.if %cond3A_199 {
        %sub3A = arith.constant 1 : i32
        %sub3A_239 = arith.subi %sub3A, %rem3A_174 : i32
        %dma_wait3A_240 = arith.constant 0 : i32
        %dma_wait3A_241 = arith.constant 0 : i32
        %dma_wait3A_242 = tpu.memref_slice %arg7[%sub3A_239, %dma_wait3A_240, %dma_wait3A_241] : memref<2x2x80xi32, #tpu.memory_space<vmem>> -> memref<1x2x80xi32, #tpu.memory_space<vmem>>
        %dma_wait3A_243 = tpu.memref_squeeze %dma_wait3A_242 : memref<1x2x80xi32, #tpu.memory_space<vmem>> -> memref<2x80xi32, #tpu.memory_space<vmem>>
        %dma_wait3A_244 = arith.constant 0 : i32
        %dma_wait3A_245 = arith.constant 0 : i32
        %dma_wait3A_246 = tpu.memref_slice %arg3[%add3A, %dma_wait3A_244, %dma_wait3A_245] : memref<32x128x80xi32, #tpu.memory_space<hbm>> -> memref<1x2x80xi32, #tpu.memory_space<hbm>>
        %dma_wait3A_247 = tpu.memref_squeeze %dma_wait3A_246 : memref<1x2x80xi32, #tpu.memory_space<hbm>> -> memref<2x80xi32, #tpu.memory_space<hbm>>
        %dma_wait3A_248 = tpu.memref_slice %arg13[%sub3A_239] : memref<2x!tpu.dma_semaphore, #tpu.memory_space<semaphore_mem>> -> memref<1x!tpu.dma_semaphore, #tpu.memory_space<semaphore_mem>>
        %dma_wait3A_249 = tpu.memref_squeeze %dma_wait3A_248 : memref<1x!tpu.dma_semaphore, #tpu.memory_space<semaphore_mem>> -> memref<!tpu.dma_semaphore, #tpu.memory_space<semaphore_mem>>
        %dma_wait3A_250 = arith.constant 0 : i32
        %dma_wait3A_251 = arith.constant 0 : i32
        %dma_wait3A_252 = tpu.memref_slice %arg7[%sub3A_239, %dma_wait3A_250, %dma_wait3A_251] : memref<2x2x80xi32, #tpu.memory_space<vmem>> -> memref<1x2x80xi32, #tpu.memory_space<vmem>>
        %dma_wait3A_253 = tpu.memref_squeeze %dma_wait3A_252 : memref<1x2x80xi32, #tpu.memory_space<vmem>> -> memref<2x80xi32, #tpu.memory_space<vmem>>
        %dma_wait3A_254 = arith.constant 0 : i32
        %dma_wait3A_255 = arith.constant 0 : i32
        %dma_wait3A_256 = tpu.memref_slice %arg3[%add3A, %dma_wait3A_254, %dma_wait3A_255] : memref<32x128x80xi32, #tpu.memory_space<hbm>> -> memref<1x2x80xi32, #tpu.memory_space<hbm>>
        %dma_wait3A_257 = tpu.memref_squeeze %dma_wait3A_256 : memref<1x2x80xi32, #tpu.memory_space<hbm>> -> memref<2x80xi32, #tpu.memory_space<hbm>>
        tpu.wait_dma2 semaphore(%dma_wait3A_249 : memref<!tpu.dma_semaphore, #tpu.memory_space<semaphore_mem>>) src(%dma_wait3A_257 : memref<2x80xi32, #tpu.memory_space<hbm>>) dst(%dma_wait3A_253 : memref<2x80xi32, #tpu.memory_space<vmem>>)
        %dma_wait3A_258 = arith.constant 0 : i32
        %dma_wait3A_259 = arith.constant 0 : i32
        %dma_wait3A_260 = tpu.memref_slice %arg8[%sub3A_239, %dma_wait3A_258, %dma_wait3A_259] : memref<2x2x80xi32, #tpu.memory_space<vmem>> -> memref<1x2x80xi32, #tpu.memory_space<vmem>>
        %dma_wait3A_261 = tpu.memref_squeeze %dma_wait3A_260 : memref<1x2x80xi32, #tpu.memory_space<vmem>> -> memref<2x80xi32, #tpu.memory_space<vmem>>
        %dma_wait3A_262 = arith.constant 0 : i32
        %dma_wait3A_263 = arith.constant 0 : i32
        %dma_wait3A_264 = tpu.memref_slice %arg4[%add3A, %dma_wait3A_262, %dma_wait3A_263] : memref<32x128x80xi32, #tpu.memory_space<hbm>> -> memref<1x2x80xi32, #tpu.memory_space<hbm>>
        %dma_wait3A_265 = tpu.memref_squeeze %dma_wait3A_264 : memref<1x2x80xi32, #tpu.memory_space<hbm>> -> memref<2x80xi32, #tpu.memory_space<hbm>>
        %dma_wait3A_266 = tpu.memref_slice %arg13[%sub3A_239] : memref<2x!tpu.dma_semaphore, #tpu.memory_space<semaphore_mem>> -> memref<1x!tpu.dma_semaphore, #tpu.memory_space<semaphore_mem>>
        %dma_wait3A_267 = tpu.memref_squeeze %dma_wait3A_266 : memref<1x!tpu.dma_semaphore, #tpu.memory_space<semaphore_mem>> -> memref<!tpu.dma_semaphore, #tpu.memory_space<semaphore_mem>>
        %dma_wait3A_268 = arith.constant 0 : i32
        %dma_wait3A_269 = arith.constant 0 : i32
        %dma_wait3A_270 = tpu.memref_slice %arg8[%sub3A_239, %dma_wait3A_268, %dma_wait3A_269] : memref<2x2x80xi32, #tpu.memory_space<vmem>> -> memref<1x2x80xi32, #tpu.memory_space<vmem>>
        %dma_wait3A_271 = tpu.memref_squeeze %dma_wait3A_270 : memref<1x2x80xi32, #tpu.memory_space<vmem>> -> memref<2x80xi32, #tpu.memory_space<vmem>>
        %dma_wait3A_272 = arith.constant 0 : i32
        %dma_wait3A_273 = arith.constant 0 : i32
        %dma_wait3A_274 = tpu.memref_slice %arg4[%add3A, %dma_wait3A_272, %dma_wait3A_273] : memref<32x128x80xi32, #tpu.memory_space<hbm>> -> memref<1x2x80xi32, #tpu.memory_space<hbm>>
        %dma_wait3A_275 = tpu.memref_squeeze %dma_wait3A_274 : memref<1x2x80xi32, #tpu.memory_space<hbm>> -> memref<2x80xi32, #tpu.memory_space<hbm>>
        tpu.wait_dma2 semaphore(%dma_wait3A_267 : memref<!tpu.dma_semaphore, #tpu.memory_space<semaphore_mem>>) src(%dma_wait3A_275 : memref<2x80xi32, #tpu.memory_space<hbm>>) dst(%dma_wait3A_271 : memref<2x80xi32, #tpu.memory_space<vmem>>)
      } else {
      }
      %mul3A_200 = arith.constant 2 : i32
      %mul3A_201 = arith.muli %while3A_173, %mul3A_200 : i32
      %add3A_202 = arith.constant 0 : i32
      %add3A_203 = arith.addi %mul3A_201, %add3A_202 : i32
      %add3A_204 = arith.constant 2 : i32
      %add3A_205 = arith.addi %add3A_203, %add3A_204 : i32
      %lt3A_206 = arith.constant 125 : i32
      %lt3A_207 = arith.cmpi slt, %add3A_203, %lt3A_206 : i32
      %convert_element_type3A_208 = arith.extui %lt3A_207 : i1 to i32
      %cond3A_209 = arith.constant 0 : i32
      %cond3A_210 = arith.cmpi ne, %convert_element_type3A_208, %cond3A_209 : i32
      scf.if %cond3A_210 {
        %dma_wait3A_239 = arith.constant 0 : i32
        %dma_wait3A_240 = arith.constant 0 : i32
        %dma_wait3A_241 = arith.constant 0 : i32
        %dma_wait3A_242 = arith.constant 0 : i32
        %dma_wait3A_243 = arith.constant 0 : i32
        %dma_wait3A_244 = tpu.memref_slice %arg9[%dma_wait3A_239, %dma_wait3A_242, %dma_wait3A_243] : memref<2x80x128xf32, #tpu.memory_space<vmem>> -> memref<1x80x128xf32, #tpu.memory_space<vmem>>
        %dma_wait3A_245 = tpu.memref_squeeze %dma_wait3A_244 : memref<1x80x128xf32, #tpu.memory_space<vmem>> -> memref<80x128xf32, #tpu.memory_space<vmem>>
        %dma_wait3A_246 = arith.constant 0 : i32
        %dma_wait3A_247 = tpu.memref_slice %arg8[%rem3A_174, %dma_wait3A_240, %dma_wait3A_246] : memref<2x2x80xi32, #tpu.memory_space<vmem>> -> memref<1x1x80xi32, #tpu.memory_space<vmem>>
        %dma_wait3A_248 = tpu.memref_squeeze %dma_wait3A_247 : memref<1x1x80xi32, #tpu.memory_space<vmem>> -> memref<80xi32, #tpu.memory_space<vmem>>
        %dma_wait3A_249 = arith.constant 0 : i32
        %dma_wait3A_250 = arith.constant 0 : i32
        %dma_wait3A_251 = tpu.memref_slice %arg10[%dma_wait3A_249, %dma_wait3A_250] : memref<10000x128xf32, #tpu.memory_space<vmem_shared>> -> memref<10000x128xf32, #tpu.memory_space<vmem_shared>>
        %dma_wait3A_252 = tpu.memref_slice %arg12[%dma_wait3A_241] : memref<2x!tpu.dma_semaphore, #tpu.memory_space<semaphore_mem>> -> memref<1x!tpu.dma_semaphore, #tpu.memory_space<semaphore_mem>>
        %dma_wait3A_253 = tpu.memref_squeeze %dma_wait3A_252 : memref<1x!tpu.dma_semaphore, #tpu.memory_space<semaphore_mem>> -> memref<!tpu.dma_semaphore, #tpu.memory_space<semaphore_mem>>
        tpu.wait_indirect_dma semaphore(%dma_wait3A_253 : memref<!tpu.dma_semaphore, #tpu.memory_space<semaphore_mem>>) src(%dma_wait3A_245 : memref<80x128xf32, #tpu.memory_space<vmem>>) dst(%dma_wait3A_251 : memref<10000x128xf32, #tpu.memory_space<vmem_shared>>)
      } else {
      }
      %lt3A_211 = arith.constant 125 : i32
      %lt3A_212 = arith.cmpi slt, %add3A_205, %lt3A_211 : i32
      %convert_element_type3A_213 = arith.extui %lt3A_212 : i1 to i32
      %cond3A_214 = arith.constant 0 : i32
      %cond3A_215 = arith.cmpi ne, %convert_element_type3A_213, %cond3A_214 : i32
      scf.if %cond3A_215 {
        %sub3A = arith.constant 1 : i32
        %sub3A_239 = arith.subi %sub3A, %rem3A_174 : i32
        %dma_start3A_240 = arith.constant 0 : i32
        %dma_start3A_241 = arith.constant 0 : i32
        %dma_start3A_242 = arith.constant 0 : i32
        %dma_start3A_243 = arith.constant 0 : i32
        %dma_start3A_244 = arith.constant 0 : i32
        %dma_start3A_245 = tpu.memref_slice %arg9[%dma_start3A_241, %dma_start3A_243, %dma_start3A_244] : memref<2x80x128xf32, #tpu.memory_space<vmem>> -> memref<1x80x128xf32, #tpu.memory_space<vmem>>
        %dma_start3A_246 = tpu.memref_squeeze %dma_start3A_245 : memref<1x80x128xf32, #tpu.memory_space<vmem>> -> memref<80x128xf32, #tpu.memory_space<vmem>>
        %dma_start3A_247 = arith.constant 0 : i32
        %dma_start3A_248 = tpu.memref_slice %arg7[%sub3A_239, %dma_start3A_240, %dma_start3A_247] : memref<2x2x80xi32, #tpu.memory_space<vmem>> -> memref<1x1x80xi32, #tpu.memory_space<vmem>>
        %dma_start3A_249 = tpu.memref_squeeze %dma_start3A_248 : memref<1x1x80xi32, #tpu.memory_space<vmem>> -> memref<80xi32, #tpu.memory_space<vmem>>
        %dma_start3A_250 = arith.constant 0 : i32
        %dma_start3A_251 = arith.constant 0 : i32
        %dma_start3A_252 = tpu.memref_slice %arg2[%dma_start3A_250, %dma_start3A_251] : memref<10000x128xf32, #tpu.memory_space<hbm>> -> memref<10000x128xf32, #tpu.memory_space<hbm>>
        %dma_start3A_253 = tpu.memref_slice %arg11[%dma_start3A_242] : memref<2x!tpu.dma_semaphore, #tpu.memory_space<semaphore_mem>> -> memref<1x!tpu.dma_semaphore, #tpu.memory_space<semaphore_mem>>
        %dma_start3A_254 = tpu.memref_squeeze %dma_start3A_253 : memref<1x!tpu.dma_semaphore, #tpu.memory_space<semaphore_mem>> -> memref<!tpu.dma_semaphore, #tpu.memory_space<semaphore_mem>>
        tpu.enqueue_indirect_dma source(%dma_start3A_252 : memref<10000x128xf32, #tpu.memory_space<hbm>>) target(%dma_start3A_246 : memref<80x128xf32, #tpu.memory_space<vmem>>) offsets(%dma_start3A_249 : memref<80xi32, #tpu.memory_space<vmem>>) semaphore(%dma_start3A_254 : memref<!tpu.dma_semaphore, #tpu.memory_space<semaphore_mem>>)
      } else {
      }
      %mul3A_216 = arith.constant 2 : i32
      %mul3A_217 = arith.muli %while3A_173, %mul3A_216 : i32
      %add3A_218 = arith.constant 1 : i32
      %add3A_219 = arith.addi %mul3A_217, %add3A_218 : i32
      %add3A_220 = arith.constant 2 : i32
      %add3A_221 = arith.addi %add3A_219, %add3A_220 : i32
      %lt3A_222 = arith.constant 125 : i32
      %lt3A_223 = arith.cmpi slt, %add3A_219, %lt3A_222 : i32
      %convert_element_type3A_224 = arith.extui %lt3A_223 : i1 to i32
      %cond3A_225 = arith.constant 0 : i32
      %cond3A_226 = arith.cmpi ne, %convert_element_type3A_224, %cond3A_225 : i32
      scf.if %cond3A_226 {
        %dma_wait3A_239 = arith.constant 1 : i32
        %dma_wait3A_240 = arith.constant 1 : i32
        %dma_wait3A_241 = arith.constant 1 : i32
        %dma_wait3A_242 = arith.constant 0 : i32
        %dma_wait3A_243 = arith.constant 0 : i32
        %dma_wait3A_244 = tpu.memref_slice %arg9[%dma_wait3A_239, %dma_wait3A_242, %dma_wait3A_243] : memref<2x80x128xf32, #tpu.memory_space<vmem>> -> memref<1x80x128xf32, #tpu.memory_space<vmem>>
        %dma_wait3A_245 = tpu.memref_squeeze %dma_wait3A_244 : memref<1x80x128xf32, #tpu.memory_space<vmem>> -> memref<80x128xf32, #tpu.memory_space<vmem>>
        %dma_wait3A_246 = arith.constant 0 : i32
        %dma_wait3A_247 = tpu.memref_slice %arg8[%rem3A_174, %dma_wait3A_240, %dma_wait3A_246] : memref<2x2x80xi32, #tpu.memory_space<vmem>> -> memref<1x1x80xi32, #tpu.memory_space<vmem>>
        %dma_wait3A_248 = tpu.memref_squeeze %dma_wait3A_247 : memref<1x1x80xi32, #tpu.memory_space<vmem>> -> memref<80xi32, #tpu.memory_space<vmem>>
        %dma_wait3A_249 = arith.constant 0 : i32
        %dma_wait3A_250 = arith.constant 0 : i32
        %dma_wait3A_251 = tpu.memref_slice %arg10[%dma_wait3A_249, %dma_wait3A_250] : memref<10000x128xf32, #tpu.memory_space<vmem_shared>> -> memref<10000x128xf32, #tpu.memory_space<vmem_shared>>
        %dma_wait3A_252 = tpu.memref_slice %arg12[%dma_wait3A_241] : memref<2x!tpu.dma_semaphore, #tpu.memory_space<semaphore_mem>> -> memref<1x!tpu.dma_semaphore, #tpu.memory_space<semaphore_mem>>
        %dma_wait3A_253 = tpu.memref_squeeze %dma_wait3A_252 : memref<1x!tpu.dma_semaphore, #tpu.memory_space<semaphore_mem>> -> memref<!tpu.dma_semaphore, #tpu.memory_space<semaphore_mem>>
        tpu.wait_indirect_dma semaphore(%dma_wait3A_253 : memref<!tpu.dma_semaphore, #tpu.memory_space<semaphore_mem>>) src(%dma_wait3A_245 : memref<80x128xf32, #tpu.memory_space<vmem>>) dst(%dma_wait3A_251 : memref<10000x128xf32, #tpu.memory_space<vmem_shared>>)
      } else {
      }
      %lt3A_227 = arith.constant 125 : i32
      %lt3A_228 = arith.cmpi slt, %add3A_221, %lt3A_227 : i32
      %convert_element_type3A_229 = arith.extui %lt3A_228 : i1 to i32
      %cond3A_230 = arith.constant 0 : i32
      %cond3A_231 = arith.cmpi ne, %convert_element_type3A_229, %cond3A_230 : i32
      scf.if %cond3A_231 {
        %sub3A = arith.constant 1 : i32
        %sub3A_239 = arith.subi %sub3A, %rem3A_174 : i32
        %dma_start3A_240 = arith.constant 1 : i32
        %dma_start3A_241 = arith.constant 1 : i32
        %dma_start3A_242 = arith.constant 1 : i32
        %dma_start3A_243 = arith.constant 0 : i32
        %dma_start3A_244 = arith.constant 0 : i32
        %dma_start3A_245 = tpu.memref_slice %arg9[%dma_start3A_241, %dma_start3A_243, %dma_start3A_244] : memref<2x80x128xf32, #tpu.memory_space<vmem>> -> memref<1x80x128xf32, #tpu.memory_space<vmem>>
        %dma_start3A_246 = tpu.memref_squeeze %dma_start3A_245 : memref<1x80x128xf32, #tpu.memory_space<vmem>> -> memref<80x128xf32, #tpu.memory_space<vmem>>
        %dma_start3A_247 = arith.constant 0 : i32
        %dma_start3A_248 = tpu.memref_slice %arg7[%sub3A_239, %dma_start3A_240, %dma_start3A_247] : memref<2x2x80xi32, #tpu.memory_space<vmem>> -> memref<1x1x80xi32, #tpu.memory_space<vmem>>
        %dma_start3A_249 = tpu.memref_squeeze %dma_start3A_248 : memref<1x1x80xi32, #tpu.memory_space<vmem>> -> memref<80xi32, #tpu.memory_space<vmem>>
        %dma_start3A_250 = arith.constant 0 : i32
        %dma_start3A_251 = arith.constant 0 : i32
        %dma_start3A_252 = tpu.memref_slice %arg2[%dma_start3A_250, %dma_start3A_251] : memref<10000x128xf32, #tpu.memory_space<hbm>> -> memref<10000x128xf32, #tpu.memory_space<hbm>>
        %dma_start3A_253 = tpu.memref_slice %arg11[%dma_start3A_242] : memref<2x!tpu.dma_semaphore, #tpu.memory_space<semaphore_mem>> -> memref<1x!tpu.dma_semaphore, #tpu.memory_space<semaphore_mem>>
        %dma_start3A_254 = tpu.memref_squeeze %dma_start3A_253 : memref<1x!tpu.dma_semaphore, #tpu.memory_space<semaphore_mem>> -> memref<!tpu.dma_semaphore, #tpu.memory_space<semaphore_mem>>
        tpu.enqueue_indirect_dma source(%dma_start3A_252 : memref<10000x128xf32, #tpu.memory_space<hbm>>) target(%dma_start3A_246 : memref<80x128xf32, #tpu.memory_space<vmem>>) offsets(%dma_start3A_249 : memref<80xi32, #tpu.memory_space<vmem>>) semaphore(%dma_start3A_254 : memref<!tpu.dma_semaphore, #tpu.memory_space<semaphore_mem>>)
      } else {
      }
      %add3A_232 = arith.constant 2 : i32
      %add3A_233 = arith.addi %while3A_173, %add3A_232 : i32
      %lt3A_234 = arith.constant 64 : i32
      %lt3A_235 = arith.cmpi slt, %add3A_233, %lt3A_234 : i32
      %convert_element_type3A_236 = arith.extui %lt3A_235 : i1 to i32
      %cond3A_237 = arith.constant 0 : i32
      %cond3A_238 = arith.cmpi ne, %convert_element_type3A_236, %cond3A_237 : i32
      scf.if %cond3A_238 {
        %add3A_239 = arith.constant 2 : i32
        %add3A_240 = arith.addi %while3A_173, %add3A_239 : i32
        %mul3A_241 = arith.constant 2 : i32
        %mul3A_242 = arith.muli %add3A_240, %mul3A_241 : i32
        %dma_start3A_243 = arith.constant 0 : i32
        %dma_start3A_244 = arith.constant 0 : i32
        %dma_start3A_245 = tpu.memref_slice %arg7[%rem3A_174, %dma_start3A_243, %dma_start3A_244] : memref<2x2x80xi32, #tpu.memory_space<vmem>> -> memref<1x2x80xi32, #tpu.memory_space<vmem>>
        %dma_start3A_246 = tpu.memref_squeeze %dma_start3A_245 : memref<1x2x80xi32, #tpu.memory_space<vmem>> -> memref<2x80xi32, #tpu.memory_space<vmem>>
        %dma_start3A_247 = arith.constant 0 : i32
        %dma_start3A_248 = tpu.memref_slice %arg3[%add3A, %mul3A_242, %dma_start3A_247] : memref<32x128x80xi32, #tpu.memory_space<hbm>> -> memref<1x2x80xi32, #tpu.memory_space<hbm>>
        %dma_start3A_249 = tpu.memref_squeeze %dma_start3A_248 : memref<1x2x80xi32, #tpu.memory_space<hbm>> -> memref<2x80xi32, #tpu.memory_space<hbm>>
        %dma_start3A_250 = tpu.memref_slice %arg13[%rem3A_174] : memref<2x!tpu.dma_semaphore, #tpu.memory_space<semaphore_mem>> -> memref<1x!tpu.dma_semaphore, #tpu.memory_space<semaphore_mem>>
        %dma_start3A_251 = tpu.memref_squeeze %dma_start3A_250 : memref<1x!tpu.dma_semaphore, #tpu.memory_space<semaphore_mem>> -> memref<!tpu.dma_semaphore, #tpu.memory_space<semaphore_mem>>
        %dma_start3A_252 = arith.constant 0 : i32
        %dma_start3A_253 = arith.constant 0 : i32
        %dma_start3A_254 = tpu.memref_slice %arg7[%rem3A_174, %dma_start3A_252, %dma_start3A_253] : memref<2x2x80xi32, #tpu.memory_space<vmem>> -> memref<1x2x80xi32, #tpu.memory_space<vmem>>
        %dma_start3A_255 = tpu.memref_squeeze %dma_start3A_254 : memref<1x2x80xi32, #tpu.memory_space<vmem>> -> memref<2x80xi32, #tpu.memory_space<vmem>>
        %dma_start3A_256 = arith.constant 0 : i32
        %dma_start3A_257 = tpu.memref_slice %arg3[%add3A, %mul3A_242, %dma_start3A_256] : memref<32x128x80xi32, #tpu.memory_space<hbm>> -> memref<1x2x80xi32, #tpu.memory_space<hbm>>
        %dma_start3A_258 = tpu.memref_squeeze %dma_start3A_257 : memref<1x2x80xi32, #tpu.memory_space<hbm>> -> memref<2x80xi32, #tpu.memory_space<hbm>>
        tpu.enqueue_dma source(%dma_start3A_258 : memref<2x80xi32, #tpu.memory_space<hbm>>) target(%dma_start3A_255 : memref<2x80xi32, #tpu.memory_space<vmem>>) target_semaphore(%dma_start3A_251 : memref<!tpu.dma_semaphore, #tpu.memory_space<semaphore_mem>>)
        %mul3A_259 = arith.constant 2 : i32
        %mul3A_260 = arith.muli %add3A_240, %mul3A_259 : i32
        %dma_start3A_261 = arith.constant 0 : i32
        %dma_start3A_262 = arith.constant 0 : i32
        %dma_start3A_263 = tpu.memref_slice %arg8[%rem3A_174, %dma_start3A_261, %dma_start3A_262] : memref<2x2x80xi32, #tpu.memory_space<vmem>> -> memref<1x2x80xi32, #tpu.memory_space<vmem>>
        %dma_start3A_264 = tpu.memref_squeeze %dma_start3A_263 : memref<1x2x80xi32, #tpu.memory_space<vmem>> -> memref<2x80xi32, #tpu.memory_space<vmem>>
        %dma_start3A_265 = arith.constant 0 : i32
        %dma_start3A_266 = tpu.memref_slice %arg4[%add3A, %mul3A_260, %dma_start3A_265] : memref<32x128x80xi32, #tpu.memory_space<hbm>> -> memref<1x2x80xi32, #tpu.memory_space<hbm>>
        %dma_start3A_267 = tpu.memref_squeeze %dma_start3A_266 : memref<1x2x80xi32, #tpu.memory_space<hbm>> -> memref<2x80xi32, #tpu.memory_space<hbm>>
        %dma_start3A_268 = tpu.memref_slice %arg13[%rem3A_174] : memref<2x!tpu.dma_semaphore, #tpu.memory_space<semaphore_mem>> -> memref<1x!tpu.dma_semaphore, #tpu.memory_space<semaphore_mem>>
        %dma_start3A_269 = tpu.memref_squeeze %dma_start3A_268 : memref<1x!tpu.dma_semaphore, #tpu.memory_space<semaphore_mem>> -> memref<!tpu.dma_semaphore, #tpu.memory_space<semaphore_mem>>
        %dma_start3A_270 = arith.constant 0 : i32
        %dma_start3A_271 = arith.constant 0 : i32
        %dma_start3A_272 = tpu.memref_slice %arg8[%rem3A_174, %dma_start3A_270, %dma_start3A_271] : memref<2x2x80xi32, #tpu.memory_space<vmem>> -> memref<1x2x80xi32, #tpu.memory_space<vmem>>
        %dma_start3A_273 = tpu.memref_squeeze %dma_start3A_272 : memref<1x2x80xi32, #tpu.memory_space<vmem>> -> memref<2x80xi32, #tpu.memory_space<vmem>>
        %dma_start3A_274 = arith.constant 0 : i32
        %dma_start3A_275 = tpu.memref_slice %arg4[%add3A, %mul3A_260, %dma_start3A_274] : memref<32x128x80xi32, #tpu.memory_space<hbm>> -> memref<1x2x80xi32, #tpu.memory_space<hbm>>
        %dma_start3A_276 = tpu.memref_squeeze %dma_start3A_275 : memref<1x2x80xi32, #tpu.memory_space<hbm>> -> memref<2x80xi32, #tpu.memory_space<hbm>>
        tpu.enqueue_dma source(%dma_start3A_276 : memref<2x80xi32, #tpu.memory_space<hbm>>) target(%dma_start3A_273 : memref<2x80xi32, #tpu.memory_space<vmem>>) target_semaphore(%dma_start3A_269 : memref<!tpu.dma_semaphore, #tpu.memory_space<semaphore_mem>>)
      } else {
      }
    }
    %while3A_166 = arith.constant 1 : i32
    scf.for %while3A_173 = %while3A_164 to %while3A_160 step %while3A_166  : i32 {
      %rem3A = arith.constant 2 : i32
      %rem3A_174 = arith.remsi %while3A_173, %rem3A : i32
      %mul3A_175 = arith.constant 2 : i32
      %mul3A_176 = arith.muli %while3A_173, %mul3A_175 : i32
      %add3A_177 = arith.constant 0 : i32
      %add3A_178 = arith.addi %mul3A_176, %add3A_177 : i32
      %lt3A_179 = arith.constant 125 : i32
      %lt3A_180 = arith.cmpi slt, %add3A_178, %lt3A_179 : i32
      %convert_element_type3A_181 = arith.extui %lt3A_180 : i1 to i32
      %cond3A_182 = arith.constant 0 : i32
      %cond3A_183 = arith.cmpi ne, %convert_element_type3A_181, %cond3A_182 : i32
      scf.if %cond3A_183 {
        %dma_wait3A_239 = arith.constant 0 : i32
        %dma_wait3A_240 = arith.constant 0 : i32
        %dma_wait3A_241 = arith.constant 0 : i32
        %dma_wait3A_242 = arith.constant 0 : i32
        %dma_wait3A_243 = arith.constant 0 : i32
        %dma_wait3A_244 = tpu.memref_slice %arg9[%dma_wait3A_240, %dma_wait3A_242, %dma_wait3A_243] : memref<2x80x128xf32, #tpu.memory_space<vmem>> -> memref<1x80x128xf32, #tpu.memory_space<vmem>>
        %dma_wait3A_245 = tpu.memref_squeeze %dma_wait3A_244 : memref<1x80x128xf32, #tpu.memory_space<vmem>> -> memref<80x128xf32, #tpu.memory_space<vmem>>
        %dma_wait3A_246 = arith.constant 0 : i32
        %dma_wait3A_247 = tpu.memref_slice %arg7[%rem3A_174, %dma_wait3A_239, %dma_wait3A_246] : memref<2x2x80xi32, #tpu.memory_space<vmem>> -> memref<1x1x80xi32, #tpu.memory_space<vmem>>
        %dma_wait3A_248 = tpu.memref_squeeze %dma_wait3A_247 : memref<1x1x80xi32, #tpu.memory_space<vmem>> -> memref<80xi32, #tpu.memory_space<vmem>>
        %dma_wait3A_249 = arith.constant 0 : i32
        %dma_wait3A_250 = arith.constant 0 : i32
        %dma_wait3A_251 = tpu.memref_slice %arg2[%dma_wait3A_249, %dma_wait3A_250] : memref<10000x128xf32, #tpu.memory_space<hbm>> -> memref<10000x128xf32, #tpu.memory_space<hbm>>
        %dma_wait3A_252 = tpu.memref_slice %arg11[%dma_wait3A_241] : memref<2x!tpu.dma_semaphore, #tpu.memory_space<semaphore_mem>> -> memref<1x!tpu.dma_semaphore, #tpu.memory_space<semaphore_mem>>
        %dma_wait3A_253 = tpu.memref_squeeze %dma_wait3A_252 : memref<1x!tpu.dma_semaphore, #tpu.memory_space<semaphore_mem>> -> memref<!tpu.dma_semaphore, #tpu.memory_space<semaphore_mem>>
        tpu.wait_indirect_dma semaphore(%dma_wait3A_253 : memref<!tpu.dma_semaphore, #tpu.memory_space<semaphore_mem>>) src(%dma_wait3A_251 : memref<10000x128xf32, #tpu.memory_space<hbm>>) dst(%dma_wait3A_245 : memref<80x128xf32, #tpu.memory_space<vmem>>)
        %dma_start3A_254 = arith.constant 0 : i32
        %dma_start3A_255 = arith.constant 0 : i32
        %dma_start3A_256 = arith.constant 0 : i32
        %dma_start3A_257 = arith.constant 0 : i32
        %dma_start3A_258 = arith.constant 0 : i32
        %dma_start3A_259 = tpu.memref_slice %arg9[%dma_start3A_254, %dma_start3A_257, %dma_start3A_258] : memref<2x80x128xf32, #tpu.memory_space<vmem>> -> memref<1x80x128xf32, #tpu.memory_space<vmem>>
        %dma_start3A_260 = tpu.memref_squeeze %dma_start3A_259 : memref<1x80x128xf32, #tpu.memory_space<vmem>> -> memref<80x128xf32, #tpu.memory_space<vmem>>
        %dma_start3A_261 = arith.constant 0 : i32
        %dma_start3A_262 = tpu.memref_slice %arg8[%rem3A_174, %dma_start3A_255, %dma_start3A_261] : memref<2x2x80xi32, #tpu.memory_space<vmem>> -> memref<1x1x80xi32, #tpu.memory_space<vmem>>
        %dma_start3A_263 = tpu.memref_squeeze %dma_start3A_262 : memref<1x1x80xi32, #tpu.memory_space<vmem>> -> memref<80xi32, #tpu.memory_space<vmem>>
        %dma_start3A_264 = arith.constant 0 : i32
        %dma_start3A_265 = arith.constant 0 : i32
        %dma_start3A_266 = tpu.memref_slice %arg10[%dma_start3A_264, %dma_start3A_265] : memref<10000x128xf32, #tpu.memory_space<vmem_shared>> -> memref<10000x128xf32, #tpu.memory_space<vmem_shared>>
        %dma_start3A_267 = tpu.memref_slice %arg12[%dma_start3A_256] : memref<2x!tpu.dma_semaphore, #tpu.memory_space<semaphore_mem>> -> memref<1x!tpu.dma_semaphore, #tpu.memory_space<semaphore_mem>>
        %dma_start3A_268 = tpu.memref_squeeze %dma_start3A_267 : memref<1x!tpu.dma_semaphore, #tpu.memory_space<semaphore_mem>> -> memref<!tpu.dma_semaphore, #tpu.memory_space<semaphore_mem>>
        tpu.enqueue_indirect_dma source(%dma_start3A_260 : memref<80x128xf32, #tpu.memory_space<vmem>>) target(%dma_start3A_266 : memref<10000x128xf32, #tpu.memory_space<vmem_shared>>) offsets(%dma_start3A_263 : memref<80xi32, #tpu.memory_space<vmem>>) semaphore(%dma_start3A_268 : memref<!tpu.dma_semaphore, #tpu.memory_space<semaphore_mem>>) {add = true}
      } else {
      }
      %mul3A_184 = arith.constant 2 : i32
      %mul3A_185 = arith.muli %while3A_173, %mul3A_184 : i32
      %add3A_186 = arith.constant 1 : i32
      %add3A_187 = arith.addi %mul3A_185, %add3A_186 : i32
      %lt3A_188 = arith.constant 125 : i32
      %lt3A_189 = arith.cmpi slt, %add3A_187, %lt3A_188 : i32
      %convert_element_type3A_190 = arith.extui %lt3A_189 : i1 to i32
      %cond3A_191 = arith.constant 0 : i32
      %cond3A_192 = arith.cmpi ne, %convert_element_type3A_190, %cond3A_191 : i32
      scf.if %cond3A_192 {
        %dma_wait3A_239 = arith.constant 1 : i32
        %dma_wait3A_240 = arith.constant 1 : i32
        %dma_wait3A_241 = arith.constant 1 : i32
        %dma_wait3A_242 = arith.constant 0 : i32
        %dma_wait3A_243 = arith.constant 0 : i32
        %dma_wait3A_244 = tpu.memref_slice %arg9[%dma_wait3A_240, %dma_wait3A_242, %dma_wait3A_243] : memref<2x80x128xf32, #tpu.memory_space<vmem>> -> memref<1x80x128xf32, #tpu.memory_space<vmem>>
        %dma_wait3A_245 = tpu.memref_squeeze %dma_wait3A_244 : memref<1x80x128xf32, #tpu.memory_space<vmem>> -> memref<80x128xf32, #tpu.memory_space<vmem>>
        %dma_wait3A_246 = arith.constant 0 : i32
        %dma_wait3A_247 = tpu.memref_slice %arg7[%rem3A_174, %dma_wait3A_239, %dma_wait3A_246] : memref<2x2x80xi32, #tpu.memory_space<vmem>> -> memref<1x1x80xi32, #tpu.memory_space<vmem>>
        %dma_wait3A_248 = tpu.memref_squeeze %dma_wait3A_247 : memref<1x1x80xi32, #tpu.memory_space<vmem>> -> memref<80xi32, #tpu.memory_space<vmem>>
        %dma_wait3A_249 = arith.constant 0 : i32
        %dma_wait3A_250 = arith.constant 0 : i32
        %dma_wait3A_251 = tpu.memref_slice %arg2[%dma_wait3A_249, %dma_wait3A_250] : memref<10000x128xf32, #tpu.memory_space<hbm>> -> memref<10000x128xf32, #tpu.memory_space<hbm>>
        %dma_wait3A_252 = tpu.memref_slice %arg11[%dma_wait3A_241] : memref<2x!tpu.dma_semaphore, #tpu.memory_space<semaphore_mem>> -> memref<1x!tpu.dma_semaphore, #tpu.memory_space<semaphore_mem>>
        %dma_wait3A_253 = tpu.memref_squeeze %dma_wait3A_252 : memref<1x!tpu.dma_semaphore, #tpu.memory_space<semaphore_mem>> -> memref<!tpu.dma_semaphore, #tpu.memory_space<semaphore_mem>>
        tpu.wait_indirect_dma semaphore(%dma_wait3A_253 : memref<!tpu.dma_semaphore, #tpu.memory_space<semaphore_mem>>) src(%dma_wait3A_251 : memref<10000x128xf32, #tpu.memory_space<hbm>>) dst(%dma_wait3A_245 : memref<80x128xf32, #tpu.memory_space<vmem>>)
        %dma_start3A_254 = arith.constant 1 : i32
        %dma_start3A_255 = arith.constant 1 : i32
        %dma_start3A_256 = arith.constant 1 : i32
        %dma_start3A_257 = arith.constant 0 : i32
        %dma_start3A_258 = arith.constant 0 : i32
        %dma_start3A_259 = tpu.memref_slice %arg9[%dma_start3A_254, %dma_start3A_257, %dma_start3A_258] : memref<2x80x128xf32, #tpu.memory_space<vmem>> -> memref<1x80x128xf32, #tpu.memory_space<vmem>>
        %dma_start3A_260 = tpu.memref_squeeze %dma_start3A_259 : memref<1x80x128xf32, #tpu.memory_space<vmem>> -> memref<80x128xf32, #tpu.memory_space<vmem>>
        %dma_start3A_261 = arith.constant 0 : i32
        %dma_start3A_262 = tpu.memref_slice %arg8[%rem3A_174, %dma_start3A_255, %dma_start3A_261] : memref<2x2x80xi32, #tpu.memory_space<vmem>> -> memref<1x1x80xi32, #tpu.memory_space<vmem>>
        %dma_start3A_263 = tpu.memref_squeeze %dma_start3A_262 : memref<1x1x80xi32, #tpu.memory_space<vmem>> -> memref<80xi32, #tpu.memory_space<vmem>>
        %dma_start3A_264 = arith.constant 0 : i32
        %dma_start3A_265 = arith.constant 0 : i32
        %dma_start3A_266 = tpu.memref_slice %arg10[%dma_start3A_264, %dma_start3A_265] : memref<10000x128xf32, #tpu.memory_space<vmem_shared>> -> memref<10000x128xf32, #tpu.memory_space<vmem_shared>>
        %dma_start3A_267 = tpu.memref_slice %arg12[%dma_start3A_256] : memref<2x!tpu.dma_semaphore, #tpu.memory_space<semaphore_mem>> -> memref<1x!tpu.dma_semaphore, #tpu.memory_space<semaphore_mem>>
        %dma_start3A_268 = tpu.memref_squeeze %dma_start3A_267 : memref<1x!tpu.dma_semaphore, #tpu.memory_space<semaphore_mem>> -> memref<!tpu.dma_semaphore, #tpu.memory_space<semaphore_mem>>
        tpu.enqueue_indirect_dma source(%dma_start3A_260 : memref<80x128xf32, #tpu.memory_space<vmem>>) target(%dma_start3A_266 : memref<10000x128xf32, #tpu.memory_space<vmem_shared>>) offsets(%dma_start3A_263 : memref<80xi32, #tpu.memory_space<vmem>>) semaphore(%dma_start3A_268 : memref<!tpu.dma_semaphore, #tpu.memory_space<semaphore_mem>>) {add = true}
      } else {
      }
      %add3A_193 = arith.constant 1 : i32
      %add3A_194 = arith.addi %while3A_173, %add3A_193 : i32
      %lt3A_195 = arith.constant 64 : i32
      %lt3A_196 = arith.cmpi slt, %add3A_194, %lt3A_195 : i32
      %convert_element_type3A_197 = arith.extui %lt3A_196 : i1 to i32
      %cond3A_198 = arith.constant 0 : i32
      %cond3A_199 = arith.cmpi ne, %convert_element_type3A_197, %cond3A_198 : i32
      scf.if %cond3A_199 {
        %sub3A = arith.constant 1 : i32
        %sub3A_239 = arith.subi %sub3A, %rem3A_174 : i32
        %dma_wait3A_240 = arith.constant 0 : i32
        %dma_wait3A_241 = arith.constant 0 : i32
        %dma_wait3A_242 = tpu.memref_slice %arg7[%sub3A_239, %dma_wait3A_240, %dma_wait3A_241] : memref<2x2x80xi32, #tpu.memory_space<vmem>> -> memref<1x2x80xi32, #tpu.memory_space<vmem>>
        %dma_wait3A_243 = tpu.memref_squeeze %dma_wait3A_242 : memref<1x2x80xi32, #tpu.memory_space<vmem>> -> memref<2x80xi32, #tpu.memory_space<vmem>>
        %dma_wait3A_244 = arith.constant 0 : i32
        %dma_wait3A_245 = arith.constant 0 : i32
        %dma_wait3A_246 = tpu.memref_slice %arg3[%add3A, %dma_wait3A_244, %dma_wait3A_245] : memref<32x128x80xi32, #tpu.memory_space<hbm>> -> memref<1x2x80xi32, #tpu.memory_space<hbm>>
        %dma_wait3A_247 = tpu.memref_squeeze %dma_wait3A_246 : memref<1x2x80xi32, #tpu.memory_space<hbm>> -> memref<2x80xi32, #tpu.memory_space<hbm>>
        %dma_wait3A_248 = tpu.memref_slice %arg13[%sub3A_239] : memref<2x!tpu.dma_semaphore, #tpu.memory_space<semaphore_mem>> -> memref<1x!tpu.dma_semaphore, #tpu.memory_space<semaphore_mem>>
        %dma_wait3A_249 = tpu.memref_squeeze %dma_wait3A_248 : memref<1x!tpu.dma_semaphore, #tpu.memory_space<semaphore_mem>> -> memref<!tpu.dma_semaphore, #tpu.memory_space<semaphore_mem>>
        %dma_wait3A_250 = arith.constant 0 : i32
        %dma_wait3A_251 = arith.constant 0 : i32
        %dma_wait3A_252 = tpu.memref_slice %arg7[%sub3A_239, %dma_wait3A_250, %dma_wait3A_251] : memref<2x2x80xi32, #tpu.memory_space<vmem>> -> memref<1x2x80xi32, #tpu.memory_space<vmem>>
        %dma_wait3A_253 = tpu.memref_squeeze %dma_wait3A_252 : memref<1x2x80xi32, #tpu.memory_space<vmem>> -> memref<2x80xi32, #tpu.memory_space<vmem>>
        %dma_wait3A_254 = arith.constant 0 : i32
        %dma_wait3A_255 = arith.constant 0 : i32
        %dma_wait3A_256 = tpu.memref_slice %arg3[%add3A, %dma_wait3A_254, %dma_wait3A_255] : memref<32x128x80xi32, #tpu.memory_space<hbm>> -> memref<1x2x80xi32, #tpu.memory_space<hbm>>
        %dma_wait3A_257 = tpu.memref_squeeze %dma_wait3A_256 : memref<1x2x80xi32, #tpu.memory_space<hbm>> -> memref<2x80xi32, #tpu.memory_space<hbm>>
        tpu.wait_dma2 semaphore(%dma_wait3A_249 : memref<!tpu.dma_semaphore, #tpu.memory_space<semaphore_mem>>) src(%dma_wait3A_257 : memref<2x80xi32, #tpu.memory_space<hbm>>) dst(%dma_wait3A_253 : memref<2x80xi32, #tpu.memory_space<vmem>>)
        %dma_wait3A_258 = arith.constant 0 : i32
        %dma_wait3A_259 = arith.constant 0 : i32
        %dma_wait3A_260 = tpu.memref_slice %arg8[%sub3A_239, %dma_wait3A_258, %dma_wait3A_259] : memref<2x2x80xi32, #tpu.memory_space<vmem>> -> memref<1x2x80xi32, #tpu.memory_space<vmem>>
        %dma_wait3A_261 = tpu.memref_squeeze %dma_wait3A_260 : memref<1x2x80xi32, #tpu.memory_space<vmem>> -> memref<2x80xi32, #tpu.memory_space<vmem>>
        %dma_wait3A_262 = arith.constant 0 : i32
        %dma_wait3A_263 = arith.constant 0 : i32
        %dma_wait3A_264 = tpu.memref_slice %arg4[%add3A, %dma_wait3A_262, %dma_wait3A_263] : memref<32x128x80xi32, #tpu.memory_space<hbm>> -> memref<1x2x80xi32, #tpu.memory_space<hbm>>
        %dma_wait3A_265 = tpu.memref_squeeze %dma_wait3A_264 : memref<1x2x80xi32, #tpu.memory_space<hbm>> -> memref<2x80xi32, #tpu.memory_space<hbm>>
        %dma_wait3A_266 = tpu.memref_slice %arg13[%sub3A_239] : memref<2x!tpu.dma_semaphore, #tpu.memory_space<semaphore_mem>> -> memref<1x!tpu.dma_semaphore, #tpu.memory_space<semaphore_mem>>
        %dma_wait3A_267 = tpu.memref_squeeze %dma_wait3A_266 : memref<1x!tpu.dma_semaphore, #tpu.memory_space<semaphore_mem>> -> memref<!tpu.dma_semaphore, #tpu.memory_space<semaphore_mem>>
        %dma_wait3A_268 = arith.constant 0 : i32
        %dma_wait3A_269 = arith.constant 0 : i32
        %dma_wait3A_270 = tpu.memref_slice %arg8[%sub3A_239, %dma_wait3A_268, %dma_wait3A_269] : memref<2x2x80xi32, #tpu.memory_space<vmem>> -> memref<1x2x80xi32, #tpu.memory_space<vmem>>
        %dma_wait3A_271 = tpu.memref_squeeze %dma_wait3A_270 : memref<1x2x80xi32, #tpu.memory_space<vmem>> -> memref<2x80xi32, #tpu.memory_space<vmem>>
        %dma_wait3A_272 = arith.constant 0 : i32
        %dma_wait3A_273 = arith.constant 0 : i32
        %dma_wait3A_274 = tpu.memref_slice %arg4[%add3A, %dma_wait3A_272, %dma_wait3A_273] : memref<32x128x80xi32, #tpu.memory_space<hbm>> -> memref<1x2x80xi32, #tpu.memory_space<hbm>>
        %dma_wait3A_275 = tpu.memref_squeeze %dma_wait3A_274 : memref<1x2x80xi32, #tpu.memory_space<hbm>> -> memref<2x80xi32, #tpu.memory_space<hbm>>
        tpu.wait_dma2 semaphore(%dma_wait3A_267 : memref<!tpu.dma_semaphore, #tpu.memory_space<semaphore_mem>>) src(%dma_wait3A_275 : memref<2x80xi32, #tpu.memory_space<hbm>>) dst(%dma_wait3A_271 : memref<2x80xi32, #tpu.memory_space<vmem>>)
      } else {
      }
      %mul3A_200 = arith.constant 2 : i32
      %mul3A_201 = arith.muli %while3A_173, %mul3A_200 : i32
      %add3A_202 = arith.constant 0 : i32
      %add3A_203 = arith.addi %mul3A_201, %add3A_202 : i32
      %add3A_204 = arith.constant 2 : i32
      %add3A_205 = arith.addi %add3A_203, %add3A_204 : i32
      %lt3A_206 = arith.constant 125 : i32
      %lt3A_207 = arith.cmpi slt, %add3A_203, %lt3A_206 : i32
      %convert_element_type3A_208 = arith.extui %lt3A_207 : i1 to i32
      %cond3A_209 = arith.constant 0 : i32
      %cond3A_210 = arith.cmpi ne, %convert_element_type3A_208, %cond3A_209 : i32
      scf.if %cond3A_210 {
        %dma_wait3A_239 = arith.constant 0 : i32
        %dma_wait3A_240 = arith.constant 0 : i32
        %dma_wait3A_241 = arith.constant 0 : i32
        %dma_wait3A_242 = arith.constant 0 : i32
        %dma_wait3A_243 = arith.constant 0 : i32
        %dma_wait3A_244 = tpu.memref_slice %arg9[%dma_wait3A_239, %dma_wait3A_242, %dma_wait3A_243] : memref<2x80x128xf32, #tpu.memory_space<vmem>> -> memref<1x80x128xf32, #tpu.memory_space<vmem>>
        %dma_wait3A_245 = tpu.memref_squeeze %dma_wait3A_244 : memref<1x80x128xf32, #tpu.memory_space<vmem>> -> memref<80x128xf32, #tpu.memory_space<vmem>>
        %dma_wait3A_246 = arith.constant 0 : i32
        %dma_wait3A_247 = tpu.memref_slice %arg8[%rem3A_174, %dma_wait3A_240, %dma_wait3A_246] : memref<2x2x80xi32, #tpu.memory_space<vmem>> -> memref<1x1x80xi32, #tpu.memory_space<vmem>>
        %dma_wait3A_248 = tpu.memref_squeeze %dma_wait3A_247 : memref<1x1x80xi32, #tpu.memory_space<vmem>> -> memref<80xi32, #tpu.memory_space<vmem>>
        %dma_wait3A_249 = arith.constant 0 : i32
        %dma_wait3A_250 = arith.constant 0 : i32
        %dma_wait3A_251 = tpu.memref_slice %arg10[%dma_wait3A_249, %dma_wait3A_250] : memref<10000x128xf32, #tpu.memory_space<vmem_shared>> -> memref<10000x128xf32, #tpu.memory_space<vmem_shared>>
        %dma_wait3A_252 = tpu.memref_slice %arg12[%dma_wait3A_241] : memref<2x!tpu.dma_semaphore, #tpu.memory_space<semaphore_mem>> -> memref<1x!tpu.dma_semaphore, #tpu.memory_space<semaphore_mem>>
        %dma_wait3A_253 = tpu.memref_squeeze %dma_wait3A_252 : memref<1x!tpu.dma_semaphore, #tpu.memory_space<semaphore_mem>> -> memref<!tpu.dma_semaphore, #tpu.memory_space<semaphore_mem>>
        tpu.wait_indirect_dma semaphore(%dma_wait3A_253 : memref<!tpu.dma_semaphore, #tpu.memory_space<semaphore_mem>>) src(%dma_wait3A_245 : memref<80x128xf32, #tpu.memory_space<vmem>>) dst(%dma_wait3A_251 : memref<10000x128xf32, #tpu.memory_space<vmem_shared>>)
      } else {
      }
      %lt3A_211 = arith.constant 125 : i32
      %lt3A_212 = arith.cmpi slt, %add3A_205, %lt3A_211 : i32
      %convert_element_type3A_213 = arith.extui %lt3A_212 : i1 to i32
      %cond3A_214 = arith.constant 0 : i32
      %cond3A_215 = arith.cmpi ne, %convert_element_type3A_213, %cond3A_214 : i32
      scf.if %cond3A_215 {
        %sub3A = arith.constant 1 : i32
        %sub3A_239 = arith.subi %sub3A, %rem3A_174 : i32
        %dma_start3A_240 = arith.constant 0 : i32
        %dma_start3A_241 = arith.constant 0 : i32
        %dma_start3A_242 = arith.constant 0 : i32
        %dma_start3A_243 = arith.constant 0 : i32
        %dma_start3A_244 = arith.constant 0 : i32
        %dma_start3A_245 = tpu.memref_slice %arg9[%dma_start3A_241, %dma_start3A_243, %dma_start3A_244] : memref<2x80x128xf32, #tpu.memory_space<vmem>> -> memref<1x80x128xf32, #tpu.memory_space<vmem>>
        %dma_start3A_246 = tpu.memref_squeeze %dma_start3A_245 : memref<1x80x128xf32, #tpu.memory_space<vmem>> -> memref<80x128xf32, #tpu.memory_space<vmem>>
        %dma_start3A_247 = arith.constant 0 : i32
        %dma_start3A_248 = tpu.memref_slice %arg7[%sub3A_239, %dma_start3A_240, %dma_start3A_247] : memref<2x2x80xi32, #tpu.memory_space<vmem>> -> memref<1x1x80xi32, #tpu.memory_space<vmem>>
        %dma_start3A_249 = tpu.memref_squeeze %dma_start3A_248 : memref<1x1x80xi32, #tpu.memory_space<vmem>> -> memref<80xi32, #tpu.memory_space<vmem>>
        %dma_start3A_250 = arith.constant 0 : i32
        %dma_start3A_251 = arith.constant 0 : i32
        %dma_start3A_252 = tpu.memref_slice %arg2[%dma_start3A_250, %dma_start3A_251] : memref<10000x128xf32, #tpu.memory_space<hbm>> -> memref<10000x128xf32, #tpu.memory_space<hbm>>
        %dma_start3A_253 = tpu.memref_slice %arg11[%dma_start3A_242] : memref<2x!tpu.dma_semaphore, #tpu.memory_space<semaphore_mem>> -> memref<1x!tpu.dma_semaphore, #tpu.memory_space<semaphore_mem>>
        %dma_start3A_254 = tpu.memref_squeeze %dma_start3A_253 : memref<1x!tpu.dma_semaphore, #tpu.memory_space<semaphore_mem>> -> memref<!tpu.dma_semaphore, #tpu.memory_space<semaphore_mem>>
        tpu.enqueue_indirect_dma source(%dma_start3A_252 : memref<10000x128xf32, #tpu.memory_space<hbm>>) target(%dma_start3A_246 : memref<80x128xf32, #tpu.memory_space<vmem>>) offsets(%dma_start3A_249 : memref<80xi32, #tpu.memory_space<vmem>>) semaphore(%dma_start3A_254 : memref<!tpu.dma_semaphore, #tpu.memory_space<semaphore_mem>>)
      } else {
      }
      %mul3A_216 = arith.constant 2 : i32
      %mul3A_217 = arith.muli %while3A_173, %mul3A_216 : i32
      %add3A_218 = arith.constant 1 : i32
      %add3A_219 = arith.addi %mul3A_217, %add3A_218 : i32
      %add3A_220 = arith.constant 2 : i32
      %add3A_221 = arith.addi %add3A_219, %add3A_220 : i32
      %lt3A_222 = arith.constant 125 : i32
      %lt3A_223 = arith.cmpi slt, %add3A_219, %lt3A_222 : i32
      %convert_element_type3A_224 = arith.extui %lt3A_223 : i1 to i32
      %cond3A_225 = arith.constant 0 : i32
      %cond3A_226 = arith.cmpi ne, %convert_element_type3A_224, %cond3A_225 : i32
      scf.if %cond3A_226 {
        %dma_wait3A_239 = arith.constant 1 : i32
        %dma_wait3A_240 = arith.constant 1 : i32
        %dma_wait3A_241 = arith.constant 1 : i32
        %dma_wait3A_242 = arith.constant 0 : i32
        %dma_wait3A_243 = arith.constant 0 : i32
        %dma_wait3A_244 = tpu.memref_slice %arg9[%dma_wait3A_239, %dma_wait3A_242, %dma_wait3A_243] : memref<2x80x128xf32, #tpu.memory_space<vmem>> -> memref<1x80x128xf32, #tpu.memory_space<vmem>>
        %dma_wait3A_245 = tpu.memref_squeeze %dma_wait3A_244 : memref<1x80x128xf32, #tpu.memory_space<vmem>> -> memref<80x128xf32, #tpu.memory_space<vmem>>
        %dma_wait3A_246 = arith.constant 0 : i32
        %dma_wait3A_247 = tpu.memref_slice %arg8[%rem3A_174, %dma_wait3A_240, %dma_wait3A_246] : memref<2x2x80xi32, #tpu.memory_space<vmem>> -> memref<1x1x80xi32, #tpu.memory_space<vmem>>
        %dma_wait3A_248 = tpu.memref_squeeze %dma_wait3A_247 : memref<1x1x80xi32, #tpu.memory_space<vmem>> -> memref<80xi32, #tpu.memory_space<vmem>>
        %dma_wait3A_249 = arith.constant 0 : i32
        %dma_wait3A_250 = arith.constant 0 : i32
        %dma_wait3A_251 = tpu.memref_slice %arg10[%dma_wait3A_249, %dma_wait3A_250] : memref<10000x128xf32, #tpu.memory_space<vmem_shared>> -> memref<10000x128xf32, #tpu.memory_space<vmem_shared>>
        %dma_wait3A_252 = tpu.memref_slice %arg12[%dma_wait3A_241] : memref<2x!tpu.dma_semaphore, #tpu.memory_space<semaphore_mem>> -> memref<1x!tpu.dma_semaphore, #tpu.memory_space<semaphore_mem>>
        %dma_wait3A_253 = tpu.memref_squeeze %dma_wait3A_252 : memref<1x!tpu.dma_semaphore, #tpu.memory_space<semaphore_mem>> -> memref<!tpu.dma_semaphore, #tpu.memory_space<semaphore_mem>>
        tpu.wait_indirect_dma semaphore(%dma_wait3A_253 : memref<!tpu.dma_semaphore, #tpu.memory_space<semaphore_mem>>) src(%dma_wait3A_245 : memref<80x128xf32, #tpu.memory_space<vmem>>) dst(%dma_wait3A_251 : memref<10000x128xf32, #tpu.memory_space<vmem_shared>>)
      } else {
      }
      %lt3A_227 = arith.constant 125 : i32
      %lt3A_228 = arith.cmpi slt, %add3A_221, %lt3A_227 : i32
      %convert_element_type3A_229 = arith.extui %lt3A_228 : i1 to i32
      %cond3A_230 = arith.constant 0 : i32
      %cond3A_231 = arith.cmpi ne, %convert_element_type3A_229, %cond3A_230 : i32
      scf.if %cond3A_231 {
        %sub3A = arith.constant 1 : i32
        %sub3A_239 = arith.subi %sub3A, %rem3A_174 : i32
        %dma_start3A_240 = arith.constant 1 : i32
        %dma_start3A_241 = arith.constant 1 : i32
        %dma_start3A_242 = arith.constant 1 : i32
        %dma_start3A_243 = arith.constant 0 : i32
        %dma_start3A_244 = arith.constant 0 : i32
        %dma_start3A_245 = tpu.memref_slice %arg9[%dma_start3A_241, %dma_start3A_243, %dma_start3A_244] : memref<2x80x128xf32, #tpu.memory_space<vmem>> -> memref<1x80x128xf32, #tpu.memory_space<vmem>>
        %dma_start3A_246 = tpu.memref_squeeze %dma_start3A_245 : memref<1x80x128xf32, #tpu.memory_space<vmem>> -> memref<80x128xf32, #tpu.memory_space<vmem>>
        %dma_start3A_247 = arith.constant 0 : i32
        %dma_start3A_248 = tpu.memref_slice %arg7[%sub3A_239, %dma_start3A_240, %dma_start3A_247] : memref<2x2x80xi32, #tpu.memory_space<vmem>> -> memref<1x1x80xi32, #tpu.memory_space<vmem>>
        %dma_start3A_249 = tpu.memref_squeeze %dma_start3A_248 : memref<1x1x80xi32, #tpu.memory_space<vmem>> -> memref<80xi32, #tpu.memory_space<vmem>>
        %dma_start3A_250 = arith.constant 0 : i32
        %dma_start3A_251 = arith.constant 0 : i32
        %dma_start3A_252 = tpu.memref_slice %arg2[%dma_start3A_250, %dma_start3A_251] : memref<10000x128xf32, #tpu.memory_space<hbm>> -> memref<10000x128xf32, #tpu.memory_space<hbm>>
        %dma_start3A_253 = tpu.memref_slice %arg11[%dma_start3A_242] : memref<2x!tpu.dma_semaphore, #tpu.memory_space<semaphore_mem>> -> memref<1x!tpu.dma_semaphore, #tpu.memory_space<semaphore_mem>>
        %dma_start3A_254 = tpu.memref_squeeze %dma_start3A_253 : memref<1x!tpu.dma_semaphore, #tpu.memory_space<semaphore_mem>> -> memref<!tpu.dma_semaphore, #tpu.memory_space<semaphore_mem>>
        tpu.enqueue_indirect_dma source(%dma_start3A_252 : memref<10000x128xf32, #tpu.memory_space<hbm>>) target(%dma_start3A_246 : memref<80x128xf32, #tpu.memory_space<vmem>>) offsets(%dma_start3A_249 : memref<80xi32, #tpu.memory_space<vmem>>) semaphore(%dma_start3A_254 : memref<!tpu.dma_semaphore, #tpu.memory_space<semaphore_mem>>)
      } else {
      }
      %add3A_232 = arith.constant 2 : i32
      %add3A_233 = arith.addi %while3A_173, %add3A_232 : i32
      %lt3A_234 = arith.constant 64 : i32
      %lt3A_235 = arith.cmpi slt, %add3A_233, %lt3A_234 : i32
      %convert_element_type3A_236 = arith.extui %lt3A_235 : i1 to i32
      %cond3A_237 = arith.constant 0 : i32
      %cond3A_238 = arith.cmpi ne, %convert_element_type3A_236, %cond3A_237 : i32
      scf.if %cond3A_238 {
        %add3A_239 = arith.constant 2 : i32
        %add3A_240 = arith.addi %while3A_173, %add3A_239 : i32
        %mul3A_241 = arith.constant 2 : i32
        %mul3A_242 = arith.muli %add3A_240, %mul3A_241 : i32
        %dma_start3A_243 = arith.constant 0 : i32
        %dma_start3A_244 = arith.constant 0 : i32
        %dma_start3A_245 = tpu.memref_slice %arg7[%rem3A_174, %dma_start3A_243, %dma_start3A_244] : memref<2x2x80xi32, #tpu.memory_space<vmem>> -> memref<1x2x80xi32, #tpu.memory_space<vmem>>
        %dma_start3A_246 = tpu.memref_squeeze %dma_start3A_245 : memref<1x2x80xi32, #tpu.memory_space<vmem>> -> memref<2x80xi32, #tpu.memory_space<vmem>>
        %dma_start3A_247 = arith.constant 0 : i32
        %dma_start3A_248 = tpu.memref_slice %arg3[%add3A, %mul3A_242, %dma_start3A_247] : memref<32x128x80xi32, #tpu.memory_space<hbm>> -> memref<1x2x80xi32, #tpu.memory_space<hbm>>
        %dma_start3A_249 = tpu.memref_squeeze %dma_start3A_248 : memref<1x2x80xi32, #tpu.memory_space<hbm>> -> memref<2x80xi32, #tpu.memory_space<hbm>>
        %dma_start3A_250 = tpu.memref_slice %arg13[%rem3A_174] : memref<2x!tpu.dma_semaphore, #tpu.memory_space<semaphore_mem>> -> memref<1x!tpu.dma_semaphore, #tpu.memory_space<semaphore_mem>>
        %dma_start3A_251 = tpu.memref_squeeze %dma_start3A_250 : memref<1x!tpu.dma_semaphore, #tpu.memory_space<semaphore_mem>> -> memref<!tpu.dma_semaphore, #tpu.memory_space<semaphore_mem>>
        %dma_start3A_252 = arith.constant 0 : i32
        %dma_start3A_253 = arith.constant 0 : i32
        %dma_start3A_254 = tpu.memref_slice %arg7[%rem3A_174, %dma_start3A_252, %dma_start3A_253] : memref<2x2x80xi32, #tpu.memory_space<vmem>> -> memref<1x2x80xi32, #tpu.memory_space<vmem>>
        %dma_start3A_255 = tpu.memref_squeeze %dma_start3A_254 : memref<1x2x80xi32, #tpu.memory_space<vmem>> -> memref<2x80xi32, #tpu.memory_space<vmem>>
        %dma_start3A_256 = arith.constant 0 : i32
        %dma_start3A_257 = tpu.memref_slice %arg3[%add3A, %mul3A_242, %dma_start3A_256] : memref<32x128x80xi32, #tpu.memory_space<hbm>> -> memref<1x2x80xi32, #tpu.memory_space<hbm>>
        %dma_start3A_258 = tpu.memref_squeeze %dma_start3A_257 : memref<1x2x80xi32, #tpu.memory_space<hbm>> -> memref<2x80xi32, #tpu.memory_space<hbm>>
        tpu.enqueue_dma source(%dma_start3A_258 : memref<2x80xi32, #tpu.memory_space<hbm>>) target(%dma_start3A_255 : memref<2x80xi32, #tpu.memory_space<vmem>>) target_semaphore(%dma_start3A_251 : memref<!tpu.dma_semaphore, #tpu.memory_space<semaphore_mem>>)
        %mul3A_259 = arith.constant 2 : i32
        %mul3A_260 = arith.muli %add3A_240, %mul3A_259 : i32
        %dma_start3A_261 = arith.constant 0 : i32
        %dma_start3A_262 = arith.constant 0 : i32
        %dma_start3A_263 = tpu.memref_slice %arg8[%rem3A_174, %dma_start3A_261, %dma_start3A_262] : memref<2x2x80xi32, #tpu.memory_space<vmem>> -> memref<1x2x80xi32, #tpu.memory_space<vmem>>
        %dma_start3A_264 = tpu.memref_squeeze %dma_start3A_263 : memref<1x2x80xi32, #tpu.memory_space<vmem>> -> memref<2x80xi32, #tpu.memory_space<vmem>>
        %dma_start3A_265 = arith.constant 0 : i32
        %dma_start3A_266 = tpu.memref_slice %arg4[%add3A, %mul3A_260, %dma_start3A_265] : memref<32x128x80xi32, #tpu.memory_space<hbm>> -> memref<1x2x80xi32, #tpu.memory_space<hbm>>
        %dma_start3A_267 = tpu.memref_squeeze %dma_start3A_266 : memref<1x2x80xi32, #tpu.memory_space<hbm>> -> memref<2x80xi32, #tpu.memory_space<hbm>>
        %dma_start3A_268 = tpu.memref_slice %arg13[%rem3A_174] : memref<2x!tpu.dma_semaphore, #tpu.memory_space<semaphore_mem>> -> memref<1x!tpu.dma_semaphore, #tpu.memory_space<semaphore_mem>>
        %dma_start3A_269 = tpu.memref_squeeze %dma_start3A_268 : memref<1x!tpu.dma_semaphore, #tpu.memory_space<semaphore_mem>> -> memref<!tpu.dma_semaphore, #tpu.memory_space<semaphore_mem>>
        %dma_start3A_270 = arith.constant 0 : i32
        %dma_start3A_271 = arith.constant 0 : i32
        %dma_start3A_272 = tpu.memref_slice %arg8[%rem3A_174, %dma_start3A_270, %dma_start3A_271] : memref<2x2x80xi32, #tpu.memory_space<vmem>> -> memref<1x2x80xi32, #tpu.memory_space<vmem>>
        %dma_start3A_273 = tpu.memref_squeeze %dma_start3A_272 : memref<1x2x80xi32, #tpu.memory_space<vmem>> -> memref<2x80xi32, #tpu.memory_space<vmem>>
        %dma_start3A_274 = arith.constant 0 : i32
        %dma_start3A_275 = tpu.memref_slice %arg4[%add3A, %mul3A_260, %dma_start3A_274] : memref<32x128x80xi32, #tpu.memory_space<hbm>> -> memref<1x2x80xi32, #tpu.memory_space<hbm>>
        %dma_start3A_276 = tpu.memref_squeeze %dma_start3A_275 : memref<1x2x80xi32, #tpu.memory_space<hbm>> -> memref<2x80xi32, #tpu.memory_space<hbm>>
        tpu.enqueue_dma source(%dma_start3A_276 : memref<2x80xi32, #tpu.memory_space<hbm>>) target(%dma_start3A_273 : memref<2x80xi32, #tpu.memory_space<vmem>>) target_semaphore(%dma_start3A_269 : memref<!tpu.dma_semaphore, #tpu.memory_space<semaphore_mem>>)
      } else {
      }
    }
    %barrier3A_167 = arith.constant 0 : index
    tpu.barrier barrier_id(%barrier3A_167)
    %lt3A_168 = arith.constant 10 : i32
    %lt3A_169 = arith.cmpi slt, %arg1, %lt3A_168 : i32
    %convert_element_type3A_170 = arith.extui %lt3A_169 : i1 to i32
    %cond3A_171 = arith.constant 0 : i32
    %cond3A_172 = arith.cmpi ne, %convert_element_type3A_170, %cond3A_171 : i32
    scf.if %cond3A_172 {
      %mul3A_173 = arith.constant 1000 : i32
      %mul3A_174 = arith.muli %arg1, %mul3A_173 : i32
      %mul3A_175 = arith.constant 1000 : i32
      %mul3A_176 = arith.muli %arg1, %mul3A_175 : i32
      "tpu.region"() ({
        %run_scoped3A = tpu.sem_alloc : memref<!tpu.dma_semaphore, #tpu.memory_space<semaphore_mem>>
        %dma_start3A_177 = arith.constant 0 : i32
        %dma_start3A_178 = tpu.memref_slice %arg6[%arg0, %mul3A_176, %dma_start3A_177] : memref<2x10000x128xf32, #tpu.memory_space<hbm>> -> memref<1x1000x128xf32, #tpu.memory_space<hbm>>
        %dma_start3A_179 = tpu.memref_squeeze %dma_start3A_178 : memref<1x1000x128xf32, #tpu.memory_space<hbm>> -> memref<1000x128xf32, #tpu.memory_space<hbm>>
        %dma_start3A_180 = arith.constant 0 : i32
        %dma_start3A_181 = tpu.memref_slice %arg10[%mul3A_174, %dma_start3A_180] : memref<10000x128xf32, #tpu.memory_space<vmem_shared>> -> memref<1000x128xf32, #tpu.memory_space<vmem_shared>>
        tpu.enqueue_dma source(%dma_start3A_181 : memref<1000x128xf32, #tpu.memory_space<vmem_shared>>) target(%dma_start3A_179 : memref<1000x128xf32, #tpu.memory_space<hbm>>) target_semaphore(%run_scoped3A : memref<!tpu.dma_semaphore, #tpu.memory_space<semaphore_mem>>)
        %dma_wait3A_182 = arith.constant 0 : i32
        %dma_wait3A_183 = tpu.memref_slice %arg6[%arg0, %mul3A_176, %dma_wait3A_182] : memref<2x10000x128xf32, #tpu.memory_space<hbm>> -> memref<1x1000x128xf32, #tpu.memory_space<hbm>>
        %dma_wait3A_184 = tpu.memref_squeeze %dma_wait3A_183 : memref<1x1000x128xf32, #tpu.memory_space<hbm>> -> memref<1000x128xf32, #tpu.memory_space<hbm>>
        %dma_wait3A_185 = arith.constant 0 : i32
        %dma_wait3A_186 = tpu.memref_slice %arg10[%mul3A_174, %dma_wait3A_185] : memref<10000x128xf32, #tpu.memory_space<vmem_shared>> -> memref<1000x128xf32, #tpu.memory_space<vmem_shared>>
        tpu.wait_dma2 semaphore(%run_scoped3A : memref<!tpu.dma_semaphore, #tpu.memory_space<semaphore_mem>>) src(%dma_wait3A_186 : memref<1000x128xf32, #tpu.memory_space<vmem_shared>>) dst(%dma_wait3A_184 : memref<1000x128xf32, #tpu.memory_space<hbm>>)
        tpu.yield
      }) : () -> ()
    } else {
    }
    return
  }
}

module attributes {stable_mosaic.version = 14 : i64} {
  func.func @sage_tc_layer(%arg0: i32, %arg1: memref<2x2000x128xf32, #tpu.memory_space<vmem>>, %arg2: memref<2000x1xf32, #tpu.memory_space<vmem>>, %arg3: memref<2000x1xf32, #tpu.memory_space<vmem>>, %arg4: memref<2000x128xf32, #tpu.memory_space<vmem>>, %arg5: memref<128x128xf32, #tpu.memory_space<vmem>>, %arg6: memref<128x128xf32, #tpu.memory_space<vmem>>, %arg7: memref<1x128xf32, #tpu.memory_space<vmem>>, %arg8: memref<2000x128xf32, #tpu.memory_space<vmem>>) attributes {dimension_semantics = [#tpu.dimension_semantics<arbitrary>], iteration_bounds = array<i64: 5>, scalar_prefetch = 0 : i64, scratch_operands = 0 : i64, tpu.core_type = #tpu.core_type<tc>, window_params = [{transform_indices = @transform_0, window_bounds = array<i64: 2, 2000, 128>}, {transform_indices = @transform_1, window_bounds = array<i64: 2000, 1>}, {transform_indices = @transform_2, window_bounds = array<i64: 2000, 1>}, {transform_indices = @transform_3, window_bounds = array<i64: 2000, 128>}, {pipeline_mode = #tpu.pipeline_mode<synchronous>, transform_indices = @transform_4, window_bounds = array<i64: 128, 128>}, {pipeline_mode = #tpu.pipeline_mode<synchronous>, transform_indices = @transform_5, window_bounds = array<i64: 128, 128>}, {pipeline_mode = #tpu.pipeline_mode<synchronous>, transform_indices = @transform_6, window_bounds = array<i64: 1, 128>}, {transform_indices = @transform_7, window_bounds = array<i64: 2000, 128>}]} {
    %get3A = arith.constant 0 : index
    %get3A_0 = arith.constant 0 : index
    %get3A_1 = vector.load %arg2[%get3A, %get3A_0] : memref<2000x1xf32, #tpu.memory_space<vmem>>, vector<2000x1xf32>
    %get3A_2 = arith.constant 0 : index
    %get3A_3 = arith.constant 0 : index
    %get3A_4 = vector.load %arg3[%get3A_2, %get3A_3] : memref<2000x1xf32, #tpu.memory_space<vmem>>, vector<2000x1xf32>
    %add3A = arith.addf %get3A_1, %get3A_4 : vector<2000x1xf32>
    %max3A = arith.constant 1.000000e+00 : f32
    %max3A_5 = vector.broadcast %max3A : f32 to vector<2000x1xf32>
    %max3A_6 = arith.maximumf %add3A, %max3A_5 : vector<2000x1xf32>
    %div3A = arith.constant 1.000000e+00 : f32
    %div3A_7 = vector.broadcast %div3A : f32 to vector<2000x1xf32>
    %div3A_8 = arith.divf %div3A_7, %max3A_6 : vector<2000x1xf32>
    %get3A_9 = arith.constant 0 : index
    %get3A_10 = arith.constant 0 : index
    %get3A_11 = arith.constant 0 : index
    %get3A_12 = vector.load %arg1[%get3A_9, %get3A_10, %get3A_11] : memref<2x2000x128xf32, #tpu.memory_space<vmem>>, vector<1x2000x128xf32>
    %get3A_13 = vector.shape_cast %get3A_12 : vector<1x2000x128xf32> to vector<2000x128xf32>
    %get3A_14 = arith.constant 1 : index
    %get3A_15 = arith.constant 0 : index
    %get3A_16 = arith.constant 0 : index
    %get3A_17 = vector.load %arg1[%get3A_14, %get3A_15, %get3A_16] : memref<2x2000x128xf32, #tpu.memory_space<vmem>>, vector<1x2000x128xf32>
    %get3A_18 = vector.shape_cast %get3A_17 : vector<1x2000x128xf32> to vector<2000x128xf32>
    %add3A_19 = arith.addf %get3A_13, %get3A_18 : vector<2000x128xf32>
    %mul3A = vector.broadcast %div3A_8 : vector<2000x1xf32> to vector<2000x128xf32>
    %mul3A_20 = arith.mulf %add3A_19, %mul3A : vector<2000x128xf32>
    %get3A_21 = arith.constant 0 : index
    %get3A_22 = arith.constant 0 : index
    %get3A_23 = vector.load %arg5[%get3A_21, %get3A_22] : memref<128x128xf32, #tpu.memory_space<vmem>>, vector<128x128xf32>
    %dot_general3A = arith.constant dense<0.000000e+00> : vector<2000x128xf32>
    %dot_general3A_24 = tpu.matmul %mul3A_20, %get3A_23, %dot_general3A {dimension_numbers = #tpu.dot_dimension_numbers<[1], [0], [0], [1], [0, 0, 1, 1], [], []>, transpose_lhs_hint = false} : vector<2000x128xf32>, vector<128x128xf32>, vector<2000x128xf32> -> vector<2000x128xf32>
    %get3A_25 = arith.constant 0 : index
    %get3A_26 = arith.constant 0 : index
    %get3A_27 = vector.load %arg4[%get3A_25, %get3A_26] : memref<2000x128xf32, #tpu.memory_space<vmem>>, vector<2000x128xf32>
    %get3A_28 = arith.constant 0 : index
    %get3A_29 = arith.constant 0 : index
    %get3A_30 = vector.load %arg6[%get3A_28, %get3A_29] : memref<128x128xf32, #tpu.memory_space<vmem>>, vector<128x128xf32>
    %dot_general3A_31 = arith.constant dense<0.000000e+00> : vector<2000x128xf32>
    %dot_general3A_32 = tpu.matmul %get3A_27, %get3A_30, %dot_general3A_31 {dimension_numbers = #tpu.dot_dimension_numbers<[1], [0], [0], [1], [0, 0, 1, 1], [], []>, transpose_lhs_hint = false} : vector<2000x128xf32>, vector<128x128xf32>, vector<2000x128xf32> -> vector<2000x128xf32>
    %add3A_33 = arith.addf %dot_general3A_24, %dot_general3A_32 : vector<2000x128xf32>
    %get3A_34 = arith.constant 0 : index
    %get3A_35 = arith.constant 0 : index
    %get3A_36 = vector.load %arg7[%get3A_34, %get3A_35] : memref<1x128xf32, #tpu.memory_space<vmem>>, vector<1x128xf32>
    %add3A_37 = vector.broadcast %get3A_36 : vector<1x128xf32> to vector<2000x128xf32>
    %add3A_38 = arith.addf %add3A_33, %add3A_37 : vector<2000x128xf32>
    %swap3A = arith.constant 0 : index
    %swap3A_39 = arith.constant 0 : index
    %swap3A_40 = vector.load %arg8[%swap3A, %swap3A_39] : memref<2000x128xf32, #tpu.memory_space<vmem>>, vector<2000x128xf32>
    tpu.vector_store %arg8[%swap3A, %swap3A_39], %add3A_38 {strides = array<i32>} : memref<2000x128xf32, #tpu.memory_space<vmem>>, vector<2000x128xf32>,
    return
  }
  func.func @transform_0(%arg0: i32) -> (i32, i32, i32) {
    %c0_i32 = arith.constant 0 : i32
    %c0_i32_0 = arith.constant 0 : i32
    %c0_i32_1 = arith.constant 0 : i32
    return %c0_i32, %arg0, %c0_i32_0 : i32, i32, i32
  }
  func.func @transform_1(%arg0: i32) -> (i32, i32) {
    %c0_i32 = arith.constant 0 : i32
    %c0_i32_0 = arith.constant 0 : i32
    return %arg0, %c0_i32 : i32, i32
  }
  func.func @transform_2(%arg0: i32) -> (i32, i32) {
    %c0_i32 = arith.constant 0 : i32
    %c0_i32_0 = arith.constant 0 : i32
    return %arg0, %c0_i32 : i32, i32
  }
  func.func @transform_3(%arg0: i32) -> (i32, i32) {
    %c0_i32 = arith.constant 0 : i32
    %c0_i32_0 = arith.constant 0 : i32
    return %arg0, %c0_i32 : i32, i32
  }
  func.func @transform_4(%arg0: i32) -> (i32, i32) {
    %c0_i32 = arith.constant 0 : i32
    %c0_i32_0 = arith.constant 0 : i32
    %c0_i32_1 = arith.constant 0 : i32
    return %c0_i32, %c0_i32_0 : i32, i32
  }
  func.func @transform_5(%arg0: i32) -> (i32, i32) {
    %c0_i32 = arith.constant 0 : i32
    %c0_i32_0 = arith.constant 0 : i32
    %c0_i32_1 = arith.constant 0 : i32
    return %c0_i32, %c0_i32_0 : i32, i32
  }
  func.func @transform_6(%arg0: i32) -> (i32, i32) {
    %c0_i32 = arith.constant 0 : i32
    %c0_i32_0 = arith.constant 0 : i32
    %c0_i32_1 = arith.constant 0 : i32
    return %c0_i32, %c0_i32_0 : i32, i32
  }
  func.func @transform_7(%arg0: i32) -> (i32, i32) {
    %c0_i32 = arith.constant 0 : i32
    %c0_i32_0 = arith.constant 0 : i32
    return %arg0, %c0_i32 : i32, i32
  }
}

</mosaic_0001>

<sc_bundles>
// kernel: sage_sc_agg.4.cloned.1.call-start
scs
__scs_entry_jumppad:
0x0: {  	(pc) =	sbr.rel $0x88, $3  }
0x1: {  	(tag) =	ssettag $0x0;
	lr =	simm.s32 $0x1  }
0x2: {  	[smem:$0x3F96] =	sst lr;
	_ =	strace $0xD0000000  }
0x3: {  	_ = 	snop  }
0x4: {  	_ = 	snop  }
0x5: {  	_ = 	snop  }
0x6: {  	_ = 	snop  }
0x7: {  	_ = 	snop  }
__scs_overlays_trampoline_lowered:
0x8: {  	[smem:$0x3FA5] =	sst s0  }
0x9: {  	[smem:$0x3FA6] =	sst s1  }
0xa: {  	[smem:$0x3FA7] =	sst s2  }
0xb: {  	[smem:$0x3FA8] =	sst s3  }
0xc: {  	[smem:$0x3FA9] =	sst s4  }
0xd: {  	[smem:$0x3FAA] =	sst s5  }
0xe: {  	[smem:$0x3FAB] =	sst s6  }
0xf: {  	[smem:$0x3FAC] =	sst s7  }
0x10: {  	[smem:$0x3FAD] =	sst s8  }
0x11: {  	[smem:$0x3FAE] =	sst s9;
	s0 =	simm.s32 @!p0 $0x0  }
0x12: {  	s1 =	sld [smem:$0x3F94];
	s0 =	simm.s32 @p0 $0x1  }
0x13: {  	[smem:$0x3FAF] =	sst s0;
	s0 =	simm.s32 @!p1 $0x0  }
0x14: {  	s2 =	sld [smem:$0x3F93];
	s0 =	simm.s32 @p1 $0x1  }
0x15: {  	[smem:$0x3FB0] =	sst s0;
	s0 =	simm.s32 @!p2 $0x0  }
0x16: {  	s3 =	sld [smem:$0x3FDB];
	s0 =	simm.s32 @p2 $0x1  }
0x17: {  	s4 =	simm.s32 $0x1BF5;
	[smem:$0x3FB2] =	sst s0  }
0x18: {  	s0 =	sld [smem:$0x3F95];
	_ =	swait.ge [sflag:s4], $0x0  }
0x19: {  	s7 =	sld [smem:$0x3F96]  }
0x1a: {  	s8 =	sadd.s32 $0xFFFFE003, lr  }
0x1b: {  	s9 =	sadd.s32 $0xFFFFFEF7, lr;
	s5 =	simm.s32 $0xFFFFFFFF;
	p2 =	slt.u32 s8, $0xFFFFF086  }
0x1c: {  	p1 =	slt.u32 s9, $0xF7A;
	s5 =	simm.s32 @!p2 $0x0  }
0x1d: {  	s5 =	simm.s32 @p1 $0x1;
	p0 =	seq.s32 s7, s2  }
0x1e: {  	s7 =	smul.u32 @!p0 $0xF7A, s2;
	p2 =	seq.s32 @!p0 s5, $0x0  }
0x1f: {  	s9 =	smul.u32 $0xF7A, s1;
	s8 =	simm.s32 @!p0 $0x1BF5;
	p2 =	por !p2, p0  }
0x20: {  	[sflag:s8] =	ssyncset.s32 @!p0 $0xFFFFF086;
	s6 =	sadd.s32 @!p0 s3, s7;
	s7 =	simm.s32 @!p0 $0x108  }
0x21: {  	s3 =	sadd.s32 s3, s9;
	s6 =	sadd.s32 @!p0 $0x88, s6;
	s7 =	simm.s32 @p2 $0x1082  }
0x22: {  	[simem:s7], [sflag:s8] =	dma.local @!p0 [hbm:s6], $0xF7A  }
0x23: {  	s9 =	sor.u32 $0xD0000000, s2;
	s6 =	simm.s32 $0x108;
	_ =	swait.ge @!p0 [sflag:s8], $0x0  }
0x24: {  	s3 =	sadd.s32 $0x88, s3;
	s6 =	simm.s32 @!p1 $0x1082;
	[sflag:s4] =	ssyncset.s32 $0xFFFFF086  }
0x25: {  	[simem:s6], [sflag:s4] =	dma.local [hbm:s3], $0xF7A  }
0x26: {  	[smem:$0x3F96] =	sst s1;
	(tag) =	ssettag s2;
	_ =	strace s9  }
0x27: {  	s1 =	sld [smem:$0x3FA6]  }
0x28: {  	s2 =	sld [smem:$0x3FA7]  }
0x29: {  	s4 =	sld [smem:$0x3FA9]  }
0x2a: {  	p0 =	seq.s32 s5, $0x0;
	s5 =	sld [smem:$0x3FAA]  }
0x2b: {  	s6 =	sld [smem:$0x3FAB]  }
0x2c: {  	s7 =	sld [smem:$0x3FAC]  }
0x2d: {  	s3 =	simm.s32 $0x108;
	s8 =	sld [smem:$0x3FAD]  }
0x2e: {  	s3 =	simm.s32 @!p0 $0x1082;
	s9 =	sld [smem:$0x3FAE]  }
0x2f: {  	lr =	sadd.s32 s0, s3;
	s0 =	sld [smem:$0x3FA5]  }
0x30: {  	s3 =	sld [smem:$0x3FA8]  }
0x31: {  	[smem:$0x3FB1] =	sst s10  }
0x32: {  	s10 =	sld [smem:$0x3FAF];
	_ =	sdelay $0x3  }
0x33: {  	p0 =	seq.s32 s10, $0x1;
	s10 =	sld [smem:$0x3FB1];
	_ =	sdelay $0x3  }
0x34: {  	[smem:$0x3FB1] =	sst s10  }
0x35: {  	s10 =	sld [smem:$0x3FB0];
	_ =	sdelay $0x3  }
0x36: {  	p1 =	seq.s32 s10, $0x1;
	s10 =	sld [smem:$0x3FB1];
	_ =	sdelay $0x3  }
0x37: {  	[smem:$0x3FB1] =	sst s10  }
0x38: {  	s10 =	sld [smem:$0x3FB2]  }
0x39: {  	_ = 	snop;
	(pc) =	sbr.ind lr, $3  }
0x3a: {  	_ = 	snop  }
0x3b: {  	_ = 	snop  }
0x3c: {  	p2 =	seq.s32 s10, $0x1;
	s10 =	sld [smem:$0x3FB1]  }
0x3d: {  	_ =	shalt  }
0x3e: {  	_ =	shalt  }
0x3f: {  	_ =	shalt  }
0x40: {  	_ =	shalt  }
0x41: {  	_ =	shalt  }
0x42: {  	_ =	shalt  }
0x43: {  	_ =	shalt  }
0x44: {  	_ =	shalt  }
0x45: {  	_ =	shalt  }
0x46: {  	_ =	shalt  }
0x47: {  	_ =	shalt  }
0x48: {  	_ =	shalt  }
0x49: {  	_ =	shalt  }
0x4a: {  	_ =	shalt  }
0x4b: {  	_ =	shalt  }
0x4c: {  	_ =	shalt  }
0x4d: {  	_ =	shalt  }
0x4e: {  	_ =	shalt  }
0x4f: {  	_ =	shalt  }
0x50: {  	_ =	shalt  }
0x51: {  	_ =	shalt  }
0x52: {  	_ =	shalt  }
0x53: {  	_ =	shalt  }
0x54: {  	_ =	shalt  }
0x55: {  	_ =	shalt  }
0x56: {  	_ =	shalt  }
0x57: {  	_ =	shalt  }
0x58: {  	_ =	shalt  }
0x59: {  	_ =	shalt  }
0x5a: {  	_ =	shalt  }
0x5b: {  	_ =	shalt  }
0x5c: {  	_ =	shalt  }
0x5d: {  	_ =	shalt  }
0x5e: {  	_ =	shalt  }
0x5f: {  	_ =	shalt  }
0x60: {  	_ =	shalt  }
0x61: {  	_ =	shalt  }
0x62: {  	_ =	shalt  }
0x63: {  	_ =	shalt  }
0x64: {  	_ =	shalt  }
0x65: {  	_ =	shalt  }
0x66: {  	_ =	shalt  }
0x67: {  	_ =	shalt  }
0x68: {  	_ =	shalt  }
0x69: {  	_ =	shalt  }
0x6a: {  	_ =	shalt  }
0x6b: {  	_ =	shalt  }
0x6c: {  	_ =	shalt  }
0x6d: {  	_ =	shalt  }
0x6e: {  	_ =	shalt  }
0x6f: {  	_ =	shalt  }
0x70: {  	_ =	shalt  }
0x71: {  	_ =	shalt  }
0x72: {  	_ =	shalt  }
0x73: {  	_ =	shalt  }
0x74: {  	_ =	shalt  }
0x75: {  	_ =	shalt  }
0x76: {  	_ =	shalt  }
0x77: {  	_ =	shalt  }
0x78: {  	_ =	shalt  }
0x79: {  	_ =	shalt  }
0x7a: {  	_ =	shalt  }
0x7b: {  	_ =	shalt  }
0x7c: {  	_ =	shalt  }
0x7d: {  	_ =	shalt  }
0x7e: {  	_ =	shalt  }
0x7f: {  	_ =	shalt  }
0x80: {  	_ =	shalt  }
0x81: {  	_ =	shalt  }
0x82: {  	_ =	shalt  }
0x83: {  	_ =	shalt  }
0x84: {  	_ =	shalt  }
0x85: {  	_ =	shalt  }
0x86: {  	_ =	shalt  }
0x87: {  	_ =	shalt  }
.Lfunc_end0:
.L_simem_size_0:
called_computation.1_lowered:
.L_overlay_start_0:
0x88: {  	s2 =	sld [smem:$0x3FD9]  }
0x89: {  	s3 =	sld [smem:$0x3FFE];
	_ =	sdelay $0x1  }
0x8a: {  	s1 =	srdreg.scid  }
0x8b: {  	s0 =	sand.u32 $0x1, s1  }
0x8c: {  	s17 =	sshll.u32 s0, $0xA;
	s2 =	sadd.s32 s3, s2  }
0x8d: {  	s2 =	sadd.s32 s2, s17  }
0x8e: {  	[smem:$0x3FBD] =	sst s2  }
0x8f: {  	_ = 	snop  }
0x90: {  	s2 =	sld [smem:$0x3FD0];
	(tm) =	ssettm $0x1  }
0x91: {  	s18 =	sld [smem:$0x3FFB];
	_ =	sdelay $0x3  }
0x92: {  	_ =	strace s18  }
0x93: {  	s3 =	sld [smem:$0x3FFC];
	_ =	sdelay $0x3  }
0x94: {  	_ =	strace s3  }
0x95: {  	s3 =	sld [smem:$0x3FFD];
	_ =	sdelay $0x3  }
0x96: {  	_ =	strace s3  }
0x97: {  	_ =	strace $0x8FFFFFFF  }
0x98: {  	s19 =	sld [smem:$0x3FDB];
	_ =	sdelay $0x1  }
0x99: {  	s4 =	simm.s32 $_scs_section_size  }
0x9a: {  	s5 =	simm.s32 $_size__tile_overlayer_lowered;
	s6 =	simm.s32 $_tile_overlayer_lowered  }
0x9b: {  	s22 =	simm.s32 $0x1BFF;
	s21 =	sshll.u32 s6, $0x1;
	s3 =	sadd.s32 s4, s19  }
0x9c: {  	s7 =	simm.s32 $0x0;
	s20 =	sshll.u32 s5, $0x1;
	s5 =	sadd.s32 s21, s3  }
0x9d: {  	[timem:s7], [sflag:s22] =	dma.local [hbm:s5], s20  }
0x9e: {  	_ =	swait.ge [sflag:s22], s20  }
0x9f: {  	s4 =	ssub.s32 $0x0, s20;
	[sflag:s22] =	ssyncset.done $0x0  }
0xa0: {  	[sflag:s22] =	ssyncadd.s32 s4;
	_ =	sdelay $0x1  }
0xa1: {  	s23 =	simm.s32 $0x1B8B  }
0xa2: {  	_ =	swait.ge [sflag:s23], $0x1  }
0xa3: {  	[sflag:s23] =	ssyncset.done $0x0  }
0xa4: {  	s25 =	simm.s32 $0x1B8E;
	s24 =	sld [smem:$0x3FFE];
	[sflag:s23] =	ssyncadd.s32 $0xFFFFFFFF  }
0xa5: {  	s26 =	simm.s32 $execute0_lowered;
	[smem:$0x3FD2] =	sst s25  }
0xa6: {  	s5 =	sshll.u32 s26, $0x1;
	_ =	strace $0x80000049;
	[dreg:$0x1] =	wrdreg $0xFFFFFFFF  }
0xa7: {  	s28 =	simm.s32 $_size_execute0_lowered;
	s3 =	sadd.s32 s3, s5;
	[dreg:$0x0] =	wrdreg $0x0  }
0xa8: {  	s5 =	sshll.u32 s28, $0x1;
	[dreg:$0x2] =	wrdreg s3  }
0xa9: {  	[dreg:$0x3] =	wrdreg s5  }
0xaa: {  	[dreg:$0x4] =	wrdreg $0xC0  }
0xab: {  	_ =	task [dreg:s7], $0x5FFFF  }
0xac: {  	[dreg:$0x1] =	wrdreg $0xFFFFFFFF  }
0xad: {  	[dreg:$0x0] =	wrdreg $0x60  }
0xae: {  	[dreg:$0x2] =	wrdreg s24  }
0xaf: {  	[dreg:$0x3] =	wrdreg s2  }
0xb0: {  	[dreg:$0x4] =	wrdreg $0x54000  }
0xb1: {  	[dreg:$0x5] =	wrdreg $0x9  }
0xb2: {  	_ =	task.clear_ibuf [dreg:s7], $0x6FFFF;
	_ =	strace $0x90000049  }
0xb3: {  	s29 =	simm.s32 $0x9;
	_ =	strace $0x8000004B  }
0xb4: {  	_ =	swait.ge [sflag:s29], $0x1  }
0xb5: {  	[sflag:s29] =	ssyncadd.s32 $0xFFFFFFFF  }
0xb6: {  	_ =	strace $0x9000004B  }
0xb7: {  	_ =	sfence  }
0xb8: {  	s30 =	sld [smem:$0x0];
	_ =	sdelay $0x2  }
0xb9: {  	s31 =	sshll.u32 s1, $0xD;
	s1 =	sshrl.u32 s1, $0x2  }
0xba: {  	s3 =	sand.u32 $0x4000, s31;
	s1 =	sadd.s32 s1, s30  }
0xbb: {  	s0 =	sor.u32 s3, s0;
	s1 =	sshll.u32 s1, $0x11  }
0xbc: {  	s0 =	sor.u32 s1, s0  }
0xbd: {  	s0 =	sadd.s32 $0x8F2B, s0  }
0xbe: {  	[sflag:s0] =	ssyncadd.remote.s32 $0x1  }
0xbf: {  	_ =	sfence.sel $0xFFFF  }
0xc0: {  	[dreg:$0x0] =	wrdreg $0xFFFFFFFF;
	(pc) =	sbr.abs _section_cstart, $3  }
0xc1: {  	[dreg:$0x1] =	wrdreg $0xFFFFFFFF  }
0xc2: {  	_ =	task.clear_ibuf [dreg:s7], $0x2FFFF;
	_ =	strace $0x9FFFFFFF  }
0xc3: {  	(tm) =	ssettm $0x7FFFFFFF  }
tec
execute0_lowered:
.L_overlay_start_1:
0x0: {  	(tag) =	ssettag $0x1  }
0x1: {  	s0 =	rddreg [dreg:$0x0]  }
0x2: {  	s2 =	rddreg [dreg:$0x1]  }
0x3: {  	s1 =	rddreg [dreg:$0x2];
	s3 =	simm.s32 $0x0;
	s4 =	srdreg.scid  }
0x4: {  	s13 =	stileid.u32;
	s17 =	simm.s32 $0x5;
	s28 =	simm.s32 $0x4  }
0x5: {  	s29 =	simm.s32 $0x200;
	s30 =	simm.s32 $0x6;
	s31 =	simm.s32 $0x0  }
0x6: {  	[smem:$0x7FF] =	sst s3;
	s8 =	sand.u32 $0x1, s4;
	s7 =	smul.u32 $0x3E80, s13  }
0x7: {  	s4 =	sadd.s32 $0x72000, s0;
	s5 =	sadd.s32 $0x13000, s0;
	s11 =	smul.u32 $0x7D000, s13  }
0x8: {  	s6 =	sadd.s32 $0x3000, s0;
	s21 =	sshll.u32 s13, $0xE;
	s12 =	smul.u32 $0x1F400, s13  }
0x9: {  	p0 =	sgt.u32 s13, $0x9;
	_ =	strace $0x8000004A;
	s9 =	ssub.s32 $0x2, s8  }
0xa: {  	s20 =	sshll.u32 s8, $0x12;
	s8 =	smul.u32 $0x138800, s8;
	s10 =	sshrl.u32 s9, $0x1  }
0xb: {  	s0 =	sadd.s32 s7, s0;
	s19 =	sshrl.u32 s11, $0x2;
	s7 =	sor.u32 s21, s20  }
0xc: {  	s20 =	simm.s32 $0x50;
	s21 =	simm.s32 $0x400;
	s9 =	ssub.s32 s9, s10  }
0xd: {  	s16 =	sadd.s32 s19, s1;
	s0 =	sadd.s32 $0x23000, s0;
	s22 =	sshrl.u32 s7, $0x3  }
0xe: {  	s8 =	sadd.s32 s12, s8;
	[dreg:$0x4] =	wrdreg s0;
	s23 =	sadd.s32 s5, s22  }
0xf: {  	s24 =	sadd.s32 s6, s22;
	s0 =	sor.u32 $0x20, s22;
	s26 =	sshrl.u32 s8, $0x3  }
0x10: {  	s8 =	sshll.u32 @!p0 s13, $0x6;
	s14 =	smax.u32 s9, $0x1;
	[dreg:$0x5] =	wrdreg s23  }
0x11: {  	s16 =	sshrl.u32 @!p0 s16, $0x3;
	[dreg:$0x6] =	wrdreg s24;
	s25 =	sadd.s32 s5, s0  }
0x12: {  	s0 =	sadd.s32 s6, s0;
	s13 =	sadd.s32 s2, s26;
	s15 =	sor.u32 @!p0 $0x1C07, s8  }
0x13: {  	s23 =	simm.s32 $0x2C00;
	s24 =	simm.s32 $0x1;
	[dreg:$0x7] =	wrdreg s25  }
0x14: {  	s26 =	simm.s32 $0x3;
	[dreg:$0x8] =	wrdreg s0;
	s25 =	simm.s32 $0x2  }
.LBB2_1:
0x15: {  	s0 =	rddreg [dreg:$0x4]  }
0x16: {  	[spmem:s16], [sflag:s15] =	dma.local @!p0 [hbm:s0], $0x3E80  }
0x17: {  	s0 =	simm.s32 @!p0 $0x7  }
0x18: {  	_ =	swait.ge @!p0 [sflag:s0], $0x3E80  }
0x19: {  	[sflag:s0] =	ssyncset.done @!p0 $0x0  }
0x1a: {  	[sflag:s0] =	ssyncadd.s32 @!p0 $0xFFFFC180  }
0x1b: {  	[bflag:$0x0] =	sbarrier.arrive $0xFFFF  }
0x1c: {  	s18 =	rddreg [dreg:$0x5]  }
0x1d: {  	[tilespmem:s3], [sflag:$0x5] =	stream.linear.gather [hbm4b:s18+s3], $0x100, $0x38;
	[tilespmem:$0x18C80] =	vst v63  }
0x1e: {  	s19 =	rddreg [dreg:$0x6]  }
0x1f: {  	[tilespmem:s29], [sflag:$0x5] =	stream.linear.gather [hbm4b:s19+s3], $0x100, $0x38;
	[tilespmem:$0x18C80] =	vst v63  }
0x20: {  	_ =	swait.ge [sflag:s17], $0x100  }
0x21: {  	[sflag:s17] =	ssyncset.done $0x0  }
0x22: {  	[sflag:s17] =	ssyncadd.s32 $0xFFFFFF00  }
0x23: {  	_ =	swait.ge [sflag:s17], $0x100  }
0x24: {  	[sflag:s17] =	ssyncset.done $0x0  }
0x25: {  	s2 =	simm.s32 $0x100;
	s22 =	rddreg [dreg:$0x7];
	[sflag:s17] =	ssyncadd.s32 $0xFFFFFF00  }
0x26: {  	[tilespmem:s2], [sflag:$0x6] =	stream.linear.gather [hbm4b:s22+s3], $0x100, $0x38;
	[tilespmem:$0x18C80] =	vst v63  }
0x27: {  	s8 =	simm.s32 $0x300;
	s2 =	rddreg [dreg:$0x8]  }
0x28: {  	[tilespmem:s8], [sflag:$0x6] =	stream.linear.gather [hbm4b:s2+s3], $0x100, $0x38;
	[tilespmem:$0x18C80] =	vst v63  }
0x29: {  	_ = 	snop  }
0x2a: {  	[tilespmem:s21], [sflag:$0x1] =	stream.indirect.gather [hbm4b:s4+s20], $0x80, s3, s20, $0xb8;
	[tilespmem:$0x18C80] =	vst v63  }
0x2b: {  	s9 =	simm.s32 $0x80  }
0x2c: {  	[tilespmem:s23], [sflag:$0x2] =	stream.indirect.gather [hbm4b:s4+s20], $0x80, s9, s20, $0xb8;
	[tilespmem:$0x18C80] =	vst v63  }
0x2d: {  	s8 =	sand.u32 $0x1, s3;
	_ =	swait.ge [sflag:s24], $0x2800  }
0x2e: {  	s2 =	sshll.u32 s8, $0x8;
	[sflag:s24] =	ssyncset.done $0x0  }
0x2f: {  	s0 =	sor.u32 $0x200, s2;
	[sflag:s24] =	ssyncadd.s32 $0xFFFFD800  }
0x30: {  	[spmem:s1] =	stream.indirect.scatter.add.f32 [tilespmem:s21], [sflag:$0x3], $0x80, s0, s20, $0xb8;
	[tilespmem:$0x18C80] =	vst v63  }
0x31: {  	_ =	swait.ge [sflag:s25], $0x2800  }
0x32: {  	s9 =	sxor.u32 $0x1, s8;
	[sflag:s25] =	ssyncset.done $0x0  }
0x33: {  	s18 =	sor.u32 $0x280, s2;
	s9 =	sadd.s32 $0x5, s9;
	[sflag:s25] =	ssyncadd.s32 $0xFFFFD800  }
0x34: {  	[spmem:s1] =	stream.indirect.scatter.add.f32 [tilespmem:s23], [sflag:$0x4], $0x80, s18, s20, $0xb8;
	[tilespmem:$0x18C80] =	vst v63  }
0x35: {  	_ =	swait.ge [sflag:s9], $0x100  }
0x36: {  	[sflag:s9] =	ssyncset.done $0x0  }
0x37: {  	[sflag:s9] =	ssyncadd.s32 $0xFFFFFF00  }
0x38: {  	_ =	swait.ge [sflag:s9], $0x100  }
0x39: {  	[sflag:s9] =	ssyncset.done $0x0  }
0x3a: {  	[sflag:s9] =	ssyncadd.s32 $0xFFFFFF00  }
0x3b: {  	_ =	swait.ge [sflag:s26], $0x2800  }
0x3c: {  	s11 =	sand.u32 $0x7C00, s29;
	[sflag:s26] =	ssyncset.done $0x0  }
0x3d: {  	p1 =	por $0x0, $0x0;
	s10 =	sxor.u32 $0x100, s2;
	[sflag:s26] =	ssyncadd.s32 $0xFFFFD800  }
0x3e: {  	[tilespmem:s21], [sflag:$0x1] =	stream.indirect.gather [hbm4b:s4+s20], $0x80, s10, s20, $0xb8;
	[tilespmem:$0x18C80] =	vst v63  }
0x3f: {  	s12 =	sadd.s32 s7, s11;
	s19 =	sand.u32 $0x300, s29;
	_ =	swait.ge [sflag:s28], $0x2800  }
0x40: {  	s22 =	simm.s32 @!p1 $0x50;
	s18 =	ssub.s32 @!p1 $0x180, s2;
	[sflag:s28] =	ssyncset.done $0x0  }
0x41: {  	s9 =	sor.u32 s19, s12;
	s19 =	simm.s32 @!p1 $0x2C00;
	[sflag:s28] =	ssyncadd.s32 $0xFFFFD800  }
0x42: {  	[tilespmem:s19], [sflag:$0x2] =	stream.indirect.gather @!p1 [hbm4b:s4+s22], $0x80, s18, s22, $0xb8;
	[tilespmem:$0x18C80] =	vst v63  }
0x43: {  	s8 =	sadd.s32 $0x5, s8;
	s9 =	sshrl.u32 s9, $0x3;
	s18 =	simm.s32 $0x1  }
0x44: {  	s22 =	sadd.s32 s5, s9;
	s9 =	sadd.s32 s6, s9;
	s19 =	simm.s32 $0x300  }
.LBB2_2:
0x45: {  	[tilespmem:s2], [sflag:s8] =	stream.linear.gather [hbm4b:s22+s3], $0x100, $0x38;
	[tilespmem:$0x18C80] =	vst v63  }
0x46: {  	s22 =	sand.u32 $0x1, s18;
	s10 =	smov.u32 s18;
	s18 =	sadd.s32 $0x1, s18  }
0x47: {  	[tilespmem:s0], [sflag:s8] =	stream.linear.gather [hbm4b:s9+s3], $0x100, $0x38;
	[tilespmem:$0x18C80] =	vst v63  }
0x48: {  	s2 =	sshll.u32 s22, $0x8;
	s8 =	sxor.u32 $0x1, s22;
	_ =	swait.ge [sflag:s24], $0x2800  }
0x49: {  	p1 =	sne.s32 s18, $0x3E;
	s0 =	sor.u32 $0x200, s2;
	[sflag:s24] =	ssyncset.done $0x0  }
0x4a: {  	[sflag:s24] =	ssyncadd.s32 $0xFFFFD800  }
0x4b: {  	[spmem:s1] =	stream.indirect.scatter.add.f32 [tilespmem:s21], [sflag:$0x3], $0x80, s0, s20, $0xb8;
	[tilespmem:$0x18C80] =	vst v63  }
0x4c: {  	_ =	swait.ge [sflag:s25], $0x2800  }
0x4d: {  	s9 =	sor.u32 $0x280, s2;
	s8 =	sadd.s32 $0x5, s8;
	[sflag:s25] =	ssyncset.done $0x0  }
0x4e: {  	[sflag:s25] =	ssyncadd.s32 $0xFFFFD800  }
0x4f: {  	[spmem:s1] =	stream.indirect.scatter.add.f32 [tilespmem:s23], [sflag:$0x4], $0x80, s9, s20, $0xb8;
	[tilespmem:$0x18C80] =	vst v63  }
0x50: {  	_ =	swait.ge [sflag:s8], $0x100  }
0x51: {  	[sflag:s8] =	ssyncset.done $0x0  }
0x52: {  	[sflag:s8] =	ssyncadd.s32 $0xFFFFFF00  }
0x53: {  	_ =	swait.ge [sflag:s8], $0x100  }
0x54: {  	[sflag:s8] =	ssyncset.done $0x0  }
0x55: {  	[sflag:s8] =	ssyncadd.s32 $0xFFFFFF00  }
0x56: {  	_ =	swait.ge [sflag:s26], $0x2800  }
0x57: {  	s11 =	sand.u32 $0x300, s19;
	s8 =	sxor.u32 $0x100, s2;
	[sflag:s26] =	ssyncset.done $0x0  }
0x58: {  	p2 =	seq.s32 s10, $0x3D;
	s9 =	sand.u32 $0x7C00, s19;
	[sflag:s26] =	ssyncadd.s32 $0xFFFFD800  }
0x59: {  	[tilespmem:s21], [sflag:$0x1] =	stream.indirect.gather [hbm4b:s4+s20], $0x80, s8, s20, $0xb8;
	[tilespmem:$0x18C80] =	vst v63  }
0x5a: {  	s10 =	simm.s32 @!p2 $0x50;
	s8 =	sadd.s32 s7, s9;
	_ =	swait.ge [sflag:s28], $0x2800  }
.Ltmp0:
0x5b: {  	s9 =	ssub.s32 @!p2 $0x180, s2;
	[sflag:s28] =	ssyncset.done $0x0;
	(pc) =	sbr.rel @p1 .LBB2_2-.Ltmp0, $4  }
0x5c: {  	s12 =	simm.s32 @!p2 $0x2C00;
	s11 =	sor.u32 s11, s8;
	[sflag:s28] =	ssyncadd.s32 $0xFFFFD800  }
0x5d: {  	[tilespmem:s12], [sflag:$0x2] =	stream.indirect.gather @!p2 [hbm4b:s4+s10], $0x80, s9, s10, $0xb8;
	[tilespmem:$0x18C80] =	vst v63  }
0x5e: {  	s8 =	sadd.s32 $0x5, s22;
	s9 =	sshrl.u32 s11, $0x3  }
0x5f: {  	s19 =	sadd.s32 $0x100, s19;
	s22 =	sadd.s32 s5, s9;
	s9 =	sadd.s32 s6, s9  }
0x60: {  	[tilespmem:s2], [sflag:s8] =	stream.linear.gather [hbm4b:s22+s3], $0x100, $0x38;
	[tilespmem:$0x18C80] =	vst v63  }
0x61: {  	_ = 	snop  }
0x62: {  	[tilespmem:s0], [sflag:s8] =	stream.linear.gather [hbm4b:s9+s3], $0x100, $0x38;
	[tilespmem:$0x18C80] =	vst v63  }
0x63: {  	_ =	swait.ge [sflag:s24], $0x2800  }
0x64: {  	[sflag:s24] =	ssyncset.done $0x0  }
0x65: {  	[sflag:s24] =	ssyncadd.s32 $0xFFFFD800  }
0x66: {  	[spmem:s1] =	stream.indirect.scatter.add.f32 [tilespmem:s21], [sflag:$0x3], $0x80, s29, s20, $0xb8;
	[tilespmem:$0x18C80] =	vst v63  }
0x67: {  	_ =	swait.ge [sflag:s30], $0x100  }
0x68: {  	[sflag:s30] =	ssyncset.done $0x0  }
0x69: {  	[sflag:s30] =	ssyncadd.s32 $0xFFFFFF00  }
0x6a: {  	_ =	swait.ge [sflag:s30], $0x100  }
0x6b: {  	[sflag:s30] =	ssyncset.done $0x0  }
0x6c: {  	[sflag:s30] =	ssyncadd.s32 $0xFFFFFF00  }
0x6d: {  	_ =	swait.ge [sflag:s26], $0x2800  }
0x6e: {  	s31 =	sadd.s32 $0x1, s31;
	[sflag:s26] =	ssyncset.done $0x0  }
0x6f: {  	p1 =	sne.s32 s31, s14;
	[sflag:s26] =	ssyncadd.s32 $0xFFFFD800  }
.Ltmp1:
0x70: {  	s0 =	simm.s32 @!p0 $0x7;
	[bflag:$0x0] =	sbarrier.arrive $0xFFFF;
	(pc) =	sbr.rel @p1 .LBB2_1-.Ltmp1, $4  }
0x71: {  	[hbm:s13], [sflag:s15] =	dma.local @!p0 [spmem:s16], $0x3E80  }
0x72: {  	_ =	swait.ge @!p0 [sflag:s0], $0x3E80  }
0x73: {  	[sflag:s0] =	ssyncset.done @!p0 $0x0  }
0x74: {  	[sflag:s0] =	ssyncadd.s32 @!p0 $0xFFFFC180  }
0x75: {  	_ =	sfence.sel $0x180000  }
0x76: {  	[bflag:$0x0] =	sbarrier.arrive $0xFFFF  }
0x77: {  	_ =	strace $0x9000004A  }
0x78: {  	s0 =	stileid.u32;
	[bflag:$0x2] =	sbarrier.arrive $0xFFFF  }
0x79: {  	p0 =	sne.s32 s0, $0x0;
	s0 =	rddreg [dreg:$0x3]  }
0x7a: {  	s0 =	sadd.s32 @!p0 $0x100000, s0  }
0x7b: {  	[sflag:s0] =	ssyncadd.tile.s32 @!p0 $0x1;
	_ =	shalt  }
.Lfunc_end2:
_tile_overlayer_lowered:
.L_overlay_start_2:
0x7c: {  	(tag) =	ssettag $0x2  }
0x7d: {  	s0 =	rddreg [dreg:$0x0];
	s2 =	stileid.u32  }
0x7e: {  	s1 =	rddreg [dreg:$0x1];
	p0 =	sne.s32 s2, $0x0  }
0x7f: {  	s3 =	rddreg [dreg:$0x2];
	[bflag:$0x3] =	sbarrier.arrive $0xFFFF;
	s2 =	simm.s32 @!p0 $0x1C07  }
0x80: {  	[timem:s3], [sflag:s2] =	dma.local @!p0 [hbm:s0], s1  }
0x81: {  	s0 =	simm.s32 @!p0 $0x7  }
0x82: {  	_ =	swait.ge @!p0 [sflag:s0], s1  }
0x83: {  	s1 =	ssub.s32 @!p0 $0x0, s1;
	[sflag:s0] =	ssyncset.done @!p0 $0x0  }
0x84: {  	[sflag:s0] =	ssyncadd.s32 @!p0 s1  }
0x85: {  	[bflag:$0x3] =	sbarrier.arrive $0xFFFF  }
0x86: {  	_ =	shalt  }

// kernel: sage_sc_agg.7.cloned.1.call-start
scs
__scs_entry_jumppad:
0x0: {  	(pc) =	sbr.rel $0x88, $3  }
0x1: {  	(tag) =	ssettag $0x0;
	lr =	simm.s32 $0x1  }
0x2: {  	[smem:$0x3F96] =	sst lr;
	_ =	strace $0xD0000000  }
0x3: {  	_ = 	snop  }
0x4: {  	_ = 	snop  }
0x5: {  	_ = 	snop  }
0x6: {  	_ = 	snop  }
0x7: {  	_ = 	snop  }
__scs_overlays_trampoline_lowered:
0x8: {  	[smem:$0x3FA5] =	sst s0  }
0x9: {  	[smem:$0x3FA6] =	sst s1  }
0xa: {  	[smem:$0x3FA7] =	sst s2  }
0xb: {  	[smem:$0x3FA8] =	sst s3  }
0xc: {  	[smem:$0x3FA9] =	sst s4  }
0xd: {  	[smem:$0x3FAA] =	sst s5  }
0xe: {  	[smem:$0x3FAB] =	sst s6  }
0xf: {  	[smem:$0x3FAC] =	sst s7  }
0x10: {  	[smem:$0x3FAD] =	sst s8  }
0x11: {  	[smem:$0x3FAE] =	sst s9;
	s0 =	simm.s32 @!p0 $0x0  }
0x12: {  	s1 =	sld [smem:$0x3F94];
	s0 =	simm.s32 @p0 $0x1  }
0x13: {  	[smem:$0x3FAF] =	sst s0;
	s0 =	simm.s32 @!p1 $0x0  }
0x14: {  	s2 =	sld [smem:$0x3F93];
	s0 =	simm.s32 @p1 $0x1  }
0x15: {  	[smem:$0x3FB0] =	sst s0;
	s0 =	simm.s32 @!p2 $0x0  }
0x16: {  	s3 =	sld [smem:$0x3FDB];
	s0 =	simm.s32 @p2 $0x1  }
0x17: {  	s4 =	simm.s32 $0x1BF5;
	[smem:$0x3FB2] =	sst s0  }
0x18: {  	s0 =	sld [smem:$0x3F95];
	_ =	swait.ge [sflag:s4], $0x0  }
0x19: {  	s7 =	sld [smem:$0x3F96]  }
0x1a: {  	s8 =	sadd.s32 $0xFFFFE003, lr  }
0x1b: {  	s9 =	sadd.s32 $0xFFFFFEF7, lr;
	s5 =	simm.s32 $0xFFFFFFFF;
	p2 =	slt.u32 s8, $0xFFFFF086  }
0x1c: {  	p1 =	slt.u32 s9, $0xF7A;
	s5 =	simm.s32 @!p2 $0x0  }
0x1d: {  	s5 =	simm.s32 @p1 $0x1;
	p0 =	seq.s32 s7, s2  }
0x1e: {  	s7 =	smul.u32 @!p0 $0xF7A, s2;
	p2 =	seq.s32 @!p0 s5, $0x0  }
0x1f: {  	s9 =	smul.u32 $0xF7A, s1;
	s8 =	simm.s32 @!p0 $0x1BF5;
	p2 =	por !p2, p0  }
0x20: {  	[sflag:s8] =	ssyncset.s32 @!p0 $0xFFFFF086;
	s6 =	sadd.s32 @!p0 s3, s7;
	s7 =	simm.s32 @!p0 $0x108  }
0x21: {  	s3 =	sadd.s32 s3, s9;
	s6 =	sadd.s32 @!p0 $0x88, s6;
	s7 =	simm.s32 @p2 $0x1082  }
0x22: {  	[simem:s7], [sflag:s8] =	dma.local @!p0 [hbm:s6], $0xF7A  }
0x23: {  	s9 =	sor.u32 $0xD0000000, s2;
	s6 =	simm.s32 $0x108;
	_ =	swait.ge @!p0 [sflag:s8], $0x0  }
0x24: {  	s3 =	sadd.s32 $0x88, s3;
	s6 =	simm.s32 @!p1 $0x1082;
	[sflag:s4] =	ssyncset.s32 $0xFFFFF086  }
0x25: {  	[simem:s6], [sflag:s4] =	dma.local [hbm:s3], $0xF7A  }
0x26: {  	[smem:$0x3F96] =	sst s1;
	(tag) =	ssettag s2;
	_ =	strace s9  }
0x27: {  	s1 =	sld [smem:$0x3FA6]  }
0x28: {  	s2 =	sld [smem:$0x3FA7]  }
0x29: {  	s4 =	sld [smem:$0x3FA9]  }
0x2a: {  	p0 =	seq.s32 s5, $0x0;
	s5 =	sld [smem:$0x3FAA]  }
0x2b: {  	s6 =	sld [smem:$0x3FAB]  }
0x2c: {  	s7 =	sld [smem:$0x3FAC]  }
0x2d: {  	s3 =	simm.s32 $0x108;
	s8 =	sld [smem:$0x3FAD]  }
0x2e: {  	s3 =	simm.s32 @!p0 $0x1082;
	s9 =	sld [smem:$0x3FAE]  }
0x2f: {  	lr =	sadd.s32 s0, s3;
	s0 =	sld [smem:$0x3FA5]  }
0x30: {  	s3 =	sld [smem:$0x3FA8]  }
0x31: {  	[smem:$0x3FB1] =	sst s10  }
0x32: {  	s10 =	sld [smem:$0x3FAF];
	_ =	sdelay $0x3  }
0x33: {  	p0 =	seq.s32 s10, $0x1;
	s10 =	sld [smem:$0x3FB1];
	_ =	sdelay $0x3  }
0x34: {  	[smem:$0x3FB1] =	sst s10  }
0x35: {  	s10 =	sld [smem:$0x3FB0];
	_ =	sdelay $0x3  }
0x36: {  	p1 =	seq.s32 s10, $0x1;
	s10 =	sld [smem:$0x3FB1];
	_ =	sdelay $0x3  }
0x37: {  	[smem:$0x3FB1] =	sst s10  }
0x38: {  	s10 =	sld [smem:$0x3FB2]  }
0x39: {  	_ = 	snop;
	(pc) =	sbr.ind lr, $3  }
0x3a: {  	_ = 	snop  }
0x3b: {  	_ = 	snop  }
0x3c: {  	p2 =	seq.s32 s10, $0x1;
	s10 =	sld [smem:$0x3FB1]  }
0x3d: {  	_ =	shalt  }
0x3e: {  	_ =	shalt  }
0x3f: {  	_ =	shalt  }
0x40: {  	_ =	shalt  }
0x41: {  	_ =	shalt  }
0x42: {  	_ =	shalt  }
0x43: {  	_ =	shalt  }
0x44: {  	_ =	shalt  }
0x45: {  	_ =	shalt  }
0x46: {  	_ =	shalt  }
0x47: {  	_ =	shalt  }
0x48: {  	_ =	shalt  }
0x49: {  	_ =	shalt  }
0x4a: {  	_ =	shalt  }
0x4b: {  	_ =	shalt  }
0x4c: {  	_ =	shalt  }
0x4d: {  	_ =	shalt  }
0x4e: {  	_ =	shalt  }
0x4f: {  	_ =	shalt  }
0x50: {  	_ =	shalt  }
0x51: {  	_ =	shalt  }
0x52: {  	_ =	shalt  }
0x53: {  	_ =	shalt  }
0x54: {  	_ =	shalt  }
0x55: {  	_ =	shalt  }
0x56: {  	_ =	shalt  }
0x57: {  	_ =	shalt  }
0x58: {  	_ =	shalt  }
0x59: {  	_ =	shalt  }
0x5a: {  	_ =	shalt  }
0x5b: {  	_ =	shalt  }
0x5c: {  	_ =	shalt  }
0x5d: {  	_ =	shalt  }
0x5e: {  	_ =	shalt  }
0x5f: {  	_ =	shalt  }
0x60: {  	_ =	shalt  }
0x61: {  	_ =	shalt  }
0x62: {  	_ =	shalt  }
0x63: {  	_ =	shalt  }
0x64: {  	_ =	shalt  }
0x65: {  	_ =	shalt  }
0x66: {  	_ =	shalt  }
0x67: {  	_ =	shalt  }
0x68: {  	_ =	shalt  }
0x69: {  	_ =	shalt  }
0x6a: {  	_ =	shalt  }
0x6b: {  	_ =	shalt  }
0x6c: {  	_ =	shalt  }
0x6d: {  	_ =	shalt  }
0x6e: {  	_ =	shalt  }
0x6f: {  	_ =	shalt  }
0x70: {  	_ =	shalt  }
0x71: {  	_ =	shalt  }
0x72: {  	_ =	shalt  }
0x73: {  	_ =	shalt  }
0x74: {  	_ =	shalt  }
0x75: {  	_ =	shalt  }
0x76: {  	_ =	shalt  }
0x77: {  	_ =	shalt  }
0x78: {  	_ =	shalt  }
0x79: {  	_ =	shalt  }
0x7a: {  	_ =	shalt  }
0x7b: {  	_ =	shalt  }
0x7c: {  	_ =	shalt  }
0x7d: {  	_ =	shalt  }
0x7e: {  	_ =	shalt  }
0x7f: {  	_ =	shalt  }
0x80: {  	_ =	shalt  }
0x81: {  	_ =	shalt  }
0x82: {  	_ =	shalt  }
0x83: {  	_ =	shalt  }
0x84: {  	_ =	shalt  }
0x85: {  	_ =	shalt  }
0x86: {  	_ =	shalt  }
0x87: {  	_ =	shalt  }
.Lfunc_end0:
.L_simem_size_0:
called_computation.2_lowered:
.L_overlay_start_0:
0x88: {  	s2 =	sld [smem:$0x3FD9]  }
0x89: {  	s3 =	sld [smem:$0x3FFE];
	_ =	sdelay $0x1  }
0x8a: {  	s1 =	srdreg.scid  }
0x8b: {  	s0 =	sand.u32 $0x1, s1  }
0x8c: {  	s17 =	sshll.u32 s0, $0xA;
	s2 =	sadd.s32 s3, s2  }
0x8d: {  	s2 =	sadd.s32 s2, s17  }
0x8e: {  	[smem:$0x3FBD] =	sst s2  }
0x8f: {  	_ = 	snop  }
0x90: {  	s2 =	sld [smem:$0x3FD0];
	(tm) =	ssettm $0x1  }
0x91: {  	s18 =	sld [smem:$0x3FFB];
	_ =	sdelay $0x3  }
0x92: {  	_ =	strace s18  }
0x93: {  	s3 =	sld [smem:$0x3FFC];
	_ =	sdelay $0x3  }
0x94: {  	_ =	strace s3  }
0x95: {  	s3 =	sld [smem:$0x3FFD];
	_ =	sdelay $0x3  }
0x96: {  	_ =	strace s3  }
0x97: {  	_ =	strace $0x8FFFFFFF  }
0x98: {  	s19 =	sld [smem:$0x3FDB];
	_ =	sdelay $0x1  }
0x99: {  	s4 =	simm.s32 $_scs_section_size  }
0x9a: {  	s5 =	simm.s32 $_size__tile_overlayer_lowered;
	s6 =	simm.s32 $_tile_overlayer_lowered  }
0x9b: {  	s22 =	simm.s32 $0x1BFF;
	s21 =	sshll.u32 s6, $0x1;
	s3 =	sadd.s32 s4, s19  }
0x9c: {  	s7 =	simm.s32 $0x0;
	s20 =	sshll.u32 s5, $0x1;
	s5 =	sadd.s32 s21, s3  }
0x9d: {  	[timem:s7], [sflag:s22] =	dma.local [hbm:s5], s20  }
0x9e: {  	_ =	swait.ge [sflag:s22], s20  }
0x9f: {  	s4 =	ssub.s32 $0x0, s20;
	[sflag:s22] =	ssyncset.done $0x0  }
0xa0: {  	[sflag:s22] =	ssyncadd.s32 s4;
	_ =	sdelay $0x1  }
0xa1: {  	s23 =	simm.s32 $0x1B8B  }
0xa2: {  	_ =	swait.ge [sflag:s23], $0x1  }
0xa3: {  	[sflag:s23] =	ssyncset.done $0x0  }
0xa4: {  	s25 =	simm.s32 $0x1B8E;
	s24 =	sld [smem:$0x3FFE];
	[sflag:s23] =	ssyncadd.s32 $0xFFFFFFFF  }
0xa5: {  	s26 =	simm.s32 $execute0_lowered;
	[smem:$0x3FD2] =	sst s25  }
0xa6: {  	s5 =	sshll.u32 s26, $0x1;
	_ =	strace $0x8000004C;
	[dreg:$0x1] =	wrdreg $0xFFFFFFFF  }
0xa7: {  	s28 =	simm.s32 $_size_execute0_lowered;
	s3 =	sadd.s32 s3, s5;
	[dreg:$0x0] =	wrdreg $0x0  }
0xa8: {  	s5 =	sshll.u32 s28, $0x1;
	[dreg:$0x2] =	wrdreg s3  }
0xa9: {  	[dreg:$0x3] =	wrdreg s5  }
0xaa: {  	[dreg:$0x4] =	wrdreg $0xC0  }
0xab: {  	_ =	task [dreg:s7], $0x5FFFF  }
0xac: {  	[dreg:$0x1] =	wrdreg $0xFFFFFFFF  }
0xad: {  	[dreg:$0x0] =	wrdreg $0x60  }
0xae: {  	[dreg:$0x2] =	wrdreg s24  }
0xaf: {  	[dreg:$0x3] =	wrdreg s2  }
0xb0: {  	[dreg:$0x4] =	wrdreg $0x54000  }
0xb1: {  	[dreg:$0x5] =	wrdreg $0x9  }
0xb2: {  	_ =	task.clear_ibuf [dreg:s7], $0x6FFFF;
	_ =	strace $0x9000004C  }
0xb3: {  	s29 =	simm.s32 $0x9;
	_ =	strace $0x8000004E  }
0xb4: {  	_ =	swait.ge [sflag:s29], $0x1  }
0xb5: {  	[sflag:s29] =	ssyncadd.s32 $0xFFFFFFFF  }
0xb6: {  	_ =	strace $0x9000004E  }
0xb7: {  	_ =	sfence  }
0xb8: {  	s30 =	sld [smem:$0x0];
	_ =	sdelay $0x2  }
0xb9: {  	s31 =	sshll.u32 s1, $0xD;
	s1 =	sshrl.u32 s1, $0x2  }
0xba: {  	s3 =	sand.u32 $0x4000, s31;
	s1 =	sadd.s32 s1, s30  }
0xbb: {  	s0 =	sor.u32 s3, s0;
	s1 =	sshll.u32 s1, $0x11  }
0xbc: {  	s0 =	sor.u32 s1, s0  }
0xbd: {  	s0 =	sadd.s32 $0x8F2B, s0  }
0xbe: {  	[sflag:s0] =	ssyncadd.remote.s32 $0x1  }
0xbf: {  	_ =	sfence.sel $0xFFFF  }
0xc0: {  	[dreg:$0x0] =	wrdreg $0xFFFFFFFF;
	(pc) =	sbr.abs _section_cstart, $3  }
0xc1: {  	[dreg:$0x1] =	wrdreg $0xFFFFFFFF  }
0xc2: {  	_ =	task.clear_ibuf [dreg:s7], $0x2FFFF;
	_ =	strace $0x9FFFFFFF  }
0xc3: {  	(tm) =	ssettm $0x7FFFFFFF  }
tec
execute0_lowered:
.L_overlay_start_1:
0x0: {  	(tag) =	ssettag $0x1  }
0x1: {  	s0 =	rddreg [dreg:$0x0]  }
0x2: {  	s2 =	rddreg [dreg:$0x1]  }
0x3: {  	s1 =	rddreg [dreg:$0x2];
	s3 =	simm.s32 $0x0;
	s4 =	srdreg.scid  }
0x4: {  	s13 =	stileid.u32;
	s17 =	simm.s32 $0x5;
	s28 =	simm.s32 $0x4  }
0x5: {  	s29 =	simm.s32 $0x200;
	s30 =	simm.s32 $0x6;
	s31 =	simm.s32 $0x0  }
0x6: {  	[smem:$0x7FF] =	sst s3;
	s8 =	sand.u32 $0x1, s4;
	s7 =	smul.u32 $0x3E80, s13  }
0x7: {  	s4 =	sadd.s32 $0x4A200, s0;
	s5 =	sadd.s32 $0x13000, s0;
	s11 =	smul.u32 $0x7D000, s13  }
0x8: {  	s6 =	sadd.s32 $0x3000, s0;
	s21 =	sshll.u32 s13, $0xE;
	s12 =	smul.u32 $0x1F400, s13  }
0x9: {  	p0 =	sgt.u32 s13, $0x9;
	_ =	strace $0x8000004D;
	s9 =	ssub.s32 $0x2, s8  }
0xa: {  	s20 =	sshll.u32 s8, $0x12;
	s8 =	smul.u32 $0x138800, s8;
	s10 =	sshrl.u32 s9, $0x1  }
0xb: {  	s0 =	sadd.s32 s7, s0;
	s19 =	sshrl.u32 s11, $0x2;
	s7 =	sor.u32 s21, s20  }
0xc: {  	s20 =	simm.s32 $0x50;
	s21 =	simm.s32 $0x400;
	s9 =	ssub.s32 s9, s10  }
0xd: {  	s16 =	sadd.s32 s19, s1;
	s0 =	sadd.s32 $0x23000, s0;
	s22 =	sshrl.u32 s7, $0x3  }
0xe: {  	s8 =	sadd.s32 s12, s8;
	[dreg:$0x4] =	wrdreg s0;
	s23 =	sadd.s32 s5, s22  }
0xf: {  	s24 =	sadd.s32 s6, s22;
	s0 =	sor.u32 $0x20, s22;
	s26 =	sshrl.u32 s8, $0x3  }
0x10: {  	s8 =	sshll.u32 @!p0 s13, $0x6;
	s14 =	smax.u32 s9, $0x1;
	[dreg:$0x5] =	wrdreg s23  }
0x11: {  	s16 =	sshrl.u32 @!p0 s16, $0x3;
	[dreg:$0x6] =	wrdreg s24;
	s25 =	sadd.s32 s5, s0  }
0x12: {  	s0 =	sadd.s32 s6, s0;
	s13 =	sadd.s32 s2, s26;
	s15 =	sor.u32 @!p0 $0x1C07, s8  }
0x13: {  	s23 =	simm.s32 $0x2C00;
	s24 =	simm.s32 $0x1;
	[dreg:$0x7] =	wrdreg s25  }
0x14: {  	s26 =	simm.s32 $0x3;
	[dreg:$0x8] =	wrdreg s0;
	s25 =	simm.s32 $0x2  }
.LBB2_1:
0x15: {  	s0 =	rddreg [dreg:$0x4]  }
0x16: {  	[spmem:s16], [sflag:s15] =	dma.local @!p0 [hbm:s0], $0x3E80  }
0x17: {  	s0 =	simm.s32 @!p0 $0x7  }
0x18: {  	_ =	swait.ge @!p0 [sflag:s0], $0x3E80  }
0x19: {  	[sflag:s0] =	ssyncset.done @!p0 $0x0  }
0x1a: {  	[sflag:s0] =	ssyncadd.s32 @!p0 $0xFFFFC180  }
0x1b: {  	[bflag:$0x0] =	sbarrier.arrive $0xFFFF  }
0x1c: {  	s18 =	rddreg [dreg:$0x5]  }
0x1d: {  	[tilespmem:s3], [sflag:$0x5] =	stream.linear.gather [hbm4b:s18+s3], $0x100, $0x38;
	[tilespmem:$0x18C80] =	vst v63  }
0x1e: {  	s19 =	rddreg [dreg:$0x6]  }
0x1f: {  	[tilespmem:s29], [sflag:$0x5] =	stream.linear.gather [hbm4b:s19+s3], $0x100, $0x38;
	[tilespmem:$0x18C80] =	vst v63  }
0x20: {  	_ =	swait.ge [sflag:s17], $0x100  }
0x21: {  	[sflag:s17] =	ssyncset.done $0x0  }
0x22: {  	[sflag:s17] =	ssyncadd.s32 $0xFFFFFF00  }
0x23: {  	_ =	swait.ge [sflag:s17], $0x100  }
0x24: {  	[sflag:s17] =	ssyncset.done $0x0  }
0x25: {  	s2 =	simm.s32 $0x100;
	s22 =	rddreg [dreg:$0x7];
	[sflag:s17] =	ssyncadd.s32 $0xFFFFFF00  }
0x26: {  	[tilespmem:s2], [sflag:$0x6] =	stream.linear.gather [hbm4b:s22+s3], $0x100, $0x38;
	[tilespmem:$0x18C80] =	vst v63  }
0x27: {  	s8 =	simm.s32 $0x300;
	s2 =	rddreg [dreg:$0x8]  }
0x28: {  	[tilespmem:s8], [sflag:$0x6] =	stream.linear.gather [hbm4b:s2+s3], $0x100, $0x38;
	[tilespmem:$0x18C80] =	vst v63  }
0x29: {  	_ = 	snop  }
0x2a: {  	[tilespmem:s21], [sflag:$0x1] =	stream.indirect.gather [hbm4b:s4+s20], $0x80, s3, s20, $0xb8;
	[tilespmem:$0x18C80] =	vst v63  }
0x2b: {  	s9 =	simm.s32 $0x80  }
0x2c: {  	[tilespmem:s23], [sflag:$0x2] =	stream.indirect.gather [hbm4b:s4+s20], $0x80, s9, s20, $0xb8;
	[tilespmem:$0x18C80] =	vst v63  }
0x2d: {  	s8 =	sand.u32 $0x1, s3;
	_ =	swait.ge [sflag:s24], $0x2800  }
0x2e: {  	s2 =	sshll.u32 s8, $0x8;
	[sflag:s24] =	ssyncset.done $0x0  }
0x2f: {  	s0 =	sor.u32 $0x200, s2;
	[sflag:s24] =	ssyncadd.s32 $0xFFFFD800  }
0x30: {  	[spmem:s1] =	stream.indirect.scatter.add.f32 [tilespmem:s21], [sflag:$0x3], $0x80, s0, s20, $0xb8;
	[tilespmem:$0x18C80] =	vst v63  }
0x31: {  	_ =	swait.ge [sflag:s25], $0x2800  }
0x32: {  	s9 =	sxor.u32 $0x1, s8;
	[sflag:s25] =	ssyncset.done $0x0  }
0x33: {  	s18 =	sor.u32 $0x280, s2;
	s9 =	sadd.s32 $0x5, s9;
	[sflag:s25] =	ssyncadd.s32 $0xFFFFD800  }
0x34: {  	[spmem:s1] =	stream.indirect.scatter.add.f32 [tilespmem:s23], [sflag:$0x4], $0x80, s18, s20, $0xb8;
	[tilespmem:$0x18C80] =	vst v63  }
0x35: {  	_ =	swait.ge [sflag:s9], $0x100  }
0x36: {  	[sflag:s9] =	ssyncset.done $0x0  }
0x37: {  	[sflag:s9] =	ssyncadd.s32 $0xFFFFFF00  }
0x38: {  	_ =	swait.ge [sflag:s9], $0x100  }
0x39: {  	[sflag:s9] =	ssyncset.done $0x0  }
0x3a: {  	[sflag:s9] =	ssyncadd.s32 $0xFFFFFF00  }
0x3b: {  	_ =	swait.ge [sflag:s26], $0x2800  }
0x3c: {  	s11 =	sand.u32 $0x7C00, s29;
	[sflag:s26] =	ssyncset.done $0x0  }
0x3d: {  	p1 =	por $0x0, $0x0;
	s10 =	sxor.u32 $0x100, s2;
	[sflag:s26] =	ssyncadd.s32 $0xFFFFD800  }
0x3e: {  	[tilespmem:s21], [sflag:$0x1] =	stream.indirect.gather [hbm4b:s4+s20], $0x80, s10, s20, $0xb8;
	[tilespmem:$0x18C80] =	vst v63  }
0x3f: {  	s12 =	sadd.s32 s7, s11;
	s19 =	sand.u32 $0x300, s29;
	_ =	swait.ge [sflag:s28], $0x2800  }
0x40: {  	s22 =	simm.s32 @!p1 $0x50;
	s18 =	ssub.s32 @!p1 $0x180, s2;
	[sflag:s28] =	ssyncset.done $0x0  }
0x41: {  	s9 =	sor.u32 s19, s12;
	s19 =	simm.s32 @!p1 $0x2C00;
	[sflag:s28] =	ssyncadd.s32 $0xFFFFD800  }
0x42: {  	[tilespmem:s19], [sflag:$0x2] =	stream.indirect.gather @!p1 [hbm4b:s4+s22], $0x80, s18, s22, $0xb8;
	[tilespmem:$0x18C80] =	vst v63  }
0x43: {  	s8 =	sadd.s32 $0x5, s8;
	s9 =	sshrl.u32 s9, $0x3;
	s18 =	simm.s32 $0x1  }
0x44: {  	s22 =	sadd.s32 s5, s9;
	s9 =	sadd.s32 s6, s9;
	s19 =	simm.s32 $0x300  }
.LBB2_2:
0x45: {  	[tilespmem:s2], [sflag:s8] =	stream.linear.gather [hbm4b:s22+s3], $0x100, $0x38;
	[tilespmem:$0x18C80] =	vst v63  }
0x46: {  	s22 =	sand.u32 $0x1, s18;
	s10 =	smov.u32 s18;
	s18 =	sadd.s32 $0x1, s18  }
0x47: {  	[tilespmem:s0], [sflag:s8] =	stream.linear.gather [hbm4b:s9+s3], $0x100, $0x38;
	[tilespmem:$0x18C80] =	vst v63  }
0x48: {  	s2 =	sshll.u32 s22, $0x8;
	s8 =	sxor.u32 $0x1, s22;
	_ =	swait.ge [sflag:s24], $0x2800  }
0x49: {  	p1 =	sne.s32 s18, $0x3E;
	s0 =	sor.u32 $0x200, s2;
	[sflag:s24] =	ssyncset.done $0x0  }
0x4a: {  	[sflag:s24] =	ssyncadd.s32 $0xFFFFD800  }
0x4b: {  	[spmem:s1] =	stream.indirect.scatter.add.f32 [tilespmem:s21], [sflag:$0x3], $0x80, s0, s20, $0xb8;
	[tilespmem:$0x18C80] =	vst v63  }
0x4c: {  	_ =	swait.ge [sflag:s25], $0x2800  }
0x4d: {  	s9 =	sor.u32 $0x280, s2;
	s8 =	sadd.s32 $0x5, s8;
	[sflag:s25] =	ssyncset.done $0x0  }
0x4e: {  	[sflag:s25] =	ssyncadd.s32 $0xFFFFD800  }
0x4f: {  	[spmem:s1] =	stream.indirect.scatter.add.f32 [tilespmem:s23], [sflag:$0x4], $0x80, s9, s20, $0xb8;
	[tilespmem:$0x18C80] =	vst v63  }
0x50: {  	_ =	swait.ge [sflag:s8], $0x100  }
0x51: {  	[sflag:s8] =	ssyncset.done $0x0  }
0x52: {  	[sflag:s8] =	ssyncadd.s32 $0xFFFFFF00  }
0x53: {  	_ =	swait.ge [sflag:s8], $0x100  }
0x54: {  	[sflag:s8] =	ssyncset.done $0x0  }
0x55: {  	[sflag:s8] =	ssyncadd.s32 $0xFFFFFF00  }
0x56: {  	_ =	swait.ge [sflag:s26], $0x2800  }
0x57: {  	s11 =	sand.u32 $0x300, s19;
	s8 =	sxor.u32 $0x100, s2;
	[sflag:s26] =	ssyncset.done $0x0  }
0x58: {  	p2 =	seq.s32 s10, $0x3D;
	s9 =	sand.u32 $0x7C00, s19;
	[sflag:s26] =	ssyncadd.s32 $0xFFFFD800  }
0x59: {  	[tilespmem:s21], [sflag:$0x1] =	stream.indirect.gather [hbm4b:s4+s20], $0x80, s8, s20, $0xb8;
	[tilespmem:$0x18C80] =	vst v63  }
0x5a: {  	s10 =	simm.s32 @!p2 $0x50;
	s8 =	sadd.s32 s7, s9;
	_ =	swait.ge [sflag:s28], $0x2800  }
.Ltmp0:
0x5b: {  	s9 =	ssub.s32 @!p2 $0x180, s2;
	[sflag:s28] =	ssyncset.done $0x0;
	(pc) =	sbr.rel @p1 .LBB2_2-.Ltmp0, $4  }
0x5c: {  	s12 =	simm.s32 @!p2 $0x2C00;
	s11 =	sor.u32 s11, s8;
	[sflag:s28] =	ssyncadd.s32 $0xFFFFD800  }
0x5d: {  	[tilespmem:s12], [sflag:$0x2] =	stream.indirect.gather @!p2 [hbm4b:s4+s10], $0x80, s9, s10, $0xb8;
	[tilespmem:$0x18C80] =	vst v63  }
0x5e: {  	s8 =	sadd.s32 $0x5, s22;
	s9 =	sshrl.u32 s11, $0x3  }
0x5f: {  	s19 =	sadd.s32 $0x100, s19;
	s22 =	sadd.s32 s5, s9;
	s9 =	sadd.s32 s6, s9  }
0x60: {  	[tilespmem:s2], [sflag:s8] =	stream.linear.gather [hbm4b:s22+s3], $0x100, $0x38;
	[tilespmem:$0x18C80] =	vst v63  }
0x61: {  	_ = 	snop  }
0x62: {  	[tilespmem:s0], [sflag:s8] =	stream.linear.gather [hbm4b:s9+s3], $0x100, $0x38;
	[tilespmem:$0x18C80] =	vst v63  }
0x63: {  	_ =	swait.ge [sflag:s24], $0x2800  }
0x64: {  	[sflag:s24] =	ssyncset.done $0x0  }
0x65: {  	[sflag:s24] =	ssyncadd.s32 $0xFFFFD800  }
0x66: {  	[spmem:s1] =	stream.indirect.scatter.add.f32 [tilespmem:s21], [sflag:$0x3], $0x80, s29, s20, $0xb8;
	[tilespmem:$0x18C80] =	vst v63  }
0x67: {  	_ =	swait.ge [sflag:s30], $0x100  }
0x68: {  	[sflag:s30] =	ssyncset.done $0x0  }
0x69: {  	[sflag:s30] =	ssyncadd.s32 $0xFFFFFF00  }
0x6a: {  	_ =	swait.ge [sflag:s30], $0x100  }
0x6b: {  	[sflag:s30] =	ssyncset.done $0x0  }
0x6c: {  	[sflag:s30] =	ssyncadd.s32 $0xFFFFFF00  }
0x6d: {  	_ =	swait.ge [sflag:s26], $0x2800  }
0x6e: {  	s31 =	sadd.s32 $0x1, s31;
	[sflag:s26] =	ssyncset.done $0x0  }
0x6f: {  	p1 =	sne.s32 s31, s14;
	[sflag:s26] =	ssyncadd.s32 $0xFFFFD800  }
.Ltmp1:
0x70: {  	s0 =	simm.s32 @!p0 $0x7;
	[bflag:$0x0] =	sbarrier.arrive $0xFFFF;
	(pc) =	sbr.rel @p1 .LBB2_1-.Ltmp1, $4  }
0x71: {  	[hbm:s13], [sflag:s15] =	dma.local @!p0 [spmem:s16], $0x3E80  }
0x72: {  	_ =	swait.ge @!p0 [sflag:s0], $0x3E80  }
0x73: {  	[sflag:s0] =	ssyncset.done @!p0 $0x0  }
0x74: {  	[sflag:s0] =	ssyncadd.s32 @!p0 $0xFFFFC180  }
0x75: {  	_ =	sfence.sel $0x180000  }
0x76: {  	[bflag:$0x0] =	sbarrier.arrive $0xFFFF  }
0x77: {  	_ =	strace $0x9000004D  }
0x78: {  	s0 =	stileid.u32;
	[bflag:$0x2] =	sbarrier.arrive $0xFFFF  }
0x79: {  	p0 =	sne.s32 s0, $0x0;
	s0 =	rddreg [dreg:$0x3]  }
0x7a: {  	s0 =	sadd.s32 @!p0 $0x100000, s0  }
0x7b: {  	[sflag:s0] =	ssyncadd.tile.s32 @!p0 $0x1;
	_ =	shalt  }
.Lfunc_end2:
_tile_overlayer_lowered:
.L_overlay_start_2:
0x7c: {  	(tag) =	ssettag $0x2  }
0x7d: {  	s0 =	rddreg [dreg:$0x0];
	s2 =	stileid.u32  }
0x7e: {  	s1 =	rddreg [dreg:$0x1];
	p0 =	sne.s32 s2, $0x0  }
0x7f: {  	s3 =	rddreg [dreg:$0x2];
	[bflag:$0x3] =	sbarrier.arrive $0xFFFF;
	s2 =	simm.s32 @!p0 $0x1C07  }
0x80: {  	[timem:s3], [sflag:s2] =	dma.local @!p0 [hbm:s0], s1  }
0x81: {  	s0 =	simm.s32 @!p0 $0x7  }
0x82: {  	_ =	swait.ge @!p0 [sflag:s0], s1  }
0x83: {  	s1 =	ssub.s32 @!p0 $0x0, s1;
	[sflag:s0] =	ssyncset.done @!p0 $0x0  }
0x84: {  	[sflag:s0] =	ssyncadd.s32 @!p0 s1  }
0x85: {  	[bflag:$0x3] =	sbarrier.arrive $0xFFFF  }
0x86: {  	_ =	shalt  }

// kernel: sage_sc_agg_c.3.cloned.1.call-start
scs
__scs_entry_jumppad:
0x0: {  	(pc) =	sbr.rel $0x88, $3  }
0x1: {  	(tag) =	ssettag $0x0;
	lr =	simm.s32 $0x1  }
0x2: {  	[smem:$0x3F96] =	sst lr;
	_ =	strace $0xD0000000  }
0x3: {  	_ = 	snop  }
0x4: {  	_ = 	snop  }
0x5: {  	_ = 	snop  }
0x6: {  	_ = 	snop  }
0x7: {  	_ = 	snop  }
__scs_overlays_trampoline_lowered:
0x8: {  	[smem:$0x3FA5] =	sst s0  }
0x9: {  	[smem:$0x3FA6] =	sst s1  }
0xa: {  	[smem:$0x3FA7] =	sst s2  }
0xb: {  	[smem:$0x3FA8] =	sst s3  }
0xc: {  	[smem:$0x3FA9] =	sst s4  }
0xd: {  	[smem:$0x3FAA] =	sst s5  }
0xe: {  	[smem:$0x3FAB] =	sst s6  }
0xf: {  	[smem:$0x3FAC] =	sst s7  }
0x10: {  	[smem:$0x3FAD] =	sst s8  }
0x11: {  	[smem:$0x3FAE] =	sst s9;
	s0 =	simm.s32 @!p0 $0x0  }
0x12: {  	s1 =	sld [smem:$0x3F94];
	s0 =	simm.s32 @p0 $0x1  }
0x13: {  	[smem:$0x3FAF] =	sst s0;
	s0 =	simm.s32 @!p1 $0x0  }
0x14: {  	s2 =	sld [smem:$0x3F93];
	s0 =	simm.s32 @p1 $0x1  }
0x15: {  	[smem:$0x3FB0] =	sst s0;
	s0 =	simm.s32 @!p2 $0x0  }
0x16: {  	s3 =	sld [smem:$0x3FDB];
	s0 =	simm.s32 @p2 $0x1  }
0x17: {  	s4 =	simm.s32 $0x1BF5;
	[smem:$0x3FB2] =	sst s0  }
0x18: {  	s0 =	sld [smem:$0x3F95];
	_ =	swait.ge [sflag:s4], $0x0  }
0x19: {  	s7 =	sld [smem:$0x3F96]  }
0x1a: {  	s8 =	sadd.s32 $0xFFFFE003, lr  }
0x1b: {  	s9 =	sadd.s32 $0xFFFFFEF7, lr;
	s5 =	simm.s32 $0xFFFFFFFF;
	p2 =	slt.u32 s8, $0xFFFFF086  }
0x1c: {  	p1 =	slt.u32 s9, $0xF7A;
	s5 =	simm.s32 @!p2 $0x0  }
0x1d: {  	s5 =	simm.s32 @p1 $0x1;
	p0 =	seq.s32 s7, s2  }
0x1e: {  	s7 =	smul.u32 @!p0 $0xF7A, s2;
	p2 =	seq.s32 @!p0 s5, $0x0  }
0x1f: {  	s9 =	smul.u32 $0xF7A, s1;
	s8 =	simm.s32 @!p0 $0x1BF5;
	p2 =	por !p2, p0  }
0x20: {  	[sflag:s8] =	ssyncset.s32 @!p0 $0xFFFFF086;
	s6 =	sadd.s32 @!p0 s3, s7;
	s7 =	simm.s32 @!p0 $0x108  }
0x21: {  	s3 =	sadd.s32 s3, s9;
	s6 =	sadd.s32 @!p0 $0x88, s6;
	s7 =	simm.s32 @p2 $0x1082  }
0x22: {  	[simem:s7], [sflag:s8] =	dma.local @!p0 [hbm:s6], $0xF7A  }
0x23: {  	s9 =	sor.u32 $0xD0000000, s2;
	s6 =	simm.s32 $0x108;
	_ =	swait.ge @!p0 [sflag:s8], $0x0  }
0x24: {  	s3 =	sadd.s32 $0x88, s3;
	s6 =	simm.s32 @!p1 $0x1082;
	[sflag:s4] =	ssyncset.s32 $0xFFFFF086  }
0x25: {  	[simem:s6], [sflag:s4] =	dma.local [hbm:s3], $0xF7A  }
0x26: {  	[smem:$0x3F96] =	sst s1;
	(tag) =	ssettag s2;
	_ =	strace s9  }
0x27: {  	s1 =	sld [smem:$0x3FA6]  }
0x28: {  	s2 =	sld [smem:$0x3FA7]  }
0x29: {  	s4 =	sld [smem:$0x3FA9]  }
0x2a: {  	p0 =	seq.s32 s5, $0x0;
	s5 =	sld [smem:$0x3FAA]  }
0x2b: {  	s6 =	sld [smem:$0x3FAB]  }
0x2c: {  	s7 =	sld [smem:$0x3FAC]  }
0x2d: {  	s3 =	simm.s32 $0x108;
	s8 =	sld [smem:$0x3FAD]  }
0x2e: {  	s3 =	simm.s32 @!p0 $0x1082;
	s9 =	sld [smem:$0x3FAE]  }
0x2f: {  	lr =	sadd.s32 s0, s3;
	s0 =	sld [smem:$0x3FA5]  }
0x30: {  	s3 =	sld [smem:$0x3FA8]  }
0x31: {  	[smem:$0x3FB1] =	sst s10  }
0x32: {  	s10 =	sld [smem:$0x3FAF];
	_ =	sdelay $0x3  }
0x33: {  	p0 =	seq.s32 s10, $0x1;
	s10 =	sld [smem:$0x3FB1];
	_ =	sdelay $0x3  }
0x34: {  	[smem:$0x3FB1] =	sst s10  }
0x35: {  	s10 =	sld [smem:$0x3FB0];
	_ =	sdelay $0x3  }
0x36: {  	p1 =	seq.s32 s10, $0x1;
	s10 =	sld [smem:$0x3FB1];
	_ =	sdelay $0x3  }
0x37: {  	[smem:$0x3FB1] =	sst s10  }
0x38: {  	s10 =	sld [smem:$0x3FB2]  }
0x39: {  	_ = 	snop;
	(pc) =	sbr.ind lr, $3  }
0x3a: {  	_ = 	snop  }
0x3b: {  	_ = 	snop  }
0x3c: {  	p2 =	seq.s32 s10, $0x1;
	s10 =	sld [smem:$0x3FB1]  }
0x3d: {  	_ =	shalt  }
0x3e: {  	_ =	shalt  }
0x3f: {  	_ =	shalt  }
0x40: {  	_ =	shalt  }
0x41: {  	_ =	shalt  }
0x42: {  	_ =	shalt  }
0x43: {  	_ =	shalt  }
0x44: {  	_ =	shalt  }
0x45: {  	_ =	shalt  }
0x46: {  	_ =	shalt  }
0x47: {  	_ =	shalt  }
0x48: {  	_ =	shalt  }
0x49: {  	_ =	shalt  }
0x4a: {  	_ =	shalt  }
0x4b: {  	_ =	shalt  }
0x4c: {  	_ =	shalt  }
0x4d: {  	_ =	shalt  }
0x4e: {  	_ =	shalt  }
0x4f: {  	_ =	shalt  }
0x50: {  	_ =	shalt  }
0x51: {  	_ =	shalt  }
0x52: {  	_ =	shalt  }
0x53: {  	_ =	shalt  }
0x54: {  	_ =	shalt  }
0x55: {  	_ =	shalt  }
0x56: {  	_ =	shalt  }
0x57: {  	_ =	shalt  }
0x58: {  	_ =	shalt  }
0x59: {  	_ =	shalt  }
0x5a: {  	_ =	shalt  }
0x5b: {  	_ =	shalt  }
0x5c: {  	_ =	shalt  }
0x5d: {  	_ =	shalt  }
0x5e: {  	_ =	shalt  }
0x5f: {  	_ =	shalt  }
0x60: {  	_ =	shalt  }
0x61: {  	_ =	shalt  }
0x62: {  	_ =	shalt  }
0x63: {  	_ =	shalt  }
0x64: {  	_ =	shalt  }
0x65: {  	_ =	shalt  }
0x66: {  	_ =	shalt  }
0x67: {  	_ =	shalt  }
0x68: {  	_ =	shalt  }
0x69: {  	_ =	shalt  }
0x6a: {  	_ =	shalt  }
0x6b: {  	_ =	shalt  }
0x6c: {  	_ =	shalt  }
0x6d: {  	_ =	shalt  }
0x6e: {  	_ =	shalt  }
0x6f: {  	_ =	shalt  }
0x70: {  	_ =	shalt  }
0x71: {  	_ =	shalt  }
0x72: {  	_ =	shalt  }
0x73: {  	_ =	shalt  }
0x74: {  	_ =	shalt  }
0x75: {  	_ =	shalt  }
0x76: {  	_ =	shalt  }
0x77: {  	_ =	shalt  }
0x78: {  	_ =	shalt  }
0x79: {  	_ =	shalt  }
0x7a: {  	_ =	shalt  }
0x7b: {  	_ =	shalt  }
0x7c: {  	_ =	shalt  }
0x7d: {  	_ =	shalt  }
0x7e: {  	_ =	shalt  }
0x7f: {  	_ =	shalt  }
0x80: {  	_ =	shalt  }
0x81: {  	_ =	shalt  }
0x82: {  	_ =	shalt  }
0x83: {  	_ =	shalt  }
0x84: {  	_ =	shalt  }
0x85: {  	_ =	shalt  }
0x86: {  	_ =	shalt  }
0x87: {  	_ =	shalt  }
.Lfunc_end0:
.L_simem_size_0:
called_computation_lowered:
.L_overlay_start_0:
0x88: {  	s2 =	sld [smem:$0x3FD9]  }
0x89: {  	s3 =	sld [smem:$0x3FFE];
	_ =	sdelay $0x1  }
0x8a: {  	s1 =	srdreg.scid  }
0x8b: {  	s0 =	sand.u32 $0x1, s1  }
0x8c: {  	s17 =	sshll.u32 s0, $0xA;
	s2 =	sadd.s32 s3, s2  }
0x8d: {  	s2 =	sadd.s32 s2, s17  }
0x8e: {  	[smem:$0x3FBD] =	sst s2  }
0x8f: {  	_ = 	snop  }
0x90: {  	s2 =	sld [smem:$0x3FC9]  }
0x91: {  	s18 =	sld [smem:$0x3FD0];
	(tm) =	ssettm $0x1  }
0x92: {  	s4 =	sld [smem:$0x3FFB];
	_ =	sdelay $0x3  }
0x93: {  	_ =	strace s4  }
0x94: {  	s4 =	sld [smem:$0x3FFC];
	_ =	sdelay $0x3  }
0x95: {  	_ =	strace s4  }
0x96: {  	s4 =	sld [smem:$0x3FFD];
	_ =	sdelay $0x3  }
0x97: {  	_ =	strace s4  }
0x98: {  	_ =	strace $0x8FFFFFFF  }
0x99: {  	s19 =	sld [smem:$0x3FDB];
	_ =	sdelay $0x1  }
0x9a: {  	s5 =	simm.s32 $_scs_section_size  }
0x9b: {  	s6 =	simm.s32 $_size__tile_overlayer_lowered;
	s7 =	simm.s32 $_tile_overlayer_lowered  }
0x9c: {  	s22 =	simm.s32 $0x1BFF;
	s21 =	sshll.u32 s7, $0x1;
	s4 =	sadd.s32 s5, s19  }
0x9d: {  	s8 =	simm.s32 $0x0;
	s20 =	sshll.u32 s6, $0x1;
	s6 =	sadd.s32 s21, s4  }
0x9e: {  	[timem:s8], [sflag:s22] =	dma.local [hbm:s6], s20  }
0x9f: {  	_ =	swait.ge [sflag:s22], s20  }
0xa0: {  	s5 =	ssub.s32 $0x0, s20;
	[sflag:s22] =	ssyncset.done $0x0  }
0xa1: {  	[sflag:s22] =	ssyncadd.s32 s5;
	_ =	sdelay $0x1  }
0xa2: {  	s23 =	simm.s32 $0x1B8B  }
0xa3: {  	_ =	swait.ge [sflag:s23], $0x1  }
0xa4: {  	[sflag:s23] =	ssyncset.done $0x0  }
0xa5: {  	s25 =	simm.s32 $0x1B8E;
	s24 =	sld [smem:$0x3FFE];
	[sflag:s23] =	ssyncadd.s32 $0xFFFFFFFF  }
0xa6: {  	s26 =	simm.s32 $execute0_lowered;
	[smem:$0x3FD2] =	sst s25  }
0xa7: {  	s6 =	sshll.u32 s26, $0x1;
	_ =	strace $0x80000046;
	[dreg:$0x1] =	wrdreg $0xFFFFFFFF  }
0xa8: {  	s28 =	simm.s32 $_size_execute0_lowered;
	s4 =	sadd.s32 s4, s6;
	[dreg:$0x0] =	wrdreg $0x0  }
0xa9: {  	s6 =	sshll.u32 s28, $0x1;
	[dreg:$0x2] =	wrdreg s4  }
0xaa: {  	[dreg:$0x3] =	wrdreg s6  }
0xab: {  	[dreg:$0x4] =	wrdreg $0xC0  }
0xac: {  	_ =	task [dreg:s8], $0x5FFFF  }
0xad: {  	[dreg:$0x1] =	wrdreg $0xFFFFFFFF  }
0xae: {  	[dreg:$0x0] =	wrdreg $0x60  }
0xaf: {  	[dreg:$0x2] =	wrdreg s2  }
0xb0: {  	[dreg:$0x3] =	wrdreg s24  }
0xb1: {  	[dreg:$0x4] =	wrdreg s18  }
0xb2: {  	[dreg:$0x5] =	wrdreg $0x5C800  }
0xb3: {  	[dreg:$0x6] =	wrdreg $0x195000  }
0xb4: {  	[dreg:$0x7] =	wrdreg $0x9  }
0xb5: {  	_ =	task.clear_ibuf [dreg:s8], $0x8FFFF;
	_ =	strace $0x90000046  }
0xb6: {  	s29 =	simm.s32 $0x9;
	_ =	strace $0x80000048  }
0xb7: {  	_ =	swait.ge [sflag:s29], $0x1  }
0xb8: {  	[sflag:s29] =	ssyncadd.s32 $0xFFFFFFFF  }
0xb9: {  	_ =	strace $0x90000048  }
0xba: {  	_ =	sfence  }
0xbb: {  	s30 =	sld [smem:$0x0];
	_ =	sdelay $0x2  }
0xbc: {  	s31 =	sshll.u32 s1, $0xD;
	s1 =	sshrl.u32 s1, $0x2  }
0xbd: {  	s3 =	sand.u32 $0x4000, s31;
	s1 =	sadd.s32 s1, s30  }
0xbe: {  	s0 =	sor.u32 s3, s0;
	s1 =	sshll.u32 s1, $0x11  }
0xbf: {  	s0 =	sor.u32 s1, s0  }
0xc0: {  	s0 =	sadd.s32 $0x8F2B, s0  }
0xc1: {  	[sflag:s0] =	ssyncadd.remote.s32 $0x1  }
0xc2: {  	_ =	sfence.sel $0xFFFF  }
0xc3: {  	[dreg:$0x0] =	wrdreg $0xFFFFFFFF;
	(pc) =	sbr.abs _section_cstart, $3  }
0xc4: {  	[dreg:$0x1] =	wrdreg $0xFFFFFFFF  }
0xc5: {  	_ =	task.clear_ibuf [dreg:s8], $0x2FFFF;
	_ =	strace $0x9FFFFFFF  }
0xc6: {  	(tm) =	ssettm $0x7FFFFFFF  }
0xc7: {  	_ =	shalt  }
tec
execute0_lowered:
.L_overlay_start_1:
0x0: {  	(tag) =	ssettag $0x1  }
0x1: {  	s1 =	rddreg [dreg:$0x0]  }
0x2: {  	s0 =	rddreg [dreg:$0x1]  }
0x3: {  	s15 =	rddreg [dreg:$0x2]  }
0x4: {  	s2 =	rddreg [dreg:$0x3]  }
0x5: {  	s4 =	rddreg [dreg:$0x4];
	s5 =	simm.s32 $0x0;
	s3 =	stileid.u32  }
0x6: {  	s6 =	srdreg.scid;
	s22 =	simm.s32 $0x9;
	s23 =	simm.s32 $0x7  }
0x7: {  	s28 =	simm.s32 $0x400;
	s29 =	simm.s32 $0x80;
	s8 =	smul.u32 $0x7D000, s3  }
0x8: {  	s30 =	simm.s32 $0x2C00;
	[smem:$0x7FF] =	sst s5;
	s9 =	smul.u32 $0x3E80, s3  }
0x9: {  	s16 =	sand.u32 $0x1, s6;
	s6 =	sadd.s32 $0x13000, s0;
	s25 =	smul.u32 $0x1F40, s3  }
0xa: {  	s7 =	sadd.s32 $0x3000, s0;
	s12 =	sshll.u32 s3, $0xE;
	s18 =	smul.u32 $0x1F400, s3  }
0xb: {  	s31 =	smul.u32 $0x7D0, s3;
	_ =	strace $0x80000047;
	s10 =	ssub.s32 $0x2, s16  }
0xc: {  	s26 =	sshll.u32 s16, $0x12;
	s14 =	smul.u32 $0x138800, s16;
	p0 =	seq.s32 s16, $0x1  }
0xd: {  	s11 =	sshrl.u32 s10, $0x1;
	s8 =	sshrl.u32 s8, $0x2;
	s9 =	sadd.s32 s9, s0  }
0xe: {  	s16 =	sadd.s32 s31, s4;
	s17 =	ssub.s32 s10, s11;
	s20 =	sadd.s32 s8, s2  }
0xf: {  	s8 =	sadd.s32 $0x23000, s9;
	s9 =	sor.u32 s12, s26;
	s10 =	sshrl.u32 s25, $0x2  }
0x10: {  	s18 =	sadd.s32 s18, s14;
	s26 =	simm.s32 $0x50;
	s12 =	sshrl.u32 s9, $0x3  }
0x11: {  	s10 =	sadd.s32 s10, s4;
	s18 =	sshrl.u32 s18, $0x3;
	s17 =	smax.u32 s17, $0x1  }
0x12: {  	[dreg:$0x6] =	wrdreg s10;
	s11 =	sadd.s32 s6, s12;
	s19 =	sor.u32 $0x20, s12  }
0x13: {  	s12 =	sadd.s32 s7, s12;
	s15 =	sadd.s32 s15, s18;
	s18 =	simm.s32 $0x4A800  }
0x14: {  	s13 =	sadd.s32 s6, s19;
	s14 =	sadd.s32 s7, s19;
	s18 =	simm.s32 @!p0 $0x4A200  }
0x15: {  	s19 =	sshrl.u32 s31, $0x3;
	p0 =	sgt.u32 s3, $0x9;
	s0 =	sadd.s32 s18, s0  }
0x16: {  	p1 =	sgt.u32 @!p0 s3, $0x4;
	s18 =	sadd.s32 s0, s19;
	s0 =	sshll.u32 @!p0 s3, $0x6  }
0x17: {  	v0 =	vimm.f32 $0.0e+00;
	v1 =	vimm.f32 $1.000000000e+00;
	s20 =	sshrl.u32 @!p0 s20, $0x3;
	p1 =	por p0, p1;
	s19 =	sor.u32 @!p0 $0x1C09, s0  }
.LBB2_1:
0x18: {  	[spmem:s20], [sflag:s19] =	dma.local @!p0 [hbm:s8], $0x3E80  }
.Ltmp0:
0x19: {  	_ = 	snop;
	(pc) =	sbr.rel @p1 .LBB2_2-.Ltmp0, $4  }
0x1a: {  	s0 =	simm.s32 @!p0 $0x9  }
0x1b: {  	_ =	swait.ge @!p0 [sflag:s0], $0x3E80  }
0x1c: {  	[sflag:s0] =	ssyncset.done @!p0 $0x0  }
0x1d: {  	[sflag:s0] =	ssyncadd.s32 @!p0 $0xFFFFC180  }
0x1e: {  	[tilespmem:$0x5480] =	vst v0  }
0x1f: {  	[tilespmem:$0x5490] =	vst v0  }
0x20: {  	[tilespmem:$0x54A0] =	vst v0  }
0x21: {  	[tilespmem:$0x54B0] =	vst v0  }
0x22: {  	[tilespmem:$0x54C0] =	vst v0  }
0x23: {  	[tilespmem:$0x54D0] =	vst v0  }
0x24: {  	[tilespmem:$0x54E0] =	vst v0  }
0x25: {  	[tilespmem:$0x54F0] =	vst v0  }
0x26: {  	[tilespmem:$0x5500] =	vst v0  }
0x27: {  	[tilespmem:$0x5510] =	vst v0  }
0x28: {  	[tilespmem:$0x5520] =	vst v0  }
0x29: {  	[tilespmem:$0x5530] =	vst v0  }
0x2a: {  	[tilespmem:$0x5540] =	vst v0  }
0x2b: {  	[tilespmem:$0x5550] =	vst v0  }
0x2c: {  	[tilespmem:$0x5560] =	vst v0  }
0x2d: {  	[tilespmem:$0x5570] =	vst v0  }
0x2e: {  	[tilespmem:$0x5580] =	vst v0  }
0x2f: {  	[tilespmem:$0x5590] =	vst v0  }
0x30: {  	[tilespmem:$0x55A0] =	vst v0  }
0x31: {  	[tilespmem:$0x55B0] =	vst v0  }
0x32: {  	[tilespmem:$0x55C0] =	vst v0  }
0x33: {  	[tilespmem:$0x55D0] =	vst v0  }
0x34: {  	[tilespmem:$0x55E0] =	vst v0  }
0x35: {  	[tilespmem:$0x55F0] =	vst v0  }
0x36: {  	[tilespmem:$0x5600] =	vst v0  }
0x37: {  	[tilespmem:$0x5610] =	vst v0  }
0x38: {  	[tilespmem:$0x5620] =	vst v0  }
0x39: {  	[tilespmem:$0x5630] =	vst v0  }
0x3a: {  	[tilespmem:$0x5640] =	vst v0  }
0x3b: {  	[tilespmem:$0x5650] =	vst v0  }
0x3c: {  	[tilespmem:$0x5660] =	vst v0  }
0x3d: {  	[tilespmem:$0x5670] =	vst v0  }
0x3e: {  	[tilespmem:$0x5680] =	vst v0  }
0x3f: {  	[tilespmem:$0x5690] =	vst v0  }
0x40: {  	[tilespmem:$0x56A0] =	vst v0  }
0x41: {  	[tilespmem:$0x56B0] =	vst v0  }
0x42: {  	[tilespmem:$0x56C0] =	vst v0  }
0x43: {  	[tilespmem:$0x56D0] =	vst v0  }
0x44: {  	[tilespmem:$0x56E0] =	vst v0  }
0x45: {  	[tilespmem:$0x56F0] =	vst v0  }
0x46: {  	[tilespmem:$0x5700] =	vst v0  }
0x47: {  	[tilespmem:$0x5710] =	vst v0  }
0x48: {  	[tilespmem:$0x5720] =	vst v0  }
0x49: {  	[tilespmem:$0x5730] =	vst v0  }
0x4a: {  	[tilespmem:$0x5740] =	vst v0  }
0x4b: {  	[tilespmem:$0x5750] =	vst v0  }
0x4c: {  	[tilespmem:$0x5760] =	vst v0  }
0x4d: {  	[tilespmem:$0x5770] =	vst v0  }
0x4e: {  	[tilespmem:$0x5780] =	vst v0  }
0x4f: {  	[tilespmem:$0x5790] =	vst v0  }
0x50: {  	[tilespmem:$0x57A0] =	vst v0  }
0x51: {  	[tilespmem:$0x57B0] =	vst v0  }
0x52: {  	[tilespmem:$0x57C0] =	vst v0  }
0x53: {  	[tilespmem:$0x57D0] =	vst v0  }
0x54: {  	[tilespmem:$0x57E0] =	vst v0  }
0x55: {  	[tilespmem:$0x57F0] =	vst v0  }
0x56: {  	[tilespmem:$0x5800] =	vst v0  }
0x57: {  	[tilespmem:$0x5810] =	vst v0  }
0x58: {  	[tilespmem:$0x5820] =	vst v0  }
0x59: {  	[tilespmem:$0x5830] =	vst v0  }
0x5a: {  	[tilespmem:$0x5840] =	vst v0  }
0x5b: {  	[tilespmem:$0x5850] =	vst v0  }
0x5c: {  	[tilespmem:$0x5860] =	vst v0  }
0x5d: {  	[tilespmem:$0x5870] =	vst v0  }
0x5e: {  	[tilespmem:$0x5880] =	vst v0  }
0x5f: {  	[tilespmem:$0x5890] =	vst v0  }
0x60: {  	[tilespmem:$0x58A0] =	vst v0  }
0x61: {  	[tilespmem:$0x58B0] =	vst v0  }
0x62: {  	[tilespmem:$0x58C0] =	vst v0  }
0x63: {  	[tilespmem:$0x58D0] =	vst v0  }
0x64: {  	[tilespmem:$0x58E0] =	vst v0  }
0x65: {  	[tilespmem:$0x58F0] =	vst v0  }
0x66: {  	[tilespmem:$0x5900] =	vst v0  }
0x67: {  	[tilespmem:$0x5910] =	vst v0  }
0x68: {  	[tilespmem:$0x5920] =	vst v0  }
0x69: {  	[tilespmem:$0x5930] =	vst v0  }
0x6a: {  	[tilespmem:$0x5940] =	vst v0  }
0x6b: {  	[tilespmem:$0x5950] =	vst v0  }
0x6c: {  	[tilespmem:$0x5960] =	vst v0  }
0x6d: {  	[tilespmem:$0x5970] =	vst v0  }
0x6e: {  	[tilespmem:$0x5980] =	vst v0  }
0x6f: {  	[tilespmem:$0x5990] =	vst v0  }
0x70: {  	[tilespmem:$0x59A0] =	vst v0  }
0x71: {  	[tilespmem:$0x59B0] =	vst v0  }
0x72: {  	[tilespmem:$0x59C0] =	vst v0  }
0x73: {  	[tilespmem:$0x59D0] =	vst v0  }
0x74: {  	[tilespmem:$0x59E0] =	vst v0  }
0x75: {  	[tilespmem:$0x59F0] =	vst v0  }
0x76: {  	[tilespmem:$0x5A00] =	vst v0  }
0x77: {  	[tilespmem:$0x5A10] =	vst v0  }
0x78: {  	[tilespmem:$0x5A20] =	vst v0  }
0x79: {  	[tilespmem:$0x5A30] =	vst v0  }
0x7a: {  	[tilespmem:$0x5A40] =	vst v0  }
0x7b: {  	[tilespmem:$0x5A50] =	vst v0  }
0x7c: {  	[tilespmem:$0x5A60] =	vst v0  }
0x7d: {  	[tilespmem:$0x5A70] =	vst v0  }
0x7e: {  	[tilespmem:$0x5A80] =	vst v0  }
0x7f: {  	[tilespmem:$0x5A90] =	vst v0  }
0x80: {  	[tilespmem:$0x5AA0] =	vst v0  }
0x81: {  	[tilespmem:$0x5AB0] =	vst v0  }
0x82: {  	[tilespmem:$0x5AC0] =	vst v0  }
0x83: {  	[tilespmem:$0x5AD0] =	vst v0  }
0x84: {  	[tilespmem:$0x5AE0] =	vst v0  }
0x85: {  	[tilespmem:$0x5AF0] =	vst v0  }
0x86: {  	[tilespmem:$0x5B00] =	vst v0  }
0x87: {  	[tilespmem:$0x5B10] =	vst v0  }
0x88: {  	[tilespmem:$0x5B20] =	vst v0  }
0x89: {  	[tilespmem:$0x5B30] =	vst v0  }
0x8a: {  	[tilespmem:$0x5B40] =	vst v0  }
0x8b: {  	[tilespmem:$0x5B50] =	vst v0  }
0x8c: {  	[tilespmem:$0x5B60] =	vst v0  }
0x8d: {  	[tilespmem:$0x5B70] =	vst v0  }
0x8e: {  	[tilespmem:$0x5B80] =	vst v0  }
0x8f: {  	[tilespmem:$0x5B90] =	vst v0  }
0x90: {  	[tilespmem:$0x5BA0] =	vst v0  }
0x91: {  	[tilespmem:$0x5BB0] =	vst v0  }
0x92: {  	[tilespmem:$0x5BC0] =	vst v0  }
0x93: {  	[tilespmem:$0x5BD0] =	vst v0  }
0x94: {  	[tilespmem:$0x5BE0] =	vst v0  }
0x95: {  	[tilespmem:$0x5BF0] =	vst v0  }
0x96: {  	[tilespmem:$0x5C00] =	vst v0  }
0x97: {  	[tilespmem:$0x5C10] =	vst v0  }
0x98: {  	[tilespmem:$0x5C20] =	vst v0  }
0x99: {  	[tilespmem:$0x5C30] =	vst v0  }
.Ltmp1:
0x9a: {  	[tilespmem:$0x5C40] =	vst v0;
	s0 =	rddreg [dreg:$0x6];
	s3 =	simm.s32 $0x5480;
	(pc) =	sbr.rel .LBB2_4-.Ltmp1, $4  }
0x9b: {  	[spmem:s0] =	stream.linear.scatter [tilespmem:s3], [sflag:$0x9], $0x7D0, $0x38;
	[tilespmem:$0x19778] =	vst v63  }
0x9c: {  	_ =	swait.ge [sflag:s22], $0x7D0  }
0x9d: {  	[sflag:s22] =	ssyncset.done $0x0  }
0x9e: {  	p2 =	por $0x1, $0x1;
	[sflag:s22] =	ssyncadd.s32 $0xFFFFF830  }
.LBB2_2:
0x9f: {  	p3 =	por @!p0 $0x0, $0x0;
	p2 =	por $0x0, $0x0  }
0xa0: {  	p2 =	por @!p0 p3, p3  }
.LBB2_4:
0xa1: {  	[tilespmem:$0x5400] =	vst v1  }
0xa2: {  	[tilespmem:$0x5410] =	vst v1  }
0xa3: {  	[tilespmem:$0x5420] =	vst v1  }
0xa4: {  	[tilespmem:$0x5430] =	vst v1  }
0xa5: {  	[tilespmem:$0x5440] =	vst v1  }
0xa6: {  	s0 =	simm.s32 $0x0;
	[bflag:$0x0] =	sbarrier.arrive $0xFFFF  }
0xa7: {  	[tilespmem:s0], [sflag:$0x7] =	stream.linear.gather [hbm4b:s11+s0], $0x100, $0x38;
	[tilespmem:$0x19778] =	vst v63  }
0xa8: {  	s31 =	simm.s32 $0x200  }
0xa9: {  	[tilespmem:s31], [sflag:$0x7] =	stream.linear.gather [hbm4b:s12+s0], $0x100, $0x38;
	[tilespmem:$0x19778] =	vst v63  }
0xaa: {  	_ =	swait.ge [sflag:s23], $0x100  }
0xab: {  	[sflag:s23] =	ssyncset.done $0x0  }
0xac: {  	[sflag:s23] =	ssyncadd.s32 $0xFFFFFF00  }
0xad: {  	_ =	swait.ge [sflag:s23], $0x100  }
0xae: {  	[sflag:s23] =	ssyncset.done $0x0  }
0xaf: {  	s3 =	simm.s32 $0x100;
	[sflag:s23] =	ssyncadd.s32 $0xFFFFFF00  }
0xb0: {  	[tilespmem:s3], [sflag:$0x8] =	stream.linear.gather [hbm4b:s13+s0], $0x100, $0x38;
	[tilespmem:$0x19778] =	vst v63  }
0xb1: {  	s25 =	simm.s32 $0x300  }
0xb2: {  	[tilespmem:s25], [sflag:$0x8] =	stream.linear.gather [hbm4b:s14+s0], $0x100, $0x38;
	[tilespmem:$0x19778] =	vst v63  }
0xb3: {  	_ = 	snop  }
0xb4: {  	[tilespmem:s28], [sflag:$0x1] =	stream.indirect.gather [hbm4b:s1+s26], $0x80, s0, s26, $0xb8;
	[tilespmem:$0x19778] =	vst v63  }
0xb5: {  	_ = 	snop  }
0xb6: {  	[tilespmem:s30], [sflag:$0x2] =	stream.indirect.gather [hbm4b:s1+s26], $0x80, s29, s26, $0xb8;
	[tilespmem:$0x19778] =	vst v63  }
.LBB2_5:
0xb7: {  	p3 =	seq.s32 s0, $0x3F  }
0xb8: {  	s3 =	simm.s32 @!p3 $0x1  }
0xb9: {  	_ =	swait.ge @!p3 [sflag:s3], $0x2800  }
0xba: {  	s21 =	sand.u32 $0x1, s0;
	[sflag:s3] =	ssyncset.done @!p3 $0x0  }
0xbb: {  	s24 =	simm.s32 @!p3 $0x50;
	[sflag:s3] =	ssyncadd.s32 @!p3 $0xFFFFD800;
	s3 =	sshll.u32 @!p3 s21, $0x8  }
0xbc: {  	s25 =	simm.s32 @!p3 $0x400;
	p5 =	sgt.u32 @!p3 s0, $0x3D;
	s10 =	sor.u32 @!p3 $0x200, s3  }
0xbd: {  	[spmem:s2] =	stream.indirect.scatter.add.f32 @!p3 [tilespmem:s25], [sflag:$0x3], $0x80, s10, s24, $0xb8;
	[tilespmem:$0x19778] =	vst v63  }
0xbe: {  	p4 =	por p5, p3;
	s25 =	simm.s32 @!p3 $0x5400  }
0xbf: {  	[spmem:s4] =	stream.indirect.scatter.add.f32 @!p3 [tilespmem:s25], [sflag:$0x5], $0x1, s10, s24, $0xb8;
	[tilespmem:$0x19778] =	vst v63  }
0xc0: {  	s10 =	simm.s32 @!p4 $0x2  }
0xc1: {  	_ =	swait.ge @!p4 [sflag:s10], $0x2800  }
0xc2: {  	s3 =	sadd.s32 @!p4 $0x280, s3;
	[sflag:s10] =	ssyncset.done @!p4 $0x0  }
0xc3: {  	s24 =	simm.s32 @!p4 $0x2C00;
	[sflag:s10] =	ssyncadd.s32 @!p4 $0xFFFFD800;
	s10 =	simm.s32 @!p4 $0x50  }
0xc4: {  	[spmem:s2] =	stream.indirect.scatter.add.f32 @!p4 [tilespmem:s24], [sflag:$0x4], $0x80, s3, s10, $0xb8;
	[tilespmem:$0x19778] =	vst v63  }
0xc5: {  	s24 =	simm.s32 @!p4 $0x5400  }
0xc6: {  	[spmem:s4] =	stream.indirect.scatter.add.f32 @!p4 [tilespmem:s24], [sflag:$0x6], $0x1, s3, s10, $0xb8;
	[tilespmem:$0x19778] =	vst v63  }
0xc7: {  	s3 =	sxor.u32 @!p3 $0x1, s21  }
0xc8: {  	s3 =	sadd.s32 @!p3 $0x7, s3  }
0xc9: {  	_ =	swait.ge @!p3 [sflag:s3], $0x100  }
0xca: {  	[sflag:s3] =	ssyncset.done @!p3 $0x0  }
0xcb: {  	[sflag:s3] =	ssyncadd.s32 @!p3 $0xFFFFFF00  }
0xcc: {  	_ =	swait.ge @!p3 [sflag:s3], $0x100  }
0xcd: {  	[sflag:s3] =	ssyncset.done @!p3 $0x0  }
0xce: {  	[sflag:s3] =	ssyncadd.s32 @!p3 $0xFFFFFF00;
	s3 =	simm.s32 @!p3 $0x3  }
0xcf: {  	_ =	swait.ge @!p3 [sflag:s3], $0x2800  }
0xd0: {  	[sflag:s3] =	ssyncset.done @!p3 $0x0  }
0xd1: {  	[sflag:s3] =	ssyncadd.s32 @!p3 $0xFFFFD800;
	s3 =	simm.s32 @!p3 $0x5  }
0xd2: {  	_ =	swait.ge @!p3 [sflag:s3], $0x50  }
0xd3: {  	s24 =	sshll.u32 @!p4 s21, $0x8;
	[sflag:s3] =	ssyncset.done @!p3 $0x0  }
0xd4: {  	s25 =	simm.s32 @!p4 $0x400;
	[sflag:s3] =	ssyncadd.s32 @!p3 $0xFFFFFFB0;
	s3 =	sxor.u32 @!p4 $0x100, s24  }
0xd5: {  	[tilespmem:s25], [sflag:$0x1] =	stream.indirect.gather @!p4 [hbm4b:s1+s10], $0x80, s3, s10, $0xb8;
	[tilespmem:$0x19778] =	vst v63  }
0xd6: {  	s3 =	simm.s32 @!p4 $0x4  }
0xd7: {  	_ =	swait.ge @!p4 [sflag:s3], $0x2800  }
0xd8: {  	p6 =	seq.s32 @!p4 s0, $0x3D;
	[sflag:s3] =	ssyncset.done @!p4 $0x0  }
0xd9: {  	p5 =	por @!p3 p6, p5;
	[sflag:s3] =	ssyncadd.s32 @!p4 $0xFFFFD800;
	s3 =	simm.s32 @!p4 $0x6  }
0xda: {  	p5 =	por p5, p3;
	_ =	swait.ge @!p4 [sflag:s3], $0x50  }
0xdb: {  	s10 =	simm.s32 @!p5 $0x50;
	[sflag:s3] =	ssyncset.done @!p4 $0x0  }
0xdc: {  	s25 =	simm.s32 @!p5 $0x2C00;
	[sflag:s3] =	ssyncadd.s32 @!p4 $0xFFFFFFB0;
	s3 =	ssub.s32 @!p5 $0x180, s24  }
0xdd: {  	[tilespmem:s25], [sflag:$0x2] =	stream.indirect.gather @!p5 [hbm4b:s1+s10], $0x80, s3, s10, $0xb8;
	[tilespmem:$0x19778] =	vst v63  }
0xde: {  	s3 =	sand.u32 @!p4 $0x7C00, s31  }
0xdf: {  	s10 =	sand.u32 @!p4 $0x300, s31;
	s3 =	sadd.s32 @!p4 s9, s3  }
0xe0: {  	s3 =	sor.u32 @!p4 s10, s3  }
0xe1: {  	s3 =	sshrl.u32 @!p4 s3, $0x3  }
0xe2: {  	s25 =	simm.s32 @!p4 $0x0;
	s10 =	sadd.s32 @!p4 $0x7, s21;
	s21 =	sadd.s32 @!p4 s6, s3  }
0xe3: {  	[tilespmem:s24], [sflag:s10] =	stream.linear.gather @!p4 [hbm4b:s21+s25], $0x100, $0x38;
	[tilespmem:$0x19778] =	vst v63  }
0xe4: {  	s0 =	sadd.s32 @!p3 $0x1, s0;
	s3 =	sadd.s32 @!p4 s7, s3;
	s21 =	sor.u32 @!p4 $0x200, s24  }
0xe5: {  	[tilespmem:s21], [sflag:s10] =	stream.linear.gather @!p4 [hbm4b:s3+s25], $0x100, $0x38;
	[tilespmem:$0x19778] =	vst v63  }
0xe6: {  	p4 =	sne.s32 @!p3 s0, $0x40  }
0xe7: {  	p4 =	por p3, !p4  }
.Ltmp2:
0xe8: {  	_ = 	snop;
	(pc) =	sbr.rel @!p4 .LBB2_5-.Ltmp2, $2  }
0xe9: {  	_ =	sdelay $0x2  }
0xea: {  	s31 =	sadd.s32 @!p3 $0x100, s31  }
0xeb: {  	[bflag:$0x0] =	sbarrier.arrive $0xFFFF;
	s0 =	simm.s32 @!p0 $0x9  }
0xec: {  	[hbm:s15], [sflag:s19] =	dma.local @!p0 [spmem:s20], $0x3E80  }
0xed: {  	_ =	swait.ge @!p0 [sflag:s0], $0x3E80  }
0xee: {  	[sflag:s0] =	ssyncset.done @!p0 $0x0  }
0xef: {  	s3 =	simm.s32 @p2 $0x9;
	[sflag:s0] =	ssyncadd.s32 @!p0 $0xFFFFC180;
	s0 =	simm.s32 @p2 $0x5480  }
0xf0: {  	[tilespmem:s0], [sflag:$0x9] =	stream.linear.gather @p2 [spmem:s16], $0x7D0, $0x38;
	[tilespmem:$0x19778] =	vst v63  }
0xf1: {  	s5 =	sadd.s32 $0x1, s5;
	_ =	swait.ge @p2 [sflag:s3], $0x7D0  }
0xf2: {  	p3 =	sne.s32 s5, s17;
	[sflag:s3] =	ssyncset.done @p2 $0x0  }
.Ltmp3:
0xf3: {  	s10 =	simm.s32 @p2 $0x0;
	[sflag:s3] =	ssyncadd.s32 @p2 $0xFFFFF830;
	(pc) =	sbr.rel @p3 .LBB2_1-.Ltmp3, $4  }
0xf4: {  	[hbm4b:s18+s10] =	stream.linear.scatter @p2 [tilespmem:s0], [sflag:$0x9], $0x7D0, $0x38;
	[tilespmem:$0x19778] =	vst v63  }
0xf5: {  	_ =	swait.ge @p2 [sflag:s3], $0x7D0  }
0xf6: {  	[sflag:s3] =	ssyncset.done @p2 $0x0  }
0xf7: {  	[sflag:s3] =	ssyncadd.s32 @p2 $0xFFFFF830  }
0xf8: {  	_ =	sfence.sel $0x180000  }
0xf9: {  	[bflag:$0x0] =	sbarrier.arrive $0xFFFF  }
0xfa: {  	_ =	strace $0x90000047  }
0xfb: {  	s0 =	stileid.u32;
	[bflag:$0x2] =	sbarrier.arrive $0xFFFF  }
0xfc: {  	p0 =	sne.s32 s0, $0x0;
	s0 =	rddreg [dreg:$0x5]  }
0xfd: {  	s0 =	sadd.s32 @!p0 $0x100000, s0  }
0xfe: {  	[sflag:s0] =	ssyncadd.tile.s32 @!p0 $0x1;
	_ =	shalt  }
.Lfunc_end2:
_tile_overlayer_lowered:
.L_overlay_start_2:
0xff: {  	(tag) =	ssettag $0x2  }
0x100: {  	s0 =	rddreg [dreg:$0x0];
	s2 =	stileid.u32  }
0x101: {  	s1 =	rddreg [dreg:$0x1];
	p0 =	sne.s32 s2, $0x0  }
0x102: {  	s3 =	rddreg [dreg:$0x2];
	[bflag:$0x3] =	sbarrier.arrive $0xFFFF;
	s2 =	simm.s32 @!p0 $0x1C09  }
0x103: {  	[timem:s3], [sflag:s2] =	dma.local @!p0 [hbm:s0], s1  }
0x104: {  	s0 =	simm.s32 @!p0 $0x9  }
0x105: {  	_ =	swait.ge @!p0 [sflag:s0], s1  }
0x106: {  	s1 =	ssub.s32 @!p0 $0x0, s1;
	[sflag:s0] =	ssyncset.done @!p0 $0x0  }
0x107: {  	[sflag:s0] =	ssyncadd.s32 @!p0 s1  }
0x108: {  	[bflag:$0x3] =	sbarrier.arrive $0xFFFF  }
0x109: {  	_ =	shalt  }

</sc_bundles>
